<compile_context>
chip_gen: v7x
topology: tpu7x:2x2x1
jax: 0.10.2.dev20260603
libtpu: 0.0.44.dev20260713+nightly
codegen_flags: <defaults>
</compile_context>

<pallas_src>
import functools

import jax
import jax.numpy as jnp
from jax import lax
from jax.experimental import pallas as pl
from jax.experimental.pallas import tpu as pltpu
from jax.experimental.pallas import tpu_sc as plsc

_D = 128
_L = 16
_NC = 2
_NS = 16
_NW = _NC * _NS
_K = 128
_IB = 16
_TB = 2000


def _make_sc_agg(n_nodes, n_edges_pad, with_deg):
    np_rows = ((n_nodes + 1 + _NS * _K - 1) // (_NS * _K)) * (_NS * _K)
    rpt = np_rows // _NS
    niter = n_edges_pad // (_NW * _K)
    assert niter % _IB == 0
    nblk = niter // _IB

    out_types = [jax.ShapeDtypeStruct((_NC, np_rows, _D), jnp.float32)]
    scratch = [
        pltpu.VMEM((_IB, _K), jnp.int32),
        pltpu.VMEM((_IB, _K), jnp.int32),
        pltpu.VMEM((_K, _D), jnp.float32),
        pltpu.VMEM((_K, _D), jnp.float32),
        pltpu.VMEM_SHARED((np_rows, _D), jnp.float32),
        pltpu.SemaphoreType.DMA,
        pltpu.SemaphoreType.DMA,
    ]
    if with_deg:
        out_types.append(jax.ShapeDtypeStruct((_NC, np_rows), jnp.float32))
        scratch += [
            pltpu.VMEM((_K,), jnp.float32),
            pltpu.VMEM((_K,), jnp.float32),
            pltpu.VMEM_SHARED((np_rows,), jnp.float32),
        ]
    mesh = plsc.VectorSubcoreMesh(core_axis_name="c", subcore_axis_name="s")

    def body(x_hbm, src_hbm, dst_hbm, *rest):
        if with_deg:
            out_hbm, deg_hbm = rest[0], rest[1]
            (src_a, dst_a, rows0, rows1, acc_s, sem0, sem1,
             ones_v, zeros_v, dega_s) = rest[2:]
        else:
            out_hbm = rest[0]
            src_a, dst_a, rows0, rows1, acc_s, sem0, sem1 = rest[1:]

        c = lax.axis_index("c")
        s = lax.axis_index("s")
        wid = s * _NC + c
        cbase = wid * niter

        def _zrow(r, carry):
            for cb in range(_D // _L):
                rows0[r, pl.ds(cb * _L, _L)] = jnp.zeros((_L,), jnp.float32)
            return carry
        lax.fori_loop(0, _K, _zrow, 0)
        if with_deg:
            for cb in range(_K // _L):
                ones_v[pl.ds(cb * _L, _L)] = jnp.ones((_L,), jnp.float32)
                zeros_v[pl.ds(cb * _L, _L)] = jnp.zeros((_L,), jnp.float32)

        rbase = s * rpt
        zcp = []
        for j in range(rpt // _K):
            zcp.append(pltpu.make_async_copy(
                rows0, acc_s.at[pl.ds(rbase + j * _K, _K)], sem0))
            zcp[-1].start()
            if with_deg:
                zcp.append(pltpu.make_async_copy(
                    zeros_v, dega_s.at[pl.ds(rbase + j * _K, _K)], sem1))
                zcp[-1].start()
        for cp in zcp:
            cp.wait()
        plsc.subcore_barrier()

        def _block(b, carry):
            cb0 = cbase + b * _IB
            cps = pltpu.make_async_copy(src_hbm.at[pl.ds(cb0, _IB)], src_a,
                                        sem0)
            cpd = pltpu.make_async_copy(dst_hbm.at[pl.ds(cb0, _IB)], dst_a,
                                        sem1)
            cps.start()
            cpd.start()
            cps.wait()
            cpd.wait()
            pltpu.make_async_copy(x_hbm.at[src_a.at[0]], rows0, sem0).start()
            for t in range(_IB // 2):
                e0 = 2 * t
                e1 = e0 + 1
                pltpu.make_async_copy(x_hbm.at[src_a.at[e1]], rows1,
                                      sem1).start()
                pltpu.make_async_copy(x_hbm.at[src_a.at[e0]], rows0,
                                      sem0).wait()
                pltpu.sync_copy(rows0, acc_s.at[dst_a.at[e0]], add=True)
                if with_deg:
                    pltpu.sync_copy(ones_v, dega_s.at[dst_a.at[e0]], add=True)
                if e0 + 2 < _IB:
                    pltpu.make_async_copy(x_hbm.at[src_a.at[e0 + 2]], rows0,
                                          sem0).start()
                pltpu.make_async_copy(x_hbm.at[src_a.at[e1]], rows1,
                                      sem1).wait()
                pltpu.sync_copy(rows1, acc_s.at[dst_a.at[e1]], add=True)
                if with_deg:
                    pltpu.sync_copy(ones_v, dega_s.at[dst_a.at[e1]], add=True)
            return carry
        lax.fori_loop(0, nblk, _block, 0)

        plsc.subcore_barrier()
        for j in range(rpt // _K):
            r0 = rbase + j * _K
            pltpu.sync_copy(acc_s.at[pl.ds(r0, _K)], out_hbm.at[c, pl.ds(r0, _K)])
        if with_deg:
            pltpu.sync_copy(dega_s.at[pl.ds(rbase, rpt)],
                            deg_hbm.at[c, pl.ds(rbase, rpt)])

    return pl.kernel(body, mesh=mesh, out_type=out_types, scratch_types=scratch)


def _make_tc_layer(n_nodes, np_rows, relu):
    nblk = n_nodes // _TB

    def body(pa, pb, d0, d1, xr, wl, wr, br, o):
        deg = jnp.maximum(d0[...] + d1[...], 1.0)
        agg = (pa[0] + pb[0]) / deg
        acc = jnp.dot(agg, wl[...], preferred_element_type=jnp.float32)
        acc = acc + jnp.dot(xr[...], wr[...], preferred_element_type=jnp.float32)
        acc = acc + br[...]
        if relu:
            acc = jnp.maximum(acc, 0.0)
        o[...] = acc

    return pl.pallas_call(
        body,
        grid=(nblk,),
        in_specs=[
            pl.BlockSpec((1, _TB, _D), lambda i: (0, i, 0)),
            pl.BlockSpec((1, _TB, _D), lambda i: (1, i, 0)),
            pl.BlockSpec((_TB, 1), lambda i: (i, 0)),
            pl.BlockSpec((_TB, 1), lambda i: (i, 0)),
            pl.BlockSpec((_TB, _D), lambda i: (i, 0)),
            pl.BlockSpec((_D, _D), lambda i: (0, 0)),
            pl.BlockSpec((_D, _D), lambda i: (0, 0)),
            pl.BlockSpec((1, _D), lambda i: (0, 0)),
        ],
        out_specs=pl.BlockSpec((_TB, _D), lambda i: (i, 0)),
        out_shape=jax.ShapeDtypeStruct((n_nodes, _D), jnp.float32),
    )


def kernel(x, edge_index, W1_l, W1_r, b1, W2_l, W2_r, b2):
    n = x.shape[0]
    e = edge_index.shape[1]
    src = edge_index[0].astype(jnp.int32)
    dst = edge_index[1].astype(jnp.int32)
    niter = -(-e // (_NW * _K))
    niter = -(-niter // _IB) * _IB
    e_pad = niter * _NW * _K
    pad = e_pad - e
    np_rows = ((n + 1 + _NS * _K - 1) // (_NS * _K)) * (_NS * _K)
    if pad:
        fill = jnp.arange(pad, dtype=jnp.int32)
        src = jnp.concatenate([src, fill % n])
        dst = jnp.concatenate([dst, n + fill % (np_rows - n)])
    src = src.reshape(e_pad // _K, _K)
    dst = dst.reshape(e_pad // _K, _K)

    sc_agg_deg = _make_sc_agg(n, e_pad, True)
    sc_agg = _make_sc_agg(n, e_pad, False)
    l1 = _make_tc_layer(n, np_rows, True)
    l2 = _make_tc_layer(n, np_rows, False)

    part1, degp = sc_agg_deg(x, src, dst)
    d0 = degp[0, :n, None]
    d1 = degp[1, :n, None]
    h = l1(part1, part1, d0, d1, x, W1_l, W1_r, b1.reshape(1, _D))
    part2 = sc_agg(h, src, dst)
    if isinstance(part2, (tuple, list)):
        part2 = part2[0]
    out = l2(part2, part2, d0, d1, h, W2_l, W2_r, b2.reshape(1, _D))
    return out

# --- scband reference (transcript-rebuilt; emitter-appended) ---
"""Pipeline reference for scband-movie-sage-25555055411666 (READ-ONLY COPY).

The authoritative reference and input builder live on the scoring server;
editing this copy changes nothing except your own understanding.
"""

import jax, jax.numpy as jnp
import numpy as np

N_NODES = 10000
N_EDGES = 320000
D_IN = 128
D_HID = 128
D_OUT = 128


def setup_inputs(seed: int = 0) -> dict:
    key = jax.random.key(seed)
    ks = jax.random.split(key, 8)
    x = jax.random.normal(ks[0], (N_NODES, D_IN), dtype=jnp.float32)
    edge_index = jax.random.randint(ks[1], (2, N_EDGES), 0, N_NODES, dtype=jnp.int64)
    s1 = 1.0 / np.sqrt(D_IN)
    s2 = 1.0 / np.sqrt(D_HID)
    W1_l = jax.random.normal(ks[2], (D_IN, D_HID), dtype=jnp.float32) * s1
    W1_r = jax.random.normal(ks[3], (D_IN, D_HID), dtype=jnp.float32) * s1
    b1 = jnp.zeros((D_HID,), dtype=jnp.float32)
    W2_l = jax.random.normal(ks[4], (D_HID, D_OUT), dtype=jnp.float32) * s2
    W2_r = jax.random.normal(ks[5], (D_HID, D_OUT), dtype=jnp.float32) * s2
    b2 = jnp.zeros((D_OUT,), dtype=jnp.float32)
    return {"x": x, "edge_index": edge_index, "W1_l": W1_l, "W1_r": W1_r, "b1": b1, "W2_l": W2_l, "W2_r": W2_r, "b2": b2}


def _sage_conv(x, edge_index, W_l, W_r, b):
    # PyG SAGEConv with mean aggregation:
    #   out = lin_l(mean_{j in N(i)} x_j) + lin_r(x_i)
    src = edge_index[0]
    dst = edge_index[1]
    msgs = jnp.take(x, src, axis=0)  # gather source-node features per edge
    agg = jax.ops.segment_sum(msgs, dst, num_segments=x.shape[0])
    deg = jax.ops.segment_sum(jnp.ones((src.shape[0],), dtype=x.dtype), dst, num_segments=x.shape[0])
    agg = agg / jnp.maximum(deg, 1.0)[:, None]
    return agg @ W_l + x @ W_r + b


def reference(x, edge_index, W1_l, W1_r, b1, W2_l, W2_r, b2):
    h = _sage_conv(x, edge_index, W1_l, W1_r, b1)
    h = jax.nn.relu(h)
    # dropout(p=0.5, training=self.training) -> identity in eval mode
    out = _sage_conv(h, edge_index, W2_l, W2_r, b2)
    return out

if __name__ == "__main__":
    import jax
    _d = setup_inputs()
    print(jax.jit(kernel)(*tuple(_d.values())))

</pallas_src>

<mosaic_0001>
#map = affine_map<(d0, d1) -> (0, 0)>
#map1 = affine_map<(d0, d1) -> (0, 0, 0)>
module attributes {stable_mosaic.version = 14 : i64} {
  func.func @body(%arg0: i32, %arg1: i32, %arg2: memref<10000x128xf32, #tpu.memory_space<hbm>>, %arg3: memref<2560x128xi32, #tpu.memory_space<hbm>>, %arg4: memref<2560x128xi32, #tpu.memory_space<hbm>>, %arg5: memref<2x10240x128xf32, #tpu.memory_space<hbm>>, %arg6: memref<2x10240xf32, #tpu.memory_space<hbm>>, %arg7: memref<16x128xi32, #tpu.memory_space<vmem>>, %arg8: memref<16x128xi32, #tpu.memory_space<vmem>>, %arg9: memref<128x128xf32, #tpu.memory_space<vmem>>, %arg10: memref<128x128xf32, #tpu.memory_space<vmem>>, %arg11: memref<10240x128xf32, #tpu.memory_space<vmem_shared>>, %arg12: memref<!tpu.dma_semaphore, #tpu.memory_space<semaphore_mem>>, %arg13: memref<!tpu.dma_semaphore, #tpu.memory_space<semaphore_mem>>, %arg14: memref<128xf32, #tpu.memory_space<vmem>>, %arg15: memref<128xf32, #tpu.memory_space<vmem>>, %arg16: memref<10240xf32, #tpu.memory_space<vmem_shared>>) attributes {dimension_semantics = [#tpu.dimension_semantics<core_parallel>, #tpu.dimension_semantics<subcore_parallel>], iteration_bounds = array<i64: 2, 16>, scalar_prefetch = 0 : i64, scratch_operands = 10 : i64, tpu.core_type = #tpu.core_type<sc_vector_subcore>, window_params = [{transform_indices = #map}, {transform_indices = #map}, {transform_indices = #map}, {transform_indices = #map1}, {transform_indices = #map}]} {
    %mul3A = arith.constant 2 : i32
    %mul3A_0 = arith.muli %arg1, %mul3A : i32
    %add3A = arith.addi %mul3A_0, %arg0 : i32
    %mul3A_1 = arith.constant 80 : i32
    %mul3A_2 = arith.muli %add3A, %mul3A_1 : i32
    %scan3A = arith.constant 0 : i32
    %scan3A_3 = arith.constant 0 : i32
    %scan3A_4 = arith.constant 128 : i32
    %scan3A_5 = arith.addi %scan3A_3, %scan3A_4 : i32
    %scan3A_6 = arith.constant 1 : i32
    scf.for %scan3A_199 = %scan3A_3 to %scan3A_5 step %scan3A_6  : i32 {
      %broadcast_in_dim3A_200 = arith.constant 0.000000e+00 : f32
      %broadcast_in_dim3A_201 = vector.broadcast %broadcast_in_dim3A_200 : f32 to vector<16xf32>
      %swap3A_202 = arith.index_cast %scan3A_199 : i32 to index
      %swap3A_203 = arith.constant 0 : index
      %swap3A_204 = tpu.vector_load %arg9[%swap3A_202, %swap3A_203] {strides = array<i32>} : memref<128x128xf32, #tpu.memory_space<vmem>>, vector<1x16xf32>,
      %swap3A_205 = vector.shape_cast %swap3A_204 : vector<1x16xf32> to vector<16xf32>
      %swap3A_206 = vector.shape_cast %broadcast_in_dim3A_201 : vector<16xf32> to vector<1x16xf32>
      tpu.vector_store %arg9[%swap3A_202, %swap3A_203], %swap3A_206 {strides = array<i32>} : memref<128x128xf32, #tpu.memory_space<vmem>>, vector<1x16xf32>,
      %broadcast_in_dim3A_207 = arith.constant 0.000000e+00 : f32
      %broadcast_in_dim3A_208 = vector.broadcast %broadcast_in_dim3A_207 : f32 to vector<16xf32>
      %swap3A_209 = arith.index_cast %scan3A_199 : i32 to index
      %swap3A_210 = arith.constant 16 : index
      %swap3A_211 = tpu.vector_load %arg9[%swap3A_209, %swap3A_210] {strides = array<i32>} : memref<128x128xf32, #tpu.memory_space<vmem>>, vector<1x16xf32>,
      %swap3A_212 = vector.shape_cast %swap3A_211 : vector<1x16xf32> to vector<16xf32>
      %swap3A_213 = vector.shape_cast %broadcast_in_dim3A_208 : vector<16xf32> to vector<1x16xf32>
      tpu.vector_store %arg9[%swap3A_209, %swap3A_210], %swap3A_213 {strides = array<i32>} : memref<128x128xf32, #tpu.memory_space<vmem>>, vector<1x16xf32>,
      %broadcast_in_dim3A_214 = arith.constant 0.000000e+00 : f32
      %broadcast_in_dim3A_215 = vector.broadcast %broadcast_in_dim3A_214 : f32 to vector<16xf32>
      %swap3A_216 = arith.index_cast %scan3A_199 : i32 to index
      %swap3A_217 = arith.constant 32 : index
      %swap3A_218 = tpu.vector_load %arg9[%swap3A_216, %swap3A_217] {strides = array<i32>} : memref<128x128xf32, #tpu.memory_space<vmem>>, vector<1x16xf32>,
      %swap3A_219 = vector.shape_cast %swap3A_218 : vector<1x16xf32> to vector<16xf32>
      %swap3A_220 = vector.shape_cast %broadcast_in_dim3A_215 : vector<16xf32> to vector<1x16xf32>
      tpu.vector_store %arg9[%swap3A_216, %swap3A_217], %swap3A_220 {strides = array<i32>} : memref<128x128xf32, #tpu.memory_space<vmem>>, vector<1x16xf32>,
      %broadcast_in_dim3A_221 = arith.constant 0.000000e+00 : f32
      %broadcast_in_dim3A_222 = vector.broadcast %broadcast_in_dim3A_221 : f32 to vector<16xf32>
      %swap3A_223 = arith.index_cast %scan3A_199 : i32 to index
      %swap3A_224 = arith.constant 48 : index
      %swap3A_225 = tpu.vector_load %arg9[%swap3A_223, %swap3A_224] {strides = array<i32>} : memref<128x128xf32, #tpu.memory_space<vmem>>, vector<1x16xf32>,
      %swap3A_226 = vector.shape_cast %swap3A_225 : vector<1x16xf32> to vector<16xf32>
      %swap3A_227 = vector.shape_cast %broadcast_in_dim3A_222 : vector<16xf32> to vector<1x16xf32>
      tpu.vector_store %arg9[%swap3A_223, %swap3A_224], %swap3A_227 {strides = array<i32>} : memref<128x128xf32, #tpu.memory_space<vmem>>, vector<1x16xf32>,
      %broadcast_in_dim3A_228 = arith.constant 0.000000e+00 : f32
      %broadcast_in_dim3A_229 = vector.broadcast %broadcast_in_dim3A_228 : f32 to vector<16xf32>
      %swap3A_230 = arith.index_cast %scan3A_199 : i32 to index
      %swap3A_231 = arith.constant 64 : index
      %swap3A_232 = tpu.vector_load %arg9[%swap3A_230, %swap3A_231] {strides = array<i32>} : memref<128x128xf32, #tpu.memory_space<vmem>>, vector<1x16xf32>,
      %swap3A_233 = vector.shape_cast %swap3A_232 : vector<1x16xf32> to vector<16xf32>
      %swap3A_234 = vector.shape_cast %broadcast_in_dim3A_229 : vector<16xf32> to vector<1x16xf32>
      tpu.vector_store %arg9[%swap3A_230, %swap3A_231], %swap3A_234 {strides = array<i32>} : memref<128x128xf32, #tpu.memory_space<vmem>>, vector<1x16xf32>,
      %broadcast_in_dim3A_235 = arith.constant 0.000000e+00 : f32
      %broadcast_in_dim3A_236 = vector.broadcast %broadcast_in_dim3A_235 : f32 to vector<16xf32>
      %swap3A_237 = arith.index_cast %scan3A_199 : i32 to index
      %swap3A_238 = arith.constant 80 : index
      %swap3A_239 = tpu.vector_load %arg9[%swap3A_237, %swap3A_238] {strides = array<i32>} : memref<128x128xf32, #tpu.memory_space<vmem>>, vector<1x16xf32>,
      %swap3A_240 = vector.shape_cast %swap3A_239 : vector<1x16xf32> to vector<16xf32>
      %swap3A_241 = vector.shape_cast %broadcast_in_dim3A_236 : vector<16xf32> to vector<1x16xf32>
      tpu.vector_store %arg9[%swap3A_237, %swap3A_238], %swap3A_241 {strides = array<i32>} : memref<128x128xf32, #tpu.memory_space<vmem>>, vector<1x16xf32>,
      %broadcast_in_dim3A_242 = arith.constant 0.000000e+00 : f32
      %broadcast_in_dim3A_243 = vector.broadcast %broadcast_in_dim3A_242 : f32 to vector<16xf32>
      %swap3A_244 = arith.index_cast %scan3A_199 : i32 to index
      %swap3A_245 = arith.constant 96 : index
      %swap3A_246 = tpu.vector_load %arg9[%swap3A_244, %swap3A_245] {strides = array<i32>} : memref<128x128xf32, #tpu.memory_space<vmem>>, vector<1x16xf32>,
      %swap3A_247 = vector.shape_cast %swap3A_246 : vector<1x16xf32> to vector<16xf32>
      %swap3A_248 = vector.shape_cast %broadcast_in_dim3A_243 : vector<16xf32> to vector<1x16xf32>
      tpu.vector_store %arg9[%swap3A_244, %swap3A_245], %swap3A_248 {strides = array<i32>} : memref<128x128xf32, #tpu.memory_space<vmem>>, vector<1x16xf32>,
      %broadcast_in_dim3A_249 = arith.constant 0.000000e+00 : f32
      %broadcast_in_dim3A_250 = vector.broadcast %broadcast_in_dim3A_249 : f32 to vector<16xf32>
      %swap3A_251 = arith.index_cast %scan3A_199 : i32 to index
      %swap3A_252 = arith.constant 112 : index
      %swap3A_253 = tpu.vector_load %arg9[%swap3A_251, %swap3A_252] {strides = array<i32>} : memref<128x128xf32, #tpu.memory_space<vmem>>, vector<1x16xf32>,
      %swap3A_254 = vector.shape_cast %swap3A_253 : vector<1x16xf32> to vector<16xf32>
      %swap3A_255 = vector.shape_cast %broadcast_in_dim3A_250 : vector<16xf32> to vector<1x16xf32>
      tpu.vector_store %arg9[%swap3A_251, %swap3A_252], %swap3A_255 {strides = array<i32>} : memref<128x128xf32, #tpu.memory_space<vmem>>, vector<1x16xf32>,
    }
    %scan3A_7 = arith.constant 128 : i32
    %broadcast_in_dim3A = arith.constant 1.000000e+00 : f32
    %broadcast_in_dim3A_8 = vector.broadcast %broadcast_in_dim3A : f32 to vector<16xf32>
    %swap3A = arith.constant 0 : index
    %swap3A_9 = tpu.vector_load %arg14[%swap3A] {strides = array<i32>} : memref<128xf32, #tpu.memory_space<vmem>>, vector<16xf32>,
    %swap3A_10 = vector.shape_cast %swap3A_9 : vector<16xf32> to vector<16xf32>
    %swap3A_11 = vector.shape_cast %broadcast_in_dim3A_8 : vector<16xf32> to vector<16xf32>
    tpu.vector_store %arg14[%swap3A], %swap3A_11 {strides = array<i32>} : memref<128xf32, #tpu.memory_space<vmem>>, vector<16xf32>,
    %broadcast_in_dim3A_12 = arith.constant 0.000000e+00 : f32
    %broadcast_in_dim3A_13 = vector.broadcast %broadcast_in_dim3A_12 : f32 to vector<16xf32>
    %swap3A_14 = arith.constant 0 : index
    %swap3A_15 = tpu.vector_load %arg15[%swap3A_14] {strides = array<i32>} : memref<128xf32, #tpu.memory_space<vmem>>, vector<16xf32>,
    %swap3A_16 = vector.shape_cast %swap3A_15 : vector<16xf32> to vector<16xf32>
    %swap3A_17 = vector.shape_cast %broadcast_in_dim3A_13 : vector<16xf32> to vector<16xf32>
    tpu.vector_store %arg15[%swap3A_14], %swap3A_17 {strides = array<i32>} : memref<128xf32, #tpu.memory_space<vmem>>, vector<16xf32>,
    %broadcast_in_dim3A_18 = arith.constant 1.000000e+00 : f32
    %broadcast_in_dim3A_19 = vector.broadcast %broadcast_in_dim3A_18 : f32 to vector<16xf32>
    %swap3A_20 = arith.constant 16 : index
    %swap3A_21 = tpu.vector_load %arg14[%swap3A_20] {strides = array<i32>} : memref<128xf32, #tpu.memory_space<vmem>>, vector<16xf32>,
    %swap3A_22 = vector.shape_cast %swap3A_21 : vector<16xf32> to vector<16xf32>
    %swap3A_23 = vector.shape_cast %broadcast_in_dim3A_19 : vector<16xf32> to vector<16xf32>
    tpu.vector_store %arg14[%swap3A_20], %swap3A_23 {strides = array<i32>} : memref<128xf32, #tpu.memory_space<vmem>>, vector<16xf32>,
    %broadcast_in_dim3A_24 = arith.constant 0.000000e+00 : f32
    %broadcast_in_dim3A_25 = vector.broadcast %broadcast_in_dim3A_24 : f32 to vector<16xf32>
    %swap3A_26 = arith.constant 16 : index
    %swap3A_27 = tpu.vector_load %arg15[%swap3A_26] {strides = array<i32>} : memref<128xf32, #tpu.memory_space<vmem>>, vector<16xf32>,
    %swap3A_28 = vector.shape_cast %swap3A_27 : vector<16xf32> to vector<16xf32>
    %swap3A_29 = vector.shape_cast %broadcast_in_dim3A_25 : vector<16xf32> to vector<16xf32>
    tpu.vector_store %arg15[%swap3A_26], %swap3A_29 {strides = array<i32>} : memref<128xf32, #tpu.memory_space<vmem>>, vector<16xf32>,
    %broadcast_in_dim3A_30 = arith.constant 1.000000e+00 : f32
    %broadcast_in_dim3A_31 = vector.broadcast %broadcast_in_dim3A_30 : f32 to vector<16xf32>
    %swap3A_32 = arith.constant 32 : index
    %swap3A_33 = tpu.vector_load %arg14[%swap3A_32] {strides = array<i32>} : memref<128xf32, #tpu.memory_space<vmem>>, vector<16xf32>,
    %swap3A_34 = vector.shape_cast %swap3A_33 : vector<16xf32> to vector<16xf32>
    %swap3A_35 = vector.shape_cast %broadcast_in_dim3A_31 : vector<16xf32> to vector<16xf32>
    tpu.vector_store %arg14[%swap3A_32], %swap3A_35 {strides = array<i32>} : memref<128xf32, #tpu.memory_space<vmem>>, vector<16xf32>,
    %broadcast_in_dim3A_36 = arith.constant 0.000000e+00 : f32
    %broadcast_in_dim3A_37 = vector.broadcast %broadcast_in_dim3A_36 : f32 to vector<16xf32>
    %swap3A_38 = arith.constant 32 : index
    %swap3A_39 = tpu.vector_load %arg15[%swap3A_38] {strides = array<i32>} : memref<128xf32, #tpu.memory_space<vmem>>, vector<16xf32>,
    %swap3A_40 = vector.shape_cast %swap3A_39 : vector<16xf32> to vector<16xf32>
    %swap3A_41 = vector.shape_cast %broadcast_in_dim3A_37 : vector<16xf32> to vector<16xf32>
    tpu.vector_store %arg15[%swap3A_38], %swap3A_41 {strides = array<i32>} : memref<128xf32, #tpu.memory_space<vmem>>, vector<16xf32>,
    %broadcast_in_dim3A_42 = arith.constant 1.000000e+00 : f32
    %broadcast_in_dim3A_43 = vector.broadcast %broadcast_in_dim3A_42 : f32 to vector<16xf32>
    %swap3A_44 = arith.constant 48 : index
    %swap3A_45 = tpu.vector_load %arg14[%swap3A_44] {strides = array<i32>} : memref<128xf32, #tpu.memory_space<vmem>>, vector<16xf32>,
    %swap3A_46 = vector.shape_cast %swap3A_45 : vector<16xf32> to vector<16xf32>
    %swap3A_47 = vector.shape_cast %broadcast_in_dim3A_43 : vector<16xf32> to vector<16xf32>
    tpu.vector_store %arg14[%swap3A_44], %swap3A_47 {strides = array<i32>} : memref<128xf32, #tpu.memory_space<vmem>>, vector<16xf32>,
    %broadcast_in_dim3A_48 = arith.constant 0.000000e+00 : f32
    %broadcast_in_dim3A_49 = vector.broadcast %broadcast_in_dim3A_48 : f32 to vector<16xf32>
    %swap3A_50 = arith.constant 48 : index
    %swap3A_51 = tpu.vector_load %arg15[%swap3A_50] {strides = array<i32>} : memref<128xf32, #tpu.memory_space<vmem>>, vector<16xf32>,
    %swap3A_52 = vector.shape_cast %swap3A_51 : vector<16xf32> to vector<16xf32>
    %swap3A_53 = vector.shape_cast %broadcast_in_dim3A_49 : vector<16xf32> to vector<16xf32>
    tpu.vector_store %arg15[%swap3A_50], %swap3A_53 {strides = array<i32>} : memref<128xf32, #tpu.memory_space<vmem>>, vector<16xf32>,
    %broadcast_in_dim3A_54 = arith.constant 1.000000e+00 : f32
    %broadcast_in_dim3A_55 = vector.broadcast %broadcast_in_dim3A_54 : f32 to vector<16xf32>
    %swap3A_56 = arith.constant 64 : index
    %swap3A_57 = tpu.vector_load %arg14[%swap3A_56] {strides = array<i32>} : memref<128xf32, #tpu.memory_space<vmem>>, vector<16xf32>,
    %swap3A_58 = vector.shape_cast %swap3A_57 : vector<16xf32> to vector<16xf32>
    %swap3A_59 = vector.shape_cast %broadcast_in_dim3A_55 : vector<16xf32> to vector<16xf32>
    tpu.vector_store %arg14[%swap3A_56], %swap3A_59 {strides = array<i32>} : memref<128xf32, #tpu.memory_space<vmem>>, vector<16xf32>,
    %broadcast_in_dim3A_60 = arith.constant 0.000000e+00 : f32
    %broadcast_in_dim3A_61 = vector.broadcast %broadcast_in_dim3A_60 : f32 to vector<16xf32>
    %swap3A_62 = arith.constant 64 : index
    %swap3A_63 = tpu.vector_load %arg15[%swap3A_62] {strides = array<i32>} : memref<128xf32, #tpu.memory_space<vmem>>, vector<16xf32>,
    %swap3A_64 = vector.shape_cast %swap3A_63 : vector<16xf32> to vector<16xf32>
    %swap3A_65 = vector.shape_cast %broadcast_in_dim3A_61 : vector<16xf32> to vector<16xf32>
    tpu.vector_store %arg15[%swap3A_62], %swap3A_65 {strides = array<i32>} : memref<128xf32, #tpu.memory_space<vmem>>, vector<16xf32>,
    %broadcast_in_dim3A_66 = arith.constant 1.000000e+00 : f32
    %broadcast_in_dim3A_67 = vector.broadcast %broadcast_in_dim3A_66 : f32 to vector<16xf32>
    %swap3A_68 = arith.constant 80 : index
    %swap3A_69 = tpu.vector_load %arg14[%swap3A_68] {strides = array<i32>} : memref<128xf32, #tpu.memory_space<vmem>>, vector<16xf32>,
    %swap3A_70 = vector.shape_cast %swap3A_69 : vector<16xf32> to vector<16xf32>
    %swap3A_71 = vector.shape_cast %broadcast_in_dim3A_67 : vector<16xf32> to vector<16xf32>
    tpu.vector_store %arg14[%swap3A_68], %swap3A_71 {strides = array<i32>} : memref<128xf32, #tpu.memory_space<vmem>>, vector<16xf32>,
    %broadcast_in_dim3A_72 = arith.constant 0.000000e+00 : f32
    %broadcast_in_dim3A_73 = vector.broadcast %broadcast_in_dim3A_72 : f32 to vector<16xf32>
    %swap3A_74 = arith.constant 80 : index
    %swap3A_75 = tpu.vector_load %arg15[%swap3A_74] {strides = array<i32>} : memref<128xf32, #tpu.memory_space<vmem>>, vector<16xf32>,
    %swap3A_76 = vector.shape_cast %swap3A_75 : vector<16xf32> to vector<16xf32>
    %swap3A_77 = vector.shape_cast %broadcast_in_dim3A_73 : vector<16xf32> to vector<16xf32>
    tpu.vector_store %arg15[%swap3A_74], %swap3A_77 {strides = array<i32>} : memref<128xf32, #tpu.memory_space<vmem>>, vector<16xf32>,
    %broadcast_in_dim3A_78 = arith.constant 1.000000e+00 : f32
    %broadcast_in_dim3A_79 = vector.broadcast %broadcast_in_dim3A_78 : f32 to vector<16xf32>
    %swap3A_80 = arith.constant 96 : index
    %swap3A_81 = tpu.vector_load %arg14[%swap3A_80] {strides = array<i32>} : memref<128xf32, #tpu.memory_space<vmem>>, vector<16xf32>,
    %swap3A_82 = vector.shape_cast %swap3A_81 : vector<16xf32> to vector<16xf32>
    %swap3A_83 = vector.shape_cast %broadcast_in_dim3A_79 : vector<16xf32> to vector<16xf32>
    tpu.vector_store %arg14[%swap3A_80], %swap3A_83 {strides = array<i32>} : memref<128xf32, #tpu.memory_space<vmem>>, vector<16xf32>,
    %broadcast_in_dim3A_84 = arith.constant 0.000000e+00 : f32
    %broadcast_in_dim3A_85 = vector.broadcast %broadcast_in_dim3A_84 : f32 to vector<16xf32>
    %swap3A_86 = arith.constant 96 : index
    %swap3A_87 = tpu.vector_load %arg15[%swap3A_86] {strides = array<i32>} : memref<128xf32, #tpu.memory_space<vmem>>, vector<16xf32>,
    %swap3A_88 = vector.shape_cast %swap3A_87 : vector<16xf32> to vector<16xf32>
    %swap3A_89 = vector.shape_cast %broadcast_in_dim3A_85 : vector<16xf32> to vector<16xf32>
    tpu.vector_store %arg15[%swap3A_86], %swap3A_89 {strides = array<i32>} : memref<128xf32, #tpu.memory_space<vmem>>, vector<16xf32>,
    %broadcast_in_dim3A_90 = arith.constant 1.000000e+00 : f32
    %broadcast_in_dim3A_91 = vector.broadcast %broadcast_in_dim3A_90 : f32 to vector<16xf32>
    %swap3A_92 = arith.constant 112 : index
    %swap3A_93 = tpu.vector_load %arg14[%swap3A_92] {strides = array<i32>} : memref<128xf32, #tpu.memory_space<vmem>>, vector<16xf32>,
    %swap3A_94 = vector.shape_cast %swap3A_93 : vector<16xf32> to vector<16xf32>
    %swap3A_95 = vector.shape_cast %broadcast_in_dim3A_91 : vector<16xf32> to vector<16xf32>
    tpu.vector_store %arg14[%swap3A_92], %swap3A_95 {strides = array<i32>} : memref<128xf32, #tpu.memory_space<vmem>>, vector<16xf32>,
    %broadcast_in_dim3A_96 = arith.constant 0.000000e+00 : f32
    %broadcast_in_dim3A_97 = vector.broadcast %broadcast_in_dim3A_96 : f32 to vector<16xf32>
    %swap3A_98 = arith.constant 112 : index
    %swap3A_99 = tpu.vector_load %arg15[%swap3A_98] {strides = array<i32>} : memref<128xf32, #tpu.memory_space<vmem>>, vector<16xf32>,
    %swap3A_100 = vector.shape_cast %swap3A_99 : vector<16xf32> to vector<16xf32>
    %swap3A_101 = vector.shape_cast %broadcast_in_dim3A_97 : vector<16xf32> to vector<16xf32>
    tpu.vector_store %arg15[%swap3A_98], %swap3A_101 {strides = array<i32>} : memref<128xf32, #tpu.memory_space<vmem>>, vector<16xf32>,
    %mul3A_102 = arith.constant 640 : i32
    %mul3A_103 = arith.muli %arg1, %mul3A_102 : i32
    %add3A_104 = arith.constant 0 : i32
    %add3A_105 = arith.addi %mul3A_103, %add3A_104 : i32
    %dma_start3A = arith.constant 0 : i32
    %dma_start3A_106 = tpu.memref_slice %arg11[%add3A_105, %dma_start3A] : memref<10240x128xf32, #tpu.memory_space<vmem_shared>> -> memref<128x128xf32, #tpu.memory_space<vmem_shared>>
    %dma_start3A_107 = arith.constant 0 : i32
    %dma_start3A_108 = tpu.memref_slice %arg11[%add3A_105, %dma_start3A_107] : memref<10240x128xf32, #tpu.memory_space<vmem_shared>> -> memref<128x128xf32, #tpu.memory_space<vmem_shared>>
    tpu.enqueue_dma source(%arg9 : memref<128x128xf32, #tpu.memory_space<vmem>>) target(%dma_start3A_108 : memref<128x128xf32, #tpu.memory_space<vmem_shared>>) target_semaphore(%arg12 : memref<!tpu.dma_semaphore, #tpu.memory_space<semaphore_mem>>)
    %add3A_109 = arith.constant 0 : i32
    %add3A_110 = arith.addi %mul3A_103, %add3A_109 : i32
    %dma_start3A_111 = tpu.memref_slice %arg16[%add3A_110] : memref<10240xf32, #tpu.memory_space<vmem_shared>> -> memref<128xf32, #tpu.memory_space<vmem_shared>>
    %dma_start3A_112 = tpu.memref_slice %arg16[%add3A_110] : memref<10240xf32, #tpu.memory_space<vmem_shared>> -> memref<128xf32, #tpu.memory_space<vmem_shared>>
    tpu.enqueue_dma source(%arg15 : memref<128xf32, #tpu.memory_space<vmem>>) target(%dma_start3A_112 : memref<128xf32, #tpu.memory_space<vmem_shared>>) target_semaphore(%arg13 : memref<!tpu.dma_semaphore, #tpu.memory_space<semaphore_mem>>)
    %add3A_113 = arith.constant 128 : i32
    %add3A_114 = arith.addi %mul3A_103, %add3A_113 : i32
    %dma_start3A_115 = arith.constant 0 : i32
    %dma_start3A_116 = tpu.memref_slice %arg11[%add3A_114, %dma_start3A_115] : memref<10240x128xf32, #tpu.memory_space<vmem_shared>> -> memref<128x128xf32, #tpu.memory_space<vmem_shared>>
    %dma_start3A_117 = arith.constant 0 : i32
    %dma_start3A_118 = tpu.memref_slice %arg11[%add3A_114, %dma_start3A_117] : memref<10240x128xf32, #tpu.memory_space<vmem_shared>> -> memref<128x128xf32, #tpu.memory_space<vmem_shared>>
    tpu.enqueue_dma source(%arg9 : memref<128x128xf32, #tpu.memory_space<vmem>>) target(%dma_start3A_118 : memref<128x128xf32, #tpu.memory_space<vmem_shared>>) target_semaphore(%arg12 : memref<!tpu.dma_semaphore, #tpu.memory_space<semaphore_mem>>)
    %add3A_119 = arith.constant 128 : i32
    %add3A_120 = arith.addi %mul3A_103, %add3A_119 : i32
    %dma_start3A_121 = tpu.memref_slice %arg16[%add3A_120] : memref<10240xf32, #tpu.memory_space<vmem_shared>> -> memref<128xf32, #tpu.memory_space<vmem_shared>>
    %dma_start3A_122 = tpu.memref_slice %arg16[%add3A_120] : memref<10240xf32, #tpu.memory_space<vmem_shared>> -> memref<128xf32, #tpu.memory_space<vmem_shared>>
    tpu.enqueue_dma source(%arg15 : memref<128xf32, #tpu.memory_space<vmem>>) target(%dma_start3A_122 : memref<128xf32, #tpu.memory_space<vmem_shared>>) target_semaphore(%arg13 : memref<!tpu.dma_semaphore, #tpu.memory_space<semaphore_mem>>)
    %add3A_123 = arith.constant 256 : i32
    %add3A_124 = arith.addi %mul3A_103, %add3A_123 : i32
    %dma_start3A_125 = arith.constant 0 : i32
    %dma_start3A_126 = tpu.memref_slice %arg11[%add3A_124, %dma_start3A_125] : memref<10240x128xf32, #tpu.memory_space<vmem_shared>> -> memref<128x128xf32, #tpu.memory_space<vmem_shared>>
    %dma_start3A_127 = arith.constant 0 : i32
    %dma_start3A_128 = tpu.memref_slice %arg11[%add3A_124, %dma_start3A_127] : memref<10240x128xf32, #tpu.memory_space<vmem_shared>> -> memref<128x128xf32, #tpu.memory_space<vmem_shared>>
    tpu.enqueue_dma source(%arg9 : memref<128x128xf32, #tpu.memory_space<vmem>>) target(%dma_start3A_128 : memref<128x128xf32, #tpu.memory_space<vmem_shared>>) target_semaphore(%arg12 : memref<!tpu.dma_semaphore, #tpu.memory_space<semaphore_mem>>)
    %add3A_129 = arith.constant 256 : i32
    %add3A_130 = arith.addi %mul3A_103, %add3A_129 : i32
    %dma_start3A_131 = tpu.memref_slice %arg16[%add3A_130] : memref<10240xf32, #tpu.memory_space<vmem_shared>> -> memref<128xf32, #tpu.memory_space<vmem_shared>>
    %dma_start3A_132 = tpu.memref_slice %arg16[%add3A_130] : memref<10240xf32, #tpu.memory_space<vmem_shared>> -> memref<128xf32, #tpu.memory_space<vmem_shared>>
    tpu.enqueue_dma source(%arg15 : memref<128xf32, #tpu.memory_space<vmem>>) target(%dma_start3A_132 : memref<128xf32, #tpu.memory_space<vmem_shared>>) target_semaphore(%arg13 : memref<!tpu.dma_semaphore, #tpu.memory_space<semaphore_mem>>)
    %add3A_133 = arith.constant 384 : i32
    %add3A_134 = arith.addi %mul3A_103, %add3A_133 : i32
    %dma_start3A_135 = arith.constant 0 : i32
    %dma_start3A_136 = tpu.memref_slice %arg11[%add3A_134, %dma_start3A_135] : memref<10240x128xf32, #tpu.memory_space<vmem_shared>> -> memref<128x128xf32, #tpu.memory_space<vmem_shared>>
    %dma_start3A_137 = arith.constant 0 : i32
    %dma_start3A_138 = tpu.memref_slice %arg11[%add3A_134, %dma_start3A_137] : memref<10240x128xf32, #tpu.memory_space<vmem_shared>> -> memref<128x128xf32, #tpu.memory_space<vmem_shared>>
    tpu.enqueue_dma source(%arg9 : memref<128x128xf32, #tpu.memory_space<vmem>>) target(%dma_start3A_138 : memref<128x128xf32, #tpu.memory_space<vmem_shared>>) target_semaphore(%arg12 : memref<!tpu.dma_semaphore, #tpu.memory_space<semaphore_mem>>)
    %add3A_139 = arith.constant 384 : i32
    %add3A_140 = arith.addi %mul3A_103, %add3A_139 : i32
    %dma_start3A_141 = tpu.memref_slice %arg16[%add3A_140] : memref<10240xf32, #tpu.memory_space<vmem_shared>> -> memref<128xf32, #tpu.memory_space<vmem_shared>>
    %dma_start3A_142 = tpu.memref_slice %arg16[%add3A_140] : memref<10240xf32, #tpu.memory_space<vmem_shared>> -> memref<128xf32, #tpu.memory_space<vmem_shared>>
    tpu.enqueue_dma source(%arg15 : memref<128xf32, #tpu.memory_space<vmem>>) target(%dma_start3A_142 : memref<128xf32, #tpu.memory_space<vmem_shared>>) target_semaphore(%arg13 : memref<!tpu.dma_semaphore, #tpu.memory_space<semaphore_mem>>)
    %add3A_143 = arith.constant 512 : i32
    %add3A_144 = arith.addi %mul3A_103, %add3A_143 : i32
    %dma_start3A_145 = arith.constant 0 : i32
    %dma_start3A_146 = tpu.memref_slice %arg11[%add3A_144, %dma_start3A_145] : memref<10240x128xf32, #tpu.memory_space<vmem_shared>> -> memref<128x128xf32, #tpu.memory_space<vmem_shared>>
    %dma_start3A_147 = arith.constant 0 : i32
    %dma_start3A_148 = tpu.memref_slice %arg11[%add3A_144, %dma_start3A_147] : memref<10240x128xf32, #tpu.memory_space<vmem_shared>> -> memref<128x128xf32, #tpu.memory_space<vmem_shared>>
    tpu.enqueue_dma source(%arg9 : memref<128x128xf32, #tpu.memory_space<vmem>>) target(%dma_start3A_148 : memref<128x128xf32, #tpu.memory_space<vmem_shared>>) target_semaphore(%arg12 : memref<!tpu.dma_semaphore, #tpu.memory_space<semaphore_mem>>)
    %add3A_149 = arith.constant 512 : i32
    %add3A_150 = arith.addi %mul3A_103, %add3A_149 : i32
    %dma_start3A_151 = tpu.memref_slice %arg16[%add3A_150] : memref<10240xf32, #tpu.memory_space<vmem_shared>> -> memref<128xf32, #tpu.memory_space<vmem_shared>>
    %dma_start3A_152 = tpu.memref_slice %arg16[%add3A_150] : memref<10240xf32, #tpu.memory_space<vmem_shared>> -> memref<128xf32, #tpu.memory_space<vmem_shared>>
    tpu.enqueue_dma source(%arg15 : memref<128xf32, #tpu.memory_space<vmem>>) target(%dma_start3A_152 : memref<128xf32, #tpu.memory_space<vmem_shared>>) target_semaphore(%arg13 : memref<!tpu.dma_semaphore, #tpu.memory_space<semaphore_mem>>)
    %dma_wait3A = arith.constant 0 : i32
    %dma_wait3A_153 = tpu.memref_slice %arg11[%add3A_105, %dma_wait3A] : memref<10240x128xf32, #tpu.memory_space<vmem_shared>> -> memref<128x128xf32, #tpu.memory_space<vmem_shared>>
    %dma_wait3A_154 = arith.constant 0 : i32
    %dma_wait3A_155 = tpu.memref_slice %arg11[%add3A_105, %dma_wait3A_154] : memref<10240x128xf32, #tpu.memory_space<vmem_shared>> -> memref<128x128xf32, #tpu.memory_space<vmem_shared>>
    tpu.wait_dma2 semaphore(%arg12 : memref<!tpu.dma_semaphore, #tpu.memory_space<semaphore_mem>>) src(%arg9 : memref<128x128xf32, #tpu.memory_space<vmem>>) dst(%dma_wait3A_155 : memref<128x128xf32, #tpu.memory_space<vmem_shared>>)
    %dma_wait3A_156 = tpu.memref_slice %arg16[%add3A_110] : memref<10240xf32, #tpu.memory_space<vmem_shared>> -> memref<128xf32, #tpu.memory_space<vmem_shared>>
    %dma_wait3A_157 = tpu.memref_slice %arg16[%add3A_110] : memref<10240xf32, #tpu.memory_space<vmem_shared>> -> memref<128xf32, #tpu.memory_space<vmem_shared>>
    tpu.wait_dma2 semaphore(%arg13 : memref<!tpu.dma_semaphore, #tpu.memory_space<semaphore_mem>>) src(%arg15 : memref<128xf32, #tpu.memory_space<vmem>>) dst(%dma_wait3A_157 : memref<128xf32, #tpu.memory_space<vmem_shared>>)
    %dma_wait3A_158 = arith.constant 0 : i32
    %dma_wait3A_159 = tpu.memref_slice %arg11[%add3A_114, %dma_wait3A_158] : memref<10240x128xf32, #tpu.memory_space<vmem_shared>> -> memref<128x128xf32, #tpu.memory_space<vmem_shared>>
    %dma_wait3A_160 = arith.constant 0 : i32
    %dma_wait3A_161 = tpu.memref_slice %arg11[%add3A_114, %dma_wait3A_160] : memref<10240x128xf32, #tpu.memory_space<vmem_shared>> -> memref<128x128xf32, #tpu.memory_space<vmem_shared>>
    tpu.wait_dma2 semaphore(%arg12 : memref<!tpu.dma_semaphore, #tpu.memory_space<semaphore_mem>>) src(%arg9 : memref<128x128xf32, #tpu.memory_space<vmem>>) dst(%dma_wait3A_161 : memref<128x128xf32, #tpu.memory_space<vmem_shared>>)
    %dma_wait3A_162 = tpu.memref_slice %arg16[%add3A_120] : memref<10240xf32, #tpu.memory_space<vmem_shared>> -> memref<128xf32, #tpu.memory_space<vmem_shared>>
    %dma_wait3A_163 = tpu.memref_slice %arg16[%add3A_120] : memref<10240xf32, #tpu.memory_space<vmem_shared>> -> memref<128xf32, #tpu.memory_space<vmem_shared>>
    tpu.wait_dma2 semaphore(%arg13 : memref<!tpu.dma_semaphore, #tpu.memory_space<semaphore_mem>>) src(%arg15 : memref<128xf32, #tpu.memory_space<vmem>>) dst(%dma_wait3A_163 : memref<128xf32, #tpu.memory_space<vmem_shared>>)
    %dma_wait3A_164 = arith.constant 0 : i32
    %dma_wait3A_165 = tpu.memref_slice %arg11[%add3A_124, %dma_wait3A_164] : memref<10240x128xf32, #tpu.memory_space<vmem_shared>> -> memref<128x128xf32, #tpu.memory_space<vmem_shared>>
    %dma_wait3A_166 = arith.constant 0 : i32
    %dma_wait3A_167 = tpu.memref_slice %arg11[%add3A_124, %dma_wait3A_166] : memref<10240x128xf32, #tpu.memory_space<vmem_shared>> -> memref<128x128xf32, #tpu.memory_space<vmem_shared>>
    tpu.wait_dma2 semaphore(%arg12 : memref<!tpu.dma_semaphore, #tpu.memory_space<semaphore_mem>>) src(%arg9 : memref<128x128xf32, #tpu.memory_space<vmem>>) dst(%dma_wait3A_167 : memref<128x128xf32, #tpu.memory_space<vmem_shared>>)
    %dma_wait3A_168 = tpu.memref_slice %arg16[%add3A_130] : memref<10240xf32, #tpu.memory_space<vmem_shared>> -> memref<128xf32, #tpu.memory_space<vmem_shared>>
    %dma_wait3A_169 = tpu.memref_slice %arg16[%add3A_130] : memref<10240xf32, #tpu.memory_space<vmem_shared>> -> memref<128xf32, #tpu.memory_space<vmem_shared>>
    tpu.wait_dma2 semaphore(%arg13 : memref<!tpu.dma_semaphore, #tpu.memory_space<semaphore_mem>>) src(%arg15 : memref<128xf32, #tpu.memory_space<vmem>>) dst(%dma_wait3A_169 : memref<128xf32, #tpu.memory_space<vmem_shared>>)
    %dma_wait3A_170 = arith.constant 0 : i32
    %dma_wait3A_171 = tpu.memref_slice %arg11[%add3A_134, %dma_wait3A_170] : memref<10240x128xf32, #tpu.memory_space<vmem_shared>> -> memref<128x128xf32, #tpu.memory_space<vmem_shared>>
    %dma_wait3A_172 = arith.constant 0 : i32
    %dma_wait3A_173 = tpu.memref_slice %arg11[%add3A_134, %dma_wait3A_172] : memref<10240x128xf32, #tpu.memory_space<vmem_shared>> -> memref<128x128xf32, #tpu.memory_space<vmem_shared>>
    tpu.wait_dma2 semaphore(%arg12 : memref<!tpu.dma_semaphore, #tpu.memory_space<semaphore_mem>>) src(%arg9 : memref<128x128xf32, #tpu.memory_space<vmem>>) dst(%dma_wait3A_173 : memref<128x128xf32, #tpu.memory_space<vmem_shared>>)
    %dma_wait3A_174 = tpu.memref_slice %arg16[%add3A_140] : memref<10240xf32, #tpu.memory_space<vmem_shared>> -> memref<128xf32, #tpu.memory_space<vmem_shared>>
    %dma_wait3A_175 = tpu.memref_slice %arg16[%add3A_140] : memref<10240xf32, #tpu.memory_space<vmem_shared>> -> memref<128xf32, #tpu.memory_space<vmem_shared>>
    tpu.wait_dma2 semaphore(%arg13 : memref<!tpu.dma_semaphore, #tpu.memory_space<semaphore_mem>>) src(%arg15 : memref<128xf32, #tpu.memory_space<vmem>>) dst(%dma_wait3A_175 : memref<128xf32, #tpu.memory_space<vmem_shared>>)
    %dma_wait3A_176 = arith.constant 0 : i32
    %dma_wait3A_177 = tpu.memref_slice %arg11[%add3A_144, %dma_wait3A_176] : memref<10240x128xf32, #tpu.memory_space<vmem_shared>> -> memref<128x128xf32, #tpu.memory_space<vmem_shared>>
    %dma_wait3A_178 = arith.constant 0 : i32
    %dma_wait3A_179 = tpu.memref_slice %arg11[%add3A_144, %dma_wait3A_178] : memref<10240x128xf32, #tpu.memory_space<vmem_shared>> -> memref<128x128xf32, #tpu.memory_space<vmem_shared>>
    tpu.wait_dma2 semaphore(%arg12 : memref<!tpu.dma_semaphore, #tpu.memory_space<semaphore_mem>>) src(%arg9 : memref<128x128xf32, #tpu.memory_space<vmem>>) dst(%dma_wait3A_179 : memref<128x128xf32, #tpu.memory_space<vmem_shared>>)
    %dma_wait3A_180 = tpu.memref_slice %arg16[%add3A_150] : memref<10240xf32, #tpu.memory_space<vmem_shared>> -> memref<128xf32, #tpu.memory_space<vmem_shared>>
    %dma_wait3A_181 = tpu.memref_slice %arg16[%add3A_150] : memref<10240xf32, #tpu.memory_space<vmem_shared>> -> memref<128xf32, #tpu.memory_space<vmem_shared>>
    tpu.wait_dma2 semaphore(%arg13 : memref<!tpu.dma_semaphore, #tpu.memory_space<semaphore_mem>>) src(%arg15 : memref<128xf32, #tpu.memory_space<vmem>>) dst(%dma_wait3A_181 : memref<128xf32, #tpu.memory_space<vmem_shared>>)
    %barrier3A = arith.constant 0 : index
    tpu.barrier barrier_id(%barrier3A)
    %scan3A_182 = arith.constant 0 : i32
    %scan3A_183 = arith.constant 0 : i32
    %scan3A_184 = arith.constant 5 : i32
    %scan3A_185 = arith.addi %scan3A_183, %scan3A_184 : i32
    %scan3A_186 = arith.constant 1 : i32
    scf.for %scan3A_199 = %scan3A_183 to %scan3A_185 step %scan3A_186  : i32 {
      %mul3A_200 = arith.constant 16 : i32
      %mul3A_201 = arith.muli %scan3A_199, %mul3A_200 : i32
      %add3A_202 = arith.addi %mul3A_2, %mul3A_201 : i32
      %dma_start3A_203 = arith.constant 0 : i32
      %dma_start3A_204 = tpu.memref_slice %arg3[%add3A_202, %dma_start3A_203] : memref<2560x128xi32, #tpu.memory_space<hbm>> -> memref<16x128xi32, #tpu.memory_space<hbm>>
      %dma_start3A_205 = arith.constant 0 : i32
      %dma_start3A_206 = tpu.memref_slice %arg3[%add3A_202, %dma_start3A_205] : memref<2560x128xi32, #tpu.memory_space<hbm>> -> memref<16x128xi32, #tpu.memory_space<hbm>>
      tpu.enqueue_dma source(%dma_start3A_206 : memref<16x128xi32, #tpu.memory_space<hbm>>) target(%arg7 : memref<16x128xi32, #tpu.memory_space<vmem>>) target_semaphore(%arg12 : memref<!tpu.dma_semaphore, #tpu.memory_space<semaphore_mem>>)
      %dma_start3A_207 = arith.constant 0 : i32
      %dma_start3A_208 = tpu.memref_slice %arg4[%add3A_202, %dma_start3A_207] : memref<2560x128xi32, #tpu.memory_space<hbm>> -> memref<16x128xi32, #tpu.memory_space<hbm>>
      %dma_start3A_209 = arith.constant 0 : i32
      %dma_start3A_210 = tpu.memref_slice %arg4[%add3A_202, %dma_start3A_209] : memref<2560x128xi32, #tpu.memory_space<hbm>> -> memref<16x128xi32, #tpu.memory_space<hbm>>
      tpu.enqueue_dma source(%dma_start3A_210 : memref<16x128xi32, #tpu.memory_space<hbm>>) target(%arg8 : memref<16x128xi32, #tpu.memory_space<vmem>>) target_semaphore(%arg13 : memref<!tpu.dma_semaphore, #tpu.memory_space<semaphore_mem>>)
      %dma_wait3A_211 = arith.constant 0 : i32
      %dma_wait3A_212 = tpu.memref_slice %arg3[%add3A_202, %dma_wait3A_211] : memref<2560x128xi32, #tpu.memory_space<hbm>> -> memref<16x128xi32, #tpu.memory_space<hbm>>
      %dma_wait3A_213 = arith.constant 0 : i32
      %dma_wait3A_214 = tpu.memref_slice %arg3[%add3A_202, %dma_wait3A_213] : memref<2560x128xi32, #tpu.memory_space<hbm>> -> memref<16x128xi32, #tpu.memory_space<hbm>>
      tpu.wait_dma2 semaphore(%arg12 : memref<!tpu.dma_semaphore, #tpu.memory_space<semaphore_mem>>) src(%dma_wait3A_214 : memref<16x128xi32, #tpu.memory_space<hbm>>) dst(%arg7 : memref<16x128xi32, #tpu.memory_space<vmem>>)
      %dma_wait3A_215 = arith.constant 0 : i32
      %dma_wait3A_216 = tpu.memref_slice %arg4[%add3A_202, %dma_wait3A_215] : memref<2560x128xi32, #tpu.memory_space<hbm>> -> memref<16x128xi32, #tpu.memory_space<hbm>>
      %dma_wait3A_217 = arith.constant 0 : i32
      %dma_wait3A_218 = tpu.memref_slice %arg4[%add3A_202, %dma_wait3A_217] : memref<2560x128xi32, #tpu.memory_space<hbm>> -> memref<16x128xi32, #tpu.memory_space<hbm>>
      tpu.wait_dma2 semaphore(%arg13 : memref<!tpu.dma_semaphore, #tpu.memory_space<semaphore_mem>>) src(%dma_wait3A_218 : memref<16x128xi32, #tpu.memory_space<hbm>>) dst(%arg8 : memref<16x128xi32, #tpu.memory_space<vmem>>)
      %dma_start3A_219 = arith.constant 0 : i32
      %dma_start3A_220 = arith.constant 0 : i32
      %dma_start3A_221 = tpu.memref_slice %arg7[%dma_start3A_219, %dma_start3A_220] : memref<16x128xi32, #tpu.memory_space<vmem>> -> memref<1x128xi32, #tpu.memory_space<vmem>>
      %dma_start3A_222 = tpu.memref_squeeze %dma_start3A_221 : memref<1x128xi32, #tpu.memory_space<vmem>> -> memref<128xi32, #tpu.memory_space<vmem>>
      %dma_start3A_223 = arith.constant 0 : i32
      %dma_start3A_224 = arith.constant 0 : i32
      %dma_start3A_225 = tpu.memref_slice %arg2[%dma_start3A_223, %dma_start3A_224] : memref<10000x128xf32, #tpu.memory_space<hbm>> -> memref<10000x128xf32, #tpu.memory_space<hbm>>
      tpu.enqueue_indirect_dma source(%dma_start3A_225 : memref<10000x128xf32, #tpu.memory_space<hbm>>) target(%arg9 : memref<128x128xf32, #tpu.memory_space<vmem>>) offsets(%dma_start3A_222 : memref<128xi32, #tpu.memory_space<vmem>>) semaphore(%arg12 : memref<!tpu.dma_semaphore, #tpu.memory_space<semaphore_mem>>)
      %dma_start3A_226 = arith.constant 1 : i32
      %dma_start3A_227 = arith.constant 0 : i32
      %dma_start3A_228 = tpu.memref_slice %arg7[%dma_start3A_226, %dma_start3A_227] : memref<16x128xi32, #tpu.memory_space<vmem>> -> memref<1x128xi32, #tpu.memory_space<vmem>>
      %dma_start3A_229 = tpu.memref_squeeze %dma_start3A_228 : memref<1x128xi32, #tpu.memory_space<vmem>> -> memref<128xi32, #tpu.memory_space<vmem>>
      %dma_start3A_230 = arith.constant 0 : i32
      %dma_start3A_231 = arith.constant 0 : i32
      %dma_start3A_232 = tpu.memref_slice %arg2[%dma_start3A_230, %dma_start3A_231] : memref<10000x128xf32, #tpu.memory_space<hbm>> -> memref<10000x128xf32, #tpu.memory_space<hbm>>
      tpu.enqueue_indirect_dma source(%dma_start3A_232 : memref<10000x128xf32, #tpu.memory_space<hbm>>) target(%arg10 : memref<128x128xf32, #tpu.memory_space<vmem>>) offsets(%dma_start3A_229 : memref<128xi32, #tpu.memory_space<vmem>>) semaphore(%arg13 : memref<!tpu.dma_semaphore, #tpu.memory_space<semaphore_mem>>)
      %dma_wait3A_233 = arith.constant 0 : i32
      %dma_wait3A_234 = arith.constant 0 : i32
      %dma_wait3A_235 = tpu.memref_slice %arg7[%dma_wait3A_233, %dma_wait3A_234] : memref<16x128xi32, #tpu.memory_space<vmem>> -> memref<1x128xi32, #tpu.memory_space<vmem>>
      %dma_wait3A_236 = tpu.memref_squeeze %dma_wait3A_235 : memref<1x128xi32, #tpu.memory_space<vmem>> -> memref<128xi32, #tpu.memory_space<vmem>>
      %dma_wait3A_237 = arith.constant 0 : i32
      %dma_wait3A_238 = arith.constant 0 : i32
      %dma_wait3A_239 = tpu.memref_slice %arg2[%dma_wait3A_237, %dma_wait3A_238] : memref<10000x128xf32, #tpu.memory_space<hbm>> -> memref<10000x128xf32, #tpu.memory_space<hbm>>
      tpu.wait_indirect_dma semaphore(%arg12 : memref<!tpu.dma_semaphore, #tpu.memory_space<semaphore_mem>>) src(%dma_wait3A_239 : memref<10000x128xf32, #tpu.memory_space<hbm>>) dst(%arg9 : memref<128x128xf32, #tpu.memory_space<vmem>>)
      %run_scoped3A = arith.constant 0 : i32
      "tpu.region"() ({
        %run_scoped3A_474 = tpu.sem_alloc : memref<!tpu.dma_semaphore, #tpu.memory_space<semaphore_mem>>
        %dma_start3A_475 = arith.constant 0 : i32
        %dma_start3A_476 = tpu.memref_slice %arg8[%run_scoped3A, %dma_start3A_475] : memref<16x128xi32, #tpu.memory_space<vmem>> -> memref<1x128xi32, #tpu.memory_space<vmem>>
        %dma_start3A_477 = tpu.memref_squeeze %dma_start3A_476 : memref<1x128xi32, #tpu.memory_space<vmem>> -> memref<128xi32, #tpu.memory_space<vmem>>
        %dma_start3A_478 = arith.constant 0 : i32
        %dma_start3A_479 = arith.constant 0 : i32
        %dma_start3A_480 = tpu.memref_slice %arg11[%dma_start3A_478, %dma_start3A_479] : memref<10240x128xf32, #tpu.memory_space<vmem_shared>> -> memref<10240x128xf32, #tpu.memory_space<vmem_shared>>
        tpu.enqueue_indirect_dma source(%arg9 : memref<128x128xf32, #tpu.memory_space<vmem>>) target(%dma_start3A_480 : memref<10240x128xf32, #tpu.memory_space<vmem_shared>>) offsets(%dma_start3A_477 : memref<128xi32, #tpu.memory_space<vmem>>) semaphore(%run_scoped3A_474 : memref<!tpu.dma_semaphore, #tpu.memory_space<semaphore_mem>>) {add = true}
        %dma_wait3A_481 = arith.constant 0 : i32
        %dma_wait3A_482 = tpu.memref_slice %arg8[%run_scoped3A, %dma_wait3A_481] : memref<16x128xi32, #tpu.memory_space<vmem>> -> memref<1x128xi32, #tpu.memory_space<vmem>>
        %dma_wait3A_483 = tpu.memref_squeeze %dma_wait3A_482 : memref<1x128xi32, #tpu.memory_space<vmem>> -> memref<128xi32, #tpu.memory_space<vmem>>
        %dma_wait3A_484 = arith.constant 0 : i32
        %dma_wait3A_485 = arith.constant 0 : i32
        %dma_wait3A_486 = tpu.memref_slice %arg11[%dma_wait3A_484, %dma_wait3A_485] : memref<10240x128xf32, #tpu.memory_space<vmem_shared>> -> memref<10240x128xf32, #tpu.memory_space<vmem_shared>>
        tpu.wait_indirect_dma semaphore(%run_scoped3A_474 : memref<!tpu.dma_semaphore, #tpu.memory_space<semaphore_mem>>) src(%arg9 : memref<128x128xf32, #tpu.memory_space<vmem>>) dst(%dma_wait3A_486 : memref<10240x128xf32, #tpu.memory_space<vmem_shared>>)
        tpu.yield
      }) : () -> ()
      %run_scoped3A_240 = arith.constant 0 : i32
      "tpu.region"() ({
        %run_scoped3A_474 = tpu.sem_alloc : memref<!tpu.dma_semaphore, #tpu.memory_space<semaphore_mem>>
        %dma_start3A_475 = arith.constant 0 : i32
        %dma_start3A_476 = tpu.memref_slice %arg8[%run_scoped3A_240, %dma_start3A_475] : memref<16x128xi32, #tpu.memory_space<vmem>> -> memref<1x128xi32, #tpu.memory_space<vmem>>
        %dma_start3A_477 = tpu.memref_squeeze %dma_start3A_476 : memref<1x128xi32, #tpu.memory_space<vmem>> -> memref<128xi32, #tpu.memory_space<vmem>>
        %dma_start3A_478 = arith.constant 0 : i32
        %dma_start3A_479 = tpu.memref_slice %arg16[%dma_start3A_478] : memref<10240xf32, #tpu.memory_space<vmem_shared>> -> memref<10240xf32, #tpu.memory_space<vmem_shared>>
        tpu.enqueue_indirect_dma source(%arg14 : memref<128xf32, #tpu.memory_space<vmem>>) target(%dma_start3A_479 : memref<10240xf32, #tpu.memory_space<vmem_shared>>) offsets(%dma_start3A_477 : memref<128xi32, #tpu.memory_space<vmem>>) semaphore(%run_scoped3A_474 : memref<!tpu.dma_semaphore, #tpu.memory_space<semaphore_mem>>) {add = true}
        %dma_wait3A_480 = arith.constant 0 : i32
        %dma_wait3A_481 = tpu.memref_slice %arg8[%run_scoped3A_240, %dma_wait3A_480] : memref<16x128xi32, #tpu.memory_space<vmem>> -> memref<1x128xi32, #tpu.memory_space<vmem>>
        %dma_wait3A_482 = tpu.memref_squeeze %dma_wait3A_481 : memref<1x128xi32, #tpu.memory_space<vmem>> -> memref<128xi32, #tpu.memory_space<vmem>>
        %dma_wait3A_483 = arith.constant 0 : i32
        %dma_wait3A_484 = tpu.memref_slice %arg16[%dma_wait3A_483] : memref<10240xf32, #tpu.memory_space<vmem_shared>> -> memref<10240xf32, #tpu.memory_space<vmem_shared>>
        tpu.wait_indirect_dma semaphore(%run_scoped3A_474 : memref<!tpu.dma_semaphore, #tpu.memory_space<semaphore_mem>>) src(%arg14 : memref<128xf32, #tpu.memory_space<vmem>>) dst(%dma_wait3A_484 : memref<10240xf32, #tpu.memory_space<vmem_shared>>)
        tpu.yield
      }) : () -> ()
      %dma_start3A_241 = arith.constant 2 : i32
      %dma_start3A_242 = arith.constant 0 : i32
      %dma_start3A_243 = tpu.memref_slice %arg7[%dma_start3A_241, %dma_start3A_242] : memref<16x128xi32, #tpu.memory_space<vmem>> -> memref<1x128xi32, #tpu.memory_space<vmem>>
      %dma_start3A_244 = tpu.memref_squeeze %dma_start3A_243 : memref<1x128xi32, #tpu.memory_space<vmem>> -> memref<128xi32, #tpu.memory_space<vmem>>
      %dma_start3A_245 = arith.constant 0 : i32
      %dma_start3A_246 = arith.constant 0 : i32
      %dma_start3A_247 = tpu.memref_slice %arg2[%dma_start3A_245, %dma_start3A_246] : memref<10000x128xf32, #tpu.memory_space<hbm>> -> memref<10000x128xf32, #tpu.memory_space<hbm>>
      tpu.enqueue_indirect_dma source(%dma_start3A_247 : memref<10000x128xf32, #tpu.memory_space<hbm>>) target(%arg9 : memref<128x128xf32, #tpu.memory_space<vmem>>) offsets(%dma_start3A_244 : memref<128xi32, #tpu.memory_space<vmem>>) semaphore(%arg12 : memref<!tpu.dma_semaphore, #tpu.memory_space<semaphore_mem>>)
      %dma_wait3A_248 = arith.constant 1 : i32
      %dma_wait3A_249 = arith.constant 0 : i32
      %dma_wait3A_250 = tpu.memref_slice %arg7[%dma_wait3A_248, %dma_wait3A_249] : memref<16x128xi32, #tpu.memory_space<vmem>> -> memref<1x128xi32, #tpu.memory_space<vmem>>
      %dma_wait3A_251 = tpu.memref_squeeze %dma_wait3A_250 : memref<1x128xi32, #tpu.memory_space<vmem>> -> memref<128xi32, #tpu.memory_space<vmem>>
      %dma_wait3A_252 = arith.constant 0 : i32
      %dma_wait3A_253 = arith.constant 0 : i32
      %dma_wait3A_254 = tpu.memref_slice %arg2[%dma_wait3A_252, %dma_wait3A_253] : memref<10000x128xf32, #tpu.memory_space<hbm>> -> memref<10000x128xf32, #tpu.memory_space<hbm>>
      tpu.wait_indirect_dma semaphore(%arg13 : memref<!tpu.dma_semaphore, #tpu.memory_space<semaphore_mem>>) src(%dma_wait3A_254 : memref<10000x128xf32, #tpu.memory_space<hbm>>) dst(%arg10 : memref<128x128xf32, #tpu.memory_space<vmem>>)
      %run_scoped3A_255 = arith.constant 1 : i32
      "tpu.region"() ({
        %run_scoped3A_474 = tpu.sem_alloc : memref<!tpu.dma_semaphore, #tpu.memory_space<semaphore_mem>>
        %dma_start3A_475 = arith.constant 0 : i32
        %dma_start3A_476 = tpu.memref_slice %arg8[%run_scoped3A_255, %dma_start3A_475] : memref<16x128xi32, #tpu.memory_space<vmem>> -> memref<1x128xi32, #tpu.memory_space<vmem>>
        %dma_start3A_477 = tpu.memref_squeeze %dma_start3A_476 : memref<1x128xi32, #tpu.memory_space<vmem>> -> memref<128xi32, #tpu.memory_space<vmem>>
        %dma_start3A_478 = arith.constant 0 : i32
        %dma_start3A_479 = arith.constant 0 : i32
        %dma_start3A_480 = tpu.memref_slice %arg11[%dma_start3A_478, %dma_start3A_479] : memref<10240x128xf32, #tpu.memory_space<vmem_shared>> -> memref<10240x128xf32, #tpu.memory_space<vmem_shared>>
        tpu.enqueue_indirect_dma source(%arg10 : memref<128x128xf32, #tpu.memory_space<vmem>>) target(%dma_start3A_480 : memref<10240x128xf32, #tpu.memory_space<vmem_shared>>) offsets(%dma_start3A_477 : memref<128xi32, #tpu.memory_space<vmem>>) semaphore(%run_scoped3A_474 : memref<!tpu.dma_semaphore, #tpu.memory_space<semaphore_mem>>) {add = true}
        %dma_wait3A_481 = arith.constant 0 : i32
        %dma_wait3A_482 = tpu.memref_slice %arg8[%run_scoped3A_255, %dma_wait3A_481] : memref<16x128xi32, #tpu.memory_space<vmem>> -> memref<1x128xi32, #tpu.memory_space<vmem>>
        %dma_wait3A_483 = tpu.memref_squeeze %dma_wait3A_482 : memref<1x128xi32, #tpu.memory_space<vmem>> -> memref<128xi32, #tpu.memory_space<vmem>>
        %dma_wait3A_484 = arith.constant 0 : i32
        %dma_wait3A_485 = arith.constant 0 : i32
        %dma_wait3A_486 = tpu.memref_slice %arg11[%dma_wait3A_484, %dma_wait3A_485] : memref<10240x128xf32, #tpu.memory_space<vmem_shared>> -> memref<10240x128xf32, #tpu.memory_space<vmem_shared>>
        tpu.wait_indirect_dma semaphore(%run_scoped3A_474 : memref<!tpu.dma_semaphore, #tpu.memory_space<semaphore_mem>>) src(%arg10 : memref<128x128xf32, #tpu.memory_space<vmem>>) dst(%dma_wait3A_486 : memref<10240x128xf32, #tpu.memory_space<vmem_shared>>)
        tpu.yield
      }) : () -> ()
      %run_scoped3A_256 = arith.constant 1 : i32
      "tpu.region"() ({
        %run_scoped3A_474 = tpu.sem_alloc : memref<!tpu.dma_semaphore, #tpu.memory_space<semaphore_mem>>
        %dma_start3A_475 = arith.constant 0 : i32
        %dma_start3A_476 = tpu.memref_slice %arg8[%run_scoped3A_256, %dma_start3A_475] : memref<16x128xi32, #tpu.memory_space<vmem>> -> memref<1x128xi32, #tpu.memory_space<vmem>>
        %dma_start3A_477 = tpu.memref_squeeze %dma_start3A_476 : memref<1x128xi32, #tpu.memory_space<vmem>> -> memref<128xi32, #tpu.memory_space<vmem>>
        %dma_start3A_478 = arith.constant 0 : i32
        %dma_start3A_479 = tpu.memref_slice %arg16[%dma_start3A_478] : memref<10240xf32, #tpu.memory_space<vmem_shared>> -> memref<10240xf32, #tpu.memory_space<vmem_shared>>
        tpu.enqueue_indirect_dma source(%arg14 : memref<128xf32, #tpu.memory_space<vmem>>) target(%dma_start3A_479 : memref<10240xf32, #tpu.memory_space<vmem_shared>>) offsets(%dma_start3A_477 : memref<128xi32, #tpu.memory_space<vmem>>) semaphore(%run_scoped3A_474 : memref<!tpu.dma_semaphore, #tpu.memory_space<semaphore_mem>>) {add = true}
        %dma_wait3A_480 = arith.constant 0 : i32
        %dma_wait3A_481 = tpu.memref_slice %arg8[%run_scoped3A_256, %dma_wait3A_480] : memref<16x128xi32, #tpu.memory_space<vmem>> -> memref<1x128xi32, #tpu.memory_space<vmem>>
        %dma_wait3A_482 = tpu.memref_squeeze %dma_wait3A_481 : memref<1x128xi32, #tpu.memory_space<vmem>> -> memref<128xi32, #tpu.memory_space<vmem>>
        %dma_wait3A_483 = arith.constant 0 : i32
        %dma_wait3A_484 = tpu.memref_slice %arg16[%dma_wait3A_483] : memref<10240xf32, #tpu.memory_space<vmem_shared>> -> memref<10240xf32, #tpu.memory_space<vmem_shared>>
        tpu.wait_indirect_dma semaphore(%run_scoped3A_474 : memref<!tpu.dma_semaphore, #tpu.memory_space<semaphore_mem>>) src(%arg14 : memref<128xf32, #tpu.memory_space<vmem>>) dst(%dma_wait3A_484 : memref<10240xf32, #tpu.memory_space<vmem_shared>>)
        tpu.yield
      }) : () -> ()
      %dma_start3A_257 = arith.constant 3 : i32
      %dma_start3A_258 = arith.constant 0 : i32
      %dma_start3A_259 = tpu.memref_slice %arg7[%dma_start3A_257, %dma_start3A_258] : memref<16x128xi32, #tpu.memory_space<vmem>> -> memref<1x128xi32, #tpu.memory_space<vmem>>
      %dma_start3A_260 = tpu.memref_squeeze %dma_start3A_259 : memref<1x128xi32, #tpu.memory_space<vmem>> -> memref<128xi32, #tpu.memory_space<vmem>>
      %dma_start3A_261 = arith.constant 0 : i32
      %dma_start3A_262 = arith.constant 0 : i32
      %dma_start3A_263 = tpu.memref_slice %arg2[%dma_start3A_261, %dma_start3A_262] : memref<10000x128xf32, #tpu.memory_space<hbm>> -> memref<10000x128xf32, #tpu.memory_space<hbm>>
      tpu.enqueue_indirect_dma source(%dma_start3A_263 : memref<10000x128xf32, #tpu.memory_space<hbm>>) target(%arg10 : memref<128x128xf32, #tpu.memory_space<vmem>>) offsets(%dma_start3A_260 : memref<128xi32, #tpu.memory_space<vmem>>) semaphore(%arg13 : memref<!tpu.dma_semaphore, #tpu.memory_space<semaphore_mem>>)
      %dma_wait3A_264 = arith.constant 2 : i32
      %dma_wait3A_265 = arith.constant 0 : i32
      %dma_wait3A_266 = tpu.memref_slice %arg7[%dma_wait3A_264, %dma_wait3A_265] : memref<16x128xi32, #tpu.memory_space<vmem>> -> memref<1x128xi32, #tpu.memory_space<vmem>>
      %dma_wait3A_267 = tpu.memref_squeeze %dma_wait3A_266 : memref<1x128xi32, #tpu.memory_space<vmem>> -> memref<128xi32, #tpu.memory_space<vmem>>
      %dma_wait3A_268 = arith.constant 0 : i32
      %dma_wait3A_269 = arith.constant 0 : i32
      %dma_wait3A_270 = tpu.memref_slice %arg2[%dma_wait3A_268, %dma_wait3A_269] : memref<10000x128xf32, #tpu.memory_space<hbm>> -> memref<10000x128xf32, #tpu.memory_space<hbm>>
      tpu.wait_indirect_dma semaphore(%arg12 : memref<!tpu.dma_semaphore, #tpu.memory_space<semaphore_mem>>) src(%dma_wait3A_270 : memref<10000x128xf32, #tpu.memory_space<hbm>>) dst(%arg9 : memref<128x128xf32, #tpu.memory_space<vmem>>)
      %run_scoped3A_271 = arith.constant 2 : i32
      "tpu.region"() ({
        %run_scoped3A_474 = tpu.sem_alloc : memref<!tpu.dma_semaphore, #tpu.memory_space<semaphore_mem>>
        %dma_start3A_475 = arith.constant 0 : i32
        %dma_start3A_476 = tpu.memref_slice %arg8[%run_scoped3A_271, %dma_start3A_475] : memref<16x128xi32, #tpu.memory_space<vmem>> -> memref<1x128xi32, #tpu.memory_space<vmem>>
        %dma_start3A_477 = tpu.memref_squeeze %dma_start3A_476 : memref<1x128xi32, #tpu.memory_space<vmem>> -> memref<128xi32, #tpu.memory_space<vmem>>
        %dma_start3A_478 = arith.constant 0 : i32
        %dma_start3A_479 = arith.constant 0 : i32
        %dma_start3A_480 = tpu.memref_slice %arg11[%dma_start3A_478, %dma_start3A_479] : memref<10240x128xf32, #tpu.memory_space<vmem_shared>> -> memref<10240x128xf32, #tpu.memory_space<vmem_shared>>
        tpu.enqueue_indirect_dma source(%arg9 : memref<128x128xf32, #tpu.memory_space<vmem>>) target(%dma_start3A_480 : memref<10240x128xf32, #tpu.memory_space<vmem_shared>>) offsets(%dma_start3A_477 : memref<128xi32, #tpu.memory_space<vmem>>) semaphore(%run_scoped3A_474 : memref<!tpu.dma_semaphore, #tpu.memory_space<semaphore_mem>>) {add = true}
        %dma_wait3A_481 = arith.constant 0 : i32
        %dma_wait3A_482 = tpu.memref_slice %arg8[%run_scoped3A_271, %dma_wait3A_481] : memref<16x128xi32, #tpu.memory_space<vmem>> -> memref<1x128xi32, #tpu.memory_space<vmem>>
        %dma_wait3A_483 = tpu.memref_squeeze %dma_wait3A_482 : memref<1x128xi32, #tpu.memory_space<vmem>> -> memref<128xi32, #tpu.memory_space<vmem>>
        %dma_wait3A_484 = arith.constant 0 : i32
        %dma_wait3A_485 = arith.constant 0 : i32
        %dma_wait3A_486 = tpu.memref_slice %arg11[%dma_wait3A_484, %dma_wait3A_485] : memref<10240x128xf32, #tpu.memory_space<vmem_shared>> -> memref<10240x128xf32, #tpu.memory_space<vmem_shared>>
        tpu.wait_indirect_dma semaphore(%run_scoped3A_474 : memref<!tpu.dma_semaphore, #tpu.memory_space<semaphore_mem>>) src(%arg9 : memref<128x128xf32, #tpu.memory_space<vmem>>) dst(%dma_wait3A_486 : memref<10240x128xf32, #tpu.memory_space<vmem_shared>>)
        tpu.yield
      }) : () -> ()
      %run_scoped3A_272 = arith.constant 2 : i32
      "tpu.region"() ({
        %run_scoped3A_474 = tpu.sem_alloc : memref<!tpu.dma_semaphore, #tpu.memory_space<semaphore_mem>>
        %dma_start3A_475 = arith.constant 0 : i32
        %dma_start3A_476 = tpu.memref_slice %arg8[%run_scoped3A_272, %dma_start3A_475] : memref<16x128xi32, #tpu.memory_space<vmem>> -> memref<1x128xi32, #tpu.memory_space<vmem>>
        %dma_start3A_477 = tpu.memref_squeeze %dma_start3A_476 : memref<1x128xi32, #tpu.memory_space<vmem>> -> memref<128xi32, #tpu.memory_space<vmem>>
        %dma_start3A_478 = arith.constant 0 : i32
        %dma_start3A_479 = tpu.memref_slice %arg16[%dma_start3A_478] : memref<10240xf32, #tpu.memory_space<vmem_shared>> -> memref<10240xf32, #tpu.memory_space<vmem_shared>>
        tpu.enqueue_indirect_dma source(%arg14 : memref<128xf32, #tpu.memory_space<vmem>>) target(%dma_start3A_479 : memref<10240xf32, #tpu.memory_space<vmem_shared>>) offsets(%dma_start3A_477 : memref<128xi32, #tpu.memory_space<vmem>>) semaphore(%run_scoped3A_474 : memref<!tpu.dma_semaphore, #tpu.memory_space<semaphore_mem>>) {add = true}
        %dma_wait3A_480 = arith.constant 0 : i32
        %dma_wait3A_481 = tpu.memref_slice %arg8[%run_scoped3A_272, %dma_wait3A_480] : memref<16x128xi32, #tpu.memory_space<vmem>> -> memref<1x128xi32, #tpu.memory_space<vmem>>
        %dma_wait3A_482 = tpu.memref_squeeze %dma_wait3A_481 : memref<1x128xi32, #tpu.memory_space<vmem>> -> memref<128xi32, #tpu.memory_space<vmem>>
        %dma_wait3A_483 = arith.constant 0 : i32
        %dma_wait3A_484 = tpu.memref_slice %arg16[%dma_wait3A_483] : memref<10240xf32, #tpu.memory_space<vmem_shared>> -> memref<10240xf32, #tpu.memory_space<vmem_shared>>
        tpu.wait_indirect_dma semaphore(%run_scoped3A_474 : memref<!tpu.dma_semaphore, #tpu.memory_space<semaphore_mem>>) src(%arg14 : memref<128xf32, #tpu.memory_space<vmem>>) dst(%dma_wait3A_484 : memref<10240xf32, #tpu.memory_space<vmem_shared>>)
        tpu.yield
      }) : () -> ()
      %dma_start3A_273 = arith.constant 4 : i32
      %dma_start3A_274 = arith.constant 0 : i32
      %dma_start3A_275 = tpu.memref_slice %arg7[%dma_start3A_273, %dma_start3A_274] : memref<16x128xi32, #tpu.memory_space<vmem>> -> memref<1x128xi32, #tpu.memory_space<vmem>>
      %dma_start3A_276 = tpu.memref_squeeze %dma_start3A_275 : memref<1x128xi32, #tpu.memory_space<vmem>> -> memref<128xi32, #tpu.memory_space<vmem>>
      %dma_start3A_277 = arith.constant 0 : i32
      %dma_start3A_278 = arith.constant 0 : i32
      %dma_start3A_279 = tpu.memref_slice %arg2[%dma_start3A_277, %dma_start3A_278] : memref<10000x128xf32, #tpu.memory_space<hbm>> -> memref<10000x128xf32, #tpu.memory_space<hbm>>
      tpu.enqueue_indirect_dma source(%dma_start3A_279 : memref<10000x128xf32, #tpu.memory_space<hbm>>) target(%arg9 : memref<128x128xf32, #tpu.memory_space<vmem>>) offsets(%dma_start3A_276 : memref<128xi32, #tpu.memory_space<vmem>>) semaphore(%arg12 : memref<!tpu.dma_semaphore, #tpu.memory_space<semaphore_mem>>)
      %dma_wait3A_280 = arith.constant 3 : i32
      %dma_wait3A_281 = arith.constant 0 : i32
      %dma_wait3A_282 = tpu.memref_slice %arg7[%dma_wait3A_280, %dma_wait3A_281] : memref<16x128xi32, #tpu.memory_space<vmem>> -> memref<1x128xi32, #tpu.memory_space<vmem>>
      %dma_wait3A_283 = tpu.memref_squeeze %dma_wait3A_282 : memref<1x128xi32, #tpu.memory_space<vmem>> -> memref<128xi32, #tpu.memory_space<vmem>>
      %dma_wait3A_284 = arith.constant 0 : i32
      %dma_wait3A_285 = arith.constant 0 : i32
      %dma_wait3A_286 = tpu.memref_slice %arg2[%dma_wait3A_284, %dma_wait3A_285] : memref<10000x128xf32, #tpu.memory_space<hbm>> -> memref<10000x128xf32, #tpu.memory_space<hbm>>
      tpu.wait_indirect_dma semaphore(%arg13 : memref<!tpu.dma_semaphore, #tpu.memory_space<semaphore_mem>>) src(%dma_wait3A_286 : memref<10000x128xf32, #tpu.memory_space<hbm>>) dst(%arg10 : memref<128x128xf32, #tpu.memory_space<vmem>>)
      %run_scoped3A_287 = arith.constant 3 : i32
      "tpu.region"() ({
        %run_scoped3A_474 = tpu.sem_alloc : memref<!tpu.dma_semaphore, #tpu.memory_space<semaphore_mem>>
        %dma_start3A_475 = arith.constant 0 : i32
        %dma_start3A_476 = tpu.memref_slice %arg8[%run_scoped3A_287, %dma_start3A_475] : memref<16x128xi32, #tpu.memory_space<vmem>> -> memref<1x128xi32, #tpu.memory_space<vmem>>
        %dma_start3A_477 = tpu.memref_squeeze %dma_start3A_476 : memref<1x128xi32, #tpu.memory_space<vmem>> -> memref<128xi32, #tpu.memory_space<vmem>>
        %dma_start3A_478 = arith.constant 0 : i32
        %dma_start3A_479 = arith.constant 0 : i32
        %dma_start3A_480 = tpu.memref_slice %arg11[%dma_start3A_478, %dma_start3A_479] : memref<10240x128xf32, #tpu.memory_space<vmem_shared>> -> memref<10240x128xf32, #tpu.memory_space<vmem_shared>>
        tpu.enqueue_indirect_dma source(%arg10 : memref<128x128xf32, #tpu.memory_space<vmem>>) target(%dma_start3A_480 : memref<10240x128xf32, #tpu.memory_space<vmem_shared>>) offsets(%dma_start3A_477 : memref<128xi32, #tpu.memory_space<vmem>>) semaphore(%run_scoped3A_474 : memref<!tpu.dma_semaphore, #tpu.memory_space<semaphore_mem>>) {add = true}
        %dma_wait3A_481 = arith.constant 0 : i32
        %dma_wait3A_482 = tpu.memref_slice %arg8[%run_scoped3A_287, %dma_wait3A_481] : memref<16x128xi32, #tpu.memory_space<vmem>> -> memref<1x128xi32, #tpu.memory_space<vmem>>
        %dma_wait3A_483 = tpu.memref_squeeze %dma_wait3A_482 : memref<1x128xi32, #tpu.memory_space<vmem>> -> memref<128xi32, #tpu.memory_space<vmem>>
        %dma_wait3A_484 = arith.constant 0 : i32
        %dma_wait3A_485 = arith.constant 0 : i32
        %dma_wait3A_486 = tpu.memref_slice %arg11[%dma_wait3A_484, %dma_wait3A_485] : memref<10240x128xf32, #tpu.memory_space<vmem_shared>> -> memref<10240x128xf32, #tpu.memory_space<vmem_shared>>
        tpu.wait_indirect_dma semaphore(%run_scoped3A_474 : memref<!tpu.dma_semaphore, #tpu.memory_space<semaphore_mem>>) src(%arg10 : memref<128x128xf32, #tpu.memory_space<vmem>>) dst(%dma_wait3A_486 : memref<10240x128xf32, #tpu.memory_space<vmem_shared>>)
        tpu.yield
      }) : () -> ()
      %run_scoped3A_288 = arith.constant 3 : i32
      "tpu.region"() ({
        %run_scoped3A_474 = tpu.sem_alloc : memref<!tpu.dma_semaphore, #tpu.memory_space<semaphore_mem>>
        %dma_start3A_475 = arith.constant 0 : i32
        %dma_start3A_476 = tpu.memref_slice %arg8[%run_scoped3A_288, %dma_start3A_475] : memref<16x128xi32, #tpu.memory_space<vmem>> -> memref<1x128xi32, #tpu.memory_space<vmem>>
        %dma_start3A_477 = tpu.memref_squeeze %dma_start3A_476 : memref<1x128xi32, #tpu.memory_space<vmem>> -> memref<128xi32, #tpu.memory_space<vmem>>
        %dma_start3A_478 = arith.constant 0 : i32
        %dma_start3A_479 = tpu.memref_slice %arg16[%dma_start3A_478] : memref<10240xf32, #tpu.memory_space<vmem_shared>> -> memref<10240xf32, #tpu.memory_space<vmem_shared>>
        tpu.enqueue_indirect_dma source(%arg14 : memref<128xf32, #tpu.memory_space<vmem>>) target(%dma_start3A_479 : memref<10240xf32, #tpu.memory_space<vmem_shared>>) offsets(%dma_start3A_477 : memref<128xi32, #tpu.memory_space<vmem>>) semaphore(%run_scoped3A_474 : memref<!tpu.dma_semaphore, #tpu.memory_space<semaphore_mem>>) {add = true}
        %dma_wait3A_480 = arith.constant 0 : i32
        %dma_wait3A_481 = tpu.memref_slice %arg8[%run_scoped3A_288, %dma_wait3A_480] : memref<16x128xi32, #tpu.memory_space<vmem>> -> memref<1x128xi32, #tpu.memory_space<vmem>>
        %dma_wait3A_482 = tpu.memref_squeeze %dma_wait3A_481 : memref<1x128xi32, #tpu.memory_space<vmem>> -> memref<128xi32, #tpu.memory_space<vmem>>
        %dma_wait3A_483 = arith.constant 0 : i32
        %dma_wait3A_484 = tpu.memref_slice %arg16[%dma_wait3A_483] : memref<10240xf32, #tpu.memory_space<vmem_shared>> -> memref<10240xf32, #tpu.memory_space<vmem_shared>>
        tpu.wait_indirect_dma semaphore(%run_scoped3A_474 : memref<!tpu.dma_semaphore, #tpu.memory_space<semaphore_mem>>) src(%arg14 : memref<128xf32, #tpu.memory_space<vmem>>) dst(%dma_wait3A_484 : memref<10240xf32, #tpu.memory_space<vmem_shared>>)
        tpu.yield
      }) : () -> ()
      %dma_start3A_289 = arith.constant 5 : i32
      %dma_start3A_290 = arith.constant 0 : i32
      %dma_start3A_291 = tpu.memref_slice %arg7[%dma_start3A_289, %dma_start3A_290] : memref<16x128xi32, #tpu.memory_space<vmem>> -> memref<1x128xi32, #tpu.memory_space<vmem>>
      %dma_start3A_292 = tpu.memref_squeeze %dma_start3A_291 : memref<1x128xi32, #tpu.memory_space<vmem>> -> memref<128xi32, #tpu.memory_space<vmem>>
      %dma_start3A_293 = arith.constant 0 : i32
      %dma_start3A_294 = arith.constant 0 : i32
      %dma_start3A_295 = tpu.memref_slice %arg2[%dma_start3A_293, %dma_start3A_294] : memref<10000x128xf32, #tpu.memory_space<hbm>> -> memref<10000x128xf32, #tpu.memory_space<hbm>>
      tpu.enqueue_indirect_dma source(%dma_start3A_295 : memref<10000x128xf32, #tpu.memory_space<hbm>>) target(%arg10 : memref<128x128xf32, #tpu.memory_space<vmem>>) offsets(%dma_start3A_292 : memref<128xi32, #tpu.memory_space<vmem>>) semaphore(%arg13 : memref<!tpu.dma_semaphore, #tpu.memory_space<semaphore_mem>>)
      %dma_wait3A_296 = arith.constant 4 : i32
      %dma_wait3A_297 = arith.constant 0 : i32
      %dma_wait3A_298 = tpu.memref_slice %arg7[%dma_wait3A_296, %dma_wait3A_297] : memref<16x128xi32, #tpu.memory_space<vmem>> -> memref<1x128xi32, #tpu.memory_space<vmem>>
      %dma_wait3A_299 = tpu.memref_squeeze %dma_wait3A_298 : memref<1x128xi32, #tpu.memory_space<vmem>> -> memref<128xi32, #tpu.memory_space<vmem>>
      %dma_wait3A_300 = arith.constant 0 : i32
      %dma_wait3A_301 = arith.constant 0 : i32
      %dma_wait3A_302 = tpu.memref_slice %arg2[%dma_wait3A_300, %dma_wait3A_301] : memref<10000x128xf32, #tpu.memory_space<hbm>> -> memref<10000x128xf32, #tpu.memory_space<hbm>>
      tpu.wait_indirect_dma semaphore(%arg12 : memref<!tpu.dma_semaphore, #tpu.memory_space<semaphore_mem>>) src(%dma_wait3A_302 : memref<10000x128xf32, #tpu.memory_space<hbm>>) dst(%arg9 : memref<128x128xf32, #tpu.memory_space<vmem>>)
      %run_scoped3A_303 = arith.constant 4 : i32
      "tpu.region"() ({
        %run_scoped3A_474 = tpu.sem_alloc : memref<!tpu.dma_semaphore, #tpu.memory_space<semaphore_mem>>
        %dma_start3A_475 = arith.constant 0 : i32
        %dma_start3A_476 = tpu.memref_slice %arg8[%run_scoped3A_303, %dma_start3A_475] : memref<16x128xi32, #tpu.memory_space<vmem>> -> memref<1x128xi32, #tpu.memory_space<vmem>>
        %dma_start3A_477 = tpu.memref_squeeze %dma_start3A_476 : memref<1x128xi32, #tpu.memory_space<vmem>> -> memref<128xi32, #tpu.memory_space<vmem>>
        %dma_start3A_478 = arith.constant 0 : i32
        %dma_start3A_479 = arith.constant 0 : i32
        %dma_start3A_480 = tpu.memref_slice %arg11[%dma_start3A_478, %dma_start3A_479] : memref<10240x128xf32, #tpu.memory_space<vmem_shared>> -> memref<10240x128xf32, #tpu.memory_space<vmem_shared>>
        tpu.enqueue_indirect_dma source(%arg9 : memref<128x128xf32, #tpu.memory_space<vmem>>) target(%dma_start3A_480 : memref<10240x128xf32, #tpu.memory_space<vmem_shared>>) offsets(%dma_start3A_477 : memref<128xi32, #tpu.memory_space<vmem>>) semaphore(%run_scoped3A_474 : memref<!tpu.dma_semaphore, #tpu.memory_space<semaphore_mem>>) {add = true}
        %dma_wait3A_481 = arith.constant 0 : i32
        %dma_wait3A_482 = tpu.memref_slice %arg8[%run_scoped3A_303, %dma_wait3A_481] : memref<16x128xi32, #tpu.memory_space<vmem>> -> memref<1x128xi32, #tpu.memory_space<vmem>>
        %dma_wait3A_483 = tpu.memref_squeeze %dma_wait3A_482 : memref<1x128xi32, #tpu.memory_space<vmem>> -> memref<128xi32, #tpu.memory_space<vmem>>
        %dma_wait3A_484 = arith.constant 0 : i32
        %dma_wait3A_485 = arith.constant 0 : i32
        %dma_wait3A_486 = tpu.memref_slice %arg11[%dma_wait3A_484, %dma_wait3A_485] : memref<10240x128xf32, #tpu.memory_space<vmem_shared>> -> memref<10240x128xf32, #tpu.memory_space<vmem_shared>>
        tpu.wait_indirect_dma semaphore(%run_scoped3A_474 : memref<!tpu.dma_semaphore, #tpu.memory_space<semaphore_mem>>) src(%arg9 : memref<128x128xf32, #tpu.memory_space<vmem>>) dst(%dma_wait3A_486 : memref<10240x128xf32, #tpu.memory_space<vmem_shared>>)
        tpu.yield
      }) : () -> ()
      %run_scoped3A_304 = arith.constant 4 : i32
      "tpu.region"() ({
        %run_scoped3A_474 = tpu.sem_alloc : memref<!tpu.dma_semaphore, #tpu.memory_space<semaphore_mem>>
        %dma_start3A_475 = arith.constant 0 : i32
        %dma_start3A_476 = tpu.memref_slice %arg8[%run_scoped3A_304, %dma_start3A_475] : memref<16x128xi32, #tpu.memory_space<vmem>> -> memref<1x128xi32, #tpu.memory_space<vmem>>
        %dma_start3A_477 = tpu.memref_squeeze %dma_start3A_476 : memref<1x128xi32, #tpu.memory_space<vmem>> -> memref<128xi32, #tpu.memory_space<vmem>>
        %dma_start3A_478 = arith.constant 0 : i32
        %dma_start3A_479 = tpu.memref_slice %arg16[%dma_start3A_478] : memref<10240xf32, #tpu.memory_space<vmem_shared>> -> memref<10240xf32, #tpu.memory_space<vmem_shared>>
        tpu.enqueue_indirect_dma source(%arg14 : memref<128xf32, #tpu.memory_space<vmem>>) target(%dma_start3A_479 : memref<10240xf32, #tpu.memory_space<vmem_shared>>) offsets(%dma_start3A_477 : memref<128xi32, #tpu.memory_space<vmem>>) semaphore(%run_scoped3A_474 : memref<!tpu.dma_semaphore, #tpu.memory_space<semaphore_mem>>) {add = true}
        %dma_wait3A_480 = arith.constant 0 : i32
        %dma_wait3A_481 = tpu.memref_slice %arg8[%run_scoped3A_304, %dma_wait3A_480] : memref<16x128xi32, #tpu.memory_space<vmem>> -> memref<1x128xi32, #tpu.memory_space<vmem>>
        %dma_wait3A_482 = tpu.memref_squeeze %dma_wait3A_481 : memref<1x128xi32, #tpu.memory_space<vmem>> -> memref<128xi32, #tpu.memory_space<vmem>>
        %dma_wait3A_483 = arith.constant 0 : i32
        %dma_wait3A_484 = tpu.memref_slice %arg16[%dma_wait3A_483] : memref<10240xf32, #tpu.memory_space<vmem_shared>> -> memref<10240xf32, #tpu.memory_space<vmem_shared>>
        tpu.wait_indirect_dma semaphore(%run_scoped3A_474 : memref<!tpu.dma_semaphore, #tpu.memory_space<semaphore_mem>>) src(%arg14 : memref<128xf32, #tpu.memory_space<vmem>>) dst(%dma_wait3A_484 : memref<10240xf32, #tpu.memory_space<vmem_shared>>)
        tpu.yield
      }) : () -> ()
      %dma_start3A_305 = arith.constant 6 : i32
      %dma_start3A_306 = arith.constant 0 : i32
      %dma_start3A_307 = tpu.memref_slice %arg7[%dma_start3A_305, %dma_start3A_306] : memref<16x128xi32, #tpu.memory_space<vmem>> -> memref<1x128xi32, #tpu.memory_space<vmem>>
      %dma_start3A_308 = tpu.memref_squeeze %dma_start3A_307 : memref<1x128xi32, #tpu.memory_space<vmem>> -> memref<128xi32, #tpu.memory_space<vmem>>
      %dma_start3A_309 = arith.constant 0 : i32
      %dma_start3A_310 = arith.constant 0 : i32
      %dma_start3A_311 = tpu.memref_slice %arg2[%dma_start3A_309, %dma_start3A_310] : memref<10000x128xf32, #tpu.memory_space<hbm>> -> memref<10000x128xf32, #tpu.memory_space<hbm>>
      tpu.enqueue_indirect_dma source(%dma_start3A_311 : memref<10000x128xf32, #tpu.memory_space<hbm>>) target(%arg9 : memref<128x128xf32, #tpu.memory_space<vmem>>) offsets(%dma_start3A_308 : memref<128xi32, #tpu.memory_space<vmem>>) semaphore(%arg12 : memref<!tpu.dma_semaphore, #tpu.memory_space<semaphore_mem>>)
      %dma_wait3A_312 = arith.constant 5 : i32
      %dma_wait3A_313 = arith.constant 0 : i32
      %dma_wait3A_314 = tpu.memref_slice %arg7[%dma_wait3A_312, %dma_wait3A_313] : memref<16x128xi32, #tpu.memory_space<vmem>> -> memref<1x128xi32, #tpu.memory_space<vmem>>
      %dma_wait3A_315 = tpu.memref_squeeze %dma_wait3A_314 : memref<1x128xi32, #tpu.memory_space<vmem>> -> memref<128xi32, #tpu.memory_space<vmem>>
      %dma_wait3A_316 = arith.constant 0 : i32
      %dma_wait3A_317 = arith.constant 0 : i32
      %dma_wait3A_318 = tpu.memref_slice %arg2[%dma_wait3A_316, %dma_wait3A_317] : memref<10000x128xf32, #tpu.memory_space<hbm>> -> memref<10000x128xf32, #tpu.memory_space<hbm>>
      tpu.wait_indirect_dma semaphore(%arg13 : memref<!tpu.dma_semaphore, #tpu.memory_space<semaphore_mem>>) src(%dma_wait3A_318 : memref<10000x128xf32, #tpu.memory_space<hbm>>) dst(%arg10 : memref<128x128xf32, #tpu.memory_space<vmem>>)
      %run_scoped3A_319 = arith.constant 5 : i32
      "tpu.region"() ({
        %run_scoped3A_474 = tpu.sem_alloc : memref<!tpu.dma_semaphore, #tpu.memory_space<semaphore_mem>>
        %dma_start3A_475 = arith.constant 0 : i32
        %dma_start3A_476 = tpu.memref_slice %arg8[%run_scoped3A_319, %dma_start3A_475] : memref<16x128xi32, #tpu.memory_space<vmem>> -> memref<1x128xi32, #tpu.memory_space<vmem>>
        %dma_start3A_477 = tpu.memref_squeeze %dma_start3A_476 : memref<1x128xi32, #tpu.memory_space<vmem>> -> memref<128xi32, #tpu.memory_space<vmem>>
        %dma_start3A_478 = arith.constant 0 : i32
        %dma_start3A_479 = arith.constant 0 : i32
        %dma_start3A_480 = tpu.memref_slice %arg11[%dma_start3A_478, %dma_start3A_479] : memref<10240x128xf32, #tpu.memory_space<vmem_shared>> -> memref<10240x128xf32, #tpu.memory_space<vmem_shared>>
        tpu.enqueue_indirect_dma source(%arg10 : memref<128x128xf32, #tpu.memory_space<vmem>>) target(%dma_start3A_480 : memref<10240x128xf32, #tpu.memory_space<vmem_shared>>) offsets(%dma_start3A_477 : memref<128xi32, #tpu.memory_space<vmem>>) semaphore(%run_scoped3A_474 : memref<!tpu.dma_semaphore, #tpu.memory_space<semaphore_mem>>) {add = true}
        %dma_wait3A_481 = arith.constant 0 : i32
        %dma_wait3A_482 = tpu.memref_slice %arg8[%run_scoped3A_319, %dma_wait3A_481] : memref<16x128xi32, #tpu.memory_space<vmem>> -> memref<1x128xi32, #tpu.memory_space<vmem>>
        %dma_wait3A_483 = tpu.memref_squeeze %dma_wait3A_482 : memref<1x128xi32, #tpu.memory_space<vmem>> -> memref<128xi32, #tpu.memory_space<vmem>>
        %dma_wait3A_484 = arith.constant 0 : i32
        %dma_wait3A_485 = arith.constant 0 : i32
        %dma_wait3A_486 = tpu.memref_slice %arg11[%dma_wait3A_484, %dma_wait3A_485] : memref<10240x128xf32, #tpu.memory_space<vmem_shared>> -> memref<10240x128xf32, #tpu.memory_space<vmem_shared>>
        tpu.wait_indirect_dma semaphore(%run_scoped3A_474 : memref<!tpu.dma_semaphore, #tpu.memory_space<semaphore_mem>>) src(%arg10 : memref<128x128xf32, #tpu.memory_space<vmem>>) dst(%dma_wait3A_486 : memref<10240x128xf32, #tpu.memory_space<vmem_shared>>)
        tpu.yield
      }) : () -> ()
      %run_scoped3A_320 = arith.constant 5 : i32
      "tpu.region"() ({
        %run_scoped3A_474 = tpu.sem_alloc : memref<!tpu.dma_semaphore, #tpu.memory_space<semaphore_mem>>
        %dma_start3A_475 = arith.constant 0 : i32
        %dma_start3A_476 = tpu.memref_slice %arg8[%run_scoped3A_320, %dma_start3A_475] : memref<16x128xi32, #tpu.memory_space<vmem>> -> memref<1x128xi32, #tpu.memory_space<vmem>>
        %dma_start3A_477 = tpu.memref_squeeze %dma_start3A_476 : memref<1x128xi32, #tpu.memory_space<vmem>> -> memref<128xi32, #tpu.memory_space<vmem>>
        %dma_start3A_478 = arith.constant 0 : i32
        %dma_start3A_479 = tpu.memref_slice %arg16[%dma_start3A_478] : memref<10240xf32, #tpu.memory_space<vmem_shared>> -> memref<10240xf32, #tpu.memory_space<vmem_shared>>
        tpu.enqueue_indirect_dma source(%arg14 : memref<128xf32, #tpu.memory_space<vmem>>) target(%dma_start3A_479 : memref<10240xf32, #tpu.memory_space<vmem_shared>>) offsets(%dma_start3A_477 : memref<128xi32, #tpu.memory_space<vmem>>) semaphore(%run_scoped3A_474 : memref<!tpu.dma_semaphore, #tpu.memory_space<semaphore_mem>>) {add = true}
        %dma_wait3A_480 = arith.constant 0 : i32
        %dma_wait3A_481 = tpu.memref_slice %arg8[%run_scoped3A_320, %dma_wait3A_480] : memref<16x128xi32, #tpu.memory_space<vmem>> -> memref<1x128xi32, #tpu.memory_space<vmem>>
        %dma_wait3A_482 = tpu.memref_squeeze %dma_wait3A_481 : memref<1x128xi32, #tpu.memory_space<vmem>> -> memref<128xi32, #tpu.memory_space<vmem>>
        %dma_wait3A_483 = arith.constant 0 : i32
        %dma_wait3A_484 = tpu.memref_slice %arg16[%dma_wait3A_483] : memref<10240xf32, #tpu.memory_space<vmem_shared>> -> memref<10240xf32, #tpu.memory_space<vmem_shared>>
        tpu.wait_indirect_dma semaphore(%run_scoped3A_474 : memref<!tpu.dma_semaphore, #tpu.memory_space<semaphore_mem>>) src(%arg14 : memref<128xf32, #tpu.memory_space<vmem>>) dst(%dma_wait3A_484 : memref<10240xf32, #tpu.memory_space<vmem_shared>>)
        tpu.yield
      }) : () -> ()
      %dma_start3A_321 = arith.constant 7 : i32
      %dma_start3A_322 = arith.constant 0 : i32
      %dma_start3A_323 = tpu.memref_slice %arg7[%dma_start3A_321, %dma_start3A_322] : memref<16x128xi32, #tpu.memory_space<vmem>> -> memref<1x128xi32, #tpu.memory_space<vmem>>
      %dma_start3A_324 = tpu.memref_squeeze %dma_start3A_323 : memref<1x128xi32, #tpu.memory_space<vmem>> -> memref<128xi32, #tpu.memory_space<vmem>>
      %dma_start3A_325 = arith.constant 0 : i32
      %dma_start3A_326 = arith.constant 0 : i32
      %dma_start3A_327 = tpu.memref_slice %arg2[%dma_start3A_325, %dma_start3A_326] : memref<10000x128xf32, #tpu.memory_space<hbm>> -> memref<10000x128xf32, #tpu.memory_space<hbm>>
      tpu.enqueue_indirect_dma source(%dma_start3A_327 : memref<10000x128xf32, #tpu.memory_space<hbm>>) target(%arg10 : memref<128x128xf32, #tpu.memory_space<vmem>>) offsets(%dma_start3A_324 : memref<128xi32, #tpu.memory_space<vmem>>) semaphore(%arg13 : memref<!tpu.dma_semaphore, #tpu.memory_space<semaphore_mem>>)
      %dma_wait3A_328 = arith.constant 6 : i32
      %dma_wait3A_329 = arith.constant 0 : i32
      %dma_wait3A_330 = tpu.memref_slice %arg7[%dma_wait3A_328, %dma_wait3A_329] : memref<16x128xi32, #tpu.memory_space<vmem>> -> memref<1x128xi32, #tpu.memory_space<vmem>>
      %dma_wait3A_331 = tpu.memref_squeeze %dma_wait3A_330 : memref<1x128xi32, #tpu.memory_space<vmem>> -> memref<128xi32, #tpu.memory_space<vmem>>
      %dma_wait3A_332 = arith.constant 0 : i32
      %dma_wait3A_333 = arith.constant 0 : i32
      %dma_wait3A_334 = tpu.memref_slice %arg2[%dma_wait3A_332, %dma_wait3A_333] : memref<10000x128xf32, #tpu.memory_space<hbm>> -> memref<10000x128xf32, #tpu.memory_space<hbm>>
      tpu.wait_indirect_dma semaphore(%arg12 : memref<!tpu.dma_semaphore, #tpu.memory_space<semaphore_mem>>) src(%dma_wait3A_334 : memref<10000x128xf32, #tpu.memory_space<hbm>>) dst(%arg9 : memref<128x128xf32, #tpu.memory_space<vmem>>)
      %run_scoped3A_335 = arith.constant 6 : i32
      "tpu.region"() ({
        %run_scoped3A_474 = tpu.sem_alloc : memref<!tpu.dma_semaphore, #tpu.memory_space<semaphore_mem>>
        %dma_start3A_475 = arith.constant 0 : i32
        %dma_start3A_476 = tpu.memref_slice %arg8[%run_scoped3A_335, %dma_start3A_475] : memref<16x128xi32, #tpu.memory_space<vmem>> -> memref<1x128xi32, #tpu.memory_space<vmem>>
        %dma_start3A_477 = tpu.memref_squeeze %dma_start3A_476 : memref<1x128xi32, #tpu.memory_space<vmem>> -> memref<128xi32, #tpu.memory_space<vmem>>
        %dma_start3A_478 = arith.constant 0 : i32
        %dma_start3A_479 = arith.constant 0 : i32
        %dma_start3A_480 = tpu.memref_slice %arg11[%dma_start3A_478, %dma_start3A_479] : memref<10240x128xf32, #tpu.memory_space<vmem_shared>> -> memref<10240x128xf32, #tpu.memory_space<vmem_shared>>
        tpu.enqueue_indirect_dma source(%arg9 : memref<128x128xf32, #tpu.memory_space<vmem>>) target(%dma_start3A_480 : memref<10240x128xf32, #tpu.memory_space<vmem_shared>>) offsets(%dma_start3A_477 : memref<128xi32, #tpu.memory_space<vmem>>) semaphore(%run_scoped3A_474 : memref<!tpu.dma_semaphore, #tpu.memory_space<semaphore_mem>>) {add = true}
        %dma_wait3A_481 = arith.constant 0 : i32
        %dma_wait3A_482 = tpu.memref_slice %arg8[%run_scoped3A_335, %dma_wait3A_481] : memref<16x128xi32, #tpu.memory_space<vmem>> -> memref<1x128xi32, #tpu.memory_space<vmem>>
        %dma_wait3A_483 = tpu.memref_squeeze %dma_wait3A_482 : memref<1x128xi32, #tpu.memory_space<vmem>> -> memref<128xi32, #tpu.memory_space<vmem>>
        %dma_wait3A_484 = arith.constant 0 : i32
        %dma_wait3A_485 = arith.constant 0 : i32
        %dma_wait3A_486 = tpu.memref_slice %arg11[%dma_wait3A_484, %dma_wait3A_485] : memref<10240x128xf32, #tpu.memory_space<vmem_shared>> -> memref<10240x128xf32, #tpu.memory_space<vmem_shared>>
        tpu.wait_indirect_dma semaphore(%run_scoped3A_474 : memref<!tpu.dma_semaphore, #tpu.memory_space<semaphore_mem>>) src(%arg9 : memref<128x128xf32, #tpu.memory_space<vmem>>) dst(%dma_wait3A_486 : memref<10240x128xf32, #tpu.memory_space<vmem_shared>>)
        tpu.yield
      }) : () -> ()
      %run_scoped3A_336 = arith.constant 6 : i32
      "tpu.region"() ({
        %run_scoped3A_474 = tpu.sem_alloc : memref<!tpu.dma_semaphore, #tpu.memory_space<semaphore_mem>>
        %dma_start3A_475 = arith.constant 0 : i32
        %dma_start3A_476 = tpu.memref_slice %arg8[%run_scoped3A_336, %dma_start3A_475] : memref<16x128xi32, #tpu.memory_space<vmem>> -> memref<1x128xi32, #tpu.memory_space<vmem>>
        %dma_start3A_477 = tpu.memref_squeeze %dma_start3A_476 : memref<1x128xi32, #tpu.memory_space<vmem>> -> memref<128xi32, #tpu.memory_space<vmem>>
        %dma_start3A_478 = arith.constant 0 : i32
        %dma_start3A_479 = tpu.memref_slice %arg16[%dma_start3A_478] : memref<10240xf32, #tpu.memory_space<vmem_shared>> -> memref<10240xf32, #tpu.memory_space<vmem_shared>>
        tpu.enqueue_indirect_dma source(%arg14 : memref<128xf32, #tpu.memory_space<vmem>>) target(%dma_start3A_479 : memref<10240xf32, #tpu.memory_space<vmem_shared>>) offsets(%dma_start3A_477 : memref<128xi32, #tpu.memory_space<vmem>>) semaphore(%run_scoped3A_474 : memref<!tpu.dma_semaphore, #tpu.memory_space<semaphore_mem>>) {add = true}
        %dma_wait3A_480 = arith.constant 0 : i32
        %dma_wait3A_481 = tpu.memref_slice %arg8[%run_scoped3A_336, %dma_wait3A_480] : memref<16x128xi32, #tpu.memory_space<vmem>> -> memref<1x128xi32, #tpu.memory_space<vmem>>
        %dma_wait3A_482 = tpu.memref_squeeze %dma_wait3A_481 : memref<1x128xi32, #tpu.memory_space<vmem>> -> memref<128xi32, #tpu.memory_space<vmem>>
        %dma_wait3A_483 = arith.constant 0 : i32
        %dma_wait3A_484 = tpu.memref_slice %arg16[%dma_wait3A_483] : memref<10240xf32, #tpu.memory_space<vmem_shared>> -> memref<10240xf32, #tpu.memory_space<vmem_shared>>
        tpu.wait_indirect_dma semaphore(%run_scoped3A_474 : memref<!tpu.dma_semaphore, #tpu.memory_space<semaphore_mem>>) src(%arg14 : memref<128xf32, #tpu.memory_space<vmem>>) dst(%dma_wait3A_484 : memref<10240xf32, #tpu.memory_space<vmem_shared>>)
        tpu.yield
      }) : () -> ()
      %dma_start3A_337 = arith.constant 8 : i32
      %dma_start3A_338 = arith.constant 0 : i32
      %dma_start3A_339 = tpu.memref_slice %arg7[%dma_start3A_337, %dma_start3A_338] : memref<16x128xi32, #tpu.memory_space<vmem>> -> memref<1x128xi32, #tpu.memory_space<vmem>>
      %dma_start3A_340 = tpu.memref_squeeze %dma_start3A_339 : memref<1x128xi32, #tpu.memory_space<vmem>> -> memref<128xi32, #tpu.memory_space<vmem>>
      %dma_start3A_341 = arith.constant 0 : i32
      %dma_start3A_342 = arith.constant 0 : i32
      %dma_start3A_343 = tpu.memref_slice %arg2[%dma_start3A_341, %dma_start3A_342] : memref<10000x128xf32, #tpu.memory_space<hbm>> -> memref<10000x128xf32, #tpu.memory_space<hbm>>
      tpu.enqueue_indirect_dma source(%dma_start3A_343 : memref<10000x128xf32, #tpu.memory_space<hbm>>) target(%arg9 : memref<128x128xf32, #tpu.memory_space<vmem>>) offsets(%dma_start3A_340 : memref<128xi32, #tpu.memory_space<vmem>>) semaphore(%arg12 : memref<!tpu.dma_semaphore, #tpu.memory_space<semaphore_mem>>)
      %dma_wait3A_344 = arith.constant 7 : i32
      %dma_wait3A_345 = arith.constant 0 : i32
      %dma_wait3A_346 = tpu.memref_slice %arg7[%dma_wait3A_344, %dma_wait3A_345] : memref<16x128xi32, #tpu.memory_space<vmem>> -> memref<1x128xi32, #tpu.memory_space<vmem>>
      %dma_wait3A_347 = tpu.memref_squeeze %dma_wait3A_346 : memref<1x128xi32, #tpu.memory_space<vmem>> -> memref<128xi32, #tpu.memory_space<vmem>>
      %dma_wait3A_348 = arith.constant 0 : i32
      %dma_wait3A_349 = arith.constant 0 : i32
      %dma_wait3A_350 = tpu.memref_slice %arg2[%dma_wait3A_348, %dma_wait3A_349] : memref<10000x128xf32, #tpu.memory_space<hbm>> -> memref<10000x128xf32, #tpu.memory_space<hbm>>
      tpu.wait_indirect_dma semaphore(%arg13 : memref<!tpu.dma_semaphore, #tpu.memory_space<semaphore_mem>>) src(%dma_wait3A_350 : memref<10000x128xf32, #tpu.memory_space<hbm>>) dst(%arg10 : memref<128x128xf32, #tpu.memory_space<vmem>>)
      %run_scoped3A_351 = arith.constant 7 : i32
      "tpu.region"() ({
        %run_scoped3A_474 = tpu.sem_alloc : memref<!tpu.dma_semaphore, #tpu.memory_space<semaphore_mem>>
        %dma_start3A_475 = arith.constant 0 : i32
        %dma_start3A_476 = tpu.memref_slice %arg8[%run_scoped3A_351, %dma_start3A_475] : memref<16x128xi32, #tpu.memory_space<vmem>> -> memref<1x128xi32, #tpu.memory_space<vmem>>
        %dma_start3A_477 = tpu.memref_squeeze %dma_start3A_476 : memref<1x128xi32, #tpu.memory_space<vmem>> -> memref<128xi32, #tpu.memory_space<vmem>>
        %dma_start3A_478 = arith.constant 0 : i32
        %dma_start3A_479 = arith.constant 0 : i32
        %dma_start3A_480 = tpu.memref_slice %arg11[%dma_start3A_478, %dma_start3A_479] : memref<10240x128xf32, #tpu.memory_space<vmem_shared>> -> memref<10240x128xf32, #tpu.memory_space<vmem_shared>>
        tpu.enqueue_indirect_dma source(%arg10 : memref<128x128xf32, #tpu.memory_space<vmem>>) target(%dma_start3A_480 : memref<10240x128xf32, #tpu.memory_space<vmem_shared>>) offsets(%dma_start3A_477 : memref<128xi32, #tpu.memory_space<vmem>>) semaphore(%run_scoped3A_474 : memref<!tpu.dma_semaphore, #tpu.memory_space<semaphore_mem>>) {add = true}
        %dma_wait3A_481 = arith.constant 0 : i32
        %dma_wait3A_482 = tpu.memref_slice %arg8[%run_scoped3A_351, %dma_wait3A_481] : memref<16x128xi32, #tpu.memory_space<vmem>> -> memref<1x128xi32, #tpu.memory_space<vmem>>
        %dma_wait3A_483 = tpu.memref_squeeze %dma_wait3A_482 : memref<1x128xi32, #tpu.memory_space<vmem>> -> memref<128xi32, #tpu.memory_space<vmem>>
        %dma_wait3A_484 = arith.constant 0 : i32
        %dma_wait3A_485 = arith.constant 0 : i32
        %dma_wait3A_486 = tpu.memref_slice %arg11[%dma_wait3A_484, %dma_wait3A_485] : memref<10240x128xf32, #tpu.memory_space<vmem_shared>> -> memref<10240x128xf32, #tpu.memory_space<vmem_shared>>
        tpu.wait_indirect_dma semaphore(%run_scoped3A_474 : memref<!tpu.dma_semaphore, #tpu.memory_space<semaphore_mem>>) src(%arg10 : memref<128x128xf32, #tpu.memory_space<vmem>>) dst(%dma_wait3A_486 : memref<10240x128xf32, #tpu.memory_space<vmem_shared>>)
        tpu.yield
      }) : () -> ()
      %run_scoped3A_352 = arith.constant 7 : i32
      "tpu.region"() ({
        %run_scoped3A_474 = tpu.sem_alloc : memref<!tpu.dma_semaphore, #tpu.memory_space<semaphore_mem>>
        %dma_start3A_475 = arith.constant 0 : i32
        %dma_start3A_476 = tpu.memref_slice %arg8[%run_scoped3A_352, %dma_start3A_475] : memref<16x128xi32, #tpu.memory_space<vmem>> -> memref<1x128xi32, #tpu.memory_space<vmem>>
        %dma_start3A_477 = tpu.memref_squeeze %dma_start3A_476 : memref<1x128xi32, #tpu.memory_space<vmem>> -> memref<128xi32, #tpu.memory_space<vmem>>
        %dma_start3A_478 = arith.constant 0 : i32
        %dma_start3A_479 = tpu.memref_slice %arg16[%dma_start3A_478] : memref<10240xf32, #tpu.memory_space<vmem_shared>> -> memref<10240xf32, #tpu.memory_space<vmem_shared>>
        tpu.enqueue_indirect_dma source(%arg14 : memref<128xf32, #tpu.memory_space<vmem>>) target(%dma_start3A_479 : memref<10240xf32, #tpu.memory_space<vmem_shared>>) offsets(%dma_start3A_477 : memref<128xi32, #tpu.memory_space<vmem>>) semaphore(%run_scoped3A_474 : memref<!tpu.dma_semaphore, #tpu.memory_space<semaphore_mem>>) {add = true}
        %dma_wait3A_480 = arith.constant 0 : i32
        %dma_wait3A_481 = tpu.memref_slice %arg8[%run_scoped3A_352, %dma_wait3A_480] : memref<16x128xi32, #tpu.memory_space<vmem>> -> memref<1x128xi32, #tpu.memory_space<vmem>>
        %dma_wait3A_482 = tpu.memref_squeeze %dma_wait3A_481 : memref<1x128xi32, #tpu.memory_space<vmem>> -> memref<128xi32, #tpu.memory_space<vmem>>
        %dma_wait3A_483 = arith.constant 0 : i32
        %dma_wait3A_484 = tpu.memref_slice %arg16[%dma_wait3A_483] : memref<10240xf32, #tpu.memory_space<vmem_shared>> -> memref<10240xf32, #tpu.memory_space<vmem_shared>>
        tpu.wait_indirect_dma semaphore(%run_scoped3A_474 : memref<!tpu.dma_semaphore, #tpu.memory_space<semaphore_mem>>) src(%arg14 : memref<128xf32, #tpu.memory_space<vmem>>) dst(%dma_wait3A_484 : memref<10240xf32, #tpu.memory_space<vmem_shared>>)
        tpu.yield
      }) : () -> ()
      %dma_start3A_353 = arith.constant 9 : i32
      %dma_start3A_354 = arith.constant 0 : i32
      %dma_start3A_355 = tpu.memref_slice %arg7[%dma_start3A_353, %dma_start3A_354] : memref<16x128xi32, #tpu.memory_space<vmem>> -> memref<1x128xi32, #tpu.memory_space<vmem>>
      %dma_start3A_356 = tpu.memref_squeeze %dma_start3A_355 : memref<1x128xi32, #tpu.memory_space<vmem>> -> memref<128xi32, #tpu.memory_space<vmem>>
      %dma_start3A_357 = arith.constant 0 : i32
      %dma_start3A_358 = arith.constant 0 : i32
      %dma_start3A_359 = tpu.memref_slice %arg2[%dma_start3A_357, %dma_start3A_358] : memref<10000x128xf32, #tpu.memory_space<hbm>> -> memref<10000x128xf32, #tpu.memory_space<hbm>>
      tpu.enqueue_indirect_dma source(%dma_start3A_359 : memref<10000x128xf32, #tpu.memory_space<hbm>>) target(%arg10 : memref<128x128xf32, #tpu.memory_space<vmem>>) offsets(%dma_start3A_356 : memref<128xi32, #tpu.memory_space<vmem>>) semaphore(%arg13 : memref<!tpu.dma_semaphore, #tpu.memory_space<semaphore_mem>>)
      %dma_wait3A_360 = arith.constant 8 : i32
      %dma_wait3A_361 = arith.constant 0 : i32
      %dma_wait3A_362 = tpu.memref_slice %arg7[%dma_wait3A_360, %dma_wait3A_361] : memref<16x128xi32, #tpu.memory_space<vmem>> -> memref<1x128xi32, #tpu.memory_space<vmem>>
      %dma_wait3A_363 = tpu.memref_squeeze %dma_wait3A_362 : memref<1x128xi32, #tpu.memory_space<vmem>> -> memref<128xi32, #tpu.memory_space<vmem>>
      %dma_wait3A_364 = arith.constant 0 : i32
      %dma_wait3A_365 = arith.constant 0 : i32
      %dma_wait3A_366 = tpu.memref_slice %arg2[%dma_wait3A_364, %dma_wait3A_365] : memref<10000x128xf32, #tpu.memory_space<hbm>> -> memref<10000x128xf32, #tpu.memory_space<hbm>>
      tpu.wait_indirect_dma semaphore(%arg12 : memref<!tpu.dma_semaphore, #tpu.memory_space<semaphore_mem>>) src(%dma_wait3A_366 : memref<10000x128xf32, #tpu.memory_space<hbm>>) dst(%arg9 : memref<128x128xf32, #tpu.memory_space<vmem>>)
      %run_scoped3A_367 = arith.constant 8 : i32
      "tpu.region"() ({
        %run_scoped3A_474 = tpu.sem_alloc : memref<!tpu.dma_semaphore, #tpu.memory_space<semaphore_mem>>
        %dma_start3A_475 = arith.constant 0 : i32
        %dma_start3A_476 = tpu.memref_slice %arg8[%run_scoped3A_367, %dma_start3A_475] : memref<16x128xi32, #tpu.memory_space<vmem>> -> memref<1x128xi32, #tpu.memory_space<vmem>>
        %dma_start3A_477 = tpu.memref_squeeze %dma_start3A_476 : memref<1x128xi32, #tpu.memory_space<vmem>> -> memref<128xi32, #tpu.memory_space<vmem>>
        %dma_start3A_478 = arith.constant 0 : i32
        %dma_start3A_479 = arith.constant 0 : i32
        %dma_start3A_480 = tpu.memref_slice %arg11[%dma_start3A_478, %dma_start3A_479] : memref<10240x128xf32, #tpu.memory_space<vmem_shared>> -> memref<10240x128xf32, #tpu.memory_space<vmem_shared>>
        tpu.enqueue_indirect_dma source(%arg9 : memref<128x128xf32, #tpu.memory_space<vmem>>) target(%dma_start3A_480 : memref<10240x128xf32, #tpu.memory_space<vmem_shared>>) offsets(%dma_start3A_477 : memref<128xi32, #tpu.memory_space<vmem>>) semaphore(%run_scoped3A_474 : memref<!tpu.dma_semaphore, #tpu.memory_space<semaphore_mem>>) {add = true}
        %dma_wait3A_481 = arith.constant 0 : i32
        %dma_wait3A_482 = tpu.memref_slice %arg8[%run_scoped3A_367, %dma_wait3A_481] : memref<16x128xi32, #tpu.memory_space<vmem>> -> memref<1x128xi32, #tpu.memory_space<vmem>>
        %dma_wait3A_483 = tpu.memref_squeeze %dma_wait3A_482 : memref<1x128xi32, #tpu.memory_space<vmem>> -> memref<128xi32, #tpu.memory_space<vmem>>
        %dma_wait3A_484 = arith.constant 0 : i32
        %dma_wait3A_485 = arith.constant 0 : i32
        %dma_wait3A_486 = tpu.memref_slice %arg11[%dma_wait3A_484, %dma_wait3A_485] : memref<10240x128xf32, #tpu.memory_space<vmem_shared>> -> memref<10240x128xf32, #tpu.memory_space<vmem_shared>>
        tpu.wait_indirect_dma semaphore(%run_scoped3A_474 : memref<!tpu.dma_semaphore, #tpu.memory_space<semaphore_mem>>) src(%arg9 : memref<128x128xf32, #tpu.memory_space<vmem>>) dst(%dma_wait3A_486 : memref<10240x128xf32, #tpu.memory_space<vmem_shared>>)
        tpu.yield
      }) : () -> ()
      %run_scoped3A_368 = arith.constant 8 : i32
      "tpu.region"() ({
        %run_scoped3A_474 = tpu.sem_alloc : memref<!tpu.dma_semaphore, #tpu.memory_space<semaphore_mem>>
        %dma_start3A_475 = arith.constant 0 : i32
        %dma_start3A_476 = tpu.memref_slice %arg8[%run_scoped3A_368, %dma_start3A_475] : memref<16x128xi32, #tpu.memory_space<vmem>> -> memref<1x128xi32, #tpu.memory_space<vmem>>
        %dma_start3A_477 = tpu.memref_squeeze %dma_start3A_476 : memref<1x128xi32, #tpu.memory_space<vmem>> -> memref<128xi32, #tpu.memory_space<vmem>>
        %dma_start3A_478 = arith.constant 0 : i32
        %dma_start3A_479 = tpu.memref_slice %arg16[%dma_start3A_478] : memref<10240xf32, #tpu.memory_space<vmem_shared>> -> memref<10240xf32, #tpu.memory_space<vmem_shared>>
        tpu.enqueue_indirect_dma source(%arg14 : memref<128xf32, #tpu.memory_space<vmem>>) target(%dma_start3A_479 : memref<10240xf32, #tpu.memory_space<vmem_shared>>) offsets(%dma_start3A_477 : memref<128xi32, #tpu.memory_space<vmem>>) semaphore(%run_scoped3A_474 : memref<!tpu.dma_semaphore, #tpu.memory_space<semaphore_mem>>) {add = true}
        %dma_wait3A_480 = arith.constant 0 : i32
        %dma_wait3A_481 = tpu.memref_slice %arg8[%run_scoped3A_368, %dma_wait3A_480] : memref<16x128xi32, #tpu.memory_space<vmem>> -> memref<1x128xi32, #tpu.memory_space<vmem>>
        %dma_wait3A_482 = tpu.memref_squeeze %dma_wait3A_481 : memref<1x128xi32, #tpu.memory_space<vmem>> -> memref<128xi32, #tpu.memory_space<vmem>>
        %dma_wait3A_483 = arith.constant 0 : i32
        %dma_wait3A_484 = tpu.memref_slice %arg16[%dma_wait3A_483] : memref<10240xf32, #tpu.memory_space<vmem_shared>> -> memref<10240xf32, #tpu.memory_space<vmem_shared>>
        tpu.wait_indirect_dma semaphore(%run_scoped3A_474 : memref<!tpu.dma_semaphore, #tpu.memory_space<semaphore_mem>>) src(%arg14 : memref<128xf32, #tpu.memory_space<vmem>>) dst(%dma_wait3A_484 : memref<10240xf32, #tpu.memory_space<vmem_shared>>)
        tpu.yield
      }) : () -> ()
      %dma_start3A_369 = arith.constant 10 : i32
      %dma_start3A_370 = arith.constant 0 : i32
      %dma_start3A_371 = tpu.memref_slice %arg7[%dma_start3A_369, %dma_start3A_370] : memref<16x128xi32, #tpu.memory_space<vmem>> -> memref<1x128xi32, #tpu.memory_space<vmem>>
      %dma_start3A_372 = tpu.memref_squeeze %dma_start3A_371 : memref<1x128xi32, #tpu.memory_space<vmem>> -> memref<128xi32, #tpu.memory_space<vmem>>
      %dma_start3A_373 = arith.constant 0 : i32
      %dma_start3A_374 = arith.constant 0 : i32
      %dma_start3A_375 = tpu.memref_slice %arg2[%dma_start3A_373, %dma_start3A_374] : memref<10000x128xf32, #tpu.memory_space<hbm>> -> memref<10000x128xf32, #tpu.memory_space<hbm>>
      tpu.enqueue_indirect_dma source(%dma_start3A_375 : memref<10000x128xf32, #tpu.memory_space<hbm>>) target(%arg9 : memref<128x128xf32, #tpu.memory_space<vmem>>) offsets(%dma_start3A_372 : memref<128xi32, #tpu.memory_space<vmem>>) semaphore(%arg12 : memref<!tpu.dma_semaphore, #tpu.memory_space<semaphore_mem>>)
      %dma_wait3A_376 = arith.constant 9 : i32
      %dma_wait3A_377 = arith.constant 0 : i32
      %dma_wait3A_378 = tpu.memref_slice %arg7[%dma_wait3A_376, %dma_wait3A_377] : memref<16x128xi32, #tpu.memory_space<vmem>> -> memref<1x128xi32, #tpu.memory_space<vmem>>
      %dma_wait3A_379 = tpu.memref_squeeze %dma_wait3A_378 : memref<1x128xi32, #tpu.memory_space<vmem>> -> memref<128xi32, #tpu.memory_space<vmem>>
      %dma_wait3A_380 = arith.constant 0 : i32
      %dma_wait3A_381 = arith.constant 0 : i32
      %dma_wait3A_382 = tpu.memref_slice %arg2[%dma_wait3A_380, %dma_wait3A_381] : memref<10000x128xf32, #tpu.memory_space<hbm>> -> memref<10000x128xf32, #tpu.memory_space<hbm>>
      tpu.wait_indirect_dma semaphore(%arg13 : memref<!tpu.dma_semaphore, #tpu.memory_space<semaphore_mem>>) src(%dma_wait3A_382 : memref<10000x128xf32, #tpu.memory_space<hbm>>) dst(%arg10 : memref<128x128xf32, #tpu.memory_space<vmem>>)
      %run_scoped3A_383 = arith.constant 9 : i32
      "tpu.region"() ({
        %run_scoped3A_474 = tpu.sem_alloc : memref<!tpu.dma_semaphore, #tpu.memory_space<semaphore_mem>>
        %dma_start3A_475 = arith.constant 0 : i32
        %dma_start3A_476 = tpu.memref_slice %arg8[%run_scoped3A_383, %dma_start3A_475] : memref<16x128xi32, #tpu.memory_space<vmem>> -> memref<1x128xi32, #tpu.memory_space<vmem>>
        %dma_start3A_477 = tpu.memref_squeeze %dma_start3A_476 : memref<1x128xi32, #tpu.memory_space<vmem>> -> memref<128xi32, #tpu.memory_space<vmem>>
        %dma_start3A_478 = arith.constant 0 : i32
        %dma_start3A_479 = arith.constant 0 : i32
        %dma_start3A_480 = tpu.memref_slice %arg11[%dma_start3A_478, %dma_start3A_479] : memref<10240x128xf32, #tpu.memory_space<vmem_shared>> -> memref<10240x128xf32, #tpu.memory_space<vmem_shared>>
        tpu.enqueue_indirect_dma source(%arg10 : memref<128x128xf32, #tpu.memory_space<vmem>>) target(%dma_start3A_480 : memref<10240x128xf32, #tpu.memory_space<vmem_shared>>) offsets(%dma_start3A_477 : memref<128xi32, #tpu.memory_space<vmem>>) semaphore(%run_scoped3A_474 : memref<!tpu.dma_semaphore, #tpu.memory_space<semaphore_mem>>) {add = true}
        %dma_wait3A_481 = arith.constant 0 : i32
        %dma_wait3A_482 = tpu.memref_slice %arg8[%run_scoped3A_383, %dma_wait3A_481] : memref<16x128xi32, #tpu.memory_space<vmem>> -> memref<1x128xi32, #tpu.memory_space<vmem>>
        %dma_wait3A_483 = tpu.memref_squeeze %dma_wait3A_482 : memref<1x128xi32, #tpu.memory_space<vmem>> -> memref<128xi32, #tpu.memory_space<vmem>>
        %dma_wait3A_484 = arith.constant 0 : i32
        %dma_wait3A_485 = arith.constant 0 : i32
        %dma_wait3A_486 = tpu.memref_slice %arg11[%dma_wait3A_484, %dma_wait3A_485] : memref<10240x128xf32, #tpu.memory_space<vmem_shared>> -> memref<10240x128xf32, #tpu.memory_space<vmem_shared>>
        tpu.wait_indirect_dma semaphore(%run_scoped3A_474 : memref<!tpu.dma_semaphore, #tpu.memory_space<semaphore_mem>>) src(%arg10 : memref<128x128xf32, #tpu.memory_space<vmem>>) dst(%dma_wait3A_486 : memref<10240x128xf32, #tpu.memory_space<vmem_shared>>)
        tpu.yield
      }) : () -> ()
      %run_scoped3A_384 = arith.constant 9 : i32
      "tpu.region"() ({
        %run_scoped3A_474 = tpu.sem_alloc : memref<!tpu.dma_semaphore, #tpu.memory_space<semaphore_mem>>
        %dma_start3A_475 = arith.constant 0 : i32
        %dma_start3A_476 = tpu.memref_slice %arg8[%run_scoped3A_384, %dma_start3A_475] : memref<16x128xi32, #tpu.memory_space<vmem>> -> memref<1x128xi32, #tpu.memory_space<vmem>>
        %dma_start3A_477 = tpu.memref_squeeze %dma_start3A_476 : memref<1x128xi32, #tpu.memory_space<vmem>> -> memref<128xi32, #tpu.memory_space<vmem>>
        %dma_start3A_478 = arith.constant 0 : i32
        %dma_start3A_479 = tpu.memref_slice %arg16[%dma_start3A_478] : memref<10240xf32, #tpu.memory_space<vmem_shared>> -> memref<10240xf32, #tpu.memory_space<vmem_shared>>
        tpu.enqueue_indirect_dma source(%arg14 : memref<128xf32, #tpu.memory_space<vmem>>) target(%dma_start3A_479 : memref<10240xf32, #tpu.memory_space<vmem_shared>>) offsets(%dma_start3A_477 : memref<128xi32, #tpu.memory_space<vmem>>) semaphore(%run_scoped3A_474 : memref<!tpu.dma_semaphore, #tpu.memory_space<semaphore_mem>>) {add = true}
        %dma_wait3A_480 = arith.constant 0 : i32
        %dma_wait3A_481 = tpu.memref_slice %arg8[%run_scoped3A_384, %dma_wait3A_480] : memref<16x128xi32, #tpu.memory_space<vmem>> -> memref<1x128xi32, #tpu.memory_space<vmem>>
        %dma_wait3A_482 = tpu.memref_squeeze %dma_wait3A_481 : memref<1x128xi32, #tpu.memory_space<vmem>> -> memref<128xi32, #tpu.memory_space<vmem>>
        %dma_wait3A_483 = arith.constant 0 : i32
        %dma_wait3A_484 = tpu.memref_slice %arg16[%dma_wait3A_483] : memref<10240xf32, #tpu.memory_space<vmem_shared>> -> memref<10240xf32, #tpu.memory_space<vmem_shared>>
        tpu.wait_indirect_dma semaphore(%run_scoped3A_474 : memref<!tpu.dma_semaphore, #tpu.memory_space<semaphore_mem>>) src(%arg14 : memref<128xf32, #tpu.memory_space<vmem>>) dst(%dma_wait3A_484 : memref<10240xf32, #tpu.memory_space<vmem_shared>>)
        tpu.yield
      }) : () -> ()
      %dma_start3A_385 = arith.constant 11 : i32
      %dma_start3A_386 = arith.constant 0 : i32
      %dma_start3A_387 = tpu.memref_slice %arg7[%dma_start3A_385, %dma_start3A_386] : memref<16x128xi32, #tpu.memory_space<vmem>> -> memref<1x128xi32, #tpu.memory_space<vmem>>
      %dma_start3A_388 = tpu.memref_squeeze %dma_start3A_387 : memref<1x128xi32, #tpu.memory_space<vmem>> -> memref<128xi32, #tpu.memory_space<vmem>>
      %dma_start3A_389 = arith.constant 0 : i32
      %dma_start3A_390 = arith.constant 0 : i32
      %dma_start3A_391 = tpu.memref_slice %arg2[%dma_start3A_389, %dma_start3A_390] : memref<10000x128xf32, #tpu.memory_space<hbm>> -> memref<10000x128xf32, #tpu.memory_space<hbm>>
      tpu.enqueue_indirect_dma source(%dma_start3A_391 : memref<10000x128xf32, #tpu.memory_space<hbm>>) target(%arg10 : memref<128x128xf32, #tpu.memory_space<vmem>>) offsets(%dma_start3A_388 : memref<128xi32, #tpu.memory_space<vmem>>) semaphore(%arg13 : memref<!tpu.dma_semaphore, #tpu.memory_space<semaphore_mem>>)
      %dma_wait3A_392 = arith.constant 10 : i32
      %dma_wait3A_393 = arith.constant 0 : i32
      %dma_wait3A_394 = tpu.memref_slice %arg7[%dma_wait3A_392, %dma_wait3A_393] : memref<16x128xi32, #tpu.memory_space<vmem>> -> memref<1x128xi32, #tpu.memory_space<vmem>>
      %dma_wait3A_395 = tpu.memref_squeeze %dma_wait3A_394 : memref<1x128xi32, #tpu.memory_space<vmem>> -> memref<128xi32, #tpu.memory_space<vmem>>
      %dma_wait3A_396 = arith.constant 0 : i32
      %dma_wait3A_397 = arith.constant 0 : i32
      %dma_wait3A_398 = tpu.memref_slice %arg2[%dma_wait3A_396, %dma_wait3A_397] : memref<10000x128xf32, #tpu.memory_space<hbm>> -> memref<10000x128xf32, #tpu.memory_space<hbm>>
      tpu.wait_indirect_dma semaphore(%arg12 : memref<!tpu.dma_semaphore, #tpu.memory_space<semaphore_mem>>) src(%dma_wait3A_398 : memref<10000x128xf32, #tpu.memory_space<hbm>>) dst(%arg9 : memref<128x128xf32, #tpu.memory_space<vmem>>)
      %run_scoped3A_399 = arith.constant 10 : i32
      "tpu.region"() ({
        %run_scoped3A_474 = tpu.sem_alloc : memref<!tpu.dma_semaphore, #tpu.memory_space<semaphore_mem>>
        %dma_start3A_475 = arith.constant 0 : i32
        %dma_start3A_476 = tpu.memref_slice %arg8[%run_scoped3A_399, %dma_start3A_475] : memref<16x128xi32, #tpu.memory_space<vmem>> -> memref<1x128xi32, #tpu.memory_space<vmem>>
        %dma_start3A_477 = tpu.memref_squeeze %dma_start3A_476 : memref<1x128xi32, #tpu.memory_space<vmem>> -> memref<128xi32, #tpu.memory_space<vmem>>
        %dma_start3A_478 = arith.constant 0 : i32
        %dma_start3A_479 = arith.constant 0 : i32
        %dma_start3A_480 = tpu.memref_slice %arg11[%dma_start3A_478, %dma_start3A_479] : memref<10240x128xf32, #tpu.memory_space<vmem_shared>> -> memref<10240x128xf32, #tpu.memory_space<vmem_shared>>
        tpu.enqueue_indirect_dma source(%arg9 : memref<128x128xf32, #tpu.memory_space<vmem>>) target(%dma_start3A_480 : memref<10240x128xf32, #tpu.memory_space<vmem_shared>>) offsets(%dma_start3A_477 : memref<128xi32, #tpu.memory_space<vmem>>) semaphore(%run_scoped3A_474 : memref<!tpu.dma_semaphore, #tpu.memory_space<semaphore_mem>>) {add = true}
        %dma_wait3A_481 = arith.constant 0 : i32
        %dma_wait3A_482 = tpu.memref_slice %arg8[%run_scoped3A_399, %dma_wait3A_481] : memref<16x128xi32, #tpu.memory_space<vmem>> -> memref<1x128xi32, #tpu.memory_space<vmem>>
        %dma_wait3A_483 = tpu.memref_squeeze %dma_wait3A_482 : memref<1x128xi32, #tpu.memory_space<vmem>> -> memref<128xi32, #tpu.memory_space<vmem>>
        %dma_wait3A_484 = arith.constant 0 : i32
        %dma_wait3A_485 = arith.constant 0 : i32
        %dma_wait3A_486 = tpu.memref_slice %arg11[%dma_wait3A_484, %dma_wait3A_485] : memref<10240x128xf32, #tpu.memory_space<vmem_shared>> -> memref<10240x128xf32, #tpu.memory_space<vmem_shared>>
        tpu.wait_indirect_dma semaphore(%run_scoped3A_474 : memref<!tpu.dma_semaphore, #tpu.memory_space<semaphore_mem>>) src(%arg9 : memref<128x128xf32, #tpu.memory_space<vmem>>) dst(%dma_wait3A_486 : memref<10240x128xf32, #tpu.memory_space<vmem_shared>>)
        tpu.yield
      }) : () -> ()
      %run_scoped3A_400 = arith.constant 10 : i32
      "tpu.region"() ({
        %run_scoped3A_474 = tpu.sem_alloc : memref<!tpu.dma_semaphore, #tpu.memory_space<semaphore_mem>>
        %dma_start3A_475 = arith.constant 0 : i32
        %dma_start3A_476 = tpu.memref_slice %arg8[%run_scoped3A_400, %dma_start3A_475] : memref<16x128xi32, #tpu.memory_space<vmem>> -> memref<1x128xi32, #tpu.memory_space<vmem>>
        %dma_start3A_477 = tpu.memref_squeeze %dma_start3A_476 : memref<1x128xi32, #tpu.memory_space<vmem>> -> memref<128xi32, #tpu.memory_space<vmem>>
        %dma_start3A_478 = arith.constant 0 : i32
        %dma_start3A_479 = tpu.memref_slice %arg16[%dma_start3A_478] : memref<10240xf32, #tpu.memory_space<vmem_shared>> -> memref<10240xf32, #tpu.memory_space<vmem_shared>>
        tpu.enqueue_indirect_dma source(%arg14 : memref<128xf32, #tpu.memory_space<vmem>>) target(%dma_start3A_479 : memref<10240xf32, #tpu.memory_space<vmem_shared>>) offsets(%dma_start3A_477 : memref<128xi32, #tpu.memory_space<vmem>>) semaphore(%run_scoped3A_474 : memref<!tpu.dma_semaphore, #tpu.memory_space<semaphore_mem>>) {add = true}
        %dma_wait3A_480 = arith.constant 0 : i32
        %dma_wait3A_481 = tpu.memref_slice %arg8[%run_scoped3A_400, %dma_wait3A_480] : memref<16x128xi32, #tpu.memory_space<vmem>> -> memref<1x128xi32, #tpu.memory_space<vmem>>
        %dma_wait3A_482 = tpu.memref_squeeze %dma_wait3A_481 : memref<1x128xi32, #tpu.memory_space<vmem>> -> memref<128xi32, #tpu.memory_space<vmem>>
        %dma_wait3A_483 = arith.constant 0 : i32
        %dma_wait3A_484 = tpu.memref_slice %arg16[%dma_wait3A_483] : memref<10240xf32, #tpu.memory_space<vmem_shared>> -> memref<10240xf32, #tpu.memory_space<vmem_shared>>
        tpu.wait_indirect_dma semaphore(%run_scoped3A_474 : memref<!tpu.dma_semaphore, #tpu.memory_space<semaphore_mem>>) src(%arg14 : memref<128xf32, #tpu.memory_space<vmem>>) dst(%dma_wait3A_484 : memref<10240xf32, #tpu.memory_space<vmem_shared>>)
        tpu.yield
      }) : () -> ()
      %dma_start3A_401 = arith.constant 12 : i32
      %dma_start3A_402 = arith.constant 0 : i32
      %dma_start3A_403 = tpu.memref_slice %arg7[%dma_start3A_401, %dma_start3A_402] : memref<16x128xi32, #tpu.memory_space<vmem>> -> memref<1x128xi32, #tpu.memory_space<vmem>>
      %dma_start3A_404 = tpu.memref_squeeze %dma_start3A_403 : memref<1x128xi32, #tpu.memory_space<vmem>> -> memref<128xi32, #tpu.memory_space<vmem>>
      %dma_start3A_405 = arith.constant 0 : i32
      %dma_start3A_406 = arith.constant 0 : i32
      %dma_start3A_407 = tpu.memref_slice %arg2[%dma_start3A_405, %dma_start3A_406] : memref<10000x128xf32, #tpu.memory_space<hbm>> -> memref<10000x128xf32, #tpu.memory_space<hbm>>
      tpu.enqueue_indirect_dma source(%dma_start3A_407 : memref<10000x128xf32, #tpu.memory_space<hbm>>) target(%arg9 : memref<128x128xf32, #tpu.memory_space<vmem>>) offsets(%dma_start3A_404 : memref<128xi32, #tpu.memory_space<vmem>>) semaphore(%arg12 : memref<!tpu.dma_semaphore, #tpu.memory_space<semaphore_mem>>)
      %dma_wait3A_408 = arith.constant 11 : i32
      %dma_wait3A_409 = arith.constant 0 : i32
      %dma_wait3A_410 = tpu.memref_slice %arg7[%dma_wait3A_408, %dma_wait3A_409] : memref<16x128xi32, #tpu.memory_space<vmem>> -> memref<1x128xi32, #tpu.memory_space<vmem>>
      %dma_wait3A_411 = tpu.memref_squeeze %dma_wait3A_410 : memref<1x128xi32, #tpu.memory_space<vmem>> -> memref<128xi32, #tpu.memory_space<vmem>>
      %dma_wait3A_412 = arith.constant 0 : i32
      %dma_wait3A_413 = arith.constant 0 : i32
      %dma_wait3A_414 = tpu.memref_slice %arg2[%dma_wait3A_412, %dma_wait3A_413] : memref<10000x128xf32, #tpu.memory_space<hbm>> -> memref<10000x128xf32, #tpu.memory_space<hbm>>
      tpu.wait_indirect_dma semaphore(%arg13 : memref<!tpu.dma_semaphore, #tpu.memory_space<semaphore_mem>>) src(%dma_wait3A_414 : memref<10000x128xf32, #tpu.memory_space<hbm>>) dst(%arg10 : memref<128x128xf32, #tpu.memory_space<vmem>>)
      %run_scoped3A_415 = arith.constant 11 : i32
      "tpu.region"() ({
        %run_scoped3A_474 = tpu.sem_alloc : memref<!tpu.dma_semaphore, #tpu.memory_space<semaphore_mem>>
        %dma_start3A_475 = arith.constant 0 : i32
        %dma_start3A_476 = tpu.memref_slice %arg8[%run_scoped3A_415, %dma_start3A_475] : memref<16x128xi32, #tpu.memory_space<vmem>> -> memref<1x128xi32, #tpu.memory_space<vmem>>
        %dma_start3A_477 = tpu.memref_squeeze %dma_start3A_476 : memref<1x128xi32, #tpu.memory_space<vmem>> -> memref<128xi32, #tpu.memory_space<vmem>>
        %dma_start3A_478 = arith.constant 0 : i32
        %dma_start3A_479 = arith.constant 0 : i32
        %dma_start3A_480 = tpu.memref_slice %arg11[%dma_start3A_478, %dma_start3A_479] : memref<10240x128xf32, #tpu.memory_space<vmem_shared>> -> memref<10240x128xf32, #tpu.memory_space<vmem_shared>>
        tpu.enqueue_indirect_dma source(%arg10 : memref<128x128xf32, #tpu.memory_space<vmem>>) target(%dma_start3A_480 : memref<10240x128xf32, #tpu.memory_space<vmem_shared>>) offsets(%dma_start3A_477 : memref<128xi32, #tpu.memory_space<vmem>>) semaphore(%run_scoped3A_474 : memref<!tpu.dma_semaphore, #tpu.memory_space<semaphore_mem>>) {add = true}
        %dma_wait3A_481 = arith.constant 0 : i32
        %dma_wait3A_482 = tpu.memref_slice %arg8[%run_scoped3A_415, %dma_wait3A_481] : memref<16x128xi32, #tpu.memory_space<vmem>> -> memref<1x128xi32, #tpu.memory_space<vmem>>
        %dma_wait3A_483 = tpu.memref_squeeze %dma_wait3A_482 : memref<1x128xi32, #tpu.memory_space<vmem>> -> memref<128xi32, #tpu.memory_space<vmem>>
        %dma_wait3A_484 = arith.constant 0 : i32
        %dma_wait3A_485 = arith.constant 0 : i32
        %dma_wait3A_486 = tpu.memref_slice %arg11[%dma_wait3A_484, %dma_wait3A_485] : memref<10240x128xf32, #tpu.memory_space<vmem_shared>> -> memref<10240x128xf32, #tpu.memory_space<vmem_shared>>
        tpu.wait_indirect_dma semaphore(%run_scoped3A_474 : memref<!tpu.dma_semaphore, #tpu.memory_space<semaphore_mem>>) src(%arg10 : memref<128x128xf32, #tpu.memory_space<vmem>>) dst(%dma_wait3A_486 : memref<10240x128xf32, #tpu.memory_space<vmem_shared>>)
        tpu.yield
      }) : () -> ()
      %run_scoped3A_416 = arith.constant 11 : i32
      "tpu.region"() ({
        %run_scoped3A_474 = tpu.sem_alloc : memref<!tpu.dma_semaphore, #tpu.memory_space<semaphore_mem>>
        %dma_start3A_475 = arith.constant 0 : i32
        %dma_start3A_476 = tpu.memref_slice %arg8[%run_scoped3A_416, %dma_start3A_475] : memref<16x128xi32, #tpu.memory_space<vmem>> -> memref<1x128xi32, #tpu.memory_space<vmem>>
        %dma_start3A_477 = tpu.memref_squeeze %dma_start3A_476 : memref<1x128xi32, #tpu.memory_space<vmem>> -> memref<128xi32, #tpu.memory_space<vmem>>
        %dma_start3A_478 = arith.constant 0 : i32
        %dma_start3A_479 = tpu.memref_slice %arg16[%dma_start3A_478] : memref<10240xf32, #tpu.memory_space<vmem_shared>> -> memref<10240xf32, #tpu.memory_space<vmem_shared>>
        tpu.enqueue_indirect_dma source(%arg14 : memref<128xf32, #tpu.memory_space<vmem>>) target(%dma_start3A_479 : memref<10240xf32, #tpu.memory_space<vmem_shared>>) offsets(%dma_start3A_477 : memref<128xi32, #tpu.memory_space<vmem>>) semaphore(%run_scoped3A_474 : memref<!tpu.dma_semaphore, #tpu.memory_space<semaphore_mem>>) {add = true}
        %dma_wait3A_480 = arith.constant 0 : i32
        %dma_wait3A_481 = tpu.memref_slice %arg8[%run_scoped3A_416, %dma_wait3A_480] : memref<16x128xi32, #tpu.memory_space<vmem>> -> memref<1x128xi32, #tpu.memory_space<vmem>>
        %dma_wait3A_482 = tpu.memref_squeeze %dma_wait3A_481 : memref<1x128xi32, #tpu.memory_space<vmem>> -> memref<128xi32, #tpu.memory_space<vmem>>
        %dma_wait3A_483 = arith.constant 0 : i32
        %dma_wait3A_484 = tpu.memref_slice %arg16[%dma_wait3A_483] : memref<10240xf32, #tpu.memory_space<vmem_shared>> -> memref<10240xf32, #tpu.memory_space<vmem_shared>>
        tpu.wait_indirect_dma semaphore(%run_scoped3A_474 : memref<!tpu.dma_semaphore, #tpu.memory_space<semaphore_mem>>) src(%arg14 : memref<128xf32, #tpu.memory_space<vmem>>) dst(%dma_wait3A_484 : memref<10240xf32, #tpu.memory_space<vmem_shared>>)
        tpu.yield
      }) : () -> ()
      %dma_start3A_417 = arith.constant 13 : i32
      %dma_start3A_418 = arith.constant 0 : i32
      %dma_start3A_419 = tpu.memref_slice %arg7[%dma_start3A_417, %dma_start3A_418] : memref<16x128xi32, #tpu.memory_space<vmem>> -> memref<1x128xi32, #tpu.memory_space<vmem>>
      %dma_start3A_420 = tpu.memref_squeeze %dma_start3A_419 : memref<1x128xi32, #tpu.memory_space<vmem>> -> memref<128xi32, #tpu.memory_space<vmem>>
      %dma_start3A_421 = arith.constant 0 : i32
      %dma_start3A_422 = arith.constant 0 : i32
      %dma_start3A_423 = tpu.memref_slice %arg2[%dma_start3A_421, %dma_start3A_422] : memref<10000x128xf32, #tpu.memory_space<hbm>> -> memref<10000x128xf32, #tpu.memory_space<hbm>>
      tpu.enqueue_indirect_dma source(%dma_start3A_423 : memref<10000x128xf32, #tpu.memory_space<hbm>>) target(%arg10 : memref<128x128xf32, #tpu.memory_space<vmem>>) offsets(%dma_start3A_420 : memref<128xi32, #tpu.memory_space<vmem>>) semaphore(%arg13 : memref<!tpu.dma_semaphore, #tpu.memory_space<semaphore_mem>>)
      %dma_wait3A_424 = arith.constant 12 : i32
      %dma_wait3A_425 = arith.constant 0 : i32
      %dma_wait3A_426 = tpu.memref_slice %arg7[%dma_wait3A_424, %dma_wait3A_425] : memref<16x128xi32, #tpu.memory_space<vmem>> -> memref<1x128xi32, #tpu.memory_space<vmem>>
      %dma_wait3A_427 = tpu.memref_squeeze %dma_wait3A_426 : memref<1x128xi32, #tpu.memory_space<vmem>> -> memref<128xi32, #tpu.memory_space<vmem>>
      %dma_wait3A_428 = arith.constant 0 : i32
      %dma_wait3A_429 = arith.constant 0 : i32
      %dma_wait3A_430 = tpu.memref_slice %arg2[%dma_wait3A_428, %dma_wait3A_429] : memref<10000x128xf32, #tpu.memory_space<hbm>> -> memref<10000x128xf32, #tpu.memory_space<hbm>>
      tpu.wait_indirect_dma semaphore(%arg12 : memref<!tpu.dma_semaphore, #tpu.memory_space<semaphore_mem>>) src(%dma_wait3A_430 : memref<10000x128xf32, #tpu.memory_space<hbm>>) dst(%arg9 : memref<128x128xf32, #tpu.memory_space<vmem>>)
      %run_scoped3A_431 = arith.constant 12 : i32
      "tpu.region"() ({
        %run_scoped3A_474 = tpu.sem_alloc : memref<!tpu.dma_semaphore, #tpu.memory_space<semaphore_mem>>
        %dma_start3A_475 = arith.constant 0 : i32
        %dma_start3A_476 = tpu.memref_slice %arg8[%run_scoped3A_431, %dma_start3A_475] : memref<16x128xi32, #tpu.memory_space<vmem>> -> memref<1x128xi32, #tpu.memory_space<vmem>>
        %dma_start3A_477 = tpu.memref_squeeze %dma_start3A_476 : memref<1x128xi32, #tpu.memory_space<vmem>> -> memref<128xi32, #tpu.memory_space<vmem>>
        %dma_start3A_478 = arith.constant 0 : i32
        %dma_start3A_479 = arith.constant 0 : i32
        %dma_start3A_480 = tpu.memref_slice %arg11[%dma_start3A_478, %dma_start3A_479] : memref<10240x128xf32, #tpu.memory_space<vmem_shared>> -> memref<10240x128xf32, #tpu.memory_space<vmem_shared>>
        tpu.enqueue_indirect_dma source(%arg9 : memref<128x128xf32, #tpu.memory_space<vmem>>) target(%dma_start3A_480 : memref<10240x128xf32, #tpu.memory_space<vmem_shared>>) offsets(%dma_start3A_477 : memref<128xi32, #tpu.memory_space<vmem>>) semaphore(%run_scoped3A_474 : memref<!tpu.dma_semaphore, #tpu.memory_space<semaphore_mem>>) {add = true}
        %dma_wait3A_481 = arith.constant 0 : i32
        %dma_wait3A_482 = tpu.memref_slice %arg8[%run_scoped3A_431, %dma_wait3A_481] : memref<16x128xi32, #tpu.memory_space<vmem>> -> memref<1x128xi32, #tpu.memory_space<vmem>>
        %dma_wait3A_483 = tpu.memref_squeeze %dma_wait3A_482 : memref<1x128xi32, #tpu.memory_space<vmem>> -> memref<128xi32, #tpu.memory_space<vmem>>
        %dma_wait3A_484 = arith.constant 0 : i32
        %dma_wait3A_485 = arith.constant 0 : i32
        %dma_wait3A_486 = tpu.memref_slice %arg11[%dma_wait3A_484, %dma_wait3A_485] : memref<10240x128xf32, #tpu.memory_space<vmem_shared>> -> memref<10240x128xf32, #tpu.memory_space<vmem_shared>>
        tpu.wait_indirect_dma semaphore(%run_scoped3A_474 : memref<!tpu.dma_semaphore, #tpu.memory_space<semaphore_mem>>) src(%arg9 : memref<128x128xf32, #tpu.memory_space<vmem>>) dst(%dma_wait3A_486 : memref<10240x128xf32, #tpu.memory_space<vmem_shared>>)
        tpu.yield
      }) : () -> ()
      %run_scoped3A_432 = arith.constant 12 : i32
      "tpu.region"() ({
        %run_scoped3A_474 = tpu.sem_alloc : memref<!tpu.dma_semaphore, #tpu.memory_space<semaphore_mem>>
        %dma_start3A_475 = arith.constant 0 : i32
        %dma_start3A_476 = tpu.memref_slice %arg8[%run_scoped3A_432, %dma_start3A_475] : memref<16x128xi32, #tpu.memory_space<vmem>> -> memref<1x128xi32, #tpu.memory_space<vmem>>
        %dma_start3A_477 = tpu.memref_squeeze %dma_start3A_476 : memref<1x128xi32, #tpu.memory_space<vmem>> -> memref<128xi32, #tpu.memory_space<vmem>>
        %dma_start3A_478 = arith.constant 0 : i32
        %dma_start3A_479 = tpu.memref_slice %arg16[%dma_start3A_478] : memref<10240xf32, #tpu.memory_space<vmem_shared>> -> memref<10240xf32, #tpu.memory_space<vmem_shared>>
        tpu.enqueue_indirect_dma source(%arg14 : memref<128xf32, #tpu.memory_space<vmem>>) target(%dma_start3A_479 : memref<10240xf32, #tpu.memory_space<vmem_shared>>) offsets(%dma_start3A_477 : memref<128xi32, #tpu.memory_space<vmem>>) semaphore(%run_scoped3A_474 : memref<!tpu.dma_semaphore, #tpu.memory_space<semaphore_mem>>) {add = true}
        %dma_wait3A_480 = arith.constant 0 : i32
        %dma_wait3A_481 = tpu.memref_slice %arg8[%run_scoped3A_432, %dma_wait3A_480] : memref<16x128xi32, #tpu.memory_space<vmem>> -> memref<1x128xi32, #tpu.memory_space<vmem>>
        %dma_wait3A_482 = tpu.memref_squeeze %dma_wait3A_481 : memref<1x128xi32, #tpu.memory_space<vmem>> -> memref<128xi32, #tpu.memory_space<vmem>>
        %dma_wait3A_483 = arith.constant 0 : i32
        %dma_wait3A_484 = tpu.memref_slice %arg16[%dma_wait3A_483] : memref<10240xf32, #tpu.memory_space<vmem_shared>> -> memref<10240xf32, #tpu.memory_space<vmem_shared>>
        tpu.wait_indirect_dma semaphore(%run_scoped3A_474 : memref<!tpu.dma_semaphore, #tpu.memory_space<semaphore_mem>>) src(%arg14 : memref<128xf32, #tpu.memory_space<vmem>>) dst(%dma_wait3A_484 : memref<10240xf32, #tpu.memory_space<vmem_shared>>)
        tpu.yield
      }) : () -> ()
      %dma_start3A_433 = arith.constant 14 : i32
      %dma_start3A_434 = arith.constant 0 : i32
      %dma_start3A_435 = tpu.memref_slice %arg7[%dma_start3A_433, %dma_start3A_434] : memref<16x128xi32, #tpu.memory_space<vmem>> -> memref<1x128xi32, #tpu.memory_space<vmem>>
      %dma_start3A_436 = tpu.memref_squeeze %dma_start3A_435 : memref<1x128xi32, #tpu.memory_space<vmem>> -> memref<128xi32, #tpu.memory_space<vmem>>
      %dma_start3A_437 = arith.constant 0 : i32
      %dma_start3A_438 = arith.constant 0 : i32
      %dma_start3A_439 = tpu.memref_slice %arg2[%dma_start3A_437, %dma_start3A_438] : memref<10000x128xf32, #tpu.memory_space<hbm>> -> memref<10000x128xf32, #tpu.memory_space<hbm>>
      tpu.enqueue_indirect_dma source(%dma_start3A_439 : memref<10000x128xf32, #tpu.memory_space<hbm>>) target(%arg9 : memref<128x128xf32, #tpu.memory_space<vmem>>) offsets(%dma_start3A_436 : memref<128xi32, #tpu.memory_space<vmem>>) semaphore(%arg12 : memref<!tpu.dma_semaphore, #tpu.memory_space<semaphore_mem>>)
      %dma_wait3A_440 = arith.constant 13 : i32
      %dma_wait3A_441 = arith.constant 0 : i32
      %dma_wait3A_442 = tpu.memref_slice %arg7[%dma_wait3A_440, %dma_wait3A_441] : memref<16x128xi32, #tpu.memory_space<vmem>> -> memref<1x128xi32, #tpu.memory_space<vmem>>
      %dma_wait3A_443 = tpu.memref_squeeze %dma_wait3A_442 : memref<1x128xi32, #tpu.memory_space<vmem>> -> memref<128xi32, #tpu.memory_space<vmem>>
      %dma_wait3A_444 = arith.constant 0 : i32
      %dma_wait3A_445 = arith.constant 0 : i32
      %dma_wait3A_446 = tpu.memref_slice %arg2[%dma_wait3A_444, %dma_wait3A_445] : memref<10000x128xf32, #tpu.memory_space<hbm>> -> memref<10000x128xf32, #tpu.memory_space<hbm>>
      tpu.wait_indirect_dma semaphore(%arg13 : memref<!tpu.dma_semaphore, #tpu.memory_space<semaphore_mem>>) src(%dma_wait3A_446 : memref<10000x128xf32, #tpu.memory_space<hbm>>) dst(%arg10 : memref<128x128xf32, #tpu.memory_space<vmem>>)
      %run_scoped3A_447 = arith.constant 13 : i32
      "tpu.region"() ({
        %run_scoped3A_474 = tpu.sem_alloc : memref<!tpu.dma_semaphore, #tpu.memory_space<semaphore_mem>>
        %dma_start3A_475 = arith.constant 0 : i32
        %dma_start3A_476 = tpu.memref_slice %arg8[%run_scoped3A_447, %dma_start3A_475] : memref<16x128xi32, #tpu.memory_space<vmem>> -> memref<1x128xi32, #tpu.memory_space<vmem>>
        %dma_start3A_477 = tpu.memref_squeeze %dma_start3A_476 : memref<1x128xi32, #tpu.memory_space<vmem>> -> memref<128xi32, #tpu.memory_space<vmem>>
        %dma_start3A_478 = arith.constant 0 : i32
        %dma_start3A_479 = arith.constant 0 : i32
        %dma_start3A_480 = tpu.memref_slice %arg11[%dma_start3A_478, %dma_start3A_479] : memref<10240x128xf32, #tpu.memory_space<vmem_shared>> -> memref<10240x128xf32, #tpu.memory_space<vmem_shared>>
        tpu.enqueue_indirect_dma source(%arg10 : memref<128x128xf32, #tpu.memory_space<vmem>>) target(%dma_start3A_480 : memref<10240x128xf32, #tpu.memory_space<vmem_shared>>) offsets(%dma_start3A_477 : memref<128xi32, #tpu.memory_space<vmem>>) semaphore(%run_scoped3A_474 : memref<!tpu.dma_semaphore, #tpu.memory_space<semaphore_mem>>) {add = true}
        %dma_wait3A_481 = arith.constant 0 : i32
        %dma_wait3A_482 = tpu.memref_slice %arg8[%run_scoped3A_447, %dma_wait3A_481] : memref<16x128xi32, #tpu.memory_space<vmem>> -> memref<1x128xi32, #tpu.memory_space<vmem>>
        %dma_wait3A_483 = tpu.memref_squeeze %dma_wait3A_482 : memref<1x128xi32, #tpu.memory_space<vmem>> -> memref<128xi32, #tpu.memory_space<vmem>>
        %dma_wait3A_484 = arith.constant 0 : i32
        %dma_wait3A_485 = arith.constant 0 : i32
        %dma_wait3A_486 = tpu.memref_slice %arg11[%dma_wait3A_484, %dma_wait3A_485] : memref<10240x128xf32, #tpu.memory_space<vmem_shared>> -> memref<10240x128xf32, #tpu.memory_space<vmem_shared>>
        tpu.wait_indirect_dma semaphore(%run_scoped3A_474 : memref<!tpu.dma_semaphore, #tpu.memory_space<semaphore_mem>>) src(%arg10 : memref<128x128xf32, #tpu.memory_space<vmem>>) dst(%dma_wait3A_486 : memref<10240x128xf32, #tpu.memory_space<vmem_shared>>)
        tpu.yield
      }) : () -> ()
      %run_scoped3A_448 = arith.constant 13 : i32
      "tpu.region"() ({
        %run_scoped3A_474 = tpu.sem_alloc : memref<!tpu.dma_semaphore, #tpu.memory_space<semaphore_mem>>
        %dma_start3A_475 = arith.constant 0 : i32
        %dma_start3A_476 = tpu.memref_slice %arg8[%run_scoped3A_448, %dma_start3A_475] : memref<16x128xi32, #tpu.memory_space<vmem>> -> memref<1x128xi32, #tpu.memory_space<vmem>>
        %dma_start3A_477 = tpu.memref_squeeze %dma_start3A_476 : memref<1x128xi32, #tpu.memory_space<vmem>> -> memref<128xi32, #tpu.memory_space<vmem>>
        %dma_start3A_478 = arith.constant 0 : i32
        %dma_start3A_479 = tpu.memref_slice %arg16[%dma_start3A_478] : memref<10240xf32, #tpu.memory_space<vmem_shared>> -> memref<10240xf32, #tpu.memory_space<vmem_shared>>
        tpu.enqueue_indirect_dma source(%arg14 : memref<128xf32, #tpu.memory_space<vmem>>) target(%dma_start3A_479 : memref<10240xf32, #tpu.memory_space<vmem_shared>>) offsets(%dma_start3A_477 : memref<128xi32, #tpu.memory_space<vmem>>) semaphore(%run_scoped3A_474 : memref<!tpu.dma_semaphore, #tpu.memory_space<semaphore_mem>>) {add = true}
        %dma_wait3A_480 = arith.constant 0 : i32
        %dma_wait3A_481 = tpu.memref_slice %arg8[%run_scoped3A_448, %dma_wait3A_480] : memref<16x128xi32, #tpu.memory_space<vmem>> -> memref<1x128xi32, #tpu.memory_space<vmem>>
        %dma_wait3A_482 = tpu.memref_squeeze %dma_wait3A_481 : memref<1x128xi32, #tpu.memory_space<vmem>> -> memref<128xi32, #tpu.memory_space<vmem>>
        %dma_wait3A_483 = arith.constant 0 : i32
        %dma_wait3A_484 = tpu.memref_slice %arg16[%dma_wait3A_483] : memref<10240xf32, #tpu.memory_space<vmem_shared>> -> memref<10240xf32, #tpu.memory_space<vmem_shared>>
        tpu.wait_indirect_dma semaphore(%run_scoped3A_474 : memref<!tpu.dma_semaphore, #tpu.memory_space<semaphore_mem>>) src(%arg14 : memref<128xf32, #tpu.memory_space<vmem>>) dst(%dma_wait3A_484 : memref<10240xf32, #tpu.memory_space<vmem_shared>>)
        tpu.yield
      }) : () -> ()
      %dma_start3A_449 = arith.constant 15 : i32
      %dma_start3A_450 = arith.constant 0 : i32
      %dma_start3A_451 = tpu.memref_slice %arg7[%dma_start3A_449, %dma_start3A_450] : memref<16x128xi32, #tpu.memory_space<vmem>> -> memref<1x128xi32, #tpu.memory_space<vmem>>
      %dma_start3A_452 = tpu.memref_squeeze %dma_start3A_451 : memref<1x128xi32, #tpu.memory_space<vmem>> -> memref<128xi32, #tpu.memory_space<vmem>>
      %dma_start3A_453 = arith.constant 0 : i32
      %dma_start3A_454 = arith.constant 0 : i32
      %dma_start3A_455 = tpu.memref_slice %arg2[%dma_start3A_453, %dma_start3A_454] : memref<10000x128xf32, #tpu.memory_space<hbm>> -> memref<10000x128xf32, #tpu.memory_space<hbm>>
      tpu.enqueue_indirect_dma source(%dma_start3A_455 : memref<10000x128xf32, #tpu.memory_space<hbm>>) target(%arg10 : memref<128x128xf32, #tpu.memory_space<vmem>>) offsets(%dma_start3A_452 : memref<128xi32, #tpu.memory_space<vmem>>) semaphore(%arg13 : memref<!tpu.dma_semaphore, #tpu.memory_space<semaphore_mem>>)
      %dma_wait3A_456 = arith.constant 14 : i32
      %dma_wait3A_457 = arith.constant 0 : i32
      %dma_wait3A_458 = tpu.memref_slice %arg7[%dma_wait3A_456, %dma_wait3A_457] : memref<16x128xi32, #tpu.memory_space<vmem>> -> memref<1x128xi32, #tpu.memory_space<vmem>>
      %dma_wait3A_459 = tpu.memref_squeeze %dma_wait3A_458 : memref<1x128xi32, #tpu.memory_space<vmem>> -> memref<128xi32, #tpu.memory_space<vmem>>
      %dma_wait3A_460 = arith.constant 0 : i32
      %dma_wait3A_461 = arith.constant 0 : i32
      %dma_wait3A_462 = tpu.memref_slice %arg2[%dma_wait3A_460, %dma_wait3A_461] : memref<10000x128xf32, #tpu.memory_space<hbm>> -> memref<10000x128xf32, #tpu.memory_space<hbm>>
      tpu.wait_indirect_dma semaphore(%arg12 : memref<!tpu.dma_semaphore, #tpu.memory_space<semaphore_mem>>) src(%dma_wait3A_462 : memref<10000x128xf32, #tpu.memory_space<hbm>>) dst(%arg9 : memref<128x128xf32, #tpu.memory_space<vmem>>)
      %run_scoped3A_463 = arith.constant 14 : i32
      "tpu.region"() ({
        %run_scoped3A_474 = tpu.sem_alloc : memref<!tpu.dma_semaphore, #tpu.memory_space<semaphore_mem>>
        %dma_start3A_475 = arith.constant 0 : i32
        %dma_start3A_476 = tpu.memref_slice %arg8[%run_scoped3A_463, %dma_start3A_475] : memref<16x128xi32, #tpu.memory_space<vmem>> -> memref<1x128xi32, #tpu.memory_space<vmem>>
        %dma_start3A_477 = tpu.memref_squeeze %dma_start3A_476 : memref<1x128xi32, #tpu.memory_space<vmem>> -> memref<128xi32, #tpu.memory_space<vmem>>
        %dma_start3A_478 = arith.constant 0 : i32
        %dma_start3A_479 = arith.constant 0 : i32
        %dma_start3A_480 = tpu.memref_slice %arg11[%dma_start3A_478, %dma_start3A_479] : memref<10240x128xf32, #tpu.memory_space<vmem_shared>> -> memref<10240x128xf32, #tpu.memory_space<vmem_shared>>
        tpu.enqueue_indirect_dma source(%arg9 : memref<128x128xf32, #tpu.memory_space<vmem>>) target(%dma_start3A_480 : memref<10240x128xf32, #tpu.memory_space<vmem_shared>>) offsets(%dma_start3A_477 : memref<128xi32, #tpu.memory_space<vmem>>) semaphore(%run_scoped3A_474 : memref<!tpu.dma_semaphore, #tpu.memory_space<semaphore_mem>>) {add = true}
        %dma_wait3A_481 = arith.constant 0 : i32
        %dma_wait3A_482 = tpu.memref_slice %arg8[%run_scoped3A_463, %dma_wait3A_481] : memref<16x128xi32, #tpu.memory_space<vmem>> -> memref<1x128xi32, #tpu.memory_space<vmem>>
        %dma_wait3A_483 = tpu.memref_squeeze %dma_wait3A_482 : memref<1x128xi32, #tpu.memory_space<vmem>> -> memref<128xi32, #tpu.memory_space<vmem>>
        %dma_wait3A_484 = arith.constant 0 : i32
        %dma_wait3A_485 = arith.constant 0 : i32
        %dma_wait3A_486 = tpu.memref_slice %arg11[%dma_wait3A_484, %dma_wait3A_485] : memref<10240x128xf32, #tpu.memory_space<vmem_shared>> -> memref<10240x128xf32, #tpu.memory_space<vmem_shared>>
        tpu.wait_indirect_dma semaphore(%run_scoped3A_474 : memref<!tpu.dma_semaphore, #tpu.memory_space<semaphore_mem>>) src(%arg9 : memref<128x128xf32, #tpu.memory_space<vmem>>) dst(%dma_wait3A_486 : memref<10240x128xf32, #tpu.memory_space<vmem_shared>>)
        tpu.yield
      }) : () -> ()
      %run_scoped3A_464 = arith.constant 14 : i32
      "tpu.region"() ({
        %run_scoped3A_474 = tpu.sem_alloc : memref<!tpu.dma_semaphore, #tpu.memory_space<semaphore_mem>>
        %dma_start3A_475 = arith.constant 0 : i32
        %dma_start3A_476 = tpu.memref_slice %arg8[%run_scoped3A_464, %dma_start3A_475] : memref<16x128xi32, #tpu.memory_space<vmem>> -> memref<1x128xi32, #tpu.memory_space<vmem>>
        %dma_start3A_477 = tpu.memref_squeeze %dma_start3A_476 : memref<1x128xi32, #tpu.memory_space<vmem>> -> memref<128xi32, #tpu.memory_space<vmem>>
        %dma_start3A_478 = arith.constant 0 : i32
        %dma_start3A_479 = tpu.memref_slice %arg16[%dma_start3A_478] : memref<10240xf32, #tpu.memory_space<vmem_shared>> -> memref<10240xf32, #tpu.memory_space<vmem_shared>>
        tpu.enqueue_indirect_dma source(%arg14 : memref<128xf32, #tpu.memory_space<vmem>>) target(%dma_start3A_479 : memref<10240xf32, #tpu.memory_space<vmem_shared>>) offsets(%dma_start3A_477 : memref<128xi32, #tpu.memory_space<vmem>>) semaphore(%run_scoped3A_474 : memref<!tpu.dma_semaphore, #tpu.memory_space<semaphore_mem>>) {add = true}
        %dma_wait3A_480 = arith.constant 0 : i32
        %dma_wait3A_481 = tpu.memref_slice %arg8[%run_scoped3A_464, %dma_wait3A_480] : memref<16x128xi32, #tpu.memory_space<vmem>> -> memref<1x128xi32, #tpu.memory_space<vmem>>
        %dma_wait3A_482 = tpu.memref_squeeze %dma_wait3A_481 : memref<1x128xi32, #tpu.memory_space<vmem>> -> memref<128xi32, #tpu.memory_space<vmem>>
        %dma_wait3A_483 = arith.constant 0 : i32
        %dma_wait3A_484 = tpu.memref_slice %arg16[%dma_wait3A_483] : memref<10240xf32, #tpu.memory_space<vmem_shared>> -> memref<10240xf32, #tpu.memory_space<vmem_shared>>
        tpu.wait_indirect_dma semaphore(%run_scoped3A_474 : memref<!tpu.dma_semaphore, #tpu.memory_space<semaphore_mem>>) src(%arg14 : memref<128xf32, #tpu.memory_space<vmem>>) dst(%dma_wait3A_484 : memref<10240xf32, #tpu.memory_space<vmem_shared>>)
        tpu.yield
      }) : () -> ()
      %dma_wait3A_465 = arith.constant 15 : i32
      %dma_wait3A_466 = arith.constant 0 : i32
      %dma_wait3A_467 = tpu.memref_slice %arg7[%dma_wait3A_465, %dma_wait3A_466] : memref<16x128xi32, #tpu.memory_space<vmem>> -> memref<1x128xi32, #tpu.memory_space<vmem>>
      %dma_wait3A_468 = tpu.memref_squeeze %dma_wait3A_467 : memref<1x128xi32, #tpu.memory_space<vmem>> -> memref<128xi32, #tpu.memory_space<vmem>>
      %dma_wait3A_469 = arith.constant 0 : i32
      %dma_wait3A_470 = arith.constant 0 : i32
      %dma_wait3A_471 = tpu.memref_slice %arg2[%dma_wait3A_469, %dma_wait3A_470] : memref<10000x128xf32, #tpu.memory_space<hbm>> -> memref<10000x128xf32, #tpu.memory_space<hbm>>
      tpu.wait_indirect_dma semaphore(%arg13 : memref<!tpu.dma_semaphore, #tpu.memory_space<semaphore_mem>>) src(%dma_wait3A_471 : memref<10000x128xf32, #tpu.memory_space<hbm>>) dst(%arg10 : memref<128x128xf32, #tpu.memory_space<vmem>>)
      %run_scoped3A_472 = arith.constant 15 : i32
      "tpu.region"() ({
        %run_scoped3A_474 = tpu.sem_alloc : memref<!tpu.dma_semaphore, #tpu.memory_space<semaphore_mem>>
        %dma_start3A_475 = arith.constant 0 : i32
        %dma_start3A_476 = tpu.memref_slice %arg8[%run_scoped3A_472, %dma_start3A_475] : memref<16x128xi32, #tpu.memory_space<vmem>> -> memref<1x128xi32, #tpu.memory_space<vmem>>
        %dma_start3A_477 = tpu.memref_squeeze %dma_start3A_476 : memref<1x128xi32, #tpu.memory_space<vmem>> -> memref<128xi32, #tpu.memory_space<vmem>>
        %dma_start3A_478 = arith.constant 0 : i32
        %dma_start3A_479 = arith.constant 0 : i32
        %dma_start3A_480 = tpu.memref_slice %arg11[%dma_start3A_478, %dma_start3A_479] : memref<10240x128xf32, #tpu.memory_space<vmem_shared>> -> memref<10240x128xf32, #tpu.memory_space<vmem_shared>>
        tpu.enqueue_indirect_dma source(%arg10 : memref<128x128xf32, #tpu.memory_space<vmem>>) target(%dma_start3A_480 : memref<10240x128xf32, #tpu.memory_space<vmem_shared>>) offsets(%dma_start3A_477 : memref<128xi32, #tpu.memory_space<vmem>>) semaphore(%run_scoped3A_474 : memref<!tpu.dma_semaphore, #tpu.memory_space<semaphore_mem>>) {add = true}
        %dma_wait3A_481 = arith.constant 0 : i32
        %dma_wait3A_482 = tpu.memref_slice %arg8[%run_scoped3A_472, %dma_wait3A_481] : memref<16x128xi32, #tpu.memory_space<vmem>> -> memref<1x128xi32, #tpu.memory_space<vmem>>
        %dma_wait3A_483 = tpu.memref_squeeze %dma_wait3A_482 : memref<1x128xi32, #tpu.memory_space<vmem>> -> memref<128xi32, #tpu.memory_space<vmem>>
        %dma_wait3A_484 = arith.constant 0 : i32
        %dma_wait3A_485 = arith.constant 0 : i32
        %dma_wait3A_486 = tpu.memref_slice %arg11[%dma_wait3A_484, %dma_wait3A_485] : memref<10240x128xf32, #tpu.memory_space<vmem_shared>> -> memref<10240x128xf32, #tpu.memory_space<vmem_shared>>
        tpu.wait_indirect_dma semaphore(%run_scoped3A_474 : memref<!tpu.dma_semaphore, #tpu.memory_space<semaphore_mem>>) src(%arg10 : memref<128x128xf32, #tpu.memory_space<vmem>>) dst(%dma_wait3A_486 : memref<10240x128xf32, #tpu.memory_space<vmem_shared>>)
        tpu.yield
      }) : () -> ()
      %run_scoped3A_473 = arith.constant 15 : i32
      "tpu.region"() ({
        %run_scoped3A_474 = tpu.sem_alloc : memref<!tpu.dma_semaphore, #tpu.memory_space<semaphore_mem>>
        %dma_start3A_475 = arith.constant 0 : i32
        %dma_start3A_476 = tpu.memref_slice %arg8[%run_scoped3A_473, %dma_start3A_475] : memref<16x128xi32, #tpu.memory_space<vmem>> -> memref<1x128xi32, #tpu.memory_space<vmem>>
        %dma_start3A_477 = tpu.memref_squeeze %dma_start3A_476 : memref<1x128xi32, #tpu.memory_space<vmem>> -> memref<128xi32, #tpu.memory_space<vmem>>
        %dma_start3A_478 = arith.constant 0 : i32
        %dma_start3A_479 = tpu.memref_slice %arg16[%dma_start3A_478] : memref<10240xf32, #tpu.memory_space<vmem_shared>> -> memref<10240xf32, #tpu.memory_space<vmem_shared>>
        tpu.enqueue_indirect_dma source(%arg14 : memref<128xf32, #tpu.memory_space<vmem>>) target(%dma_start3A_479 : memref<10240xf32, #tpu.memory_space<vmem_shared>>) offsets(%dma_start3A_477 : memref<128xi32, #tpu.memory_space<vmem>>) semaphore(%run_scoped3A_474 : memref<!tpu.dma_semaphore, #tpu.memory_space<semaphore_mem>>) {add = true}
        %dma_wait3A_480 = arith.constant 0 : i32
        %dma_wait3A_481 = tpu.memref_slice %arg8[%run_scoped3A_473, %dma_wait3A_480] : memref<16x128xi32, #tpu.memory_space<vmem>> -> memref<1x128xi32, #tpu.memory_space<vmem>>
        %dma_wait3A_482 = tpu.memref_squeeze %dma_wait3A_481 : memref<1x128xi32, #tpu.memory_space<vmem>> -> memref<128xi32, #tpu.memory_space<vmem>>
        %dma_wait3A_483 = arith.constant 0 : i32
        %dma_wait3A_484 = tpu.memref_slice %arg16[%dma_wait3A_483] : memref<10240xf32, #tpu.memory_space<vmem_shared>> -> memref<10240xf32, #tpu.memory_space<vmem_shared>>
        tpu.wait_indirect_dma semaphore(%run_scoped3A_474 : memref<!tpu.dma_semaphore, #tpu.memory_space<semaphore_mem>>) src(%arg14 : memref<128xf32, #tpu.memory_space<vmem>>) dst(%dma_wait3A_484 : memref<10240xf32, #tpu.memory_space<vmem_shared>>)
        tpu.yield
      }) : () -> ()
    }
    %scan3A_187 = arith.constant 5 : i32
    %barrier3A_188 = arith.constant 0 : index
    tpu.barrier barrier_id(%barrier3A_188)
    %add3A_189 = arith.constant 0 : i32
    %add3A_190 = arith.addi %mul3A_103, %add3A_189 : i32
    "tpu.region"() ({
      %run_scoped3A = tpu.sem_alloc : memref<!tpu.dma_semaphore, #tpu.memory_space<semaphore_mem>>
      %dma_start3A_199 = arith.constant 0 : i32
      %dma_start3A_200 = tpu.memref_slice %arg5[%arg0, %add3A_190, %dma_start3A_199] : memref<2x10240x128xf32, #tpu.memory_space<hbm>> -> memref<1x128x128xf32, #tpu.memory_space<hbm>>
      %dma_start3A_201 = tpu.memref_squeeze %dma_start3A_200 : memref<1x128x128xf32, #tpu.memory_space<hbm>> -> memref<128x128xf32, #tpu.memory_space<hbm>>
      %dma_start3A_202 = arith.constant 0 : i32
      %dma_start3A_203 = tpu.memref_slice %arg11[%add3A_190, %dma_start3A_202] : memref<10240x128xf32, #tpu.memory_space<vmem_shared>> -> memref<128x128xf32, #tpu.memory_space<vmem_shared>>
      tpu.enqueue_dma source(%dma_start3A_203 : memref<128x128xf32, #tpu.memory_space<vmem_shared>>) target(%dma_start3A_201 : memref<128x128xf32, #tpu.memory_space<hbm>>) target_semaphore(%run_scoped3A : memref<!tpu.dma_semaphore, #tpu.memory_space<semaphore_mem>>)
      %dma_wait3A_204 = arith.constant 0 : i32
      %dma_wait3A_205 = tpu.memref_slice %arg5[%arg0, %add3A_190, %dma_wait3A_204] : memref<2x10240x128xf32, #tpu.memory_space<hbm>> -> memref<1x128x128xf32, #tpu.memory_space<hbm>>
      %dma_wait3A_206 = tpu.memref_squeeze %dma_wait3A_205 : memref<1x128x128xf32, #tpu.memory_space<hbm>> -> memref<128x128xf32, #tpu.memory_space<hbm>>
      %dma_wait3A_207 = arith.constant 0 : i32
      %dma_wait3A_208 = tpu.memref_slice %arg11[%add3A_190, %dma_wait3A_207] : memref<10240x128xf32, #tpu.memory_space<vmem_shared>> -> memref<128x128xf32, #tpu.memory_space<vmem_shared>>
      tpu.wait_dma2 semaphore(%run_scoped3A : memref<!tpu.dma_semaphore, #tpu.memory_space<semaphore_mem>>) src(%dma_wait3A_208 : memref<128x128xf32, #tpu.memory_space<vmem_shared>>) dst(%dma_wait3A_206 : memref<128x128xf32, #tpu.memory_space<hbm>>)
      tpu.yield
    }) : () -> ()
    %add3A_191 = arith.constant 128 : i32
    %add3A_192 = arith.addi %mul3A_103, %add3A_191 : i32
    "tpu.region"() ({
      %run_scoped3A = tpu.sem_alloc : memref<!tpu.dma_semaphore, #tpu.memory_space<semaphore_mem>>
      %dma_start3A_199 = arith.constant 0 : i32
      %dma_start3A_200 = tpu.memref_slice %arg5[%arg0, %add3A_192, %dma_start3A_199] : memref<2x10240x128xf32, #tpu.memory_space<hbm>> -> memref<1x128x128xf32, #tpu.memory_space<hbm>>
      %dma_start3A_201 = tpu.memref_squeeze %dma_start3A_200 : memref<1x128x128xf32, #tpu.memory_space<hbm>> -> memref<128x128xf32, #tpu.memory_space<hbm>>
      %dma_start3A_202 = arith.constant 0 : i32
      %dma_start3A_203 = tpu.memref_slice %arg11[%add3A_192, %dma_start3A_202] : memref<10240x128xf32, #tpu.memory_space<vmem_shared>> -> memref<128x128xf32, #tpu.memory_space<vmem_shared>>
      tpu.enqueue_dma source(%dma_start3A_203 : memref<128x128xf32, #tpu.memory_space<vmem_shared>>) target(%dma_start3A_201 : memref<128x128xf32, #tpu.memory_space<hbm>>) target_semaphore(%run_scoped3A : memref<!tpu.dma_semaphore, #tpu.memory_space<semaphore_mem>>)
      %dma_wait3A_204 = arith.constant 0 : i32
      %dma_wait3A_205 = tpu.memref_slice %arg5[%arg0, %add3A_192, %dma_wait3A_204] : memref<2x10240x128xf32, #tpu.memory_space<hbm>> -> memref<1x128x128xf32, #tpu.memory_space<hbm>>
      %dma_wait3A_206 = tpu.memref_squeeze %dma_wait3A_205 : memref<1x128x128xf32, #tpu.memory_space<hbm>> -> memref<128x128xf32, #tpu.memory_space<hbm>>
      %dma_wait3A_207 = arith.constant 0 : i32
      %dma_wait3A_208 = tpu.memref_slice %arg11[%add3A_192, %dma_wait3A_207] : memref<10240x128xf32, #tpu.memory_space<vmem_shared>> -> memref<128x128xf32, #tpu.memory_space<vmem_shared>>
      tpu.wait_dma2 semaphore(%run_scoped3A : memref<!tpu.dma_semaphore, #tpu.memory_space<semaphore_mem>>) src(%dma_wait3A_208 : memref<128x128xf32, #tpu.memory_space<vmem_shared>>) dst(%dma_wait3A_206 : memref<128x128xf32, #tpu.memory_space<hbm>>)
      tpu.yield
    }) : () -> ()
    %add3A_193 = arith.constant 256 : i32
    %add3A_194 = arith.addi %mul3A_103, %add3A_193 : i32
    "tpu.region"() ({
      %run_scoped3A = tpu.sem_alloc : memref<!tpu.dma_semaphore, #tpu.memory_space<semaphore_mem>>
      %dma_start3A_199 = arith.constant 0 : i32
      %dma_start3A_200 = tpu.memref_slice %arg5[%arg0, %add3A_194, %dma_start3A_199] : memref<2x10240x128xf32, #tpu.memory_space<hbm>> -> memref<1x128x128xf32, #tpu.memory_space<hbm>>
      %dma_start3A_201 = tpu.memref_squeeze %dma_start3A_200 : memref<1x128x128xf32, #tpu.memory_space<hbm>> -> memref<128x128xf32, #tpu.memory_space<hbm>>
      %dma_start3A_202 = arith.constant 0 : i32
      %dma_start3A_203 = tpu.memref_slice %arg11[%add3A_194, %dma_start3A_202] : memref<10240x128xf32, #tpu.memory_space<vmem_shared>> -> memref<128x128xf32, #tpu.memory_space<vmem_shared>>
      tpu.enqueue_dma source(%dma_start3A_203 : memref<128x128xf32, #tpu.memory_space<vmem_shared>>) target(%dma_start3A_201 : memref<128x128xf32, #tpu.memory_space<hbm>>) target_semaphore(%run_scoped3A : memref<!tpu.dma_semaphore, #tpu.memory_space<semaphore_mem>>)
      %dma_wait3A_204 = arith.constant 0 : i32
      %dma_wait3A_205 = tpu.memref_slice %arg5[%arg0, %add3A_194, %dma_wait3A_204] : memref<2x10240x128xf32, #tpu.memory_space<hbm>> -> memref<1x128x128xf32, #tpu.memory_space<hbm>>
      %dma_wait3A_206 = tpu.memref_squeeze %dma_wait3A_205 : memref<1x128x128xf32, #tpu.memory_space<hbm>> -> memref<128x128xf32, #tpu.memory_space<hbm>>
      %dma_wait3A_207 = arith.constant 0 : i32
      %dma_wait3A_208 = tpu.memref_slice %arg11[%add3A_194, %dma_wait3A_207] : memref<10240x128xf32, #tpu.memory_space<vmem_shared>> -> memref<128x128xf32, #tpu.memory_space<vmem_shared>>
      tpu.wait_dma2 semaphore(%run_scoped3A : memref<!tpu.dma_semaphore, #tpu.memory_space<semaphore_mem>>) src(%dma_wait3A_208 : memref<128x128xf32, #tpu.memory_space<vmem_shared>>) dst(%dma_wait3A_206 : memref<128x128xf32, #tpu.memory_space<hbm>>)
      tpu.yield
    }) : () -> ()
    %add3A_195 = arith.constant 384 : i32
    %add3A_196 = arith.addi %mul3A_103, %add3A_195 : i32
    "tpu.region"() ({
      %run_scoped3A = tpu.sem_alloc : memref<!tpu.dma_semaphore, #tpu.memory_space<semaphore_mem>>
      %dma_start3A_199 = arith.constant 0 : i32
      %dma_start3A_200 = tpu.memref_slice %arg5[%arg0, %add3A_196, %dma_start3A_199] : memref<2x10240x128xf32, #tpu.memory_space<hbm>> -> memref<1x128x128xf32, #tpu.memory_space<hbm>>
      %dma_start3A_201 = tpu.memref_squeeze %dma_start3A_200 : memref<1x128x128xf32, #tpu.memory_space<hbm>> -> memref<128x128xf32, #tpu.memory_space<hbm>>
      %dma_start3A_202 = arith.constant 0 : i32
      %dma_start3A_203 = tpu.memref_slice %arg11[%add3A_196, %dma_start3A_202] : memref<10240x128xf32, #tpu.memory_space<vmem_shared>> -> memref<128x128xf32, #tpu.memory_space<vmem_shared>>
      tpu.enqueue_dma source(%dma_start3A_203 : memref<128x128xf32, #tpu.memory_space<vmem_shared>>) target(%dma_start3A_201 : memref<128x128xf32, #tpu.memory_space<hbm>>) target_semaphore(%run_scoped3A : memref<!tpu.dma_semaphore, #tpu.memory_space<semaphore_mem>>)
      %dma_wait3A_204 = arith.constant 0 : i32
      %dma_wait3A_205 = tpu.memref_slice %arg5[%arg0, %add3A_196, %dma_wait3A_204] : memref<2x10240x128xf32, #tpu.memory_space<hbm>> -> memref<1x128x128xf32, #tpu.memory_space<hbm>>
      %dma_wait3A_206 = tpu.memref_squeeze %dma_wait3A_205 : memref<1x128x128xf32, #tpu.memory_space<hbm>> -> memref<128x128xf32, #tpu.memory_space<hbm>>
      %dma_wait3A_207 = arith.constant 0 : i32
      %dma_wait3A_208 = tpu.memref_slice %arg11[%add3A_196, %dma_wait3A_207] : memref<10240x128xf32, #tpu.memory_space<vmem_shared>> -> memref<128x128xf32, #tpu.memory_space<vmem_shared>>
      tpu.wait_dma2 semaphore(%run_scoped3A : memref<!tpu.dma_semaphore, #tpu.memory_space<semaphore_mem>>) src(%dma_wait3A_208 : memref<128x128xf32, #tpu.memory_space<vmem_shared>>) dst(%dma_wait3A_206 : memref<128x128xf32, #tpu.memory_space<hbm>>)
      tpu.yield
    }) : () -> ()
    %add3A_197 = arith.constant 512 : i32
    %add3A_198 = arith.addi %mul3A_103, %add3A_197 : i32
    "tpu.region"() ({
      %run_scoped3A = tpu.sem_alloc : memref<!tpu.dma_semaphore, #tpu.memory_space<semaphore_mem>>
      %dma_start3A_199 = arith.constant 0 : i32
      %dma_start3A_200 = tpu.memref_slice %arg5[%arg0, %add3A_198, %dma_start3A_199] : memref<2x10240x128xf32, #tpu.memory_space<hbm>> -> memref<1x128x128xf32, #tpu.memory_space<hbm>>
      %dma_start3A_201 = tpu.memref_squeeze %dma_start3A_200 : memref<1x128x128xf32, #tpu.memory_space<hbm>> -> memref<128x128xf32, #tpu.memory_space<hbm>>
      %dma_start3A_202 = arith.constant 0 : i32
      %dma_start3A_203 = tpu.memref_slice %arg11[%add3A_198, %dma_start3A_202] : memref<10240x128xf32, #tpu.memory_space<vmem_shared>> -> memref<128x128xf32, #tpu.memory_space<vmem_shared>>
      tpu.enqueue_dma source(%dma_start3A_203 : memref<128x128xf32, #tpu.memory_space<vmem_shared>>) target(%dma_start3A_201 : memref<128x128xf32, #tpu.memory_space<hbm>>) target_semaphore(%run_scoped3A : memref<!tpu.dma_semaphore, #tpu.memory_space<semaphore_mem>>)
      %dma_wait3A_204 = arith.constant 0 : i32
      %dma_wait3A_205 = tpu.memref_slice %arg5[%arg0, %add3A_198, %dma_wait3A_204] : memref<2x10240x128xf32, #tpu.memory_space<hbm>> -> memref<1x128x128xf32, #tpu.memory_space<hbm>>
      %dma_wait3A_206 = tpu.memref_squeeze %dma_wait3A_205 : memref<1x128x128xf32, #tpu.memory_space<hbm>> -> memref<128x128xf32, #tpu.memory_space<hbm>>
      %dma_wait3A_207 = arith.constant 0 : i32
      %dma_wait3A_208 = tpu.memref_slice %arg11[%add3A_198, %dma_wait3A_207] : memref<10240x128xf32, #tpu.memory_space<vmem_shared>> -> memref<128x128xf32, #tpu.memory_space<vmem_shared>>
      tpu.wait_dma2 semaphore(%run_scoped3A : memref<!tpu.dma_semaphore, #tpu.memory_space<semaphore_mem>>) src(%dma_wait3A_208 : memref<128x128xf32, #tpu.memory_space<vmem_shared>>) dst(%dma_wait3A_206 : memref<128x128xf32, #tpu.memory_space<hbm>>)
      tpu.yield
    }) : () -> ()
    "tpu.region"() ({
      %run_scoped3A = tpu.sem_alloc : memref<!tpu.dma_semaphore, #tpu.memory_space<semaphore_mem>>
      %dma_start3A_199 = tpu.memref_slice %arg6[%arg0, %mul3A_103] : memref<2x10240xf32, #tpu.memory_space<hbm>> -> memref<1x640xf32, #tpu.memory_space<hbm>>
      %dma_start3A_200 = tpu.memref_squeeze %dma_start3A_199 : memref<1x640xf32, #tpu.memory_space<hbm>> -> memref<640xf32, #tpu.memory_space<hbm>>
      %dma_start3A_201 = tpu.memref_slice %arg16[%mul3A_103] : memref<10240xf32, #tpu.memory_space<vmem_shared>> -> memref<640xf32, #tpu.memory_space<vmem_shared>>
      tpu.enqueue_dma source(%dma_start3A_201 : memref<640xf32, #tpu.memory_space<vmem_shared>>) target(%dma_start3A_200 : memref<640xf32, #tpu.memory_space<hbm>>) target_semaphore(%run_scoped3A : memref<!tpu.dma_semaphore, #tpu.memory_space<semaphore_mem>>)
      %dma_wait3A_202 = tpu.memref_slice %arg6[%arg0, %mul3A_103] : memref<2x10240xf32, #tpu.memory_space<hbm>> -> memref<1x640xf32, #tpu.memory_space<hbm>>
      %dma_wait3A_203 = tpu.memref_squeeze %dma_wait3A_202 : memref<1x640xf32, #tpu.memory_space<hbm>> -> memref<640xf32, #tpu.memory_space<hbm>>
      %dma_wait3A_204 = tpu.memref_slice %arg16[%mul3A_103] : memref<10240xf32, #tpu.memory_space<vmem_shared>> -> memref<640xf32, #tpu.memory_space<vmem_shared>>
      tpu.wait_dma2 semaphore(%run_scoped3A : memref<!tpu.dma_semaphore, #tpu.memory_space<semaphore_mem>>) src(%dma_wait3A_204 : memref<640xf32, #tpu.memory_space<vmem_shared>>) dst(%dma_wait3A_203 : memref<640xf32, #tpu.memory_space<hbm>>)
      tpu.yield
    }) : () -> ()
    return
  }
}

#map = affine_map<(d0, d1) -> (0, 0)>
#map1 = affine_map<(d0, d1) -> (0, 0, 0)>
module attributes {stable_mosaic.version = 14 : i64} {
  func.func @body(%arg0: i32, %arg1: i32, %arg2: memref<10000x128xf32, #tpu.memory_space<hbm>>, %arg3: memref<2560x128xi32, #tpu.memory_space<hbm>>, %arg4: memref<2560x128xi32, #tpu.memory_space<hbm>>, %arg5: memref<2x10240x128xf32, #tpu.memory_space<hbm>>, %arg6: memref<16x128xi32, #tpu.memory_space<vmem>>, %arg7: memref<16x128xi32, #tpu.memory_space<vmem>>, %arg8: memref<128x128xf32, #tpu.memory_space<vmem>>, %arg9: memref<128x128xf32, #tpu.memory_space<vmem>>, %arg10: memref<10240x128xf32, #tpu.memory_space<vmem_shared>>, %arg11: memref<!tpu.dma_semaphore, #tpu.memory_space<semaphore_mem>>, %arg12: memref<!tpu.dma_semaphore, #tpu.memory_space<semaphore_mem>>) attributes {dimension_semantics = [#tpu.dimension_semantics<core_parallel>, #tpu.dimension_semantics<subcore_parallel>], iteration_bounds = array<i64: 2, 16>, scalar_prefetch = 0 : i64, scratch_operands = 7 : i64, tpu.core_type = #tpu.core_type<sc_vector_subcore>, window_params = [{transform_indices = #map}, {transform_indices = #map}, {transform_indices = #map}, {transform_indices = #map1}]} {
    %mul3A = arith.constant 2 : i32
    %mul3A_0 = arith.muli %arg1, %mul3A : i32
    %add3A = arith.addi %mul3A_0, %arg0 : i32
    %mul3A_1 = arith.constant 80 : i32
    %mul3A_2 = arith.muli %add3A, %mul3A_1 : i32
    %scan3A = arith.constant 0 : i32
    %scan3A_3 = arith.constant 0 : i32
    %scan3A_4 = arith.constant 128 : i32
    %scan3A_5 = arith.addi %scan3A_3, %scan3A_4 : i32
    %scan3A_6 = arith.constant 1 : i32
    scf.for %scan3A_75 = %scan3A_3 to %scan3A_5 step %scan3A_6  : i32 {
      %broadcast_in_dim3A = arith.constant 0.000000e+00 : f32
      %broadcast_in_dim3A_76 = vector.broadcast %broadcast_in_dim3A : f32 to vector<16xf32>
      %swap3A = arith.index_cast %scan3A_75 : i32 to index
      %swap3A_77 = arith.constant 0 : index
      %swap3A_78 = tpu.vector_load %arg8[%swap3A, %swap3A_77] {strides = array<i32>} : memref<128x128xf32, #tpu.memory_space<vmem>>, vector<1x16xf32>,
      %swap3A_79 = vector.shape_cast %swap3A_78 : vector<1x16xf32> to vector<16xf32>
      %swap3A_80 = vector.shape_cast %broadcast_in_dim3A_76 : vector<16xf32> to vector<1x16xf32>
      tpu.vector_store %arg8[%swap3A, %swap3A_77], %swap3A_80 {strides = array<i32>} : memref<128x128xf32, #tpu.memory_space<vmem>>, vector<1x16xf32>,
      %broadcast_in_dim3A_81 = arith.constant 0.000000e+00 : f32
      %broadcast_in_dim3A_82 = vector.broadcast %broadcast_in_dim3A_81 : f32 to vector<16xf32>
      %swap3A_83 = arith.index_cast %scan3A_75 : i32 to index
      %swap3A_84 = arith.constant 16 : index
      %swap3A_85 = tpu.vector_load %arg8[%swap3A_83, %swap3A_84] {strides = array<i32>} : memref<128x128xf32, #tpu.memory_space<vmem>>, vector<1x16xf32>,
      %swap3A_86 = vector.shape_cast %swap3A_85 : vector<1x16xf32> to vector<16xf32>
      %swap3A_87 = vector.shape_cast %broadcast_in_dim3A_82 : vector<16xf32> to vector<1x16xf32>
      tpu.vector_store %arg8[%swap3A_83, %swap3A_84], %swap3A_87 {strides = array<i32>} : memref<128x128xf32, #tpu.memory_space<vmem>>, vector<1x16xf32>,
      %broadcast_in_dim3A_88 = arith.constant 0.000000e+00 : f32
      %broadcast_in_dim3A_89 = vector.broadcast %broadcast_in_dim3A_88 : f32 to vector<16xf32>
      %swap3A_90 = arith.index_cast %scan3A_75 : i32 to index
      %swap3A_91 = arith.constant 32 : index
      %swap3A_92 = tpu.vector_load %arg8[%swap3A_90, %swap3A_91] {strides = array<i32>} : memref<128x128xf32, #tpu.memory_space<vmem>>, vector<1x16xf32>,
      %swap3A_93 = vector.shape_cast %swap3A_92 : vector<1x16xf32> to vector<16xf32>
      %swap3A_94 = vector.shape_cast %broadcast_in_dim3A_89 : vector<16xf32> to vector<1x16xf32>
      tpu.vector_store %arg8[%swap3A_90, %swap3A_91], %swap3A_94 {strides = array<i32>} : memref<128x128xf32, #tpu.memory_space<vmem>>, vector<1x16xf32>,
      %broadcast_in_dim3A_95 = arith.constant 0.000000e+00 : f32
      %broadcast_in_dim3A_96 = vector.broadcast %broadcast_in_dim3A_95 : f32 to vector<16xf32>
      %swap3A_97 = arith.index_cast %scan3A_75 : i32 to index
      %swap3A_98 = arith.constant 48 : index
      %swap3A_99 = tpu.vector_load %arg8[%swap3A_97, %swap3A_98] {strides = array<i32>} : memref<128x128xf32, #tpu.memory_space<vmem>>, vector<1x16xf32>,
      %swap3A_100 = vector.shape_cast %swap3A_99 : vector<1x16xf32> to vector<16xf32>
      %swap3A_101 = vector.shape_cast %broadcast_in_dim3A_96 : vector<16xf32> to vector<1x16xf32>
      tpu.vector_store %arg8[%swap3A_97, %swap3A_98], %swap3A_101 {strides = array<i32>} : memref<128x128xf32, #tpu.memory_space<vmem>>, vector<1x16xf32>,
      %broadcast_in_dim3A_102 = arith.constant 0.000000e+00 : f32
      %broadcast_in_dim3A_103 = vector.broadcast %broadcast_in_dim3A_102 : f32 to vector<16xf32>
      %swap3A_104 = arith.index_cast %scan3A_75 : i32 to index
      %swap3A_105 = arith.constant 64 : index
      %swap3A_106 = tpu.vector_load %arg8[%swap3A_104, %swap3A_105] {strides = array<i32>} : memref<128x128xf32, #tpu.memory_space<vmem>>, vector<1x16xf32>,
      %swap3A_107 = vector.shape_cast %swap3A_106 : vector<1x16xf32> to vector<16xf32>
      %swap3A_108 = vector.shape_cast %broadcast_in_dim3A_103 : vector<16xf32> to vector<1x16xf32>
      tpu.vector_store %arg8[%swap3A_104, %swap3A_105], %swap3A_108 {strides = array<i32>} : memref<128x128xf32, #tpu.memory_space<vmem>>, vector<1x16xf32>,
      %broadcast_in_dim3A_109 = arith.constant 0.000000e+00 : f32
      %broadcast_in_dim3A_110 = vector.broadcast %broadcast_in_dim3A_109 : f32 to vector<16xf32>
      %swap3A_111 = arith.index_cast %scan3A_75 : i32 to index
      %swap3A_112 = arith.constant 80 : index
      %swap3A_113 = tpu.vector_load %arg8[%swap3A_111, %swap3A_112] {strides = array<i32>} : memref<128x128xf32, #tpu.memory_space<vmem>>, vector<1x16xf32>,
      %swap3A_114 = vector.shape_cast %swap3A_113 : vector<1x16xf32> to vector<16xf32>
      %swap3A_115 = vector.shape_cast %broadcast_in_dim3A_110 : vector<16xf32> to vector<1x16xf32>
      tpu.vector_store %arg8[%swap3A_111, %swap3A_112], %swap3A_115 {strides = array<i32>} : memref<128x128xf32, #tpu.memory_space<vmem>>, vector<1x16xf32>,
      %broadcast_in_dim3A_116 = arith.constant 0.000000e+00 : f32
      %broadcast_in_dim3A_117 = vector.broadcast %broadcast_in_dim3A_116 : f32 to vector<16xf32>
      %swap3A_118 = arith.index_cast %scan3A_75 : i32 to index
      %swap3A_119 = arith.constant 96 : index
      %swap3A_120 = tpu.vector_load %arg8[%swap3A_118, %swap3A_119] {strides = array<i32>} : memref<128x128xf32, #tpu.memory_space<vmem>>, vector<1x16xf32>,
      %swap3A_121 = vector.shape_cast %swap3A_120 : vector<1x16xf32> to vector<16xf32>
      %swap3A_122 = vector.shape_cast %broadcast_in_dim3A_117 : vector<16xf32> to vector<1x16xf32>
      tpu.vector_store %arg8[%swap3A_118, %swap3A_119], %swap3A_122 {strides = array<i32>} : memref<128x128xf32, #tpu.memory_space<vmem>>, vector<1x16xf32>,
      %broadcast_in_dim3A_123 = arith.constant 0.000000e+00 : f32
      %broadcast_in_dim3A_124 = vector.broadcast %broadcast_in_dim3A_123 : f32 to vector<16xf32>
      %swap3A_125 = arith.index_cast %scan3A_75 : i32 to index
      %swap3A_126 = arith.constant 112 : index
      %swap3A_127 = tpu.vector_load %arg8[%swap3A_125, %swap3A_126] {strides = array<i32>} : memref<128x128xf32, #tpu.memory_space<vmem>>, vector<1x16xf32>,
      %swap3A_128 = vector.shape_cast %swap3A_127 : vector<1x16xf32> to vector<16xf32>
      %swap3A_129 = vector.shape_cast %broadcast_in_dim3A_124 : vector<16xf32> to vector<1x16xf32>
      tpu.vector_store %arg8[%swap3A_125, %swap3A_126], %swap3A_129 {strides = array<i32>} : memref<128x128xf32, #tpu.memory_space<vmem>>, vector<1x16xf32>,
    }
    %scan3A_7 = arith.constant 128 : i32
    %mul3A_8 = arith.constant 640 : i32
    %mul3A_9 = arith.muli %arg1, %mul3A_8 : i32
    %add3A_10 = arith.constant 0 : i32
    %add3A_11 = arith.addi %mul3A_9, %add3A_10 : i32
    %dma_start3A = arith.constant 0 : i32
    %dma_start3A_12 = tpu.memref_slice %arg10[%add3A_11, %dma_start3A] : memref<10240x128xf32, #tpu.memory_space<vmem_shared>> -> memref<128x128xf32, #tpu.memory_space<vmem_shared>>
    %dma_start3A_13 = arith.constant 0 : i32
    %dma_start3A_14 = tpu.memref_slice %arg10[%add3A_11, %dma_start3A_13] : memref<10240x128xf32, #tpu.memory_space<vmem_shared>> -> memref<128x128xf32, #tpu.memory_space<vmem_shared>>
    tpu.enqueue_dma source(%arg8 : memref<128x128xf32, #tpu.memory_space<vmem>>) target(%dma_start3A_14 : memref<128x128xf32, #tpu.memory_space<vmem_shared>>) target_semaphore(%arg11 : memref<!tpu.dma_semaphore, #tpu.memory_space<semaphore_mem>>)
    %add3A_15 = arith.constant 128 : i32
    %add3A_16 = arith.addi %mul3A_9, %add3A_15 : i32
    %dma_start3A_17 = arith.constant 0 : i32
    %dma_start3A_18 = tpu.memref_slice %arg10[%add3A_16, %dma_start3A_17] : memref<10240x128xf32, #tpu.memory_space<vmem_shared>> -> memref<128x128xf32, #tpu.memory_space<vmem_shared>>
    %dma_start3A_19 = arith.constant 0 : i32
    %dma_start3A_20 = tpu.memref_slice %arg10[%add3A_16, %dma_start3A_19] : memref<10240x128xf32, #tpu.memory_space<vmem_shared>> -> memref<128x128xf32, #tpu.memory_space<vmem_shared>>
    tpu.enqueue_dma source(%arg8 : memref<128x128xf32, #tpu.memory_space<vmem>>) target(%dma_start3A_20 : memref<128x128xf32, #tpu.memory_space<vmem_shared>>) target_semaphore(%arg11 : memref<!tpu.dma_semaphore, #tpu.memory_space<semaphore_mem>>)
    %add3A_21 = arith.constant 256 : i32
    %add3A_22 = arith.addi %mul3A_9, %add3A_21 : i32
    %dma_start3A_23 = arith.constant 0 : i32
    %dma_start3A_24 = tpu.memref_slice %arg10[%add3A_22, %dma_start3A_23] : memref<10240x128xf32, #tpu.memory_space<vmem_shared>> -> memref<128x128xf32, #tpu.memory_space<vmem_shared>>
    %dma_start3A_25 = arith.constant 0 : i32
    %dma_start3A_26 = tpu.memref_slice %arg10[%add3A_22, %dma_start3A_25] : memref<10240x128xf32, #tpu.memory_space<vmem_shared>> -> memref<128x128xf32, #tpu.memory_space<vmem_shared>>
    tpu.enqueue_dma source(%arg8 : memref<128x128xf32, #tpu.memory_space<vmem>>) target(%dma_start3A_26 : memref<128x128xf32, #tpu.memory_space<vmem_shared>>) target_semaphore(%arg11 : memref<!tpu.dma_semaphore, #tpu.memory_space<semaphore_mem>>)
    %add3A_27 = arith.constant 384 : i32
    %add3A_28 = arith.addi %mul3A_9, %add3A_27 : i32
    %dma_start3A_29 = arith.constant 0 : i32
    %dma_start3A_30 = tpu.memref_slice %arg10[%add3A_28, %dma_start3A_29] : memref<10240x128xf32, #tpu.memory_space<vmem_shared>> -> memref<128x128xf32, #tpu.memory_space<vmem_shared>>
    %dma_start3A_31 = arith.constant 0 : i32
    %dma_start3A_32 = tpu.memref_slice %arg10[%add3A_28, %dma_start3A_31] : memref<10240x128xf32, #tpu.memory_space<vmem_shared>> -> memref<128x128xf32, #tpu.memory_space<vmem_shared>>
    tpu.enqueue_dma source(%arg8 : memref<128x128xf32, #tpu.memory_space<vmem>>) target(%dma_start3A_32 : memref<128x128xf32, #tpu.memory_space<vmem_shared>>) target_semaphore(%arg11 : memref<!tpu.dma_semaphore, #tpu.memory_space<semaphore_mem>>)
    %add3A_33 = arith.constant 512 : i32
    %add3A_34 = arith.addi %mul3A_9, %add3A_33 : i32
    %dma_start3A_35 = arith.constant 0 : i32
    %dma_start3A_36 = tpu.memref_slice %arg10[%add3A_34, %dma_start3A_35] : memref<10240x128xf32, #tpu.memory_space<vmem_shared>> -> memref<128x128xf32, #tpu.memory_space<vmem_shared>>
    %dma_start3A_37 = arith.constant 0 : i32
    %dma_start3A_38 = tpu.memref_slice %arg10[%add3A_34, %dma_start3A_37] : memref<10240x128xf32, #tpu.memory_space<vmem_shared>> -> memref<128x128xf32, #tpu.memory_space<vmem_shared>>
    tpu.enqueue_dma source(%arg8 : memref<128x128xf32, #tpu.memory_space<vmem>>) target(%dma_start3A_38 : memref<128x128xf32, #tpu.memory_space<vmem_shared>>) target_semaphore(%arg11 : memref<!tpu.dma_semaphore, #tpu.memory_space<semaphore_mem>>)
    %dma_wait3A = arith.constant 0 : i32
    %dma_wait3A_39 = tpu.memref_slice %arg10[%add3A_11, %dma_wait3A] : memref<10240x128xf32, #tpu.memory_space<vmem_shared>> -> memref<128x128xf32, #tpu.memory_space<vmem_shared>>
    %dma_wait3A_40 = arith.constant 0 : i32
    %dma_wait3A_41 = tpu.memref_slice %arg10[%add3A_11, %dma_wait3A_40] : memref<10240x128xf32, #tpu.memory_space<vmem_shared>> -> memref<128x128xf32, #tpu.memory_space<vmem_shared>>
    tpu.wait_dma2 semaphore(%arg11 : memref<!tpu.dma_semaphore, #tpu.memory_space<semaphore_mem>>) src(%arg8 : memref<128x128xf32, #tpu.memory_space<vmem>>) dst(%dma_wait3A_41 : memref<128x128xf32, #tpu.memory_space<vmem_shared>>)
    %dma_wait3A_42 = arith.constant 0 : i32
    %dma_wait3A_43 = tpu.memref_slice %arg10[%add3A_16, %dma_wait3A_42] : memref<10240x128xf32, #tpu.memory_space<vmem_shared>> -> memref<128x128xf32, #tpu.memory_space<vmem_shared>>
    %dma_wait3A_44 = arith.constant 0 : i32
    %dma_wait3A_45 = tpu.memref_slice %arg10[%add3A_16, %dma_wait3A_44] : memref<10240x128xf32, #tpu.memory_space<vmem_shared>> -> memref<128x128xf32, #tpu.memory_space<vmem_shared>>
    tpu.wait_dma2 semaphore(%arg11 : memref<!tpu.dma_semaphore, #tpu.memory_space<semaphore_mem>>) src(%arg8 : memref<128x128xf32, #tpu.memory_space<vmem>>) dst(%dma_wait3A_45 : memref<128x128xf32, #tpu.memory_space<vmem_shared>>)
    %dma_wait3A_46 = arith.constant 0 : i32
    %dma_wait3A_47 = tpu.memref_slice %arg10[%add3A_22, %dma_wait3A_46] : memref<10240x128xf32, #tpu.memory_space<vmem_shared>> -> memref<128x128xf32, #tpu.memory_space<vmem_shared>>
    %dma_wait3A_48 = arith.constant 0 : i32
    %dma_wait3A_49 = tpu.memref_slice %arg10[%add3A_22, %dma_wait3A_48] : memref<10240x128xf32, #tpu.memory_space<vmem_shared>> -> memref<128x128xf32, #tpu.memory_space<vmem_shared>>
    tpu.wait_dma2 semaphore(%arg11 : memref<!tpu.dma_semaphore, #tpu.memory_space<semaphore_mem>>) src(%arg8 : memref<128x128xf32, #tpu.memory_space<vmem>>) dst(%dma_wait3A_49 : memref<128x128xf32, #tpu.memory_space<vmem_shared>>)
    %dma_wait3A_50 = arith.constant 0 : i32
    %dma_wait3A_51 = tpu.memref_slice %arg10[%add3A_28, %dma_wait3A_50] : memref<10240x128xf32, #tpu.memory_space<vmem_shared>> -> memref<128x128xf32, #tpu.memory_space<vmem_shared>>
    %dma_wait3A_52 = arith.constant 0 : i32
    %dma_wait3A_53 = tpu.memref_slice %arg10[%add3A_28, %dma_wait3A_52] : memref<10240x128xf32, #tpu.memory_space<vmem_shared>> -> memref<128x128xf32, #tpu.memory_space<vmem_shared>>
    tpu.wait_dma2 semaphore(%arg11 : memref<!tpu.dma_semaphore, #tpu.memory_space<semaphore_mem>>) src(%arg8 : memref<128x128xf32, #tpu.memory_space<vmem>>) dst(%dma_wait3A_53 : memref<128x128xf32, #tpu.memory_space<vmem_shared>>)
    %dma_wait3A_54 = arith.constant 0 : i32
    %dma_wait3A_55 = tpu.memref_slice %arg10[%add3A_34, %dma_wait3A_54] : memref<10240x128xf32, #tpu.memory_space<vmem_shared>> -> memref<128x128xf32, #tpu.memory_space<vmem_shared>>
    %dma_wait3A_56 = arith.constant 0 : i32
    %dma_wait3A_57 = tpu.memref_slice %arg10[%add3A_34, %dma_wait3A_56] : memref<10240x128xf32, #tpu.memory_space<vmem_shared>> -> memref<128x128xf32, #tpu.memory_space<vmem_shared>>
    tpu.wait_dma2 semaphore(%arg11 : memref<!tpu.dma_semaphore, #tpu.memory_space<semaphore_mem>>) src(%arg8 : memref<128x128xf32, #tpu.memory_space<vmem>>) dst(%dma_wait3A_57 : memref<128x128xf32, #tpu.memory_space<vmem_shared>>)
    %barrier3A = arith.constant 0 : index
    tpu.barrier barrier_id(%barrier3A)
    %scan3A_58 = arith.constant 0 : i32
    %scan3A_59 = arith.constant 0 : i32
    %scan3A_60 = arith.constant 5 : i32
    %scan3A_61 = arith.addi %scan3A_59, %scan3A_60 : i32
    %scan3A_62 = arith.constant 1 : i32
    scf.for %scan3A_75 = %scan3A_59 to %scan3A_61 step %scan3A_62  : i32 {
      %mul3A_76 = arith.constant 16 : i32
      %mul3A_77 = arith.muli %scan3A_75, %mul3A_76 : i32
      %add3A_78 = arith.addi %mul3A_2, %mul3A_77 : i32
      %dma_start3A_79 = arith.constant 0 : i32
      %dma_start3A_80 = tpu.memref_slice %arg3[%add3A_78, %dma_start3A_79] : memref<2560x128xi32, #tpu.memory_space<hbm>> -> memref<16x128xi32, #tpu.memory_space<hbm>>
      %dma_start3A_81 = arith.constant 0 : i32
      %dma_start3A_82 = tpu.memref_slice %arg3[%add3A_78, %dma_start3A_81] : memref<2560x128xi32, #tpu.memory_space<hbm>> -> memref<16x128xi32, #tpu.memory_space<hbm>>
      tpu.enqueue_dma source(%dma_start3A_82 : memref<16x128xi32, #tpu.memory_space<hbm>>) target(%arg6 : memref<16x128xi32, #tpu.memory_space<vmem>>) target_semaphore(%arg11 : memref<!tpu.dma_semaphore, #tpu.memory_space<semaphore_mem>>)
      %dma_start3A_83 = arith.constant 0 : i32
      %dma_start3A_84 = tpu.memref_slice %arg4[%add3A_78, %dma_start3A_83] : memref<2560x128xi32, #tpu.memory_space<hbm>> -> memref<16x128xi32, #tpu.memory_space<hbm>>
      %dma_start3A_85 = arith.constant 0 : i32
      %dma_start3A_86 = tpu.memref_slice %arg4[%add3A_78, %dma_start3A_85] : memref<2560x128xi32, #tpu.memory_space<hbm>> -> memref<16x128xi32, #tpu.memory_space<hbm>>
      tpu.enqueue_dma source(%dma_start3A_86 : memref<16x128xi32, #tpu.memory_space<hbm>>) target(%arg7 : memref<16x128xi32, #tpu.memory_space<vmem>>) target_semaphore(%arg12 : memref<!tpu.dma_semaphore, #tpu.memory_space<semaphore_mem>>)
      %dma_wait3A_87 = arith.constant 0 : i32
      %dma_wait3A_88 = tpu.memref_slice %arg3[%add3A_78, %dma_wait3A_87] : memref<2560x128xi32, #tpu.memory_space<hbm>> -> memref<16x128xi32, #tpu.memory_space<hbm>>
      %dma_wait3A_89 = arith.constant 0 : i32
      %dma_wait3A_90 = tpu.memref_slice %arg3[%add3A_78, %dma_wait3A_89] : memref<2560x128xi32, #tpu.memory_space<hbm>> -> memref<16x128xi32, #tpu.memory_space<hbm>>
      tpu.wait_dma2 semaphore(%arg11 : memref<!tpu.dma_semaphore, #tpu.memory_space<semaphore_mem>>) src(%dma_wait3A_90 : memref<16x128xi32, #tpu.memory_space<hbm>>) dst(%arg6 : memref<16x128xi32, #tpu.memory_space<vmem>>)
      %dma_wait3A_91 = arith.constant 0 : i32
      %dma_wait3A_92 = tpu.memref_slice %arg4[%add3A_78, %dma_wait3A_91] : memref<2560x128xi32, #tpu.memory_space<hbm>> -> memref<16x128xi32, #tpu.memory_space<hbm>>
      %dma_wait3A_93 = arith.constant 0 : i32
      %dma_wait3A_94 = tpu.memref_slice %arg4[%add3A_78, %dma_wait3A_93] : memref<2560x128xi32, #tpu.memory_space<hbm>> -> memref<16x128xi32, #tpu.memory_space<hbm>>
      tpu.wait_dma2 semaphore(%arg12 : memref<!tpu.dma_semaphore, #tpu.memory_space<semaphore_mem>>) src(%dma_wait3A_94 : memref<16x128xi32, #tpu.memory_space<hbm>>) dst(%arg7 : memref<16x128xi32, #tpu.memory_space<vmem>>)
      %dma_start3A_95 = arith.constant 0 : i32
      %dma_start3A_96 = arith.constant 0 : i32
      %dma_start3A_97 = tpu.memref_slice %arg6[%dma_start3A_95, %dma_start3A_96] : memref<16x128xi32, #tpu.memory_space<vmem>> -> memref<1x128xi32, #tpu.memory_space<vmem>>
      %dma_start3A_98 = tpu.memref_squeeze %dma_start3A_97 : memref<1x128xi32, #tpu.memory_space<vmem>> -> memref<128xi32, #tpu.memory_space<vmem>>
      %dma_start3A_99 = arith.constant 0 : i32
      %dma_start3A_100 = arith.constant 0 : i32
      %dma_start3A_101 = tpu.memref_slice %arg2[%dma_start3A_99, %dma_start3A_100] : memref<10000x128xf32, #tpu.memory_space<hbm>> -> memref<10000x128xf32, #tpu.memory_space<hbm>>
      tpu.enqueue_indirect_dma source(%dma_start3A_101 : memref<10000x128xf32, #tpu.memory_space<hbm>>) target(%arg8 : memref<128x128xf32, #tpu.memory_space<vmem>>) offsets(%dma_start3A_98 : memref<128xi32, #tpu.memory_space<vmem>>) semaphore(%arg11 : memref<!tpu.dma_semaphore, #tpu.memory_space<semaphore_mem>>)
      %dma_start3A_102 = arith.constant 1 : i32
      %dma_start3A_103 = arith.constant 0 : i32
      %dma_start3A_104 = tpu.memref_slice %arg6[%dma_start3A_102, %dma_start3A_103] : memref<16x128xi32, #tpu.memory_space<vmem>> -> memref<1x128xi32, #tpu.memory_space<vmem>>
      %dma_start3A_105 = tpu.memref_squeeze %dma_start3A_104 : memref<1x128xi32, #tpu.memory_space<vmem>> -> memref<128xi32, #tpu.memory_space<vmem>>
      %dma_start3A_106 = arith.constant 0 : i32
      %dma_start3A_107 = arith.constant 0 : i32
      %dma_start3A_108 = tpu.memref_slice %arg2[%dma_start3A_106, %dma_start3A_107] : memref<10000x128xf32, #tpu.memory_space<hbm>> -> memref<10000x128xf32, #tpu.memory_space<hbm>>
      tpu.enqueue_indirect_dma source(%dma_start3A_108 : memref<10000x128xf32, #tpu.memory_space<hbm>>) target(%arg9 : memref<128x128xf32, #tpu.memory_space<vmem>>) offsets(%dma_start3A_105 : memref<128xi32, #tpu.memory_space<vmem>>) semaphore(%arg12 : memref<!tpu.dma_semaphore, #tpu.memory_space<semaphore_mem>>)
      %dma_wait3A_109 = arith.constant 0 : i32
      %dma_wait3A_110 = arith.constant 0 : i32
      %dma_wait3A_111 = tpu.memref_slice %arg6[%dma_wait3A_109, %dma_wait3A_110] : memref<16x128xi32, #tpu.memory_space<vmem>> -> memref<1x128xi32, #tpu.memory_space<vmem>>
      %dma_wait3A_112 = tpu.memref_squeeze %dma_wait3A_111 : memref<1x128xi32, #tpu.memory_space<vmem>> -> memref<128xi32, #tpu.memory_space<vmem>>
      %dma_wait3A_113 = arith.constant 0 : i32
      %dma_wait3A_114 = arith.constant 0 : i32
      %dma_wait3A_115 = tpu.memref_slice %arg2[%dma_wait3A_113, %dma_wait3A_114] : memref<10000x128xf32, #tpu.memory_space<hbm>> -> memref<10000x128xf32, #tpu.memory_space<hbm>>
      tpu.wait_indirect_dma semaphore(%arg11 : memref<!tpu.dma_semaphore, #tpu.memory_space<semaphore_mem>>) src(%dma_wait3A_115 : memref<10000x128xf32, #tpu.memory_space<hbm>>) dst(%arg8 : memref<128x128xf32, #tpu.memory_space<vmem>>)
      %run_scoped3A = arith.constant 0 : i32
      "tpu.region"() ({
        %run_scoped3A_334 = tpu.sem_alloc : memref<!tpu.dma_semaphore, #tpu.memory_space<semaphore_mem>>
        %dma_start3A_335 = arith.constant 0 : i32
        %dma_start3A_336 = tpu.memref_slice %arg7[%run_scoped3A, %dma_start3A_335] : memref<16x128xi32, #tpu.memory_space<vmem>> -> memref<1x128xi32, #tpu.memory_space<vmem>>
        %dma_start3A_337 = tpu.memref_squeeze %dma_start3A_336 : memref<1x128xi32, #tpu.memory_space<vmem>> -> memref<128xi32, #tpu.memory_space<vmem>>
        %dma_start3A_338 = arith.constant 0 : i32
        %dma_start3A_339 = arith.constant 0 : i32
        %dma_start3A_340 = tpu.memref_slice %arg10[%dma_start3A_338, %dma_start3A_339] : memref<10240x128xf32, #tpu.memory_space<vmem_shared>> -> memref<10240x128xf32, #tpu.memory_space<vmem_shared>>
        tpu.enqueue_indirect_dma source(%arg8 : memref<128x128xf32, #tpu.memory_space<vmem>>) target(%dma_start3A_340 : memref<10240x128xf32, #tpu.memory_space<vmem_shared>>) offsets(%dma_start3A_337 : memref<128xi32, #tpu.memory_space<vmem>>) semaphore(%run_scoped3A_334 : memref<!tpu.dma_semaphore, #tpu.memory_space<semaphore_mem>>) {add = true}
        %dma_wait3A_341 = arith.constant 0 : i32
        %dma_wait3A_342 = tpu.memref_slice %arg7[%run_scoped3A, %dma_wait3A_341] : memref<16x128xi32, #tpu.memory_space<vmem>> -> memref<1x128xi32, #tpu.memory_space<vmem>>
        %dma_wait3A_343 = tpu.memref_squeeze %dma_wait3A_342 : memref<1x128xi32, #tpu.memory_space<vmem>> -> memref<128xi32, #tpu.memory_space<vmem>>
        %dma_wait3A_344 = arith.constant 0 : i32
        %dma_wait3A_345 = arith.constant 0 : i32
        %dma_wait3A_346 = tpu.memref_slice %arg10[%dma_wait3A_344, %dma_wait3A_345] : memref<10240x128xf32, #tpu.memory_space<vmem_shared>> -> memref<10240x128xf32, #tpu.memory_space<vmem_shared>>
        tpu.wait_indirect_dma semaphore(%run_scoped3A_334 : memref<!tpu.dma_semaphore, #tpu.memory_space<semaphore_mem>>) src(%arg8 : memref<128x128xf32, #tpu.memory_space<vmem>>) dst(%dma_wait3A_346 : memref<10240x128xf32, #tpu.memory_space<vmem_shared>>)
        tpu.yield
      }) : () -> ()
      %dma_start3A_116 = arith.constant 2 : i32
      %dma_start3A_117 = arith.constant 0 : i32
      %dma_start3A_118 = tpu.memref_slice %arg6[%dma_start3A_116, %dma_start3A_117] : memref<16x128xi32, #tpu.memory_space<vmem>> -> memref<1x128xi32, #tpu.memory_space<vmem>>
      %dma_start3A_119 = tpu.memref_squeeze %dma_start3A_118 : memref<1x128xi32, #tpu.memory_space<vmem>> -> memref<128xi32, #tpu.memory_space<vmem>>
      %dma_start3A_120 = arith.constant 0 : i32
      %dma_start3A_121 = arith.constant 0 : i32
      %dma_start3A_122 = tpu.memref_slice %arg2[%dma_start3A_120, %dma_start3A_121] : memref<10000x128xf32, #tpu.memory_space<hbm>> -> memref<10000x128xf32, #tpu.memory_space<hbm>>
      tpu.enqueue_indirect_dma source(%dma_start3A_122 : memref<10000x128xf32, #tpu.memory_space<hbm>>) target(%arg8 : memref<128x128xf32, #tpu.memory_space<vmem>>) offsets(%dma_start3A_119 : memref<128xi32, #tpu.memory_space<vmem>>) semaphore(%arg11 : memref<!tpu.dma_semaphore, #tpu.memory_space<semaphore_mem>>)
      %dma_wait3A_123 = arith.constant 1 : i32
      %dma_wait3A_124 = arith.constant 0 : i32
      %dma_wait3A_125 = tpu.memref_slice %arg6[%dma_wait3A_123, %dma_wait3A_124] : memref<16x128xi32, #tpu.memory_space<vmem>> -> memref<1x128xi32, #tpu.memory_space<vmem>>
      %dma_wait3A_126 = tpu.memref_squeeze %dma_wait3A_125 : memref<1x128xi32, #tpu.memory_space<vmem>> -> memref<128xi32, #tpu.memory_space<vmem>>
      %dma_wait3A_127 = arith.constant 0 : i32
      %dma_wait3A_128 = arith.constant 0 : i32
      %dma_wait3A_129 = tpu.memref_slice %arg2[%dma_wait3A_127, %dma_wait3A_128] : memref<10000x128xf32, #tpu.memory_space<hbm>> -> memref<10000x128xf32, #tpu.memory_space<hbm>>
      tpu.wait_indirect_dma semaphore(%arg12 : memref<!tpu.dma_semaphore, #tpu.memory_space<semaphore_mem>>) src(%dma_wait3A_129 : memref<10000x128xf32, #tpu.memory_space<hbm>>) dst(%arg9 : memref<128x128xf32, #tpu.memory_space<vmem>>)
      %run_scoped3A_130 = arith.constant 1 : i32
      "tpu.region"() ({
        %run_scoped3A_334 = tpu.sem_alloc : memref<!tpu.dma_semaphore, #tpu.memory_space<semaphore_mem>>
        %dma_start3A_335 = arith.constant 0 : i32
        %dma_start3A_336 = tpu.memref_slice %arg7[%run_scoped3A_130, %dma_start3A_335] : memref<16x128xi32, #tpu.memory_space<vmem>> -> memref<1x128xi32, #tpu.memory_space<vmem>>
        %dma_start3A_337 = tpu.memref_squeeze %dma_start3A_336 : memref<1x128xi32, #tpu.memory_space<vmem>> -> memref<128xi32, #tpu.memory_space<vmem>>
        %dma_start3A_338 = arith.constant 0 : i32
        %dma_start3A_339 = arith.constant 0 : i32
        %dma_start3A_340 = tpu.memref_slice %arg10[%dma_start3A_338, %dma_start3A_339] : memref<10240x128xf32, #tpu.memory_space<vmem_shared>> -> memref<10240x128xf32, #tpu.memory_space<vmem_shared>>
        tpu.enqueue_indirect_dma source(%arg9 : memref<128x128xf32, #tpu.memory_space<vmem>>) target(%dma_start3A_340 : memref<10240x128xf32, #tpu.memory_space<vmem_shared>>) offsets(%dma_start3A_337 : memref<128xi32, #tpu.memory_space<vmem>>) semaphore(%run_scoped3A_334 : memref<!tpu.dma_semaphore, #tpu.memory_space<semaphore_mem>>) {add = true}
        %dma_wait3A_341 = arith.constant 0 : i32
        %dma_wait3A_342 = tpu.memref_slice %arg7[%run_scoped3A_130, %dma_wait3A_341] : memref<16x128xi32, #tpu.memory_space<vmem>> -> memref<1x128xi32, #tpu.memory_space<vmem>>
        %dma_wait3A_343 = tpu.memref_squeeze %dma_wait3A_342 : memref<1x128xi32, #tpu.memory_space<vmem>> -> memref<128xi32, #tpu.memory_space<vmem>>
        %dma_wait3A_344 = arith.constant 0 : i32
        %dma_wait3A_345 = arith.constant 0 : i32
        %dma_wait3A_346 = tpu.memref_slice %arg10[%dma_wait3A_344, %dma_wait3A_345] : memref<10240x128xf32, #tpu.memory_space<vmem_shared>> -> memref<10240x128xf32, #tpu.memory_space<vmem_shared>>
        tpu.wait_indirect_dma semaphore(%run_scoped3A_334 : memref<!tpu.dma_semaphore, #tpu.memory_space<semaphore_mem>>) src(%arg9 : memref<128x128xf32, #tpu.memory_space<vmem>>) dst(%dma_wait3A_346 : memref<10240x128xf32, #tpu.memory_space<vmem_shared>>)
        tpu.yield
      }) : () -> ()
      %dma_start3A_131 = arith.constant 3 : i32
      %dma_start3A_132 = arith.constant 0 : i32
      %dma_start3A_133 = tpu.memref_slice %arg6[%dma_start3A_131, %dma_start3A_132] : memref<16x128xi32, #tpu.memory_space<vmem>> -> memref<1x128xi32, #tpu.memory_space<vmem>>
      %dma_start3A_134 = tpu.memref_squeeze %dma_start3A_133 : memref<1x128xi32, #tpu.memory_space<vmem>> -> memref<128xi32, #tpu.memory_space<vmem>>
      %dma_start3A_135 = arith.constant 0 : i32
      %dma_start3A_136 = arith.constant 0 : i32
      %dma_start3A_137 = tpu.memref_slice %arg2[%dma_start3A_135, %dma_start3A_136] : memref<10000x128xf32, #tpu.memory_space<hbm>> -> memref<10000x128xf32, #tpu.memory_space<hbm>>
      tpu.enqueue_indirect_dma source(%dma_start3A_137 : memref<10000x128xf32, #tpu.memory_space<hbm>>) target(%arg9 : memref<128x128xf32, #tpu.memory_space<vmem>>) offsets(%dma_start3A_134 : memref<128xi32, #tpu.memory_space<vmem>>) semaphore(%arg12 : memref<!tpu.dma_semaphore, #tpu.memory_space<semaphore_mem>>)
      %dma_wait3A_138 = arith.constant 2 : i32
      %dma_wait3A_139 = arith.constant 0 : i32
      %dma_wait3A_140 = tpu.memref_slice %arg6[%dma_wait3A_138, %dma_wait3A_139] : memref<16x128xi32, #tpu.memory_space<vmem>> -> memref<1x128xi32, #tpu.memory_space<vmem>>
      %dma_wait3A_141 = tpu.memref_squeeze %dma_wait3A_140 : memref<1x128xi32, #tpu.memory_space<vmem>> -> memref<128xi32, #tpu.memory_space<vmem>>
      %dma_wait3A_142 = arith.constant 0 : i32
      %dma_wait3A_143 = arith.constant 0 : i32
      %dma_wait3A_144 = tpu.memref_slice %arg2[%dma_wait3A_142, %dma_wait3A_143] : memref<10000x128xf32, #tpu.memory_space<hbm>> -> memref<10000x128xf32, #tpu.memory_space<hbm>>
      tpu.wait_indirect_dma semaphore(%arg11 : memref<!tpu.dma_semaphore, #tpu.memory_space<semaphore_mem>>) src(%dma_wait3A_144 : memref<10000x128xf32, #tpu.memory_space<hbm>>) dst(%arg8 : memref<128x128xf32, #tpu.memory_space<vmem>>)
      %run_scoped3A_145 = arith.constant 2 : i32
      "tpu.region"() ({
        %run_scoped3A_334 = tpu.sem_alloc : memref<!tpu.dma_semaphore, #tpu.memory_space<semaphore_mem>>
        %dma_start3A_335 = arith.constant 0 : i32
        %dma_start3A_336 = tpu.memref_slice %arg7[%run_scoped3A_145, %dma_start3A_335] : memref<16x128xi32, #tpu.memory_space<vmem>> -> memref<1x128xi32, #tpu.memory_space<vmem>>
        %dma_start3A_337 = tpu.memref_squeeze %dma_start3A_336 : memref<1x128xi32, #tpu.memory_space<vmem>> -> memref<128xi32, #tpu.memory_space<vmem>>
        %dma_start3A_338 = arith.constant 0 : i32
        %dma_start3A_339 = arith.constant 0 : i32
        %dma_start3A_340 = tpu.memref_slice %arg10[%dma_start3A_338, %dma_start3A_339] : memref<10240x128xf32, #tpu.memory_space<vmem_shared>> -> memref<10240x128xf32, #tpu.memory_space<vmem_shared>>
        tpu.enqueue_indirect_dma source(%arg8 : memref<128x128xf32, #tpu.memory_space<vmem>>) target(%dma_start3A_340 : memref<10240x128xf32, #tpu.memory_space<vmem_shared>>) offsets(%dma_start3A_337 : memref<128xi32, #tpu.memory_space<vmem>>) semaphore(%run_scoped3A_334 : memref<!tpu.dma_semaphore, #tpu.memory_space<semaphore_mem>>) {add = true}
        %dma_wait3A_341 = arith.constant 0 : i32
        %dma_wait3A_342 = tpu.memref_slice %arg7[%run_scoped3A_145, %dma_wait3A_341] : memref<16x128xi32, #tpu.memory_space<vmem>> -> memref<1x128xi32, #tpu.memory_space<vmem>>
        %dma_wait3A_343 = tpu.memref_squeeze %dma_wait3A_342 : memref<1x128xi32, #tpu.memory_space<vmem>> -> memref<128xi32, #tpu.memory_space<vmem>>
        %dma_wait3A_344 = arith.constant 0 : i32
        %dma_wait3A_345 = arith.constant 0 : i32
        %dma_wait3A_346 = tpu.memref_slice %arg10[%dma_wait3A_344, %dma_wait3A_345] : memref<10240x128xf32, #tpu.memory_space<vmem_shared>> -> memref<10240x128xf32, #tpu.memory_space<vmem_shared>>
        tpu.wait_indirect_dma semaphore(%run_scoped3A_334 : memref<!tpu.dma_semaphore, #tpu.memory_space<semaphore_mem>>) src(%arg8 : memref<128x128xf32, #tpu.memory_space<vmem>>) dst(%dma_wait3A_346 : memref<10240x128xf32, #tpu.memory_space<vmem_shared>>)
        tpu.yield
      }) : () -> ()
      %dma_start3A_146 = arith.constant 4 : i32
      %dma_start3A_147 = arith.constant 0 : i32
      %dma_start3A_148 = tpu.memref_slice %arg6[%dma_start3A_146, %dma_start3A_147] : memref<16x128xi32, #tpu.memory_space<vmem>> -> memref<1x128xi32, #tpu.memory_space<vmem>>
      %dma_start3A_149 = tpu.memref_squeeze %dma_start3A_148 : memref<1x128xi32, #tpu.memory_space<vmem>> -> memref<128xi32, #tpu.memory_space<vmem>>
      %dma_start3A_150 = arith.constant 0 : i32
      %dma_start3A_151 = arith.constant 0 : i32
      %dma_start3A_152 = tpu.memref_slice %arg2[%dma_start3A_150, %dma_start3A_151] : memref<10000x128xf32, #tpu.memory_space<hbm>> -> memref<10000x128xf32, #tpu.memory_space<hbm>>
      tpu.enqueue_indirect_dma source(%dma_start3A_152 : memref<10000x128xf32, #tpu.memory_space<hbm>>) target(%arg8 : memref<128x128xf32, #tpu.memory_space<vmem>>) offsets(%dma_start3A_149 : memref<128xi32, #tpu.memory_space<vmem>>) semaphore(%arg11 : memref<!tpu.dma_semaphore, #tpu.memory_space<semaphore_mem>>)
      %dma_wait3A_153 = arith.constant 3 : i32
      %dma_wait3A_154 = arith.constant 0 : i32
      %dma_wait3A_155 = tpu.memref_slice %arg6[%dma_wait3A_153, %dma_wait3A_154] : memref<16x128xi32, #tpu.memory_space<vmem>> -> memref<1x128xi32, #tpu.memory_space<vmem>>
      %dma_wait3A_156 = tpu.memref_squeeze %dma_wait3A_155 : memref<1x128xi32, #tpu.memory_space<vmem>> -> memref<128xi32, #tpu.memory_space<vmem>>
      %dma_wait3A_157 = arith.constant 0 : i32
      %dma_wait3A_158 = arith.constant 0 : i32
      %dma_wait3A_159 = tpu.memref_slice %arg2[%dma_wait3A_157, %dma_wait3A_158] : memref<10000x128xf32, #tpu.memory_space<hbm>> -> memref<10000x128xf32, #tpu.memory_space<hbm>>
      tpu.wait_indirect_dma semaphore(%arg12 : memref<!tpu.dma_semaphore, #tpu.memory_space<semaphore_mem>>) src(%dma_wait3A_159 : memref<10000x128xf32, #tpu.memory_space<hbm>>) dst(%arg9 : memref<128x128xf32, #tpu.memory_space<vmem>>)
      %run_scoped3A_160 = arith.constant 3 : i32
      "tpu.region"() ({
        %run_scoped3A_334 = tpu.sem_alloc : memref<!tpu.dma_semaphore, #tpu.memory_space<semaphore_mem>>
        %dma_start3A_335 = arith.constant 0 : i32
        %dma_start3A_336 = tpu.memref_slice %arg7[%run_scoped3A_160, %dma_start3A_335] : memref<16x128xi32, #tpu.memory_space<vmem>> -> memref<1x128xi32, #tpu.memory_space<vmem>>
        %dma_start3A_337 = tpu.memref_squeeze %dma_start3A_336 : memref<1x128xi32, #tpu.memory_space<vmem>> -> memref<128xi32, #tpu.memory_space<vmem>>
        %dma_start3A_338 = arith.constant 0 : i32
        %dma_start3A_339 = arith.constant 0 : i32
        %dma_start3A_340 = tpu.memref_slice %arg10[%dma_start3A_338, %dma_start3A_339] : memref<10240x128xf32, #tpu.memory_space<vmem_shared>> -> memref<10240x128xf32, #tpu.memory_space<vmem_shared>>
        tpu.enqueue_indirect_dma source(%arg9 : memref<128x128xf32, #tpu.memory_space<vmem>>) target(%dma_start3A_340 : memref<10240x128xf32, #tpu.memory_space<vmem_shared>>) offsets(%dma_start3A_337 : memref<128xi32, #tpu.memory_space<vmem>>) semaphore(%run_scoped3A_334 : memref<!tpu.dma_semaphore, #tpu.memory_space<semaphore_mem>>) {add = true}
        %dma_wait3A_341 = arith.constant 0 : i32
        %dma_wait3A_342 = tpu.memref_slice %arg7[%run_scoped3A_160, %dma_wait3A_341] : memref<16x128xi32, #tpu.memory_space<vmem>> -> memref<1x128xi32, #tpu.memory_space<vmem>>
        %dma_wait3A_343 = tpu.memref_squeeze %dma_wait3A_342 : memref<1x128xi32, #tpu.memory_space<vmem>> -> memref<128xi32, #tpu.memory_space<vmem>>
        %dma_wait3A_344 = arith.constant 0 : i32
        %dma_wait3A_345 = arith.constant 0 : i32
        %dma_wait3A_346 = tpu.memref_slice %arg10[%dma_wait3A_344, %dma_wait3A_345] : memref<10240x128xf32, #tpu.memory_space<vmem_shared>> -> memref<10240x128xf32, #tpu.memory_space<vmem_shared>>
        tpu.wait_indirect_dma semaphore(%run_scoped3A_334 : memref<!tpu.dma_semaphore, #tpu.memory_space<semaphore_mem>>) src(%arg9 : memref<128x128xf32, #tpu.memory_space<vmem>>) dst(%dma_wait3A_346 : memref<10240x128xf32, #tpu.memory_space<vmem_shared>>)
        tpu.yield
      }) : () -> ()
      %dma_start3A_161 = arith.constant 5 : i32
      %dma_start3A_162 = arith.constant 0 : i32
      %dma_start3A_163 = tpu.memref_slice %arg6[%dma_start3A_161, %dma_start3A_162] : memref<16x128xi32, #tpu.memory_space<vmem>> -> memref<1x128xi32, #tpu.memory_space<vmem>>
      %dma_start3A_164 = tpu.memref_squeeze %dma_start3A_163 : memref<1x128xi32, #tpu.memory_space<vmem>> -> memref<128xi32, #tpu.memory_space<vmem>>
      %dma_start3A_165 = arith.constant 0 : i32
      %dma_start3A_166 = arith.constant 0 : i32
      %dma_start3A_167 = tpu.memref_slice %arg2[%dma_start3A_165, %dma_start3A_166] : memref<10000x128xf32, #tpu.memory_space<hbm>> -> memref<10000x128xf32, #tpu.memory_space<hbm>>
      tpu.enqueue_indirect_dma source(%dma_start3A_167 : memref<10000x128xf32, #tpu.memory_space<hbm>>) target(%arg9 : memref<128x128xf32, #tpu.memory_space<vmem>>) offsets(%dma_start3A_164 : memref<128xi32, #tpu.memory_space<vmem>>) semaphore(%arg12 : memref<!tpu.dma_semaphore, #tpu.memory_space<semaphore_mem>>)
      %dma_wait3A_168 = arith.constant 4 : i32
      %dma_wait3A_169 = arith.constant 0 : i32
      %dma_wait3A_170 = tpu.memref_slice %arg6[%dma_wait3A_168, %dma_wait3A_169] : memref<16x128xi32, #tpu.memory_space<vmem>> -> memref<1x128xi32, #tpu.memory_space<vmem>>
      %dma_wait3A_171 = tpu.memref_squeeze %dma_wait3A_170 : memref<1x128xi32, #tpu.memory_space<vmem>> -> memref<128xi32, #tpu.memory_space<vmem>>
      %dma_wait3A_172 = arith.constant 0 : i32
      %dma_wait3A_173 = arith.constant 0 : i32
      %dma_wait3A_174 = tpu.memref_slice %arg2[%dma_wait3A_172, %dma_wait3A_173] : memref<10000x128xf32, #tpu.memory_space<hbm>> -> memref<10000x128xf32, #tpu.memory_space<hbm>>
      tpu.wait_indirect_dma semaphore(%arg11 : memref<!tpu.dma_semaphore, #tpu.memory_space<semaphore_mem>>) src(%dma_wait3A_174 : memref<10000x128xf32, #tpu.memory_space<hbm>>) dst(%arg8 : memref<128x128xf32, #tpu.memory_space<vmem>>)
      %run_scoped3A_175 = arith.constant 4 : i32
      "tpu.region"() ({
        %run_scoped3A_334 = tpu.sem_alloc : memref<!tpu.dma_semaphore, #tpu.memory_space<semaphore_mem>>
        %dma_start3A_335 = arith.constant 0 : i32
        %dma_start3A_336 = tpu.memref_slice %arg7[%run_scoped3A_175, %dma_start3A_335] : memref<16x128xi32, #tpu.memory_space<vmem>> -> memref<1x128xi32, #tpu.memory_space<vmem>>
        %dma_start3A_337 = tpu.memref_squeeze %dma_start3A_336 : memref<1x128xi32, #tpu.memory_space<vmem>> -> memref<128xi32, #tpu.memory_space<vmem>>
        %dma_start3A_338 = arith.constant 0 : i32
        %dma_start3A_339 = arith.constant 0 : i32
        %dma_start3A_340 = tpu.memref_slice %arg10[%dma_start3A_338, %dma_start3A_339] : memref<10240x128xf32, #tpu.memory_space<vmem_shared>> -> memref<10240x128xf32, #tpu.memory_space<vmem_shared>>
        tpu.enqueue_indirect_dma source(%arg8 : memref<128x128xf32, #tpu.memory_space<vmem>>) target(%dma_start3A_340 : memref<10240x128xf32, #tpu.memory_space<vmem_shared>>) offsets(%dma_start3A_337 : memref<128xi32, #tpu.memory_space<vmem>>) semaphore(%run_scoped3A_334 : memref<!tpu.dma_semaphore, #tpu.memory_space<semaphore_mem>>) {add = true}
        %dma_wait3A_341 = arith.constant 0 : i32
        %dma_wait3A_342 = tpu.memref_slice %arg7[%run_scoped3A_175, %dma_wait3A_341] : memref<16x128xi32, #tpu.memory_space<vmem>> -> memref<1x128xi32, #tpu.memory_space<vmem>>
        %dma_wait3A_343 = tpu.memref_squeeze %dma_wait3A_342 : memref<1x128xi32, #tpu.memory_space<vmem>> -> memref<128xi32, #tpu.memory_space<vmem>>
        %dma_wait3A_344 = arith.constant 0 : i32
        %dma_wait3A_345 = arith.constant 0 : i32
        %dma_wait3A_346 = tpu.memref_slice %arg10[%dma_wait3A_344, %dma_wait3A_345] : memref<10240x128xf32, #tpu.memory_space<vmem_shared>> -> memref<10240x128xf32, #tpu.memory_space<vmem_shared>>
        tpu.wait_indirect_dma semaphore(%run_scoped3A_334 : memref<!tpu.dma_semaphore, #tpu.memory_space<semaphore_mem>>) src(%arg8 : memref<128x128xf32, #tpu.memory_space<vmem>>) dst(%dma_wait3A_346 : memref<10240x128xf32, #tpu.memory_space<vmem_shared>>)
        tpu.yield
      }) : () -> ()
      %dma_start3A_176 = arith.constant 6 : i32
      %dma_start3A_177 = arith.constant 0 : i32
      %dma_start3A_178 = tpu.memref_slice %arg6[%dma_start3A_176, %dma_start3A_177] : memref<16x128xi32, #tpu.memory_space<vmem>> -> memref<1x128xi32, #tpu.memory_space<vmem>>
      %dma_start3A_179 = tpu.memref_squeeze %dma_start3A_178 : memref<1x128xi32, #tpu.memory_space<vmem>> -> memref<128xi32, #tpu.memory_space<vmem>>
      %dma_start3A_180 = arith.constant 0 : i32
      %dma_start3A_181 = arith.constant 0 : i32
      %dma_start3A_182 = tpu.memref_slice %arg2[%dma_start3A_180, %dma_start3A_181] : memref<10000x128xf32, #tpu.memory_space<hbm>> -> memref<10000x128xf32, #tpu.memory_space<hbm>>
      tpu.enqueue_indirect_dma source(%dma_start3A_182 : memref<10000x128xf32, #tpu.memory_space<hbm>>) target(%arg8 : memref<128x128xf32, #tpu.memory_space<vmem>>) offsets(%dma_start3A_179 : memref<128xi32, #tpu.memory_space<vmem>>) semaphore(%arg11 : memref<!tpu.dma_semaphore, #tpu.memory_space<semaphore_mem>>)
      %dma_wait3A_183 = arith.constant 5 : i32
      %dma_wait3A_184 = arith.constant 0 : i32
      %dma_wait3A_185 = tpu.memref_slice %arg6[%dma_wait3A_183, %dma_wait3A_184] : memref<16x128xi32, #tpu.memory_space<vmem>> -> memref<1x128xi32, #tpu.memory_space<vmem>>
      %dma_wait3A_186 = tpu.memref_squeeze %dma_wait3A_185 : memref<1x128xi32, #tpu.memory_space<vmem>> -> memref<128xi32, #tpu.memory_space<vmem>>
      %dma_wait3A_187 = arith.constant 0 : i32
      %dma_wait3A_188 = arith.constant 0 : i32
      %dma_wait3A_189 = tpu.memref_slice %arg2[%dma_wait3A_187, %dma_wait3A_188] : memref<10000x128xf32, #tpu.memory_space<hbm>> -> memref<10000x128xf32, #tpu.memory_space<hbm>>
      tpu.wait_indirect_dma semaphore(%arg12 : memref<!tpu.dma_semaphore, #tpu.memory_space<semaphore_mem>>) src(%dma_wait3A_189 : memref<10000x128xf32, #tpu.memory_space<hbm>>) dst(%arg9 : memref<128x128xf32, #tpu.memory_space<vmem>>)
      %run_scoped3A_190 = arith.constant 5 : i32
      "tpu.region"() ({
        %run_scoped3A_334 = tpu.sem_alloc : memref<!tpu.dma_semaphore, #tpu.memory_space<semaphore_mem>>
        %dma_start3A_335 = arith.constant 0 : i32
        %dma_start3A_336 = tpu.memref_slice %arg7[%run_scoped3A_190, %dma_start3A_335] : memref<16x128xi32, #tpu.memory_space<vmem>> -> memref<1x128xi32, #tpu.memory_space<vmem>>
        %dma_start3A_337 = tpu.memref_squeeze %dma_start3A_336 : memref<1x128xi32, #tpu.memory_space<vmem>> -> memref<128xi32, #tpu.memory_space<vmem>>
        %dma_start3A_338 = arith.constant 0 : i32
        %dma_start3A_339 = arith.constant 0 : i32
        %dma_start3A_340 = tpu.memref_slice %arg10[%dma_start3A_338, %dma_start3A_339] : memref<10240x128xf32, #tpu.memory_space<vmem_shared>> -> memref<10240x128xf32, #tpu.memory_space<vmem_shared>>
        tpu.enqueue_indirect_dma source(%arg9 : memref<128x128xf32, #tpu.memory_space<vmem>>) target(%dma_start3A_340 : memref<10240x128xf32, #tpu.memory_space<vmem_shared>>) offsets(%dma_start3A_337 : memref<128xi32, #tpu.memory_space<vmem>>) semaphore(%run_scoped3A_334 : memref<!tpu.dma_semaphore, #tpu.memory_space<semaphore_mem>>) {add = true}
        %dma_wait3A_341 = arith.constant 0 : i32
        %dma_wait3A_342 = tpu.memref_slice %arg7[%run_scoped3A_190, %dma_wait3A_341] : memref<16x128xi32, #tpu.memory_space<vmem>> -> memref<1x128xi32, #tpu.memory_space<vmem>>
        %dma_wait3A_343 = tpu.memref_squeeze %dma_wait3A_342 : memref<1x128xi32, #tpu.memory_space<vmem>> -> memref<128xi32, #tpu.memory_space<vmem>>
        %dma_wait3A_344 = arith.constant 0 : i32
        %dma_wait3A_345 = arith.constant 0 : i32
        %dma_wait3A_346 = tpu.memref_slice %arg10[%dma_wait3A_344, %dma_wait3A_345] : memref<10240x128xf32, #tpu.memory_space<vmem_shared>> -> memref<10240x128xf32, #tpu.memory_space<vmem_shared>>
        tpu.wait_indirect_dma semaphore(%run_scoped3A_334 : memref<!tpu.dma_semaphore, #tpu.memory_space<semaphore_mem>>) src(%arg9 : memref<128x128xf32, #tpu.memory_space<vmem>>) dst(%dma_wait3A_346 : memref<10240x128xf32, #tpu.memory_space<vmem_shared>>)
        tpu.yield
      }) : () -> ()
      %dma_start3A_191 = arith.constant 7 : i32
      %dma_start3A_192 = arith.constant 0 : i32
      %dma_start3A_193 = tpu.memref_slice %arg6[%dma_start3A_191, %dma_start3A_192] : memref<16x128xi32, #tpu.memory_space<vmem>> -> memref<1x128xi32, #tpu.memory_space<vmem>>
      %dma_start3A_194 = tpu.memref_squeeze %dma_start3A_193 : memref<1x128xi32, #tpu.memory_space<vmem>> -> memref<128xi32, #tpu.memory_space<vmem>>
      %dma_start3A_195 = arith.constant 0 : i32
      %dma_start3A_196 = arith.constant 0 : i32
      %dma_start3A_197 = tpu.memref_slice %arg2[%dma_start3A_195, %dma_start3A_196] : memref<10000x128xf32, #tpu.memory_space<hbm>> -> memref<10000x128xf32, #tpu.memory_space<hbm>>
      tpu.enqueue_indirect_dma source(%dma_start3A_197 : memref<10000x128xf32, #tpu.memory_space<hbm>>) target(%arg9 : memref<128x128xf32, #tpu.memory_space<vmem>>) offsets(%dma_start3A_194 : memref<128xi32, #tpu.memory_space<vmem>>) semaphore(%arg12 : memref<!tpu.dma_semaphore, #tpu.memory_space<semaphore_mem>>)
      %dma_wait3A_198 = arith.constant 6 : i32
      %dma_wait3A_199 = arith.constant 0 : i32
      %dma_wait3A_200 = tpu.memref_slice %arg6[%dma_wait3A_198, %dma_wait3A_199] : memref<16x128xi32, #tpu.memory_space<vmem>> -> memref<1x128xi32, #tpu.memory_space<vmem>>
      %dma_wait3A_201 = tpu.memref_squeeze %dma_wait3A_200 : memref<1x128xi32, #tpu.memory_space<vmem>> -> memref<128xi32, #tpu.memory_space<vmem>>
      %dma_wait3A_202 = arith.constant 0 : i32
      %dma_wait3A_203 = arith.constant 0 : i32
      %dma_wait3A_204 = tpu.memref_slice %arg2[%dma_wait3A_202, %dma_wait3A_203] : memref<10000x128xf32, #tpu.memory_space<hbm>> -> memref<10000x128xf32, #tpu.memory_space<hbm>>
      tpu.wait_indirect_dma semaphore(%arg11 : memref<!tpu.dma_semaphore, #tpu.memory_space<semaphore_mem>>) src(%dma_wait3A_204 : memref<10000x128xf32, #tpu.memory_space<hbm>>) dst(%arg8 : memref<128x128xf32, #tpu.memory_space<vmem>>)
      %run_scoped3A_205 = arith.constant 6 : i32
      "tpu.region"() ({
        %run_scoped3A_334 = tpu.sem_alloc : memref<!tpu.dma_semaphore, #tpu.memory_space<semaphore_mem>>
        %dma_start3A_335 = arith.constant 0 : i32
        %dma_start3A_336 = tpu.memref_slice %arg7[%run_scoped3A_205, %dma_start3A_335] : memref<16x128xi32, #tpu.memory_space<vmem>> -> memref<1x128xi32, #tpu.memory_space<vmem>>
        %dma_start3A_337 = tpu.memref_squeeze %dma_start3A_336 : memref<1x128xi32, #tpu.memory_space<vmem>> -> memref<128xi32, #tpu.memory_space<vmem>>
        %dma_start3A_338 = arith.constant 0 : i32
        %dma_start3A_339 = arith.constant 0 : i32
        %dma_start3A_340 = tpu.memref_slice %arg10[%dma_start3A_338, %dma_start3A_339] : memref<10240x128xf32, #tpu.memory_space<vmem_shared>> -> memref<10240x128xf32, #tpu.memory_space<vmem_shared>>
        tpu.enqueue_indirect_dma source(%arg8 : memref<128x128xf32, #tpu.memory_space<vmem>>) target(%dma_start3A_340 : memref<10240x128xf32, #tpu.memory_space<vmem_shared>>) offsets(%dma_start3A_337 : memref<128xi32, #tpu.memory_space<vmem>>) semaphore(%run_scoped3A_334 : memref<!tpu.dma_semaphore, #tpu.memory_space<semaphore_mem>>) {add = true}
        %dma_wait3A_341 = arith.constant 0 : i32
        %dma_wait3A_342 = tpu.memref_slice %arg7[%run_scoped3A_205, %dma_wait3A_341] : memref<16x128xi32, #tpu.memory_space<vmem>> -> memref<1x128xi32, #tpu.memory_space<vmem>>
        %dma_wait3A_343 = tpu.memref_squeeze %dma_wait3A_342 : memref<1x128xi32, #tpu.memory_space<vmem>> -> memref<128xi32, #tpu.memory_space<vmem>>
        %dma_wait3A_344 = arith.constant 0 : i32
        %dma_wait3A_345 = arith.constant 0 : i32
        %dma_wait3A_346 = tpu.memref_slice %arg10[%dma_wait3A_344, %dma_wait3A_345] : memref<10240x128xf32, #tpu.memory_space<vmem_shared>> -> memref<10240x128xf32, #tpu.memory_space<vmem_shared>>
        tpu.wait_indirect_dma semaphore(%run_scoped3A_334 : memref<!tpu.dma_semaphore, #tpu.memory_space<semaphore_mem>>) src(%arg8 : memref<128x128xf32, #tpu.memory_space<vmem>>) dst(%dma_wait3A_346 : memref<10240x128xf32, #tpu.memory_space<vmem_shared>>)
        tpu.yield
      }) : () -> ()
      %dma_start3A_206 = arith.constant 8 : i32
      %dma_start3A_207 = arith.constant 0 : i32
      %dma_start3A_208 = tpu.memref_slice %arg6[%dma_start3A_206, %dma_start3A_207] : memref<16x128xi32, #tpu.memory_space<vmem>> -> memref<1x128xi32, #tpu.memory_space<vmem>>
      %dma_start3A_209 = tpu.memref_squeeze %dma_start3A_208 : memref<1x128xi32, #tpu.memory_space<vmem>> -> memref<128xi32, #tpu.memory_space<vmem>>
      %dma_start3A_210 = arith.constant 0 : i32
      %dma_start3A_211 = arith.constant 0 : i32
      %dma_start3A_212 = tpu.memref_slice %arg2[%dma_start3A_210, %dma_start3A_211] : memref<10000x128xf32, #tpu.memory_space<hbm>> -> memref<10000x128xf32, #tpu.memory_space<hbm>>
      tpu.enqueue_indirect_dma source(%dma_start3A_212 : memref<10000x128xf32, #tpu.memory_space<hbm>>) target(%arg8 : memref<128x128xf32, #tpu.memory_space<vmem>>) offsets(%dma_start3A_209 : memref<128xi32, #tpu.memory_space<vmem>>) semaphore(%arg11 : memref<!tpu.dma_semaphore, #tpu.memory_space<semaphore_mem>>)
      %dma_wait3A_213 = arith.constant 7 : i32
      %dma_wait3A_214 = arith.constant 0 : i32
      %dma_wait3A_215 = tpu.memref_slice %arg6[%dma_wait3A_213, %dma_wait3A_214] : memref<16x128xi32, #tpu.memory_space<vmem>> -> memref<1x128xi32, #tpu.memory_space<vmem>>
      %dma_wait3A_216 = tpu.memref_squeeze %dma_wait3A_215 : memref<1x128xi32, #tpu.memory_space<vmem>> -> memref<128xi32, #tpu.memory_space<vmem>>
      %dma_wait3A_217 = arith.constant 0 : i32
      %dma_wait3A_218 = arith.constant 0 : i32
      %dma_wait3A_219 = tpu.memref_slice %arg2[%dma_wait3A_217, %dma_wait3A_218] : memref<10000x128xf32, #tpu.memory_space<hbm>> -> memref<10000x128xf32, #tpu.memory_space<hbm>>
      tpu.wait_indirect_dma semaphore(%arg12 : memref<!tpu.dma_semaphore, #tpu.memory_space<semaphore_mem>>) src(%dma_wait3A_219 : memref<10000x128xf32, #tpu.memory_space<hbm>>) dst(%arg9 : memref<128x128xf32, #tpu.memory_space<vmem>>)
      %run_scoped3A_220 = arith.constant 7 : i32
      "tpu.region"() ({
        %run_scoped3A_334 = tpu.sem_alloc : memref<!tpu.dma_semaphore, #tpu.memory_space<semaphore_mem>>
        %dma_start3A_335 = arith.constant 0 : i32
        %dma_start3A_336 = tpu.memref_slice %arg7[%run_scoped3A_220, %dma_start3A_335] : memref<16x128xi32, #tpu.memory_space<vmem>> -> memref<1x128xi32, #tpu.memory_space<vmem>>
        %dma_start3A_337 = tpu.memref_squeeze %dma_start3A_336 : memref<1x128xi32, #tpu.memory_space<vmem>> -> memref<128xi32, #tpu.memory_space<vmem>>
        %dma_start3A_338 = arith.constant 0 : i32
        %dma_start3A_339 = arith.constant 0 : i32
        %dma_start3A_340 = tpu.memref_slice %arg10[%dma_start3A_338, %dma_start3A_339] : memref<10240x128xf32, #tpu.memory_space<vmem_shared>> -> memref<10240x128xf32, #tpu.memory_space<vmem_shared>>
        tpu.enqueue_indirect_dma source(%arg9 : memref<128x128xf32, #tpu.memory_space<vmem>>) target(%dma_start3A_340 : memref<10240x128xf32, #tpu.memory_space<vmem_shared>>) offsets(%dma_start3A_337 : memref<128xi32, #tpu.memory_space<vmem>>) semaphore(%run_scoped3A_334 : memref<!tpu.dma_semaphore, #tpu.memory_space<semaphore_mem>>) {add = true}
        %dma_wait3A_341 = arith.constant 0 : i32
        %dma_wait3A_342 = tpu.memref_slice %arg7[%run_scoped3A_220, %dma_wait3A_341] : memref<16x128xi32, #tpu.memory_space<vmem>> -> memref<1x128xi32, #tpu.memory_space<vmem>>
        %dma_wait3A_343 = tpu.memref_squeeze %dma_wait3A_342 : memref<1x128xi32, #tpu.memory_space<vmem>> -> memref<128xi32, #tpu.memory_space<vmem>>
        %dma_wait3A_344 = arith.constant 0 : i32
        %dma_wait3A_345 = arith.constant 0 : i32
        %dma_wait3A_346 = tpu.memref_slice %arg10[%dma_wait3A_344, %dma_wait3A_345] : memref<10240x128xf32, #tpu.memory_space<vmem_shared>> -> memref<10240x128xf32, #tpu.memory_space<vmem_shared>>
        tpu.wait_indirect_dma semaphore(%run_scoped3A_334 : memref<!tpu.dma_semaphore, #tpu.memory_space<semaphore_mem>>) src(%arg9 : memref<128x128xf32, #tpu.memory_space<vmem>>) dst(%dma_wait3A_346 : memref<10240x128xf32, #tpu.memory_space<vmem_shared>>)
        tpu.yield
      }) : () -> ()
      %dma_start3A_221 = arith.constant 9 : i32
      %dma_start3A_222 = arith.constant 0 : i32
      %dma_start3A_223 = tpu.memref_slice %arg6[%dma_start3A_221, %dma_start3A_222] : memref<16x128xi32, #tpu.memory_space<vmem>> -> memref<1x128xi32, #tpu.memory_space<vmem>>
      %dma_start3A_224 = tpu.memref_squeeze %dma_start3A_223 : memref<1x128xi32, #tpu.memory_space<vmem>> -> memref<128xi32, #tpu.memory_space<vmem>>
      %dma_start3A_225 = arith.constant 0 : i32
      %dma_start3A_226 = arith.constant 0 : i32
      %dma_start3A_227 = tpu.memref_slice %arg2[%dma_start3A_225, %dma_start3A_226] : memref<10000x128xf32, #tpu.memory_space<hbm>> -> memref<10000x128xf32, #tpu.memory_space<hbm>>
      tpu.enqueue_indirect_dma source(%dma_start3A_227 : memref<10000x128xf32, #tpu.memory_space<hbm>>) target(%arg9 : memref<128x128xf32, #tpu.memory_space<vmem>>) offsets(%dma_start3A_224 : memref<128xi32, #tpu.memory_space<vmem>>) semaphore(%arg12 : memref<!tpu.dma_semaphore, #tpu.memory_space<semaphore_mem>>)
      %dma_wait3A_228 = arith.constant 8 : i32
      %dma_wait3A_229 = arith.constant 0 : i32
      %dma_wait3A_230 = tpu.memref_slice %arg6[%dma_wait3A_228, %dma_wait3A_229] : memref<16x128xi32, #tpu.memory_space<vmem>> -> memref<1x128xi32, #tpu.memory_space<vmem>>
      %dma_wait3A_231 = tpu.memref_squeeze %dma_wait3A_230 : memref<1x128xi32, #tpu.memory_space<vmem>> -> memref<128xi32, #tpu.memory_space<vmem>>
      %dma_wait3A_232 = arith.constant 0 : i32
      %dma_wait3A_233 = arith.constant 0 : i32
      %dma_wait3A_234 = tpu.memref_slice %arg2[%dma_wait3A_232, %dma_wait3A_233] : memref<10000x128xf32, #tpu.memory_space<hbm>> -> memref<10000x128xf32, #tpu.memory_space<hbm>>
      tpu.wait_indirect_dma semaphore(%arg11 : memref<!tpu.dma_semaphore, #tpu.memory_space<semaphore_mem>>) src(%dma_wait3A_234 : memref<10000x128xf32, #tpu.memory_space<hbm>>) dst(%arg8 : memref<128x128xf32, #tpu.memory_space<vmem>>)
      %run_scoped3A_235 = arith.constant 8 : i32
      "tpu.region"() ({
        %run_scoped3A_334 = tpu.sem_alloc : memref<!tpu.dma_semaphore, #tpu.memory_space<semaphore_mem>>
        %dma_start3A_335 = arith.constant 0 : i32
        %dma_start3A_336 = tpu.memref_slice %arg7[%run_scoped3A_235, %dma_start3A_335] : memref<16x128xi32, #tpu.memory_space<vmem>> -> memref<1x128xi32, #tpu.memory_space<vmem>>
        %dma_start3A_337 = tpu.memref_squeeze %dma_start3A_336 : memref<1x128xi32, #tpu.memory_space<vmem>> -> memref<128xi32, #tpu.memory_space<vmem>>
        %dma_start3A_338 = arith.constant 0 : i32
        %dma_start3A_339 = arith.constant 0 : i32
        %dma_start3A_340 = tpu.memref_slice %arg10[%dma_start3A_338, %dma_start3A_339] : memref<10240x128xf32, #tpu.memory_space<vmem_shared>> -> memref<10240x128xf32, #tpu.memory_space<vmem_shared>>
        tpu.enqueue_indirect_dma source(%arg8 : memref<128x128xf32, #tpu.memory_space<vmem>>) target(%dma_start3A_340 : memref<10240x128xf32, #tpu.memory_space<vmem_shared>>) offsets(%dma_start3A_337 : memref<128xi32, #tpu.memory_space<vmem>>) semaphore(%run_scoped3A_334 : memref<!tpu.dma_semaphore, #tpu.memory_space<semaphore_mem>>) {add = true}
        %dma_wait3A_341 = arith.constant 0 : i32
        %dma_wait3A_342 = tpu.memref_slice %arg7[%run_scoped3A_235, %dma_wait3A_341] : memref<16x128xi32, #tpu.memory_space<vmem>> -> memref<1x128xi32, #tpu.memory_space<vmem>>
        %dma_wait3A_343 = tpu.memref_squeeze %dma_wait3A_342 : memref<1x128xi32, #tpu.memory_space<vmem>> -> memref<128xi32, #tpu.memory_space<vmem>>
        %dma_wait3A_344 = arith.constant 0 : i32
        %dma_wait3A_345 = arith.constant 0 : i32
        %dma_wait3A_346 = tpu.memref_slice %arg10[%dma_wait3A_344, %dma_wait3A_345] : memref<10240x128xf32, #tpu.memory_space<vmem_shared>> -> memref<10240x128xf32, #tpu.memory_space<vmem_shared>>
        tpu.wait_indirect_dma semaphore(%run_scoped3A_334 : memref<!tpu.dma_semaphore, #tpu.memory_space<semaphore_mem>>) src(%arg8 : memref<128x128xf32, #tpu.memory_space<vmem>>) dst(%dma_wait3A_346 : memref<10240x128xf32, #tpu.memory_space<vmem_shared>>)
        tpu.yield
      }) : () -> ()
      %dma_start3A_236 = arith.constant 10 : i32
      %dma_start3A_237 = arith.constant 0 : i32
      %dma_start3A_238 = tpu.memref_slice %arg6[%dma_start3A_236, %dma_start3A_237] : memref<16x128xi32, #tpu.memory_space<vmem>> -> memref<1x128xi32, #tpu.memory_space<vmem>>
      %dma_start3A_239 = tpu.memref_squeeze %dma_start3A_238 : memref<1x128xi32, #tpu.memory_space<vmem>> -> memref<128xi32, #tpu.memory_space<vmem>>
      %dma_start3A_240 = arith.constant 0 : i32
      %dma_start3A_241 = arith.constant 0 : i32
      %dma_start3A_242 = tpu.memref_slice %arg2[%dma_start3A_240, %dma_start3A_241] : memref<10000x128xf32, #tpu.memory_space<hbm>> -> memref<10000x128xf32, #tpu.memory_space<hbm>>
      tpu.enqueue_indirect_dma source(%dma_start3A_242 : memref<10000x128xf32, #tpu.memory_space<hbm>>) target(%arg8 : memref<128x128xf32, #tpu.memory_space<vmem>>) offsets(%dma_start3A_239 : memref<128xi32, #tpu.memory_space<vmem>>) semaphore(%arg11 : memref<!tpu.dma_semaphore, #tpu.memory_space<semaphore_mem>>)
      %dma_wait3A_243 = arith.constant 9 : i32
      %dma_wait3A_244 = arith.constant 0 : i32
      %dma_wait3A_245 = tpu.memref_slice %arg6[%dma_wait3A_243, %dma_wait3A_244] : memref<16x128xi32, #tpu.memory_space<vmem>> -> memref<1x128xi32, #tpu.memory_space<vmem>>
      %dma_wait3A_246 = tpu.memref_squeeze %dma_wait3A_245 : memref<1x128xi32, #tpu.memory_space<vmem>> -> memref<128xi32, #tpu.memory_space<vmem>>
      %dma_wait3A_247 = arith.constant 0 : i32
      %dma_wait3A_248 = arith.constant 0 : i32
      %dma_wait3A_249 = tpu.memref_slice %arg2[%dma_wait3A_247, %dma_wait3A_248] : memref<10000x128xf32, #tpu.memory_space<hbm>> -> memref<10000x128xf32, #tpu.memory_space<hbm>>
      tpu.wait_indirect_dma semaphore(%arg12 : memref<!tpu.dma_semaphore, #tpu.memory_space<semaphore_mem>>) src(%dma_wait3A_249 : memref<10000x128xf32, #tpu.memory_space<hbm>>) dst(%arg9 : memref<128x128xf32, #tpu.memory_space<vmem>>)
      %run_scoped3A_250 = arith.constant 9 : i32
      "tpu.region"() ({
        %run_scoped3A_334 = tpu.sem_alloc : memref<!tpu.dma_semaphore, #tpu.memory_space<semaphore_mem>>
        %dma_start3A_335 = arith.constant 0 : i32
        %dma_start3A_336 = tpu.memref_slice %arg7[%run_scoped3A_250, %dma_start3A_335] : memref<16x128xi32, #tpu.memory_space<vmem>> -> memref<1x128xi32, #tpu.memory_space<vmem>>
        %dma_start3A_337 = tpu.memref_squeeze %dma_start3A_336 : memref<1x128xi32, #tpu.memory_space<vmem>> -> memref<128xi32, #tpu.memory_space<vmem>>
        %dma_start3A_338 = arith.constant 0 : i32
        %dma_start3A_339 = arith.constant 0 : i32
        %dma_start3A_340 = tpu.memref_slice %arg10[%dma_start3A_338, %dma_start3A_339] : memref<10240x128xf32, #tpu.memory_space<vmem_shared>> -> memref<10240x128xf32, #tpu.memory_space<vmem_shared>>
        tpu.enqueue_indirect_dma source(%arg9 : memref<128x128xf32, #tpu.memory_space<vmem>>) target(%dma_start3A_340 : memref<10240x128xf32, #tpu.memory_space<vmem_shared>>) offsets(%dma_start3A_337 : memref<128xi32, #tpu.memory_space<vmem>>) semaphore(%run_scoped3A_334 : memref<!tpu.dma_semaphore, #tpu.memory_space<semaphore_mem>>) {add = true}
        %dma_wait3A_341 = arith.constant 0 : i32
        %dma_wait3A_342 = tpu.memref_slice %arg7[%run_scoped3A_250, %dma_wait3A_341] : memref<16x128xi32, #tpu.memory_space<vmem>> -> memref<1x128xi32, #tpu.memory_space<vmem>>
        %dma_wait3A_343 = tpu.memref_squeeze %dma_wait3A_342 : memref<1x128xi32, #tpu.memory_space<vmem>> -> memref<128xi32, #tpu.memory_space<vmem>>
        %dma_wait3A_344 = arith.constant 0 : i32
        %dma_wait3A_345 = arith.constant 0 : i32
        %dma_wait3A_346 = tpu.memref_slice %arg10[%dma_wait3A_344, %dma_wait3A_345] : memref<10240x128xf32, #tpu.memory_space<vmem_shared>> -> memref<10240x128xf32, #tpu.memory_space<vmem_shared>>
        tpu.wait_indirect_dma semaphore(%run_scoped3A_334 : memref<!tpu.dma_semaphore, #tpu.memory_space<semaphore_mem>>) src(%arg9 : memref<128x128xf32, #tpu.memory_space<vmem>>) dst(%dma_wait3A_346 : memref<10240x128xf32, #tpu.memory_space<vmem_shared>>)
        tpu.yield
      }) : () -> ()
      %dma_start3A_251 = arith.constant 11 : i32
      %dma_start3A_252 = arith.constant 0 : i32
      %dma_start3A_253 = tpu.memref_slice %arg6[%dma_start3A_251, %dma_start3A_252] : memref<16x128xi32, #tpu.memory_space<vmem>> -> memref<1x128xi32, #tpu.memory_space<vmem>>
      %dma_start3A_254 = tpu.memref_squeeze %dma_start3A_253 : memref<1x128xi32, #tpu.memory_space<vmem>> -> memref<128xi32, #tpu.memory_space<vmem>>
      %dma_start3A_255 = arith.constant 0 : i32
      %dma_start3A_256 = arith.constant 0 : i32
      %dma_start3A_257 = tpu.memref_slice %arg2[%dma_start3A_255, %dma_start3A_256] : memref<10000x128xf32, #tpu.memory_space<hbm>> -> memref<10000x128xf32, #tpu.memory_space<hbm>>
      tpu.enqueue_indirect_dma source(%dma_start3A_257 : memref<10000x128xf32, #tpu.memory_space<hbm>>) target(%arg9 : memref<128x128xf32, #tpu.memory_space<vmem>>) offsets(%dma_start3A_254 : memref<128xi32, #tpu.memory_space<vmem>>) semaphore(%arg12 : memref<!tpu.dma_semaphore, #tpu.memory_space<semaphore_mem>>)
      %dma_wait3A_258 = arith.constant 10 : i32
      %dma_wait3A_259 = arith.constant 0 : i32
      %dma_wait3A_260 = tpu.memref_slice %arg6[%dma_wait3A_258, %dma_wait3A_259] : memref<16x128xi32, #tpu.memory_space<vmem>> -> memref<1x128xi32, #tpu.memory_space<vmem>>
      %dma_wait3A_261 = tpu.memref_squeeze %dma_wait3A_260 : memref<1x128xi32, #tpu.memory_space<vmem>> -> memref<128xi32, #tpu.memory_space<vmem>>
      %dma_wait3A_262 = arith.constant 0 : i32
      %dma_wait3A_263 = arith.constant 0 : i32
      %dma_wait3A_264 = tpu.memref_slice %arg2[%dma_wait3A_262, %dma_wait3A_263] : memref<10000x128xf32, #tpu.memory_space<hbm>> -> memref<10000x128xf32, #tpu.memory_space<hbm>>
      tpu.wait_indirect_dma semaphore(%arg11 : memref<!tpu.dma_semaphore, #tpu.memory_space<semaphore_mem>>) src(%dma_wait3A_264 : memref<10000x128xf32, #tpu.memory_space<hbm>>) dst(%arg8 : memref<128x128xf32, #tpu.memory_space<vmem>>)
      %run_scoped3A_265 = arith.constant 10 : i32
      "tpu.region"() ({
        %run_scoped3A_334 = tpu.sem_alloc : memref<!tpu.dma_semaphore, #tpu.memory_space<semaphore_mem>>
        %dma_start3A_335 = arith.constant 0 : i32
        %dma_start3A_336 = tpu.memref_slice %arg7[%run_scoped3A_265, %dma_start3A_335] : memref<16x128xi32, #tpu.memory_space<vmem>> -> memref<1x128xi32, #tpu.memory_space<vmem>>
        %dma_start3A_337 = tpu.memref_squeeze %dma_start3A_336 : memref<1x128xi32, #tpu.memory_space<vmem>> -> memref<128xi32, #tpu.memory_space<vmem>>
        %dma_start3A_338 = arith.constant 0 : i32
        %dma_start3A_339 = arith.constant 0 : i32
        %dma_start3A_340 = tpu.memref_slice %arg10[%dma_start3A_338, %dma_start3A_339] : memref<10240x128xf32, #tpu.memory_space<vmem_shared>> -> memref<10240x128xf32, #tpu.memory_space<vmem_shared>>
        tpu.enqueue_indirect_dma source(%arg8 : memref<128x128xf32, #tpu.memory_space<vmem>>) target(%dma_start3A_340 : memref<10240x128xf32, #tpu.memory_space<vmem_shared>>) offsets(%dma_start3A_337 : memref<128xi32, #tpu.memory_space<vmem>>) semaphore(%run_scoped3A_334 : memref<!tpu.dma_semaphore, #tpu.memory_space<semaphore_mem>>) {add = true}
        %dma_wait3A_341 = arith.constant 0 : i32
        %dma_wait3A_342 = tpu.memref_slice %arg7[%run_scoped3A_265, %dma_wait3A_341] : memref<16x128xi32, #tpu.memory_space<vmem>> -> memref<1x128xi32, #tpu.memory_space<vmem>>
        %dma_wait3A_343 = tpu.memref_squeeze %dma_wait3A_342 : memref<1x128xi32, #tpu.memory_space<vmem>> -> memref<128xi32, #tpu.memory_space<vmem>>
        %dma_wait3A_344 = arith.constant 0 : i32
        %dma_wait3A_345 = arith.constant 0 : i32
        %dma_wait3A_346 = tpu.memref_slice %arg10[%dma_wait3A_344, %dma_wait3A_345] : memref<10240x128xf32, #tpu.memory_space<vmem_shared>> -> memref<10240x128xf32, #tpu.memory_space<vmem_shared>>
        tpu.wait_indirect_dma semaphore(%run_scoped3A_334 : memref<!tpu.dma_semaphore, #tpu.memory_space<semaphore_mem>>) src(%arg8 : memref<128x128xf32, #tpu.memory_space<vmem>>) dst(%dma_wait3A_346 : memref<10240x128xf32, #tpu.memory_space<vmem_shared>>)
        tpu.yield
      }) : () -> ()
      %dma_start3A_266 = arith.constant 12 : i32
      %dma_start3A_267 = arith.constant 0 : i32
      %dma_start3A_268 = tpu.memref_slice %arg6[%dma_start3A_266, %dma_start3A_267] : memref<16x128xi32, #tpu.memory_space<vmem>> -> memref<1x128xi32, #tpu.memory_space<vmem>>
      %dma_start3A_269 = tpu.memref_squeeze %dma_start3A_268 : memref<1x128xi32, #tpu.memory_space<vmem>> -> memref<128xi32, #tpu.memory_space<vmem>>
      %dma_start3A_270 = arith.constant 0 : i32
      %dma_start3A_271 = arith.constant 0 : i32
      %dma_start3A_272 = tpu.memref_slice %arg2[%dma_start3A_270, %dma_start3A_271] : memref<10000x128xf32, #tpu.memory_space<hbm>> -> memref<10000x128xf32, #tpu.memory_space<hbm>>
      tpu.enqueue_indirect_dma source(%dma_start3A_272 : memref<10000x128xf32, #tpu.memory_space<hbm>>) target(%arg8 : memref<128x128xf32, #tpu.memory_space<vmem>>) offsets(%dma_start3A_269 : memref<128xi32, #tpu.memory_space<vmem>>) semaphore(%arg11 : memref<!tpu.dma_semaphore, #tpu.memory_space<semaphore_mem>>)
      %dma_wait3A_273 = arith.constant 11 : i32
      %dma_wait3A_274 = arith.constant 0 : i32
      %dma_wait3A_275 = tpu.memref_slice %arg6[%dma_wait3A_273, %dma_wait3A_274] : memref<16x128xi32, #tpu.memory_space<vmem>> -> memref<1x128xi32, #tpu.memory_space<vmem>>
      %dma_wait3A_276 = tpu.memref_squeeze %dma_wait3A_275 : memref<1x128xi32, #tpu.memory_space<vmem>> -> memref<128xi32, #tpu.memory_space<vmem>>
      %dma_wait3A_277 = arith.constant 0 : i32
      %dma_wait3A_278 = arith.constant 0 : i32
      %dma_wait3A_279 = tpu.memref_slice %arg2[%dma_wait3A_277, %dma_wait3A_278] : memref<10000x128xf32, #tpu.memory_space<hbm>> -> memref<10000x128xf32, #tpu.memory_space<hbm>>
      tpu.wait_indirect_dma semaphore(%arg12 : memref<!tpu.dma_semaphore, #tpu.memory_space<semaphore_mem>>) src(%dma_wait3A_279 : memref<10000x128xf32, #tpu.memory_space<hbm>>) dst(%arg9 : memref<128x128xf32, #tpu.memory_space<vmem>>)
      %run_scoped3A_280 = arith.constant 11 : i32
      "tpu.region"() ({
        %run_scoped3A_334 = tpu.sem_alloc : memref<!tpu.dma_semaphore, #tpu.memory_space<semaphore_mem>>
        %dma_start3A_335 = arith.constant 0 : i32
        %dma_start3A_336 = tpu.memref_slice %arg7[%run_scoped3A_280, %dma_start3A_335] : memref<16x128xi32, #tpu.memory_space<vmem>> -> memref<1x128xi32, #tpu.memory_space<vmem>>
        %dma_start3A_337 = tpu.memref_squeeze %dma_start3A_336 : memref<1x128xi32, #tpu.memory_space<vmem>> -> memref<128xi32, #tpu.memory_space<vmem>>
        %dma_start3A_338 = arith.constant 0 : i32
        %dma_start3A_339 = arith.constant 0 : i32
        %dma_start3A_340 = tpu.memref_slice %arg10[%dma_start3A_338, %dma_start3A_339] : memref<10240x128xf32, #tpu.memory_space<vmem_shared>> -> memref<10240x128xf32, #tpu.memory_space<vmem_shared>>
        tpu.enqueue_indirect_dma source(%arg9 : memref<128x128xf32, #tpu.memory_space<vmem>>) target(%dma_start3A_340 : memref<10240x128xf32, #tpu.memory_space<vmem_shared>>) offsets(%dma_start3A_337 : memref<128xi32, #tpu.memory_space<vmem>>) semaphore(%run_scoped3A_334 : memref<!tpu.dma_semaphore, #tpu.memory_space<semaphore_mem>>) {add = true}
        %dma_wait3A_341 = arith.constant 0 : i32
        %dma_wait3A_342 = tpu.memref_slice %arg7[%run_scoped3A_280, %dma_wait3A_341] : memref<16x128xi32, #tpu.memory_space<vmem>> -> memref<1x128xi32, #tpu.memory_space<vmem>>
        %dma_wait3A_343 = tpu.memref_squeeze %dma_wait3A_342 : memref<1x128xi32, #tpu.memory_space<vmem>> -> memref<128xi32, #tpu.memory_space<vmem>>
        %dma_wait3A_344 = arith.constant 0 : i32
        %dma_wait3A_345 = arith.constant 0 : i32
        %dma_wait3A_346 = tpu.memref_slice %arg10[%dma_wait3A_344, %dma_wait3A_345] : memref<10240x128xf32, #tpu.memory_space<vmem_shared>> -> memref<10240x128xf32, #tpu.memory_space<vmem_shared>>
        tpu.wait_indirect_dma semaphore(%run_scoped3A_334 : memref<!tpu.dma_semaphore, #tpu.memory_space<semaphore_mem>>) src(%arg9 : memref<128x128xf32, #tpu.memory_space<vmem>>) dst(%dma_wait3A_346 : memref<10240x128xf32, #tpu.memory_space<vmem_shared>>)
        tpu.yield
      }) : () -> ()
      %dma_start3A_281 = arith.constant 13 : i32
      %dma_start3A_282 = arith.constant 0 : i32
      %dma_start3A_283 = tpu.memref_slice %arg6[%dma_start3A_281, %dma_start3A_282] : memref<16x128xi32, #tpu.memory_space<vmem>> -> memref<1x128xi32, #tpu.memory_space<vmem>>
      %dma_start3A_284 = tpu.memref_squeeze %dma_start3A_283 : memref<1x128xi32, #tpu.memory_space<vmem>> -> memref<128xi32, #tpu.memory_space<vmem>>
      %dma_start3A_285 = arith.constant 0 : i32
      %dma_start3A_286 = arith.constant 0 : i32
      %dma_start3A_287 = tpu.memref_slice %arg2[%dma_start3A_285, %dma_start3A_286] : memref<10000x128xf32, #tpu.memory_space<hbm>> -> memref<10000x128xf32, #tpu.memory_space<hbm>>
      tpu.enqueue_indirect_dma source(%dma_start3A_287 : memref<10000x128xf32, #tpu.memory_space<hbm>>) target(%arg9 : memref<128x128xf32, #tpu.memory_space<vmem>>) offsets(%dma_start3A_284 : memref<128xi32, #tpu.memory_space<vmem>>) semaphore(%arg12 : memref<!tpu.dma_semaphore, #tpu.memory_space<semaphore_mem>>)
      %dma_wait3A_288 = arith.constant 12 : i32
      %dma_wait3A_289 = arith.constant 0 : i32
      %dma_wait3A_290 = tpu.memref_slice %arg6[%dma_wait3A_288, %dma_wait3A_289] : memref<16x128xi32, #tpu.memory_space<vmem>> -> memref<1x128xi32, #tpu.memory_space<vmem>>
      %dma_wait3A_291 = tpu.memref_squeeze %dma_wait3A_290 : memref<1x128xi32, #tpu.memory_space<vmem>> -> memref<128xi32, #tpu.memory_space<vmem>>
      %dma_wait3A_292 = arith.constant 0 : i32
      %dma_wait3A_293 = arith.constant 0 : i32
      %dma_wait3A_294 = tpu.memref_slice %arg2[%dma_wait3A_292, %dma_wait3A_293] : memref<10000x128xf32, #tpu.memory_space<hbm>> -> memref<10000x128xf32, #tpu.memory_space<hbm>>
      tpu.wait_indirect_dma semaphore(%arg11 : memref<!tpu.dma_semaphore, #tpu.memory_space<semaphore_mem>>) src(%dma_wait3A_294 : memref<10000x128xf32, #tpu.memory_space<hbm>>) dst(%arg8 : memref<128x128xf32, #tpu.memory_space<vmem>>)
      %run_scoped3A_295 = arith.constant 12 : i32
      "tpu.region"() ({
        %run_scoped3A_334 = tpu.sem_alloc : memref<!tpu.dma_semaphore, #tpu.memory_space<semaphore_mem>>
        %dma_start3A_335 = arith.constant 0 : i32
        %dma_start3A_336 = tpu.memref_slice %arg7[%run_scoped3A_295, %dma_start3A_335] : memref<16x128xi32, #tpu.memory_space<vmem>> -> memref<1x128xi32, #tpu.memory_space<vmem>>
        %dma_start3A_337 = tpu.memref_squeeze %dma_start3A_336 : memref<1x128xi32, #tpu.memory_space<vmem>> -> memref<128xi32, #tpu.memory_space<vmem>>
        %dma_start3A_338 = arith.constant 0 : i32
        %dma_start3A_339 = arith.constant 0 : i32
        %dma_start3A_340 = tpu.memref_slice %arg10[%dma_start3A_338, %dma_start3A_339] : memref<10240x128xf32, #tpu.memory_space<vmem_shared>> -> memref<10240x128xf32, #tpu.memory_space<vmem_shared>>
        tpu.enqueue_indirect_dma source(%arg8 : memref<128x128xf32, #tpu.memory_space<vmem>>) target(%dma_start3A_340 : memref<10240x128xf32, #tpu.memory_space<vmem_shared>>) offsets(%dma_start3A_337 : memref<128xi32, #tpu.memory_space<vmem>>) semaphore(%run_scoped3A_334 : memref<!tpu.dma_semaphore, #tpu.memory_space<semaphore_mem>>) {add = true}
        %dma_wait3A_341 = arith.constant 0 : i32
        %dma_wait3A_342 = tpu.memref_slice %arg7[%run_scoped3A_295, %dma_wait3A_341] : memref<16x128xi32, #tpu.memory_space<vmem>> -> memref<1x128xi32, #tpu.memory_space<vmem>>
        %dma_wait3A_343 = tpu.memref_squeeze %dma_wait3A_342 : memref<1x128xi32, #tpu.memory_space<vmem>> -> memref<128xi32, #tpu.memory_space<vmem>>
        %dma_wait3A_344 = arith.constant 0 : i32
        %dma_wait3A_345 = arith.constant 0 : i32
        %dma_wait3A_346 = tpu.memref_slice %arg10[%dma_wait3A_344, %dma_wait3A_345] : memref<10240x128xf32, #tpu.memory_space<vmem_shared>> -> memref<10240x128xf32, #tpu.memory_space<vmem_shared>>
        tpu.wait_indirect_dma semaphore(%run_scoped3A_334 : memref<!tpu.dma_semaphore, #tpu.memory_space<semaphore_mem>>) src(%arg8 : memref<128x128xf32, #tpu.memory_space<vmem>>) dst(%dma_wait3A_346 : memref<10240x128xf32, #tpu.memory_space<vmem_shared>>)
        tpu.yield
      }) : () -> ()
      %dma_start3A_296 = arith.constant 14 : i32
      %dma_start3A_297 = arith.constant 0 : i32
      %dma_start3A_298 = tpu.memref_slice %arg6[%dma_start3A_296, %dma_start3A_297] : memref<16x128xi32, #tpu.memory_space<vmem>> -> memref<1x128xi32, #tpu.memory_space<vmem>>
      %dma_start3A_299 = tpu.memref_squeeze %dma_start3A_298 : memref<1x128xi32, #tpu.memory_space<vmem>> -> memref<128xi32, #tpu.memory_space<vmem>>
      %dma_start3A_300 = arith.constant 0 : i32
      %dma_start3A_301 = arith.constant 0 : i32
      %dma_start3A_302 = tpu.memref_slice %arg2[%dma_start3A_300, %dma_start3A_301] : memref<10000x128xf32, #tpu.memory_space<hbm>> -> memref<10000x128xf32, #tpu.memory_space<hbm>>
      tpu.enqueue_indirect_dma source(%dma_start3A_302 : memref<10000x128xf32, #tpu.memory_space<hbm>>) target(%arg8 : memref<128x128xf32, #tpu.memory_space<vmem>>) offsets(%dma_start3A_299 : memref<128xi32, #tpu.memory_space<vmem>>) semaphore(%arg11 : memref<!tpu.dma_semaphore, #tpu.memory_space<semaphore_mem>>)
      %dma_wait3A_303 = arith.constant 13 : i32
      %dma_wait3A_304 = arith.constant 0 : i32
      %dma_wait3A_305 = tpu.memref_slice %arg6[%dma_wait3A_303, %dma_wait3A_304] : memref<16x128xi32, #tpu.memory_space<vmem>> -> memref<1x128xi32, #tpu.memory_space<vmem>>
      %dma_wait3A_306 = tpu.memref_squeeze %dma_wait3A_305 : memref<1x128xi32, #tpu.memory_space<vmem>> -> memref<128xi32, #tpu.memory_space<vmem>>
      %dma_wait3A_307 = arith.constant 0 : i32
      %dma_wait3A_308 = arith.constant 0 : i32
      %dma_wait3A_309 = tpu.memref_slice %arg2[%dma_wait3A_307, %dma_wait3A_308] : memref<10000x128xf32, #tpu.memory_space<hbm>> -> memref<10000x128xf32, #tpu.memory_space<hbm>>
      tpu.wait_indirect_dma semaphore(%arg12 : memref<!tpu.dma_semaphore, #tpu.memory_space<semaphore_mem>>) src(%dma_wait3A_309 : memref<10000x128xf32, #tpu.memory_space<hbm>>) dst(%arg9 : memref<128x128xf32, #tpu.memory_space<vmem>>)
      %run_scoped3A_310 = arith.constant 13 : i32
      "tpu.region"() ({
        %run_scoped3A_334 = tpu.sem_alloc : memref<!tpu.dma_semaphore, #tpu.memory_space<semaphore_mem>>
        %dma_start3A_335 = arith.constant 0 : i32
        %dma_start3A_336 = tpu.memref_slice %arg7[%run_scoped3A_310, %dma_start3A_335] : memref<16x128xi32, #tpu.memory_space<vmem>> -> memref<1x128xi32, #tpu.memory_space<vmem>>
        %dma_start3A_337 = tpu.memref_squeeze %dma_start3A_336 : memref<1x128xi32, #tpu.memory_space<vmem>> -> memref<128xi32, #tpu.memory_space<vmem>>
        %dma_start3A_338 = arith.constant 0 : i32
        %dma_start3A_339 = arith.constant 0 : i32
        %dma_start3A_340 = tpu.memref_slice %arg10[%dma_start3A_338, %dma_start3A_339] : memref<10240x128xf32, #tpu.memory_space<vmem_shared>> -> memref<10240x128xf32, #tpu.memory_space<vmem_shared>>
        tpu.enqueue_indirect_dma source(%arg9 : memref<128x128xf32, #tpu.memory_space<vmem>>) target(%dma_start3A_340 : memref<10240x128xf32, #tpu.memory_space<vmem_shared>>) offsets(%dma_start3A_337 : memref<128xi32, #tpu.memory_space<vmem>>) semaphore(%run_scoped3A_334 : memref<!tpu.dma_semaphore, #tpu.memory_space<semaphore_mem>>) {add = true}
        %dma_wait3A_341 = arith.constant 0 : i32
        %dma_wait3A_342 = tpu.memref_slice %arg7[%run_scoped3A_310, %dma_wait3A_341] : memref<16x128xi32, #tpu.memory_space<vmem>> -> memref<1x128xi32, #tpu.memory_space<vmem>>
        %dma_wait3A_343 = tpu.memref_squeeze %dma_wait3A_342 : memref<1x128xi32, #tpu.memory_space<vmem>> -> memref<128xi32, #tpu.memory_space<vmem>>
        %dma_wait3A_344 = arith.constant 0 : i32
        %dma_wait3A_345 = arith.constant 0 : i32
        %dma_wait3A_346 = tpu.memref_slice %arg10[%dma_wait3A_344, %dma_wait3A_345] : memref<10240x128xf32, #tpu.memory_space<vmem_shared>> -> memref<10240x128xf32, #tpu.memory_space<vmem_shared>>
        tpu.wait_indirect_dma semaphore(%run_scoped3A_334 : memref<!tpu.dma_semaphore, #tpu.memory_space<semaphore_mem>>) src(%arg9 : memref<128x128xf32, #tpu.memory_space<vmem>>) dst(%dma_wait3A_346 : memref<10240x128xf32, #tpu.memory_space<vmem_shared>>)
        tpu.yield
      }) : () -> ()
      %dma_start3A_311 = arith.constant 15 : i32
      %dma_start3A_312 = arith.constant 0 : i32
      %dma_start3A_313 = tpu.memref_slice %arg6[%dma_start3A_311, %dma_start3A_312] : memref<16x128xi32, #tpu.memory_space<vmem>> -> memref<1x128xi32, #tpu.memory_space<vmem>>
      %dma_start3A_314 = tpu.memref_squeeze %dma_start3A_313 : memref<1x128xi32, #tpu.memory_space<vmem>> -> memref<128xi32, #tpu.memory_space<vmem>>
      %dma_start3A_315 = arith.constant 0 : i32
      %dma_start3A_316 = arith.constant 0 : i32
      %dma_start3A_317 = tpu.memref_slice %arg2[%dma_start3A_315, %dma_start3A_316] : memref<10000x128xf32, #tpu.memory_space<hbm>> -> memref<10000x128xf32, #tpu.memory_space<hbm>>
      tpu.enqueue_indirect_dma source(%dma_start3A_317 : memref<10000x128xf32, #tpu.memory_space<hbm>>) target(%arg9 : memref<128x128xf32, #tpu.memory_space<vmem>>) offsets(%dma_start3A_314 : memref<128xi32, #tpu.memory_space<vmem>>) semaphore(%arg12 : memref<!tpu.dma_semaphore, #tpu.memory_space<semaphore_mem>>)
      %dma_wait3A_318 = arith.constant 14 : i32
      %dma_wait3A_319 = arith.constant 0 : i32
      %dma_wait3A_320 = tpu.memref_slice %arg6[%dma_wait3A_318, %dma_wait3A_319] : memref<16x128xi32, #tpu.memory_space<vmem>> -> memref<1x128xi32, #tpu.memory_space<vmem>>
      %dma_wait3A_321 = tpu.memref_squeeze %dma_wait3A_320 : memref<1x128xi32, #tpu.memory_space<vmem>> -> memref<128xi32, #tpu.memory_space<vmem>>
      %dma_wait3A_322 = arith.constant 0 : i32
      %dma_wait3A_323 = arith.constant 0 : i32
      %dma_wait3A_324 = tpu.memref_slice %arg2[%dma_wait3A_322, %dma_wait3A_323] : memref<10000x128xf32, #tpu.memory_space<hbm>> -> memref<10000x128xf32, #tpu.memory_space<hbm>>
      tpu.wait_indirect_dma semaphore(%arg11 : memref<!tpu.dma_semaphore, #tpu.memory_space<semaphore_mem>>) src(%dma_wait3A_324 : memref<10000x128xf32, #tpu.memory_space<hbm>>) dst(%arg8 : memref<128x128xf32, #tpu.memory_space<vmem>>)
      %run_scoped3A_325 = arith.constant 14 : i32
      "tpu.region"() ({
        %run_scoped3A_334 = tpu.sem_alloc : memref<!tpu.dma_semaphore, #tpu.memory_space<semaphore_mem>>
        %dma_start3A_335 = arith.constant 0 : i32
        %dma_start3A_336 = tpu.memref_slice %arg7[%run_scoped3A_325, %dma_start3A_335] : memref<16x128xi32, #tpu.memory_space<vmem>> -> memref<1x128xi32, #tpu.memory_space<vmem>>
        %dma_start3A_337 = tpu.memref_squeeze %dma_start3A_336 : memref<1x128xi32, #tpu.memory_space<vmem>> -> memref<128xi32, #tpu.memory_space<vmem>>
        %dma_start3A_338 = arith.constant 0 : i32
        %dma_start3A_339 = arith.constant 0 : i32
        %dma_start3A_340 = tpu.memref_slice %arg10[%dma_start3A_338, %dma_start3A_339] : memref<10240x128xf32, #tpu.memory_space<vmem_shared>> -> memref<10240x128xf32, #tpu.memory_space<vmem_shared>>
        tpu.enqueue_indirect_dma source(%arg8 : memref<128x128xf32, #tpu.memory_space<vmem>>) target(%dma_start3A_340 : memref<10240x128xf32, #tpu.memory_space<vmem_shared>>) offsets(%dma_start3A_337 : memref<128xi32, #tpu.memory_space<vmem>>) semaphore(%run_scoped3A_334 : memref<!tpu.dma_semaphore, #tpu.memory_space<semaphore_mem>>) {add = true}
        %dma_wait3A_341 = arith.constant 0 : i32
        %dma_wait3A_342 = tpu.memref_slice %arg7[%run_scoped3A_325, %dma_wait3A_341] : memref<16x128xi32, #tpu.memory_space<vmem>> -> memref<1x128xi32, #tpu.memory_space<vmem>>
        %dma_wait3A_343 = tpu.memref_squeeze %dma_wait3A_342 : memref<1x128xi32, #tpu.memory_space<vmem>> -> memref<128xi32, #tpu.memory_space<vmem>>
        %dma_wait3A_344 = arith.constant 0 : i32
        %dma_wait3A_345 = arith.constant 0 : i32
        %dma_wait3A_346 = tpu.memref_slice %arg10[%dma_wait3A_344, %dma_wait3A_345] : memref<10240x128xf32, #tpu.memory_space<vmem_shared>> -> memref<10240x128xf32, #tpu.memory_space<vmem_shared>>
        tpu.wait_indirect_dma semaphore(%run_scoped3A_334 : memref<!tpu.dma_semaphore, #tpu.memory_space<semaphore_mem>>) src(%arg8 : memref<128x128xf32, #tpu.memory_space<vmem>>) dst(%dma_wait3A_346 : memref<10240x128xf32, #tpu.memory_space<vmem_shared>>)
        tpu.yield
      }) : () -> ()
      %dma_wait3A_326 = arith.constant 15 : i32
      %dma_wait3A_327 = arith.constant 0 : i32
      %dma_wait3A_328 = tpu.memref_slice %arg6[%dma_wait3A_326, %dma_wait3A_327] : memref<16x128xi32, #tpu.memory_space<vmem>> -> memref<1x128xi32, #tpu.memory_space<vmem>>
      %dma_wait3A_329 = tpu.memref_squeeze %dma_wait3A_328 : memref<1x128xi32, #tpu.memory_space<vmem>> -> memref<128xi32, #tpu.memory_space<vmem>>
      %dma_wait3A_330 = arith.constant 0 : i32
      %dma_wait3A_331 = arith.constant 0 : i32
      %dma_wait3A_332 = tpu.memref_slice %arg2[%dma_wait3A_330, %dma_wait3A_331] : memref<10000x128xf32, #tpu.memory_space<hbm>> -> memref<10000x128xf32, #tpu.memory_space<hbm>>
      tpu.wait_indirect_dma semaphore(%arg12 : memref<!tpu.dma_semaphore, #tpu.memory_space<semaphore_mem>>) src(%dma_wait3A_332 : memref<10000x128xf32, #tpu.memory_space<hbm>>) dst(%arg9 : memref<128x128xf32, #tpu.memory_space<vmem>>)
      %run_scoped3A_333 = arith.constant 15 : i32
      "tpu.region"() ({
        %run_scoped3A_334 = tpu.sem_alloc : memref<!tpu.dma_semaphore, #tpu.memory_space<semaphore_mem>>
        %dma_start3A_335 = arith.constant 0 : i32
        %dma_start3A_336 = tpu.memref_slice %arg7[%run_scoped3A_333, %dma_start3A_335] : memref<16x128xi32, #tpu.memory_space<vmem>> -> memref<1x128xi32, #tpu.memory_space<vmem>>
        %dma_start3A_337 = tpu.memref_squeeze %dma_start3A_336 : memref<1x128xi32, #tpu.memory_space<vmem>> -> memref<128xi32, #tpu.memory_space<vmem>>
        %dma_start3A_338 = arith.constant 0 : i32
        %dma_start3A_339 = arith.constant 0 : i32
        %dma_start3A_340 = tpu.memref_slice %arg10[%dma_start3A_338, %dma_start3A_339] : memref<10240x128xf32, #tpu.memory_space<vmem_shared>> -> memref<10240x128xf32, #tpu.memory_space<vmem_shared>>
        tpu.enqueue_indirect_dma source(%arg9 : memref<128x128xf32, #tpu.memory_space<vmem>>) target(%dma_start3A_340 : memref<10240x128xf32, #tpu.memory_space<vmem_shared>>) offsets(%dma_start3A_337 : memref<128xi32, #tpu.memory_space<vmem>>) semaphore(%run_scoped3A_334 : memref<!tpu.dma_semaphore, #tpu.memory_space<semaphore_mem>>) {add = true}
        %dma_wait3A_341 = arith.constant 0 : i32
        %dma_wait3A_342 = tpu.memref_slice %arg7[%run_scoped3A_333, %dma_wait3A_341] : memref<16x128xi32, #tpu.memory_space<vmem>> -> memref<1x128xi32, #tpu.memory_space<vmem>>
        %dma_wait3A_343 = tpu.memref_squeeze %dma_wait3A_342 : memref<1x128xi32, #tpu.memory_space<vmem>> -> memref<128xi32, #tpu.memory_space<vmem>>
        %dma_wait3A_344 = arith.constant 0 : i32
        %dma_wait3A_345 = arith.constant 0 : i32
        %dma_wait3A_346 = tpu.memref_slice %arg10[%dma_wait3A_344, %dma_wait3A_345] : memref<10240x128xf32, #tpu.memory_space<vmem_shared>> -> memref<10240x128xf32, #tpu.memory_space<vmem_shared>>
        tpu.wait_indirect_dma semaphore(%run_scoped3A_334 : memref<!tpu.dma_semaphore, #tpu.memory_space<semaphore_mem>>) src(%arg9 : memref<128x128xf32, #tpu.memory_space<vmem>>) dst(%dma_wait3A_346 : memref<10240x128xf32, #tpu.memory_space<vmem_shared>>)
        tpu.yield
      }) : () -> ()
    }
    %scan3A_63 = arith.constant 5 : i32
    %barrier3A_64 = arith.constant 0 : index
    tpu.barrier barrier_id(%barrier3A_64)
    %add3A_65 = arith.constant 0 : i32
    %add3A_66 = arith.addi %mul3A_9, %add3A_65 : i32
    "tpu.region"() ({
      %run_scoped3A = tpu.sem_alloc : memref<!tpu.dma_semaphore, #tpu.memory_space<semaphore_mem>>
      %dma_start3A_75 = arith.constant 0 : i32
      %dma_start3A_76 = tpu.memref_slice %arg5[%arg0, %add3A_66, %dma_start3A_75] : memref<2x10240x128xf32, #tpu.memory_space<hbm>> -> memref<1x128x128xf32, #tpu.memory_space<hbm>>
      %dma_start3A_77 = tpu.memref_squeeze %dma_start3A_76 : memref<1x128x128xf32, #tpu.memory_space<hbm>> -> memref<128x128xf32, #tpu.memory_space<hbm>>
      %dma_start3A_78 = arith.constant 0 : i32
      %dma_start3A_79 = tpu.memref_slice %arg10[%add3A_66, %dma_start3A_78] : memref<10240x128xf32, #tpu.memory_space<vmem_shared>> -> memref<128x128xf32, #tpu.memory_space<vmem_shared>>
      tpu.enqueue_dma source(%dma_start3A_79 : memref<128x128xf32, #tpu.memory_space<vmem_shared>>) target(%dma_start3A_77 : memref<128x128xf32, #tpu.memory_space<hbm>>) target_semaphore(%run_scoped3A : memref<!tpu.dma_semaphore, #tpu.memory_space<semaphore_mem>>)
      %dma_wait3A_80 = arith.constant 0 : i32
      %dma_wait3A_81 = tpu.memref_slice %arg5[%arg0, %add3A_66, %dma_wait3A_80] : memref<2x10240x128xf32, #tpu.memory_space<hbm>> -> memref<1x128x128xf32, #tpu.memory_space<hbm>>
      %dma_wait3A_82 = tpu.memref_squeeze %dma_wait3A_81 : memref<1x128x128xf32, #tpu.memory_space<hbm>> -> memref<128x128xf32, #tpu.memory_space<hbm>>
      %dma_wait3A_83 = arith.constant 0 : i32
      %dma_wait3A_84 = tpu.memref_slice %arg10[%add3A_66, %dma_wait3A_83] : memref<10240x128xf32, #tpu.memory_space<vmem_shared>> -> memref<128x128xf32, #tpu.memory_space<vmem_shared>>
      tpu.wait_dma2 semaphore(%run_scoped3A : memref<!tpu.dma_semaphore, #tpu.memory_space<semaphore_mem>>) src(%dma_wait3A_84 : memref<128x128xf32, #tpu.memory_space<vmem_shared>>) dst(%dma_wait3A_82 : memref<128x128xf32, #tpu.memory_space<hbm>>)
      tpu.yield
    }) : () -> ()
    %add3A_67 = arith.constant 128 : i32
    %add3A_68 = arith.addi %mul3A_9, %add3A_67 : i32
    "tpu.region"() ({
      %run_scoped3A = tpu.sem_alloc : memref<!tpu.dma_semaphore, #tpu.memory_space<semaphore_mem>>
      %dma_start3A_75 = arith.constant 0 : i32
      %dma_start3A_76 = tpu.memref_slice %arg5[%arg0, %add3A_68, %dma_start3A_75] : memref<2x10240x128xf32, #tpu.memory_space<hbm>> -> memref<1x128x128xf32, #tpu.memory_space<hbm>>
      %dma_start3A_77 = tpu.memref_squeeze %dma_start3A_76 : memref<1x128x128xf32, #tpu.memory_space<hbm>> -> memref<128x128xf32, #tpu.memory_space<hbm>>
      %dma_start3A_78 = arith.constant 0 : i32
      %dma_start3A_79 = tpu.memref_slice %arg10[%add3A_68, %dma_start3A_78] : memref<10240x128xf32, #tpu.memory_space<vmem_shared>> -> memref<128x128xf32, #tpu.memory_space<vmem_shared>>
      tpu.enqueue_dma source(%dma_start3A_79 : memref<128x128xf32, #tpu.memory_space<vmem_shared>>) target(%dma_start3A_77 : memref<128x128xf32, #tpu.memory_space<hbm>>) target_semaphore(%run_scoped3A : memref<!tpu.dma_semaphore, #tpu.memory_space<semaphore_mem>>)
      %dma_wait3A_80 = arith.constant 0 : i32
      %dma_wait3A_81 = tpu.memref_slice %arg5[%arg0, %add3A_68, %dma_wait3A_80] : memref<2x10240x128xf32, #tpu.memory_space<hbm>> -> memref<1x128x128xf32, #tpu.memory_space<hbm>>
      %dma_wait3A_82 = tpu.memref_squeeze %dma_wait3A_81 : memref<1x128x128xf32, #tpu.memory_space<hbm>> -> memref<128x128xf32, #tpu.memory_space<hbm>>
      %dma_wait3A_83 = arith.constant 0 : i32
      %dma_wait3A_84 = tpu.memref_slice %arg10[%add3A_68, %dma_wait3A_83] : memref<10240x128xf32, #tpu.memory_space<vmem_shared>> -> memref<128x128xf32, #tpu.memory_space<vmem_shared>>
      tpu.wait_dma2 semaphore(%run_scoped3A : memref<!tpu.dma_semaphore, #tpu.memory_space<semaphore_mem>>) src(%dma_wait3A_84 : memref<128x128xf32, #tpu.memory_space<vmem_shared>>) dst(%dma_wait3A_82 : memref<128x128xf32, #tpu.memory_space<hbm>>)
      tpu.yield
    }) : () -> ()
    %add3A_69 = arith.constant 256 : i32
    %add3A_70 = arith.addi %mul3A_9, %add3A_69 : i32
    "tpu.region"() ({
      %run_scoped3A = tpu.sem_alloc : memref<!tpu.dma_semaphore, #tpu.memory_space<semaphore_mem>>
      %dma_start3A_75 = arith.constant 0 : i32
      %dma_start3A_76 = tpu.memref_slice %arg5[%arg0, %add3A_70, %dma_start3A_75] : memref<2x10240x128xf32, #tpu.memory_space<hbm>> -> memref<1x128x128xf32, #tpu.memory_space<hbm>>
      %dma_start3A_77 = tpu.memref_squeeze %dma_start3A_76 : memref<1x128x128xf32, #tpu.memory_space<hbm>> -> memref<128x128xf32, #tpu.memory_space<hbm>>
      %dma_start3A_78 = arith.constant 0 : i32
      %dma_start3A_79 = tpu.memref_slice %arg10[%add3A_70, %dma_start3A_78] : memref<10240x128xf32, #tpu.memory_space<vmem_shared>> -> memref<128x128xf32, #tpu.memory_space<vmem_shared>>
      tpu.enqueue_dma source(%dma_start3A_79 : memref<128x128xf32, #tpu.memory_space<vmem_shared>>) target(%dma_start3A_77 : memref<128x128xf32, #tpu.memory_space<hbm>>) target_semaphore(%run_scoped3A : memref<!tpu.dma_semaphore, #tpu.memory_space<semaphore_mem>>)
      %dma_wait3A_80 = arith.constant 0 : i32
      %dma_wait3A_81 = tpu.memref_slice %arg5[%arg0, %add3A_70, %dma_wait3A_80] : memref<2x10240x128xf32, #tpu.memory_space<hbm>> -> memref<1x128x128xf32, #tpu.memory_space<hbm>>
      %dma_wait3A_82 = tpu.memref_squeeze %dma_wait3A_81 : memref<1x128x128xf32, #tpu.memory_space<hbm>> -> memref<128x128xf32, #tpu.memory_space<hbm>>
      %dma_wait3A_83 = arith.constant 0 : i32
      %dma_wait3A_84 = tpu.memref_slice %arg10[%add3A_70, %dma_wait3A_83] : memref<10240x128xf32, #tpu.memory_space<vmem_shared>> -> memref<128x128xf32, #tpu.memory_space<vmem_shared>>
      tpu.wait_dma2 semaphore(%run_scoped3A : memref<!tpu.dma_semaphore, #tpu.memory_space<semaphore_mem>>) src(%dma_wait3A_84 : memref<128x128xf32, #tpu.memory_space<vmem_shared>>) dst(%dma_wait3A_82 : memref<128x128xf32, #tpu.memory_space<hbm>>)
      tpu.yield
    }) : () -> ()
    %add3A_71 = arith.constant 384 : i32
    %add3A_72 = arith.addi %mul3A_9, %add3A_71 : i32
    "tpu.region"() ({
      %run_scoped3A = tpu.sem_alloc : memref<!tpu.dma_semaphore, #tpu.memory_space<semaphore_mem>>
      %dma_start3A_75 = arith.constant 0 : i32
      %dma_start3A_76 = tpu.memref_slice %arg5[%arg0, %add3A_72, %dma_start3A_75] : memref<2x10240x128xf32, #tpu.memory_space<hbm>> -> memref<1x128x128xf32, #tpu.memory_space<hbm>>
      %dma_start3A_77 = tpu.memref_squeeze %dma_start3A_76 : memref<1x128x128xf32, #tpu.memory_space<hbm>> -> memref<128x128xf32, #tpu.memory_space<hbm>>
      %dma_start3A_78 = arith.constant 0 : i32
      %dma_start3A_79 = tpu.memref_slice %arg10[%add3A_72, %dma_start3A_78] : memref<10240x128xf32, #tpu.memory_space<vmem_shared>> -> memref<128x128xf32, #tpu.memory_space<vmem_shared>>
      tpu.enqueue_dma source(%dma_start3A_79 : memref<128x128xf32, #tpu.memory_space<vmem_shared>>) target(%dma_start3A_77 : memref<128x128xf32, #tpu.memory_space<hbm>>) target_semaphore(%run_scoped3A : memref<!tpu.dma_semaphore, #tpu.memory_space<semaphore_mem>>)
      %dma_wait3A_80 = arith.constant 0 : i32
      %dma_wait3A_81 = tpu.memref_slice %arg5[%arg0, %add3A_72, %dma_wait3A_80] : memref<2x10240x128xf32, #tpu.memory_space<hbm>> -> memref<1x128x128xf32, #tpu.memory_space<hbm>>
      %dma_wait3A_82 = tpu.memref_squeeze %dma_wait3A_81 : memref<1x128x128xf32, #tpu.memory_space<hbm>> -> memref<128x128xf32, #tpu.memory_space<hbm>>
      %dma_wait3A_83 = arith.constant 0 : i32
      %dma_wait3A_84 = tpu.memref_slice %arg10[%add3A_72, %dma_wait3A_83] : memref<10240x128xf32, #tpu.memory_space<vmem_shared>> -> memref<128x128xf32, #tpu.memory_space<vmem_shared>>
      tpu.wait_dma2 semaphore(%run_scoped3A : memref<!tpu.dma_semaphore, #tpu.memory_space<semaphore_mem>>) src(%dma_wait3A_84 : memref<128x128xf32, #tpu.memory_space<vmem_shared>>) dst(%dma_wait3A_82 : memref<128x128xf32, #tpu.memory_space<hbm>>)
      tpu.yield
    }) : () -> ()
    %add3A_73 = arith.constant 512 : i32
    %add3A_74 = arith.addi %mul3A_9, %add3A_73 : i32
    "tpu.region"() ({
      %run_scoped3A = tpu.sem_alloc : memref<!tpu.dma_semaphore, #tpu.memory_space<semaphore_mem>>
      %dma_start3A_75 = arith.constant 0 : i32
      %dma_start3A_76 = tpu.memref_slice %arg5[%arg0, %add3A_74, %dma_start3A_75] : memref<2x10240x128xf32, #tpu.memory_space<hbm>> -> memref<1x128x128xf32, #tpu.memory_space<hbm>>
      %dma_start3A_77 = tpu.memref_squeeze %dma_start3A_76 : memref<1x128x128xf32, #tpu.memory_space<hbm>> -> memref<128x128xf32, #tpu.memory_space<hbm>>
      %dma_start3A_78 = arith.constant 0 : i32
      %dma_start3A_79 = tpu.memref_slice %arg10[%add3A_74, %dma_start3A_78] : memref<10240x128xf32, #tpu.memory_space<vmem_shared>> -> memref<128x128xf32, #tpu.memory_space<vmem_shared>>
      tpu.enqueue_dma source(%dma_start3A_79 : memref<128x128xf32, #tpu.memory_space<vmem_shared>>) target(%dma_start3A_77 : memref<128x128xf32, #tpu.memory_space<hbm>>) target_semaphore(%run_scoped3A : memref<!tpu.dma_semaphore, #tpu.memory_space<semaphore_mem>>)
      %dma_wait3A_80 = arith.constant 0 : i32
      %dma_wait3A_81 = tpu.memref_slice %arg5[%arg0, %add3A_74, %dma_wait3A_80] : memref<2x10240x128xf32, #tpu.memory_space<hbm>> -> memref<1x128x128xf32, #tpu.memory_space<hbm>>
      %dma_wait3A_82 = tpu.memref_squeeze %dma_wait3A_81 : memref<1x128x128xf32, #tpu.memory_space<hbm>> -> memref<128x128xf32, #tpu.memory_space<hbm>>
      %dma_wait3A_83 = arith.constant 0 : i32
      %dma_wait3A_84 = tpu.memref_slice %arg10[%add3A_74, %dma_wait3A_83] : memref<10240x128xf32, #tpu.memory_space<vmem_shared>> -> memref<128x128xf32, #tpu.memory_space<vmem_shared>>
      tpu.wait_dma2 semaphore(%run_scoped3A : memref<!tpu.dma_semaphore, #tpu.memory_space<semaphore_mem>>) src(%dma_wait3A_84 : memref<128x128xf32, #tpu.memory_space<vmem_shared>>) dst(%dma_wait3A_82 : memref<128x128xf32, #tpu.memory_space<hbm>>)
      tpu.yield
    }) : () -> ()
    return
  }
}

module attributes {stable_mosaic.version = 14 : i64} {
  func.func @body(%arg0: i32, %arg1: memref<1x2000x128xf32, #tpu.memory_space<vmem>>, %arg2: memref<1x2000x128xf32, #tpu.memory_space<vmem>>, %arg3: memref<2000x1xf32, #tpu.memory_space<vmem>>, %arg4: memref<2000x1xf32, #tpu.memory_space<vmem>>, %arg5: memref<2000x128xf32, #tpu.memory_space<vmem>>, %arg6: memref<128x128xf32, #tpu.memory_space<vmem>>, %arg7: memref<128x128xf32, #tpu.memory_space<vmem>>, %arg8: memref<1x128xf32, #tpu.memory_space<vmem>>, %arg9: memref<2000x128xf32, #tpu.memory_space<vmem>>) attributes {dimension_semantics = [#tpu.dimension_semantics<arbitrary>], iteration_bounds = array<i64: 5>, scalar_prefetch = 0 : i64, scratch_operands = 0 : i64, tpu.core_type = #tpu.core_type<tc>, window_params = [{transform_indices = @transform_0, window_bounds = array<i64: 1, 2000, 128>}, {transform_indices = @transform_1, window_bounds = array<i64: 1, 2000, 128>}, {transform_indices = @transform_2, window_bounds = array<i64: 2000, 1>}, {transform_indices = @transform_3, window_bounds = array<i64: 2000, 1>}, {transform_indices = @transform_4, window_bounds = array<i64: 2000, 128>}, {pipeline_mode = #tpu.pipeline_mode<synchronous>, transform_indices = @transform_5, window_bounds = array<i64: 128, 128>}, {pipeline_mode = #tpu.pipeline_mode<synchronous>, transform_indices = @transform_6, window_bounds = array<i64: 128, 128>}, {pipeline_mode = #tpu.pipeline_mode<synchronous>, transform_indices = @transform_7, window_bounds = array<i64: 1, 128>}, {transform_indices = @transform_8, window_bounds = array<i64: 2000, 128>}]} {
    %get3A = arith.constant 0 : index
    %get3A_0 = arith.constant 0 : index
    %get3A_1 = vector.load %arg3[%get3A, %get3A_0] : memref<2000x1xf32, #tpu.memory_space<vmem>>, vector<2000x1xf32>
    %get3A_2 = arith.constant 0 : index
    %get3A_3 = arith.constant 0 : index
    %get3A_4 = vector.load %arg4[%get3A_2, %get3A_3] : memref<2000x1xf32, #tpu.memory_space<vmem>>, vector<2000x1xf32>
    %add3A = arith.addf %get3A_1, %get3A_4 : vector<2000x1xf32>
    %max3A = arith.constant 1.000000e+00 : f32
    %max3A_5 = vector.broadcast %max3A : f32 to vector<2000x1xf32>
    %max3A_6 = arith.maximumf %add3A, %max3A_5 : vector<2000x1xf32>
    %get3A_7 = arith.constant 0 : index
    %get3A_8 = arith.constant 0 : index
    %get3A_9 = arith.constant 0 : index
    %get3A_10 = vector.load %arg1[%get3A_7, %get3A_8, %get3A_9] : memref<1x2000x128xf32, #tpu.memory_space<vmem>>, vector<1x2000x128xf32>
    %get3A_11 = vector.shape_cast %get3A_10 : vector<1x2000x128xf32> to vector<2000x128xf32>
    %get3A_12 = arith.constant 0 : index
    %get3A_13 = arith.constant 0 : index
    %get3A_14 = arith.constant 0 : index
    %get3A_15 = vector.load %arg2[%get3A_12, %get3A_13, %get3A_14] : memref<1x2000x128xf32, #tpu.memory_space<vmem>>, vector<1x2000x128xf32>
    %get3A_16 = vector.shape_cast %get3A_15 : vector<1x2000x128xf32> to vector<2000x128xf32>
    %add3A_17 = arith.addf %get3A_11, %get3A_16 : vector<2000x128xf32>
    %div3A = vector.broadcast %max3A_6 : vector<2000x1xf32> to vector<2000x128xf32>
    %div3A_18 = arith.divf %add3A_17, %div3A : vector<2000x128xf32>
    %get3A_19 = arith.constant 0 : index
    %get3A_20 = arith.constant 0 : index
    %get3A_21 = vector.load %arg6[%get3A_19, %get3A_20] : memref<128x128xf32, #tpu.memory_space<vmem>>, vector<128x128xf32>
    %dot_general3A = arith.constant dense<0.000000e+00> : vector<2000x128xf32>
    %dot_general3A_22 = tpu.matmul %div3A_18, %get3A_21, %dot_general3A {dimension_numbers = #tpu.dot_dimension_numbers<[1], [0], [0], [1], [0, 0, 1, 1], [], []>, transpose_lhs_hint = false} : vector<2000x128xf32>, vector<128x128xf32>, vector<2000x128xf32> -> vector<2000x128xf32>
    %get3A_23 = arith.constant 0 : index
    %get3A_24 = arith.constant 0 : index
    %get3A_25 = vector.load %arg5[%get3A_23, %get3A_24] : memref<2000x128xf32, #tpu.memory_space<vmem>>, vector<2000x128xf32>
    %get3A_26 = arith.constant 0 : index
    %get3A_27 = arith.constant 0 : index
    %get3A_28 = vector.load %arg7[%get3A_26, %get3A_27] : memref<128x128xf32, #tpu.memory_space<vmem>>, vector<128x128xf32>
    %dot_general3A_29 = arith.constant dense<0.000000e+00> : vector<2000x128xf32>
    %dot_general3A_30 = tpu.matmul %get3A_25, %get3A_28, %dot_general3A_29 {dimension_numbers = #tpu.dot_dimension_numbers<[1], [0], [0], [1], [0, 0, 1, 1], [], []>, transpose_lhs_hint = false} : vector<2000x128xf32>, vector<128x128xf32>, vector<2000x128xf32> -> vector<2000x128xf32>
    %add3A_31 = arith.addf %dot_general3A_22, %dot_general3A_30 : vector<2000x128xf32>
    %get3A_32 = arith.constant 0 : index
    %get3A_33 = arith.constant 0 : index
    %get3A_34 = vector.load %arg8[%get3A_32, %get3A_33] : memref<1x128xf32, #tpu.memory_space<vmem>>, vector<1x128xf32>
    %add3A_35 = vector.broadcast %get3A_34 : vector<1x128xf32> to vector<2000x128xf32>
    %add3A_36 = arith.addf %add3A_31, %add3A_35 : vector<2000x128xf32>
    %max3A_37 = arith.constant 0.000000e+00 : f32
    %max3A_38 = vector.broadcast %max3A_37 : f32 to vector<2000x128xf32>
    %max3A_39 = arith.maximumf %add3A_36, %max3A_38 : vector<2000x128xf32>
    %swap3A = arith.constant 0 : index
    %swap3A_40 = arith.constant 0 : index
    %swap3A_41 = vector.load %arg9[%swap3A, %swap3A_40] : memref<2000x128xf32, #tpu.memory_space<vmem>>, vector<2000x128xf32>
    tpu.vector_store %arg9[%swap3A, %swap3A_40], %max3A_39 {strides = array<i32>} : memref<2000x128xf32, #tpu.memory_space<vmem>>, vector<2000x128xf32>,
    return
  }
  func.func @transform_0(%arg0: i32) -> (i32, i32, i32) {
    %c0_i32 = arith.constant 0 : i32
    %c0_i32_0 = arith.constant 0 : i32
    %c0_i32_1 = arith.constant 0 : i32
    return %c0_i32, %arg0, %c0_i32_0 : i32, i32, i32
  }
  func.func @transform_1(%arg0: i32) -> (i32, i32, i32) {
    %c1_i32 = arith.constant 1 : i32
    %c0_i32 = arith.constant 0 : i32
    %c0_i32_0 = arith.constant 0 : i32
    return %c1_i32, %arg0, %c0_i32 : i32, i32, i32
  }
  func.func @transform_2(%arg0: i32) -> (i32, i32) {
    %c0_i32 = arith.constant 0 : i32
    %c0_i32_0 = arith.constant 0 : i32
    return %arg0, %c0_i32 : i32, i32
  }
  func.func @transform_3(%arg0: i32) -> (i32, i32) {
    %c0_i32 = arith.constant 0 : i32
    %c0_i32_0 = arith.constant 0 : i32
    return %arg0, %c0_i32 : i32, i32
  }
  func.func @transform_4(%arg0: i32) -> (i32, i32) {
    %c0_i32 = arith.constant 0 : i32
    %c0_i32_0 = arith.constant 0 : i32
    return %arg0, %c0_i32 : i32, i32
  }
  func.func @transform_5(%arg0: i32) -> (i32, i32) {
    %c0_i32 = arith.constant 0 : i32
    %c0_i32_0 = arith.constant 0 : i32
    %c0_i32_1 = arith.constant 0 : i32
    return %c0_i32, %c0_i32_0 : i32, i32
  }
  func.func @transform_6(%arg0: i32) -> (i32, i32) {
    %c0_i32 = arith.constant 0 : i32
    %c0_i32_0 = arith.constant 0 : i32
    %c0_i32_1 = arith.constant 0 : i32
    return %c0_i32, %c0_i32_0 : i32, i32
  }
  func.func @transform_7(%arg0: i32) -> (i32, i32) {
    %c0_i32 = arith.constant 0 : i32
    %c0_i32_0 = arith.constant 0 : i32
    %c0_i32_1 = arith.constant 0 : i32
    return %c0_i32, %c0_i32_0 : i32, i32
  }
  func.func @transform_8(%arg0: i32) -> (i32, i32) {
    %c0_i32 = arith.constant 0 : i32
    %c0_i32_0 = arith.constant 0 : i32
    return %arg0, %c0_i32 : i32, i32
  }
}

module attributes {stable_mosaic.version = 14 : i64} {
  func.func @body(%arg0: i32, %arg1: memref<1x2000x128xf32, #tpu.memory_space<vmem>>, %arg2: memref<1x2000x128xf32, #tpu.memory_space<vmem>>, %arg3: memref<2000x1xf32, #tpu.memory_space<vmem>>, %arg4: memref<2000x1xf32, #tpu.memory_space<vmem>>, %arg5: memref<2000x128xf32, #tpu.memory_space<vmem>>, %arg6: memref<128x128xf32, #tpu.memory_space<vmem>>, %arg7: memref<128x128xf32, #tpu.memory_space<vmem>>, %arg8: memref<1x128xf32, #tpu.memory_space<vmem>>, %arg9: memref<2000x128xf32, #tpu.memory_space<vmem>>) attributes {dimension_semantics = [#tpu.dimension_semantics<arbitrary>], iteration_bounds = array<i64: 5>, scalar_prefetch = 0 : i64, scratch_operands = 0 : i64, tpu.core_type = #tpu.core_type<tc>, window_params = [{transform_indices = @transform_0, window_bounds = array<i64: 1, 2000, 128>}, {transform_indices = @transform_1, window_bounds = array<i64: 1, 2000, 128>}, {transform_indices = @transform_2, window_bounds = array<i64: 2000, 1>}, {transform_indices = @transform_3, window_bounds = array<i64: 2000, 1>}, {transform_indices = @transform_4, window_bounds = array<i64: 2000, 128>}, {pipeline_mode = #tpu.pipeline_mode<synchronous>, transform_indices = @transform_5, window_bounds = array<i64: 128, 128>}, {pipeline_mode = #tpu.pipeline_mode<synchronous>, transform_indices = @transform_6, window_bounds = array<i64: 128, 128>}, {pipeline_mode = #tpu.pipeline_mode<synchronous>, transform_indices = @transform_7, window_bounds = array<i64: 1, 128>}, {transform_indices = @transform_8, window_bounds = array<i64: 2000, 128>}]} {
    %get3A = arith.constant 0 : index
    %get3A_0 = arith.constant 0 : index
    %get3A_1 = vector.load %arg3[%get3A, %get3A_0] : memref<2000x1xf32, #tpu.memory_space<vmem>>, vector<2000x1xf32>
    %get3A_2 = arith.constant 0 : index
    %get3A_3 = arith.constant 0 : index
    %get3A_4 = vector.load %arg4[%get3A_2, %get3A_3] : memref<2000x1xf32, #tpu.memory_space<vmem>>, vector<2000x1xf32>
    %add3A = arith.addf %get3A_1, %get3A_4 : vector<2000x1xf32>
    %max3A = arith.constant 1.000000e+00 : f32
    %max3A_5 = vector.broadcast %max3A : f32 to vector<2000x1xf32>
    %max3A_6 = arith.maximumf %add3A, %max3A_5 : vector<2000x1xf32>
    %get3A_7 = arith.constant 0 : index
    %get3A_8 = arith.constant 0 : index
    %get3A_9 = arith.constant 0 : index
    %get3A_10 = vector.load %arg1[%get3A_7, %get3A_8, %get3A_9] : memref<1x2000x128xf32, #tpu.memory_space<vmem>>, vector<1x2000x128xf32>
    %get3A_11 = vector.shape_cast %get3A_10 : vector<1x2000x128xf32> to vector<2000x128xf32>
    %get3A_12 = arith.constant 0 : index
    %get3A_13 = arith.constant 0 : index
    %get3A_14 = arith.constant 0 : index
    %get3A_15 = vector.load %arg2[%get3A_12, %get3A_13, %get3A_14] : memref<1x2000x128xf32, #tpu.memory_space<vmem>>, vector<1x2000x128xf32>
    %get3A_16 = vector.shape_cast %get3A_15 : vector<1x2000x128xf32> to vector<2000x128xf32>
    %add3A_17 = arith.addf %get3A_11, %get3A_16 : vector<2000x128xf32>
    %div3A = vector.broadcast %max3A_6 : vector<2000x1xf32> to vector<2000x128xf32>
    %div3A_18 = arith.divf %add3A_17, %div3A : vector<2000x128xf32>
    %get3A_19 = arith.constant 0 : index
    %get3A_20 = arith.constant 0 : index
    %get3A_21 = vector.load %arg6[%get3A_19, %get3A_20] : memref<128x128xf32, #tpu.memory_space<vmem>>, vector<128x128xf32>
    %dot_general3A = arith.constant dense<0.000000e+00> : vector<2000x128xf32>
    %dot_general3A_22 = tpu.matmul %div3A_18, %get3A_21, %dot_general3A {dimension_numbers = #tpu.dot_dimension_numbers<[1], [0], [0], [1], [0, 0, 1, 1], [], []>, transpose_lhs_hint = false} : vector<2000x128xf32>, vector<128x128xf32>, vector<2000x128xf32> -> vector<2000x128xf32>
    %get3A_23 = arith.constant 0 : index
    %get3A_24 = arith.constant 0 : index
    %get3A_25 = vector.load %arg5[%get3A_23, %get3A_24] : memref<2000x128xf32, #tpu.memory_space<vmem>>, vector<2000x128xf32>
    %get3A_26 = arith.constant 0 : index
    %get3A_27 = arith.constant 0 : index
    %get3A_28 = vector.load %arg7[%get3A_26, %get3A_27] : memref<128x128xf32, #tpu.memory_space<vmem>>, vector<128x128xf32>
    %dot_general3A_29 = arith.constant dense<0.000000e+00> : vector<2000x128xf32>
    %dot_general3A_30 = tpu.matmul %get3A_25, %get3A_28, %dot_general3A_29 {dimension_numbers = #tpu.dot_dimension_numbers<[1], [0], [0], [1], [0, 0, 1, 1], [], []>, transpose_lhs_hint = false} : vector<2000x128xf32>, vector<128x128xf32>, vector<2000x128xf32> -> vector<2000x128xf32>
    %add3A_31 = arith.addf %dot_general3A_22, %dot_general3A_30 : vector<2000x128xf32>
    %get3A_32 = arith.constant 0 : index
    %get3A_33 = arith.constant 0 : index
    %get3A_34 = vector.load %arg8[%get3A_32, %get3A_33] : memref<1x128xf32, #tpu.memory_space<vmem>>, vector<1x128xf32>
    %add3A_35 = vector.broadcast %get3A_34 : vector<1x128xf32> to vector<2000x128xf32>
    %add3A_36 = arith.addf %add3A_31, %add3A_35 : vector<2000x128xf32>
    %swap3A = arith.constant 0 : index
    %swap3A_37 = arith.constant 0 : index
    %swap3A_38 = vector.load %arg9[%swap3A, %swap3A_37] : memref<2000x128xf32, #tpu.memory_space<vmem>>, vector<2000x128xf32>
    tpu.vector_store %arg9[%swap3A, %swap3A_37], %add3A_36 {strides = array<i32>} : memref<2000x128xf32, #tpu.memory_space<vmem>>, vector<2000x128xf32>,
    return
  }
  func.func @transform_0(%arg0: i32) -> (i32, i32, i32) {
    %c0_i32 = arith.constant 0 : i32
    %c0_i32_0 = arith.constant 0 : i32
    %c0_i32_1 = arith.constant 0 : i32
    return %c0_i32, %arg0, %c0_i32_0 : i32, i32, i32
  }
  func.func @transform_1(%arg0: i32) -> (i32, i32, i32) {
    %c1_i32 = arith.constant 1 : i32
    %c0_i32 = arith.constant 0 : i32
    %c0_i32_0 = arith.constant 0 : i32
    return %c1_i32, %arg0, %c0_i32 : i32, i32, i32
  }
  func.func @transform_2(%arg0: i32) -> (i32, i32) {
    %c0_i32 = arith.constant 0 : i32
    %c0_i32_0 = arith.constant 0 : i32
    return %arg0, %c0_i32 : i32, i32
  }
  func.func @transform_3(%arg0: i32) -> (i32, i32) {
    %c0_i32 = arith.constant 0 : i32
    %c0_i32_0 = arith.constant 0 : i32
    return %arg0, %c0_i32 : i32, i32
  }
  func.func @transform_4(%arg0: i32) -> (i32, i32) {
    %c0_i32 = arith.constant 0 : i32
    %c0_i32_0 = arith.constant 0 : i32
    return %arg0, %c0_i32 : i32, i32
  }
  func.func @transform_5(%arg0: i32) -> (i32, i32) {
    %c0_i32 = arith.constant 0 : i32
    %c0_i32_0 = arith.constant 0 : i32
    %c0_i32_1 = arith.constant 0 : i32
    return %c0_i32, %c0_i32_0 : i32, i32
  }
  func.func @transform_6(%arg0: i32) -> (i32, i32) {
    %c0_i32 = arith.constant 0 : i32
    %c0_i32_0 = arith.constant 0 : i32
    %c0_i32_1 = arith.constant 0 : i32
    return %c0_i32, %c0_i32_0 : i32, i32
  }
  func.func @transform_7(%arg0: i32) -> (i32, i32) {
    %c0_i32 = arith.constant 0 : i32
    %c0_i32_0 = arith.constant 0 : i32
    %c0_i32_1 = arith.constant 0 : i32
    return %c0_i32, %c0_i32_0 : i32, i32
  }
  func.func @transform_8(%arg0: i32) -> (i32, i32) {
    %c0_i32 = arith.constant 0 : i32
    %c0_i32_0 = arith.constant 0 : i32
    return %arg0, %c0_i32 : i32, i32
  }
}

</mosaic_0001>

<sc_bundles>
// kernel: kernel.6.cloned.1.call-start
scs
__scs_entry_jumppad:
0x0: {  	(pc) =	sbr.rel $0x88, $3  }
0x1: {  	(tag) =	ssettag $0x0;
	lr =	simm.s32 $0x1  }
0x2: {  	[smem:$0x3F99] =	sst lr;
	_ =	strace $0xD0000000  }
0x3: {  	_ = 	snop  }
0x4: {  	_ = 	snop  }
0x5: {  	_ = 	snop  }
0x6: {  	_ = 	snop  }
0x7: {  	_ = 	snop  }
__scs_overlays_trampoline_lowered:
0x8: {  	[smem:$0x3FA8] =	sst s0  }
0x9: {  	[smem:$0x3FA9] =	sst s1  }
0xa: {  	[smem:$0x3FAA] =	sst s2  }
0xb: {  	[smem:$0x3FAB] =	sst s3  }
0xc: {  	[smem:$0x3FAC] =	sst s4  }
0xd: {  	[smem:$0x3FAD] =	sst s5  }
0xe: {  	[smem:$0x3FAE] =	sst s6  }
0xf: {  	[smem:$0x3FAF] =	sst s7  }
0x10: {  	[smem:$0x3FB0] =	sst s8  }
0x11: {  	[smem:$0x3FB1] =	sst s9;
	s0 =	simm.s32 @!p0 $0x0  }
0x12: {  	s1 =	sld [smem:$0x3F97];
	s0 =	simm.s32 @p0 $0x1  }
0x13: {  	[smem:$0x3FB2] =	sst s0;
	s0 =	simm.s32 @!p1 $0x0  }
0x14: {  	s2 =	sld [smem:$0x3F96];
	s0 =	simm.s32 @p1 $0x1  }
0x15: {  	[smem:$0x3FB3] =	sst s0;
	s0 =	simm.s32 @!p2 $0x0  }
0x16: {  	s3 =	sld [smem:$0x3FDB];
	s0 =	simm.s32 @p2 $0x1  }
0x17: {  	s4 =	simm.s32 $0x1BF5;
	[smem:$0x3FB5] =	sst s0  }
0x18: {  	s0 =	sld [smem:$0x3F98];
	_ =	swait.ge [sflag:s4], $0x0  }
0x19: {  	s7 =	sld [smem:$0x3F99]  }
0x1a: {  	s8 =	sadd.s32 $0xFFFFE003, lr  }
0x1b: {  	s9 =	sadd.s32 $0xFFFFFEF7, lr;
	s5 =	simm.s32 $0xFFFFFFFF;
	p2 =	slt.u32 s8, $0xFFFFF086  }
0x1c: {  	p1 =	slt.u32 s9, $0xF7A;
	s5 =	simm.s32 @!p2 $0x0  }
0x1d: {  	s5 =	simm.s32 @p1 $0x1;
	p0 =	seq.s32 s7, s2  }
0x1e: {  	s7 =	smul.u32 @!p0 $0xF7A, s2;
	p2 =	seq.s32 @!p0 s5, $0x0  }
0x1f: {  	s9 =	smul.u32 $0xF7A, s1;
	s8 =	simm.s32 @!p0 $0x1BF5;
	p2 =	por !p2, p0  }
0x20: {  	[sflag:s8] =	ssyncset.s32 @!p0 $0xFFFFF086;
	s6 =	sadd.s32 @!p0 s3, s7;
	s7 =	simm.s32 @!p0 $0x108  }
0x21: {  	s3 =	sadd.s32 s3, s9;
	s6 =	sadd.s32 @!p0 $0x88, s6;
	s7 =	simm.s32 @p2 $0x1082  }
0x22: {  	[simem:s7], [sflag:s8] =	dma.local @!p0 [hbm:s6], $0xF7A  }
0x23: {  	s9 =	sor.u32 $0xD0000000, s2;
	s6 =	simm.s32 $0x108;
	_ =	swait.ge @!p0 [sflag:s8], $0x0  }
0x24: {  	s3 =	sadd.s32 $0x88, s3;
	s6 =	simm.s32 @!p1 $0x1082;
	[sflag:s4] =	ssyncset.s32 $0xFFFFF086  }
0x25: {  	[simem:s6], [sflag:s4] =	dma.local [hbm:s3], $0xF7A  }
0x26: {  	[smem:$0x3F99] =	sst s1;
	(tag) =	ssettag s2;
	_ =	strace s9  }
0x27: {  	s1 =	sld [smem:$0x3FA9]  }
0x28: {  	s2 =	sld [smem:$0x3FAA]  }
0x29: {  	s4 =	sld [smem:$0x3FAC]  }
0x2a: {  	p0 =	seq.s32 s5, $0x0;
	s5 =	sld [smem:$0x3FAD]  }
0x2b: {  	s6 =	sld [smem:$0x3FAE]  }
0x2c: {  	s7 =	sld [smem:$0x3FAF]  }
0x2d: {  	s3 =	simm.s32 $0x108;
	s8 =	sld [smem:$0x3FB0]  }
0x2e: {  	s3 =	simm.s32 @!p0 $0x1082;
	s9 =	sld [smem:$0x3FB1]  }
0x2f: {  	lr =	sadd.s32 s0, s3;
	s0 =	sld [smem:$0x3FA8]  }
0x30: {  	s3 =	sld [smem:$0x3FAB]  }
0x31: {  	[smem:$0x3FB4] =	sst s10  }
0x32: {  	s10 =	sld [smem:$0x3FB2];
	_ =	sdelay $0x3  }
0x33: {  	p0 =	seq.s32 s10, $0x1;
	s10 =	sld [smem:$0x3FB4];
	_ =	sdelay $0x3  }
0x34: {  	[smem:$0x3FB4] =	sst s10  }
0x35: {  	s10 =	sld [smem:$0x3FB3];
	_ =	sdelay $0x3  }
0x36: {  	p1 =	seq.s32 s10, $0x1;
	s10 =	sld [smem:$0x3FB4];
	_ =	sdelay $0x3  }
0x37: {  	[smem:$0x3FB4] =	sst s10  }
0x38: {  	s10 =	sld [smem:$0x3FB5]  }
0x39: {  	_ = 	snop;
	(pc) =	sbr.ind lr, $3  }
0x3a: {  	_ = 	snop  }
0x3b: {  	_ = 	snop  }
0x3c: {  	p2 =	seq.s32 s10, $0x1;
	s10 =	sld [smem:$0x3FB4]  }
0x3d: {  	_ =	shalt  }
0x3e: {  	_ =	shalt  }
0x3f: {  	_ =	shalt  }
0x40: {  	_ =	shalt  }
0x41: {  	_ =	shalt  }
0x42: {  	_ =	shalt  }
0x43: {  	_ =	shalt  }
0x44: {  	_ =	shalt  }
0x45: {  	_ =	shalt  }
0x46: {  	_ =	shalt  }
0x47: {  	_ =	shalt  }
0x48: {  	_ =	shalt  }
0x49: {  	_ =	shalt  }
0x4a: {  	_ =	shalt  }
0x4b: {  	_ =	shalt  }
0x4c: {  	_ =	shalt  }
0x4d: {  	_ =	shalt  }
0x4e: {  	_ =	shalt  }
0x4f: {  	_ =	shalt  }
0x50: {  	_ =	shalt  }
0x51: {  	_ =	shalt  }
0x52: {  	_ =	shalt  }
0x53: {  	_ =	shalt  }
0x54: {  	_ =	shalt  }
0x55: {  	_ =	shalt  }
0x56: {  	_ =	shalt  }
0x57: {  	_ =	shalt  }
0x58: {  	_ =	shalt  }
0x59: {  	_ =	shalt  }
0x5a: {  	_ =	shalt  }
0x5b: {  	_ =	shalt  }
0x5c: {  	_ =	shalt  }
0x5d: {  	_ =	shalt  }
0x5e: {  	_ =	shalt  }
0x5f: {  	_ =	shalt  }
0x60: {  	_ =	shalt  }
0x61: {  	_ =	shalt  }
0x62: {  	_ =	shalt  }
0x63: {  	_ =	shalt  }
0x64: {  	_ =	shalt  }
0x65: {  	_ =	shalt  }
0x66: {  	_ =	shalt  }
0x67: {  	_ =	shalt  }
0x68: {  	_ =	shalt  }
0x69: {  	_ =	shalt  }
0x6a: {  	_ =	shalt  }
0x6b: {  	_ =	shalt  }
0x6c: {  	_ =	shalt  }
0x6d: {  	_ =	shalt  }
0x6e: {  	_ =	shalt  }
0x6f: {  	_ =	shalt  }
0x70: {  	_ =	shalt  }
0x71: {  	_ =	shalt  }
0x72: {  	_ =	shalt  }
0x73: {  	_ =	shalt  }
0x74: {  	_ =	shalt  }
0x75: {  	_ =	shalt  }
0x76: {  	_ =	shalt  }
0x77: {  	_ =	shalt  }
0x78: {  	_ =	shalt  }
0x79: {  	_ =	shalt  }
0x7a: {  	_ =	shalt  }
0x7b: {  	_ =	shalt  }
0x7c: {  	_ =	shalt  }
0x7d: {  	_ =	shalt  }
0x7e: {  	_ =	shalt  }
0x7f: {  	_ =	shalt  }
0x80: {  	_ =	shalt  }
0x81: {  	_ =	shalt  }
0x82: {  	_ =	shalt  }
0x83: {  	_ =	shalt  }
0x84: {  	_ =	shalt  }
0x85: {  	_ =	shalt  }
0x86: {  	_ =	shalt  }
0x87: {  	_ =	shalt  }
.Lfunc_end0:
.L_simem_size_0:
called_computation_lowered:
.L_overlay_start_0:
0x88: {  	s2 =	sld [smem:$0x3FD9]  }
0x89: {  	s3 =	sld [smem:$0x3FFE];
	_ =	sdelay $0x1  }
0x8a: {  	s1 =	srdreg.scid  }
0x8b: {  	s0 =	sand.u32 $0x1, s1  }
0x8c: {  	s17 =	sshll.u32 s0, $0xA;
	s2 =	sadd.s32 s3, s2  }
0x8d: {  	s2 =	sadd.s32 s2, s17  }
0x8e: {  	[smem:$0x3FC0] =	sst s2  }
0x8f: {  	_ = 	snop  }
0x90: {  	s2 =	sld [smem:$0x3FC9]  }
0x91: {  	s18 =	sld [smem:$0x3FD0];
	(tm) =	ssettm $0x1  }
0x92: {  	s4 =	sld [smem:$0x3FFB];
	_ =	sdelay $0x3  }
0x93: {  	_ =	strace s4  }
0x94: {  	s4 =	sld [smem:$0x3FFC];
	_ =	sdelay $0x3  }
0x95: {  	_ =	strace s4  }
0x96: {  	s4 =	sld [smem:$0x3FFD];
	_ =	sdelay $0x3  }
0x97: {  	_ =	strace s4  }
0x98: {  	_ =	strace $0x8FFFFFFF  }
0x99: {  	s19 =	sld [smem:$0x3FDB];
	_ =	sdelay $0x1  }
0x9a: {  	s5 =	simm.s32 $_scs_section_size  }
0x9b: {  	s6 =	simm.s32 $_size__tile_overlayer_lowered;
	s7 =	simm.s32 $_tile_overlayer_lowered  }
0x9c: {  	s22 =	simm.s32 $0x1BFF;
	s21 =	sshll.u32 s7, $0x1;
	s4 =	sadd.s32 s5, s19  }
0x9d: {  	s8 =	simm.s32 $0x0;
	s20 =	sshll.u32 s6, $0x1;
	s6 =	sadd.s32 s21, s4  }
0x9e: {  	[timem:s8], [sflag:s22] =	dma.local [hbm:s6], s20  }
0x9f: {  	_ =	swait.ge [sflag:s22], s20  }
0xa0: {  	s5 =	ssub.s32 $0x0, s20;
	[sflag:s22] =	ssyncset.done $0x0  }
0xa1: {  	[sflag:s22] =	ssyncadd.s32 s5;
	_ =	sdelay $0x1  }
0xa2: {  	s23 =	simm.s32 $0x1B8B  }
0xa3: {  	_ =	swait.ge [sflag:s23], $0x1  }
0xa4: {  	[sflag:s23] =	ssyncset.done $0x0  }
0xa5: {  	s25 =	simm.s32 $0x1B8E;
	s24 =	sld [smem:$0x3FFE];
	[sflag:s23] =	ssyncadd.s32 $0xFFFFFFFF  }
0xa6: {  	s26 =	simm.s32 $execute0_lowered;
	[smem:$0x3FD2] =	sst s25  }
0xa7: {  	s6 =	sshll.u32 s26, $0x1;
	_ =	strace $0x80000046;
	[dreg:$0x1] =	wrdreg $0xFFFFFFFF  }
0xa8: {  	s28 =	simm.s32 $_size_execute0_lowered;
	s4 =	sadd.s32 s4, s6;
	[dreg:$0x0] =	wrdreg $0x0  }
0xa9: {  	s6 =	sshll.u32 s28, $0x1;
	[dreg:$0x2] =	wrdreg s4  }
0xaa: {  	[dreg:$0x3] =	wrdreg s6  }
0xab: {  	[dreg:$0x4] =	wrdreg $0xC0  }
0xac: {  	_ =	task [dreg:s8], $0x5FFFF  }
0xad: {  	[dreg:$0x1] =	wrdreg $0xFFFFFFFF  }
0xae: {  	[dreg:$0x0] =	wrdreg $0x60  }
0xaf: {  	[dreg:$0x2] =	wrdreg s2  }
0xb0: {  	[dreg:$0x3] =	wrdreg s24  }
0xb1: {  	[dreg:$0x4] =	wrdreg s18  }
0xb2: {  	[dreg:$0x5] =	wrdreg $0x90000  }
0xb3: {  	[dreg:$0x6] =	wrdreg $0x1D1000  }
0xb4: {  	[dreg:$0x7] =	wrdreg $0x9  }
0xb5: {  	_ =	task.clear_ibuf [dreg:s8], $0x8FFFF;
	_ =	strace $0x90000046  }
0xb6: {  	s29 =	simm.s32 $0x9;
	_ =	strace $0x80000048  }
0xb7: {  	_ =	swait.ge [sflag:s29], $0x1  }
0xb8: {  	[sflag:s29] =	ssyncadd.s32 $0xFFFFFFFF  }
0xb9: {  	_ =	strace $0x90000048  }
0xba: {  	_ =	sfence  }
0xbb: {  	s30 =	sld [smem:$0x0];
	_ =	sdelay $0x2  }
0xbc: {  	s31 =	sshll.u32 s1, $0xD;
	s1 =	sshrl.u32 s1, $0x2  }
0xbd: {  	s3 =	sand.u32 $0x4000, s31;
	s1 =	sadd.s32 s1, s30  }
0xbe: {  	s0 =	sor.u32 s3, s0;
	s1 =	sshll.u32 s1, $0x11  }
0xbf: {  	s0 =	sor.u32 s1, s0  }
0xc0: {  	s0 =	sadd.s32 $0x8F2B, s0  }
0xc1: {  	[sflag:s0] =	ssyncadd.remote.s32 $0x1  }
0xc2: {  	_ =	sfence.sel $0xFFFF  }
0xc3: {  	[dreg:$0x0] =	wrdreg $0xFFFFFFFF;
	(pc) =	sbr.abs _section_cstart, $3  }
0xc4: {  	[dreg:$0x1] =	wrdreg $0xFFFFFFFF  }
0xc5: {  	_ =	task.clear_ibuf [dreg:s8], $0x2FFFF;
	_ =	strace $0x9FFFFFFF  }
0xc6: {  	(tm) =	ssettm $0x7FFFFFFF  }
0xc7: {  	_ =	shalt  }
tec
execute0_lowered:
.L_overlay_start_1:
0x0: {  	(tag) =	ssettag $0x1  }
0x1: {  	s0 =	rddreg [dreg:$0x0]  }
0x2: {  	s6 =	rddreg [dreg:$0x1]  }
0x3: {  	s1 =	rddreg [dreg:$0x2]  }
0x4: {  	s3 =	rddreg [dreg:$0x3];
	s2 =	srdreg.scid  }
0x5: {  	s17 =	stileid.u32;
	s4 =	rddreg [dreg:$0x4];
	s5 =	simm.s32 $0x0  }
0x6: {  	s28 =	simm.s32 $0x800;
	s29 =	simm.s32 $0x80;
	s7 =	smul.u32 $0x5000, s17  }
0x7: {  	s30 =	simm.s32 $0x5000;
	s2 =	sand.u32 $0x1, s2;
	s10 =	smul.u32 $0x50000, s17  }
0x8: {  	s31 =	simm.s32 $0x3;
	[smem:$0x7FF] =	sst s5;
	s8 =	smul.u32 $0x2800, s2  }
0x9: {  	s11 =	sadd.s32 $0x16000, s6;
	s20 =	smul.u32 $0x14000, s17;
	_ =	strace $0x80000047  }
0xa: {  	s9 =	ssub.s32 $0x2, s2;
	s14 =	smul.u32 $0x140000, s2;
	s7 =	sadd.s32 s8, s7  }
0xb: {  	s2 =	sshll.u32 s2, $0x7;
	s8 =	smul.u32 $0x280, s17;
	s7 =	sshrl.u32 s7, $0x3  }
0xc: {  	s21 =	sshrl.u32 s9, $0x1;
	s22 =	sshrl.u32 s10, $0x2;
	s7 =	sadd.s32 s7, s6  }
0xd: {  	s6 =	ssub.s32 s9, s21;
	s23 =	sadd.s32 $0x80, s8;
	s9 =	sadd.s32 s22, s3  }
0xe: {  	s12 =	sadd.s32 $0x100, s8;
	s13 =	sadd.s32 s8, s4;
	s18 =	sadd.s32 $0x180, s8  }
0xf: {  	s8 =	sadd.s32 $0x200, s8;
	[dreg:$0x16] =	wrdreg s9;
	s24 =	sshll.u32 s23, $0x7  }
0x10: {  	[dreg:$0x17] =	wrdreg s13;
	s26 =	sshll.u32 s12, $0x7;
	s10 =	sadd.s32 s23, s4  }
0x11: {  	s12 =	sadd.s32 s12, s4;
	s19 =	sshll.u32 s18, $0x7;
	[dreg:$0x19] =	wrdreg s10  }
0x12: {  	s21 =	sshll.u32 s8, $0x7;
	s8 =	sadd.s32 s8, s4;
	[dreg:$0x1b] =	wrdreg s12  }
0x13: {  	s25 =	sadd.s32 s24, s3;
	s16 =	sadd.s32 s26, s3;
	[dreg:$0x1f] =	wrdreg s8  }
0x14: {  	s15 =	sadd.s32 s19, s3;
	s10 =	sadd.s32 s18, s4;
	[dreg:$0x18] =	wrdreg s25  }
0x15: {  	s9 =	sadd.s32 s14, s24;
	s13 =	sadd.s32 s14, s26;
	[dreg:$0x1a] =	wrdreg s16  }
0x16: {  	s12 =	sadd.s32 s14, s19;
	s24 =	simm.s32 $0x100;
	[dreg:$0x1c] =	wrdreg s15  }
0x17: {  	s26 =	simm.s32 $0x180;
	s18 =	smul.u32 $0x500, s17;
	[dreg:$0x1d] =	wrdreg s10  }
0x18: {  	s19 =	simm.s32 $0x480;
	s17 =	simm.s32 $0xB80;
	[dreg:$0x8] =	wrdreg s24  }
0x19: {  	s16 =	sadd.s32 $0xC000, s7;
	s15 =	sadd.s32 s20, s14;
	[dreg:$0x9] =	wrdreg s26  }
0x1a: {  	s14 =	sadd.s32 s14, s21;
	s10 =	sadd.s32 s21, s3;
	[dreg:$0xf] =	wrdreg s19  }
0x1b: {  	s23 =	sshrl.u32 s9, $0x3;
	s7 =	sadd.s32 $0x2000, s7;
	[dreg:$0x6] =	wrdreg s16  }
0x1c: {  	s25 =	sshrl.u32 s13, $0x3;
	s9 =	simm.s32 $0x200;
	[dreg:$0x1e] =	wrdreg s10  }
0x1d: {  	s13 =	simm.s32 $0x300;
	s20 =	simm.s32 $0x500;
	[dreg:$0x7] =	wrdreg s7  }
0x1e: {  	s21 =	simm.s32 $0x580;
	s24 =	smax.u32 s6, $0x1;
	[dreg:$0xa] =	wrdreg s9  }
0x1f: {  	s26 =	simm.s32 $0x780;
	s19 =	simm.s32 $0xC80;
	[dreg:$0xc] =	wrdreg s13  }
0x20: {  	s6 =	simm.s32 $0xE80;
	s22 =	sshrl.u32 s15, $0x3;
	[dreg:$0x10] =	wrdreg s20  }
0x21: {  	s10 =	sshrl.u32 s12, $0x3;
	s12 =	simm.s32 $0x280;
	[dreg:$0x11] =	wrdreg s21  }
0x22: {  	s14 =	sshrl.u32 s14, $0x3;
	s15 =	simm.s32 $0x380;
	[smem:$0x7FD] =	sst s24  }
0x23: {  	s16 =	simm.s32 $0x400;
	s2 =	sor.u32 s2, s18;
	[dreg:$0x15] =	wrdreg s26  }
0x24: {  	s26 =	simm.s32 $0x2;
	s9 =	simm.s32 $0x900;
	s13 =	simm.s32 $0xA00  }
0x25: {  	s18 =	simm.s32 $0xC00;
	s20 =	simm.s32 $0xD00;
	[dreg:$0xb] =	wrdreg s12  }
0x26: {  	s21 =	simm.s32 $0xD80;
	s7 =	simm.s32 $0xF00;
	[dreg:$0xd] =	wrdreg s15  }
0x27: {  	s8 =	sadd.s32 s11, s22;
	[dreg:$0xe] =	wrdreg s16;
	s2 =	sshrl.u32 s2, $0x3  }
0x28: {  	s22 =	simm.s32 $0x600;
	s15 =	simm.s32 $0xA80;
	[smem:$0x7F7] =	sst s8  }
0x29: {  	s16 =	simm.s32 $0xB00;
	s8 =	sadd.s32 s11, s23;
	[dreg:$0x12] =	wrdreg s22  }
0x2a: {  	s12 =	simm.s32 $0x0;
	s1 =	sadd.s32 s1, s2;
	[smem:$0x7F8] =	sst s8  }
0x2b: {  	s23 =	simm.s32 $0x680;
	s2 =	simm.s32 $0x1D000;
	[smem:$0x7FC] =	sst s1  }
0x2c: {  	s22 =	simm.s32 $0xE00;
	s8 =	sadd.s32 s11, s25;
	[dreg:$0x13] =	wrdreg s23  }
0x2d: {  	s25 =	simm.s32 $0x700;
	s23 =	simm.s32 $0x1000;
	[smem:$0x7F9] =	sst s8  }
0x2e: {  	s1 =	simm.s32 $0x880;
	s8 =	sadd.s32 s11, s10;
	[dreg:$0x14] =	wrdreg s25  }
0x2f: {  	s25 =	simm.s32 $0x1;
	[smem:$0x7FA] =	sst s8;
	s8 =	sadd.s32 s11, s14  }
0x30: {  	v0 =	vimm.f32 $0.0e+00;
	v1 =	vimm.f32 $1.000000000e+00;
	s11 =	simm.s32 $0x980;
	[smem:$0x7FB] =	sst s8;
	s8 =	simm.s32 $0xF80  }
.LBB2_1:
0x31: {  	[smem:$0x7F6] =	sst s12;
	s12 =	simm.s32 $0x0;
	s14 =	simm.s32 $0x200  }
.LBB2_2:
0x32: {  	p0 =	sne.s32 s14, $0xFE00;
	[tilespmem:s12+$0x1070] =	vst v0  }
0x33: {  	[tilespmem:s12+$0x1000] =	vst v0  }
0x34: {  	[tilespmem:s12+$0x1010] =	vst v0  }
.Ltmp0:
0x35: {  	[tilespmem:s12+$0x1020] =	vst v0;
	(pc) =	sbr.rel @p0 .LBB2_2-.Ltmp0, $4  }
0x36: {  	[tilespmem:s12+$0x1030] =	vst v0  }
0x37: {  	[tilespmem:s12+$0x1040] =	vst v0  }
0x38: {  	[tilespmem:s12+$0x1050] =	vst v0  }
0x39: {  	[tilespmem:s12+$0x1060] =	vst v0;
	s12 =	sshra.s32 s14, $0x2;
	s14 =	sadd.s32 $0x200, s14  }
0x3a: {  	[tilespmem:s12+$0x1070] =	vst v0  }
0x3b: {  	[tilespmem:s12+$0x1000] =	vst v0  }
0x3c: {  	[tilespmem:s12+$0x1010] =	vst v0  }
0x3d: {  	[tilespmem:s12+$0x1020] =	vst v0  }
0x3e: {  	[tilespmem:s12+$0x1030] =	vst v0  }
0x3f: {  	[tilespmem:s12+$0x1040] =	vst v0  }
0x40: {  	[tilespmem:s12+$0x1050] =	vst v0  }
0x41: {  	[tilespmem:s12+$0x1060] =	vst v0  }
0x42: {  	[tilespmem:$0x1D000] =	vst v1  }
0x43: {  	[tilespmem:$0x1D080] =	vst v0  }
0x44: {  	[tilespmem:$0x1D010] =	vst v1  }
0x45: {  	[tilespmem:$0x1D090] =	vst v0  }
0x46: {  	[tilespmem:$0x1D020] =	vst v1  }
0x47: {  	[tilespmem:$0x1D0A0] =	vst v0  }
0x48: {  	[tilespmem:$0x1D030] =	vst v1  }
0x49: {  	[tilespmem:$0x1D0B0] =	vst v0  }
0x4a: {  	[tilespmem:$0x1D040] =	vst v1  }
0x4b: {  	[tilespmem:$0x1D0C0] =	vst v0  }
0x4c: {  	[tilespmem:$0x1D050] =	vst v1  }
0x4d: {  	[tilespmem:$0x1D0D0] =	vst v0  }
0x4e: {  	[tilespmem:$0x1D060] =	vst v1  }
0x4f: {  	[tilespmem:$0x1D0E0] =	vst v0  }
0x50: {  	[tilespmem:$0x1D070] =	vst v1  }
0x51: {  	s10 =	rddreg [dreg:$0x16];
	[tilespmem:$0x1D0F0] =	vst v0  }
0x52: {  	[spmem:s10] =	stream.linear.scatter [tilespmem:s23], [sflag:$0x1], $0x4000, $0x38;
	[tilespmem:$0x1D380] =	vst v63  }
0x53: {  	s14 =	rddreg [dreg:$0x17];
	s12 =	simm.s32 $0x1D080  }
0x54: {  	[spmem:s14] =	stream.linear.scatter [tilespmem:s12], [sflag:$0x2], $0x80, $0x38;
	[tilespmem:$0x1D380] =	vst v63  }
0x55: {  	s24 =	rddreg [dreg:$0x18]  }
0x56: {  	[spmem:s24] =	stream.linear.scatter [tilespmem:s23], [sflag:$0x1], $0x4000, $0x38;
	[tilespmem:$0x1D380] =	vst v63  }
0x57: {  	s14 =	rddreg [dreg:$0x19]  }
0x58: {  	[spmem:s14] =	stream.linear.scatter [tilespmem:s12], [sflag:$0x2], $0x80, $0x38;
	[tilespmem:$0x1D380] =	vst v63  }
0x59: {  	s24 =	rddreg [dreg:$0x1a]  }
0x5a: {  	[spmem:s24] =	stream.linear.scatter [tilespmem:s23], [sflag:$0x1], $0x4000, $0x38;
	[tilespmem:$0x1D380] =	vst v63  }
0x5b: {  	s14 =	rddreg [dreg:$0x1b]  }
0x5c: {  	[spmem:s14] =	stream.linear.scatter [tilespmem:s12], [sflag:$0x2], $0x80, $0x38;
	[tilespmem:$0x1D380] =	vst v63  }
0x5d: {  	s24 =	rddreg [dreg:$0x1c]  }
0x5e: {  	[spmem:s24] =	stream.linear.scatter [tilespmem:s23], [sflag:$0x1], $0x4000, $0x38;
	[tilespmem:$0x1D380] =	vst v63  }
0x5f: {  	s14 =	rddreg [dreg:$0x1d]  }
0x60: {  	[spmem:s14] =	stream.linear.scatter [tilespmem:s12], [sflag:$0x2], $0x80, $0x38;
	[tilespmem:$0x1D380] =	vst v63  }
0x61: {  	s24 =	rddreg [dreg:$0x1e]  }
0x62: {  	[spmem:s24] =	stream.linear.scatter [tilespmem:s23], [sflag:$0x1], $0x4000, $0x38;
	[tilespmem:$0x1D380] =	vst v63  }
0x63: {  	s14 =	rddreg [dreg:$0x1f]  }
0x64: {  	[spmem:s14] =	stream.linear.scatter [tilespmem:s12], [sflag:$0x2], $0x80, $0x38;
	[tilespmem:$0x1D380] =	vst v63  }
0x65: {  	_ =	swait.ge [sflag:s25], $0x4000  }
0x66: {  	[sflag:s25] =	ssyncset.done $0x0  }
0x67: {  	[sflag:s25] =	ssyncadd.s32 $0xFFFFC000  }
0x68: {  	_ =	swait.ge [sflag:s26], $0x80  }
0x69: {  	[sflag:s26] =	ssyncset.done $0x0  }
0x6a: {  	[sflag:s26] =	ssyncadd.s32 $0xFFFFFF80  }
0x6b: {  	_ =	swait.ge [sflag:s25], $0x4000  }
0x6c: {  	[sflag:s25] =	ssyncset.done $0x0  }
0x6d: {  	[sflag:s25] =	ssyncadd.s32 $0xFFFFC000  }
0x6e: {  	_ =	swait.ge [sflag:s26], $0x80  }
0x6f: {  	[sflag:s26] =	ssyncset.done $0x0  }
0x70: {  	[sflag:s26] =	ssyncadd.s32 $0xFFFFFF80  }
0x71: {  	_ =	swait.ge [sflag:s25], $0x4000  }
0x72: {  	[sflag:s25] =	ssyncset.done $0x0  }
0x73: {  	[sflag:s25] =	ssyncadd.s32 $0xFFFFC000  }
0x74: {  	_ =	swait.ge [sflag:s26], $0x80  }
0x75: {  	[sflag:s26] =	ssyncset.done $0x0  }
0x76: {  	[sflag:s26] =	ssyncadd.s32 $0xFFFFFF80  }
0x77: {  	_ =	swait.ge [sflag:s25], $0x4000  }
0x78: {  	[sflag:s25] =	ssyncset.done $0x0  }
0x79: {  	[sflag:s25] =	ssyncadd.s32 $0xFFFFC000  }
0x7a: {  	_ =	swait.ge [sflag:s26], $0x80  }
0x7b: {  	[sflag:s26] =	ssyncset.done $0x0  }
0x7c: {  	[sflag:s26] =	ssyncadd.s32 $0xFFFFFF80  }
0x7d: {  	_ =	swait.ge [sflag:s25], $0x4000  }
0x7e: {  	[sflag:s25] =	ssyncset.done $0x0  }
0x7f: {  	[sflag:s25] =	ssyncadd.s32 $0xFFFFC000  }
0x80: {  	_ =	swait.ge [sflag:s26], $0x80  }
0x81: {  	[sflag:s26] =	ssyncset.done $0x0  }
0x82: {  	[sflag:s26] =	ssyncadd.s32 $0xFFFFFF80  }
0x83: {  	[bflag:$0x0] =	sbarrier.arrive $0xFFFF  }
0x84: {  	s24 =	rddreg [dreg:$0x7]  }
0x85: {  	s14 =	rddreg [dreg:$0x6];
	s12 =	sadd.s32 $0x0, s24  }
0x86: {  	[tilespmem:s5], [sflag:$0x1] =	stream.linear.gather [hbm4b:s12+s5], $0x800, $0x38;
	[tilespmem:$0x1D380] =	vst v63  }
0x87: {  	s10 =	sadd.s32 $0x0, s14  }
0x88: {  	[tilespmem:s28], [sflag:$0x2] =	stream.linear.gather [hbm4b:s10+s5], $0x800, $0x38;
	[tilespmem:$0x1D380] =	vst v63  }
0x89: {  	_ =	swait.ge [sflag:s25], $0x800  }
0x8a: {  	[sflag:s25] =	ssyncset.done $0x0  }
0x8b: {  	[sflag:s25] =	ssyncadd.s32 $0xFFFFF800  }
0x8c: {  	_ =	swait.ge [sflag:s26], $0x800  }
0x8d: {  	[sflag:s26] =	ssyncset.done $0x0  }
0x8e: {  	[sflag:s26] =	ssyncadd.s32 $0xFFFFF800  }
0x8f: {  	[tilespmem:s23], [sflag:$0x1] =	stream.indirect.gather [hbm4b:s0+s29], $0x80, s5, s29, $0xb8;
	[tilespmem:$0x1D380] =	vst v63  }
0x90: {  	_ = 	snop  }
0x91: {  	[tilespmem:s30], [sflag:$0x2] =	stream.indirect.gather [hbm4b:s0+s29], $0x80, s29, s29, $0xb8;
	[tilespmem:$0x1D380] =	vst v63  }
0x92: {  	_ =	swait.ge [sflag:s25], $0x4000  }
0x93: {  	[sflag:s25] =	ssyncset.done $0x0  }
0x94: {  	[sflag:s25] =	ssyncadd.s32 $0xFFFFC000  }
0x95: {  	[spmem:s3] =	stream.indirect.scatter.add.f32 [tilespmem:s23], [sflag:$0x3], $0x80, s28, s29, $0xb8;
	[tilespmem:$0x1D380] =	vst v63  }
0x96: {  	_ =	swait.ge [sflag:s31], $0x4000  }
0x97: {  	[sflag:s31] =	ssyncset.done $0x0  }
0x98: {  	[sflag:s31] =	ssyncadd.s32 $0xFFFFC000  }
0x99: {  	[spmem:s4] =	stream.indirect.scatter.add.f32 [tilespmem:s2], [sflag:$0x3], $0x1, s28, s29, $0xb8;
	[tilespmem:$0x1D380] =	vst v63  }
0x9a: {  	_ =	swait.ge [sflag:s31], $0x80  }
0x9b: {  	[sflag:s31] =	ssyncset.done $0x0  }
0x9c: {  	s14 =	rddreg [dreg:$0x8];
	[sflag:s31] =	ssyncadd.s32 $0xFFFFFF80  }
0x9d: {  	[tilespmem:s23], [sflag:$0x1] =	stream.indirect.gather [hbm4b:s0+s29], $0x80, s14, s29, $0xb8;
	[tilespmem:$0x1D380] =	vst v63  }
0x9e: {  	_ =	swait.ge [sflag:s26], $0x4000  }
0x9f: {  	[sflag:s26] =	ssyncset.done $0x0  }
0xa0: {  	[sflag:s26] =	ssyncadd.s32 $0xFFFFC000  }
0xa1: {  	[spmem:s3] =	stream.indirect.scatter.add.f32 [tilespmem:s30], [sflag:$0x3], $0x80, s1, s29, $0xb8;
	[tilespmem:$0x1D380] =	vst v63  }
0xa2: {  	_ =	swait.ge [sflag:s31], $0x4000  }
0xa3: {  	[sflag:s31] =	ssyncset.done $0x0  }
0xa4: {  	[sflag:s31] =	ssyncadd.s32 $0xFFFFC000  }
0xa5: {  	[spmem:s4] =	stream.indirect.scatter.add.f32 [tilespmem:s2], [sflag:$0x3], $0x1, s1, s29, $0xb8;
	[tilespmem:$0x1D380] =	vst v63  }
0xa6: {  	_ =	swait.ge [sflag:s31], $0x80  }
0xa7: {  	[sflag:s31] =	ssyncset.done $0x0  }
0xa8: {  	s24 =	rddreg [dreg:$0x9];
	[sflag:s31] =	ssyncadd.s32 $0xFFFFFF80  }
0xa9: {  	[tilespmem:s30], [sflag:$0x2] =	stream.indirect.gather [hbm4b:s0+s29], $0x80, s24, s29, $0xb8;
	[tilespmem:$0x1D380] =	vst v63  }
0xaa: {  	_ =	swait.ge [sflag:s25], $0x4000  }
0xab: {  	[sflag:s25] =	ssyncset.done $0x0  }
0xac: {  	[sflag:s25] =	ssyncadd.s32 $0xFFFFC000  }
0xad: {  	[spmem:s3] =	stream.indirect.scatter.add.f32 [tilespmem:s23], [sflag:$0x3], $0x80, s9, s29, $0xb8;
	[tilespmem:$0x1D380] =	vst v63  }
0xae: {  	_ =	swait.ge [sflag:s31], $0x4000  }
0xaf: {  	[sflag:s31] =	ssyncset.done $0x0  }
0xb0: {  	[sflag:s31] =	ssyncadd.s32 $0xFFFFC000  }
0xb1: {  	[spmem:s4] =	stream.indirect.scatter.add.f32 [tilespmem:s2], [sflag:$0x3], $0x1, s9, s29, $0xb8;
	[tilespmem:$0x1D380] =	vst v63  }
0xb2: {  	_ =	swait.ge [sflag:s31], $0x80  }
0xb3: {  	[sflag:s31] =	ssyncset.done $0x0  }
0xb4: {  	s10 =	rddreg [dreg:$0xa];
	[sflag:s31] =	ssyncadd.s32 $0xFFFFFF80  }
0xb5: {  	[tilespmem:s23], [sflag:$0x1] =	stream.indirect.gather [hbm4b:s0+s29], $0x80, s10, s29, $0xb8;
	[tilespmem:$0x1D380] =	vst v63  }
0xb6: {  	_ =	swait.ge [sflag:s26], $0x4000  }
0xb7: {  	[sflag:s26] =	ssyncset.done $0x0  }
0xb8: {  	[sflag:s26] =	ssyncadd.s32 $0xFFFFC000  }
0xb9: {  	[spmem:s3] =	stream.indirect.scatter.add.f32 [tilespmem:s30], [sflag:$0x3], $0x80, s11, s29, $0xb8;
	[tilespmem:$0x1D380] =	vst v63  }
0xba: {  	_ =	swait.ge [sflag:s31], $0x4000  }
0xbb: {  	[sflag:s31] =	ssyncset.done $0x0  }
0xbc: {  	[sflag:s31] =	ssyncadd.s32 $0xFFFFC000  }
0xbd: {  	[spmem:s4] =	stream.indirect.scatter.add.f32 [tilespmem:s2], [sflag:$0x3], $0x1, s11, s29, $0xb8;
	[tilespmem:$0x1D380] =	vst v63  }
0xbe: {  	_ =	swait.ge [sflag:s31], $0x80  }
0xbf: {  	[sflag:s31] =	ssyncset.done $0x0  }
0xc0: {  	s14 =	rddreg [dreg:$0xb];
	[sflag:s31] =	ssyncadd.s32 $0xFFFFFF80  }
0xc1: {  	[tilespmem:s30], [sflag:$0x2] =	stream.indirect.gather [hbm4b:s0+s29], $0x80, s14, s29, $0xb8;
	[tilespmem:$0x1D380] =	vst v63  }
0xc2: {  	_ =	swait.ge [sflag:s25], $0x4000  }
0xc3: {  	[sflag:s25] =	ssyncset.done $0x0  }
0xc4: {  	[sflag:s25] =	ssyncadd.s32 $0xFFFFC000  }
0xc5: {  	[spmem:s3] =	stream.indirect.scatter.add.f32 [tilespmem:s23], [sflag:$0x3], $0x80, s13, s29, $0xb8;
	[tilespmem:$0x1D380] =	vst v63  }
0xc6: {  	_ =	swait.ge [sflag:s31], $0x4000  }
0xc7: {  	[sflag:s31] =	ssyncset.done $0x0  }
0xc8: {  	[sflag:s31] =	ssyncadd.s32 $0xFFFFC000  }
0xc9: {  	[spmem:s4] =	stream.indirect.scatter.add.f32 [tilespmem:s2], [sflag:$0x3], $0x1, s13, s29, $0xb8;
	[tilespmem:$0x1D380] =	vst v63  }
0xca: {  	_ =	swait.ge [sflag:s31], $0x80  }
0xcb: {  	[sflag:s31] =	ssyncset.done $0x0  }
0xcc: {  	s24 =	rddreg [dreg:$0xc];
	[sflag:s31] =	ssyncadd.s32 $0xFFFFFF80  }
0xcd: {  	[tilespmem:s23], [sflag:$0x1] =	stream.indirect.gather [hbm4b:s0+s29], $0x80, s24, s29, $0xb8;
	[tilespmem:$0x1D380] =	vst v63  }
0xce: {  	_ =	swait.ge [sflag:s26], $0x4000  }
0xcf: {  	[sflag:s26] =	ssyncset.done $0x0  }
0xd0: {  	[sflag:s26] =	ssyncadd.s32 $0xFFFFC000  }
0xd1: {  	[spmem:s3] =	stream.indirect.scatter.add.f32 [tilespmem:s30], [sflag:$0x3], $0x80, s15, s29, $0xb8;
	[tilespmem:$0x1D380] =	vst v63  }
0xd2: {  	_ =	swait.ge [sflag:s31], $0x4000  }
0xd3: {  	[sflag:s31] =	ssyncset.done $0x0  }
0xd4: {  	[sflag:s31] =	ssyncadd.s32 $0xFFFFC000  }
0xd5: {  	[spmem:s4] =	stream.indirect.scatter.add.f32 [tilespmem:s2], [sflag:$0x3], $0x1, s15, s29, $0xb8;
	[tilespmem:$0x1D380] =	vst v63  }
0xd6: {  	_ =	swait.ge [sflag:s31], $0x80  }
0xd7: {  	[sflag:s31] =	ssyncset.done $0x0  }
0xd8: {  	s10 =	rddreg [dreg:$0xd];
	[sflag:s31] =	ssyncadd.s32 $0xFFFFFF80  }
0xd9: {  	[tilespmem:s30], [sflag:$0x2] =	stream.indirect.gather [hbm4b:s0+s29], $0x80, s10, s29, $0xb8;
	[tilespmem:$0x1D380] =	vst v63  }
0xda: {  	_ =	swait.ge [sflag:s25], $0x4000  }
0xdb: {  	[sflag:s25] =	ssyncset.done $0x0  }
0xdc: {  	[sflag:s25] =	ssyncadd.s32 $0xFFFFC000  }
0xdd: {  	[spmem:s3] =	stream.indirect.scatter.add.f32 [tilespmem:s23], [sflag:$0x3], $0x80, s16, s29, $0xb8;
	[tilespmem:$0x1D380] =	vst v63  }
0xde: {  	_ =	swait.ge [sflag:s31], $0x4000  }
0xdf: {  	[sflag:s31] =	ssyncset.done $0x0  }
0xe0: {  	[sflag:s31] =	ssyncadd.s32 $0xFFFFC000  }
0xe1: {  	[spmem:s4] =	stream.indirect.scatter.add.f32 [tilespmem:s2], [sflag:$0x3], $0x1, s16, s29, $0xb8;
	[tilespmem:$0x1D380] =	vst v63  }
0xe2: {  	_ =	swait.ge [sflag:s31], $0x80  }
0xe3: {  	[sflag:s31] =	ssyncset.done $0x0  }
0xe4: {  	s14 =	rddreg [dreg:$0xe];
	[sflag:s31] =	ssyncadd.s32 $0xFFFFFF80  }
0xe5: {  	[tilespmem:s23], [sflag:$0x1] =	stream.indirect.gather [hbm4b:s0+s29], $0x80, s14, s29, $0xb8;
	[tilespmem:$0x1D380] =	vst v63  }
0xe6: {  	_ =	swait.ge [sflag:s26], $0x4000  }
0xe7: {  	[sflag:s26] =	ssyncset.done $0x0  }
0xe8: {  	[sflag:s26] =	ssyncadd.s32 $0xFFFFC000  }
0xe9: {  	[spmem:s3] =	stream.indirect.scatter.add.f32 [tilespmem:s30], [sflag:$0x3], $0x80, s17, s29, $0xb8;
	[tilespmem:$0x1D380] =	vst v63  }
0xea: {  	_ =	swait.ge [sflag:s31], $0x4000  }
0xeb: {  	[sflag:s31] =	ssyncset.done $0x0  }
0xec: {  	[sflag:s31] =	ssyncadd.s32 $0xFFFFC000  }
0xed: {  	[spmem:s4] =	stream.indirect.scatter.add.f32 [tilespmem:s2], [sflag:$0x3], $0x1, s17, s29, $0xb8;
	[tilespmem:$0x1D380] =	vst v63  }
0xee: {  	_ =	swait.ge [sflag:s31], $0x80  }
0xef: {  	[sflag:s31] =	ssyncset.done $0x0  }
0xf0: {  	s24 =	rddreg [dreg:$0xf];
	[sflag:s31] =	ssyncadd.s32 $0xFFFFFF80  }
0xf1: {  	[tilespmem:s30], [sflag:$0x2] =	stream.indirect.gather [hbm4b:s0+s29], $0x80, s24, s29, $0xb8;
	[tilespmem:$0x1D380] =	vst v63  }
0xf2: {  	_ =	swait.ge [sflag:s25], $0x4000  }
0xf3: {  	[sflag:s25] =	ssyncset.done $0x0  }
0xf4: {  	[sflag:s25] =	ssyncadd.s32 $0xFFFFC000  }
0xf5: {  	[spmem:s3] =	stream.indirect.scatter.add.f32 [tilespmem:s23], [sflag:$0x3], $0x80, s18, s29, $0xb8;
	[tilespmem:$0x1D380] =	vst v63  }
0xf6: {  	_ =	swait.ge [sflag:s31], $0x4000  }
0xf7: {  	[sflag:s31] =	ssyncset.done $0x0  }
0xf8: {  	[sflag:s31] =	ssyncadd.s32 $0xFFFFC000  }
0xf9: {  	[spmem:s4] =	stream.indirect.scatter.add.f32 [tilespmem:s2], [sflag:$0x3], $0x1, s18, s29, $0xb8;
	[tilespmem:$0x1D380] =	vst v63  }
0xfa: {  	_ =	swait.ge [sflag:s31], $0x80  }
0xfb: {  	[sflag:s31] =	ssyncset.done $0x0  }
0xfc: {  	s10 =	rddreg [dreg:$0x10];
	[sflag:s31] =	ssyncadd.s32 $0xFFFFFF80  }
0xfd: {  	[tilespmem:s23], [sflag:$0x1] =	stream.indirect.gather [hbm4b:s0+s29], $0x80, s10, s29, $0xb8;
	[tilespmem:$0x1D380] =	vst v63  }
0xfe: {  	_ =	swait.ge [sflag:s26], $0x4000  }
0xff: {  	[sflag:s26] =	ssyncset.done $0x0  }
0x100: {  	[sflag:s26] =	ssyncadd.s32 $0xFFFFC000  }
0x101: {  	[spmem:s3] =	stream.indirect.scatter.add.f32 [tilespmem:s30], [sflag:$0x3], $0x80, s19, s29, $0xb8;
	[tilespmem:$0x1D380] =	vst v63  }
0x102: {  	_ =	swait.ge [sflag:s31], $0x4000  }
0x103: {  	[sflag:s31] =	ssyncset.done $0x0  }
0x104: {  	[sflag:s31] =	ssyncadd.s32 $0xFFFFC000  }
0x105: {  	[spmem:s4] =	stream.indirect.scatter.add.f32 [tilespmem:s2], [sflag:$0x3], $0x1, s19, s29, $0xb8;
	[tilespmem:$0x1D380] =	vst v63  }
0x106: {  	_ =	swait.ge [sflag:s31], $0x80  }
0x107: {  	[sflag:s31] =	ssyncset.done $0x0  }
0x108: {  	s14 =	rddreg [dreg:$0x11];
	[sflag:s31] =	ssyncadd.s32 $0xFFFFFF80  }
0x109: {  	[tilespmem:s30], [sflag:$0x2] =	stream.indirect.gather [hbm4b:s0+s29], $0x80, s14, s29, $0xb8;
	[tilespmem:$0x1D380] =	vst v63  }
0x10a: {  	_ =	swait.ge [sflag:s25], $0x4000  }
0x10b: {  	[sflag:s25] =	ssyncset.done $0x0  }
0x10c: {  	[sflag:s25] =	ssyncadd.s32 $0xFFFFC000  }
0x10d: {  	[spmem:s3] =	stream.indirect.scatter.add.f32 [tilespmem:s23], [sflag:$0x3], $0x80, s20, s29, $0xb8;
	[tilespmem:$0x1D380] =	vst v63  }
0x10e: {  	_ =	swait.ge [sflag:s31], $0x4000  }
0x10f: {  	[sflag:s31] =	ssyncset.done $0x0  }
0x110: {  	[sflag:s31] =	ssyncadd.s32 $0xFFFFC000  }
0x111: {  	[spmem:s4] =	stream.indirect.scatter.add.f32 [tilespmem:s2], [sflag:$0x3], $0x1, s20, s29, $0xb8;
	[tilespmem:$0x1D380] =	vst v63  }
0x112: {  	_ =	swait.ge [sflag:s31], $0x80  }
0x113: {  	[sflag:s31] =	ssyncset.done $0x0  }
0x114: {  	s24 =	rddreg [dreg:$0x12];
	[sflag:s31] =	ssyncadd.s32 $0xFFFFFF80  }
0x115: {  	[tilespmem:s23], [sflag:$0x1] =	stream.indirect.gather [hbm4b:s0+s29], $0x80, s24, s29, $0xb8;
	[tilespmem:$0x1D380] =	vst v63  }
0x116: {  	_ =	swait.ge [sflag:s26], $0x4000  }
0x117: {  	[sflag:s26] =	ssyncset.done $0x0  }
0x118: {  	[sflag:s26] =	ssyncadd.s32 $0xFFFFC000  }
0x119: {  	[spmem:s3] =	stream.indirect.scatter.add.f32 [tilespmem:s30], [sflag:$0x3], $0x80, s21, s29, $0xb8;
	[tilespmem:$0x1D380] =	vst v63  }
0x11a: {  	_ =	swait.ge [sflag:s31], $0x4000  }
0x11b: {  	[sflag:s31] =	ssyncset.done $0x0  }
0x11c: {  	[sflag:s31] =	ssyncadd.s32 $0xFFFFC000  }
0x11d: {  	[spmem:s4] =	stream.indirect.scatter.add.f32 [tilespmem:s2], [sflag:$0x3], $0x1, s21, s29, $0xb8;
	[tilespmem:$0x1D380] =	vst v63  }
0x11e: {  	_ =	swait.ge [sflag:s31], $0x80  }
0x11f: {  	[sflag:s31] =	ssyncset.done $0x0  }
0x120: {  	s10 =	rddreg [dreg:$0x13];
	[sflag:s31] =	ssyncadd.s32 $0xFFFFFF80  }
0x121: {  	[tilespmem:s30], [sflag:$0x2] =	stream.indirect.gather [hbm4b:s0+s29], $0x80, s10, s29, $0xb8;
	[tilespmem:$0x1D380] =	vst v63  }
0x122: {  	_ =	swait.ge [sflag:s25], $0x4000  }
0x123: {  	[sflag:s25] =	ssyncset.done $0x0  }
0x124: {  	[sflag:s25] =	ssyncadd.s32 $0xFFFFC000  }
0x125: {  	[spmem:s3] =	stream.indirect.scatter.add.f32 [tilespmem:s23], [sflag:$0x3], $0x80, s22, s29, $0xb8;
	[tilespmem:$0x1D380] =	vst v63  }
0x126: {  	_ =	swait.ge [sflag:s31], $0x4000  }
0x127: {  	[sflag:s31] =	ssyncset.done $0x0  }
0x128: {  	[sflag:s31] =	ssyncadd.s32 $0xFFFFC000  }
0x129: {  	[spmem:s4] =	stream.indirect.scatter.add.f32 [tilespmem:s2], [sflag:$0x3], $0x1, s22, s29, $0xb8;
	[tilespmem:$0x1D380] =	vst v63  }
0x12a: {  	_ =	swait.ge [sflag:s31], $0x80  }
0x12b: {  	[sflag:s31] =	ssyncset.done $0x0  }
0x12c: {  	s14 =	rddreg [dreg:$0x14];
	[sflag:s31] =	ssyncadd.s32 $0xFFFFFF80  }
0x12d: {  	[tilespmem:s23], [sflag:$0x1] =	stream.indirect.gather [hbm4b:s0+s29], $0x80, s14, s29, $0xb8;
	[tilespmem:$0x1D380] =	vst v63  }
0x12e: {  	_ =	swait.ge [sflag:s26], $0x4000  }
0x12f: {  	[sflag:s26] =	ssyncset.done $0x0  }
0x130: {  	[sflag:s26] =	ssyncadd.s32 $0xFFFFC000  }
0x131: {  	[spmem:s3] =	stream.indirect.scatter.add.f32 [tilespmem:s30], [sflag:$0x3], $0x80, s6, s29, $0xb8;
	[tilespmem:$0x1D380] =	vst v63  }
0x132: {  	_ =	swait.ge [sflag:s31], $0x4000  }
0x133: {  	[sflag:s31] =	ssyncset.done $0x0  }
0x134: {  	[sflag:s31] =	ssyncadd.s32 $0xFFFFC000  }
0x135: {  	[spmem:s4] =	stream.indirect.scatter.add.f32 [tilespmem:s2], [sflag:$0x3], $0x1, s6, s29, $0xb8;
	[tilespmem:$0x1D380] =	vst v63  }
0x136: {  	_ =	swait.ge [sflag:s31], $0x80  }
0x137: {  	[sflag:s31] =	ssyncset.done $0x0  }
0x138: {  	s24 =	rddreg [dreg:$0x15];
	[sflag:s31] =	ssyncadd.s32 $0xFFFFFF80  }
0x139: {  	[tilespmem:s30], [sflag:$0x2] =	stream.indirect.gather [hbm4b:s0+s29], $0x80, s24, s29, $0xb8;
	[tilespmem:$0x1D380] =	vst v63  }
0x13a: {  	_ =	swait.ge [sflag:s25], $0x4000  }
0x13b: {  	[sflag:s25] =	ssyncset.done $0x0  }
0x13c: {  	[sflag:s25] =	ssyncadd.s32 $0xFFFFC000  }
0x13d: {  	[spmem:s3] =	stream.indirect.scatter.add.f32 [tilespmem:s23], [sflag:$0x3], $0x80, s7, s29, $0xb8;
	[tilespmem:$0x1D380] =	vst v63  }
0x13e: {  	_ =	swait.ge [sflag:s31], $0x4000  }
0x13f: {  	[sflag:s31] =	ssyncset.done $0x0  }
0x140: {  	[sflag:s31] =	ssyncadd.s32 $0xFFFFC000  }
0x141: {  	[spmem:s4] =	stream.indirect.scatter.add.f32 [tilespmem:s2], [sflag:$0x3], $0x1, s7, s29, $0xb8;
	[tilespmem:$0x1D380] =	vst v63  }
0x142: {  	_ =	swait.ge [sflag:s31], $0x80  }
0x143: {  	[sflag:s31] =	ssyncset.done $0x0  }
0x144: {  	[sflag:s31] =	ssyncadd.s32 $0xFFFFFF80  }
0x145: {  	_ =	swait.ge [sflag:s26], $0x4000  }
0x146: {  	[sflag:s26] =	ssyncset.done $0x0  }
0x147: {  	[sflag:s26] =	ssyncadd.s32 $0xFFFFC000  }
0x148: {  	[spmem:s3] =	stream.indirect.scatter.add.f32 [tilespmem:s30], [sflag:$0x3], $0x80, s8, s29, $0xb8;
	[tilespmem:$0x1D380] =	vst v63  }
0x149: {  	_ =	swait.ge [sflag:s31], $0x4000  }
0x14a: {  	[sflag:s31] =	ssyncset.done $0x0  }
0x14b: {  	[sflag:s31] =	ssyncadd.s32 $0xFFFFC000  }
0x14c: {  	[spmem:s4] =	stream.indirect.scatter.add.f32 [tilespmem:s2], [sflag:$0x3], $0x1, s8, s29, $0xb8;
	[tilespmem:$0x1D380] =	vst v63  }
0x14d: {  	s12 =	simm.s32 $0x100;
	_ =	swait.ge [sflag:s31], $0x80  }
.LBB2_4:
0x14e: {  	s14 =	rddreg [dreg:$0x7];
	s24 =	smov.u32 s12;
	[sflag:s31] =	ssyncset.done $0x0  }
0x14f: {  	s10 =	rddreg [dreg:$0x6];
	s14 =	sadd.s32 s24, s14;
	[sflag:s31] =	ssyncadd.s32 $0xFFFFFF80  }
0x150: {  	[tilespmem:s5], [sflag:$0x1] =	stream.linear.gather [hbm4b:s14+s5], $0x800, $0x38;
	[tilespmem:$0x1D380] =	vst v63  }
0x151: {  	s10 =	sadd.s32 s24, s10  }
0x152: {  	[tilespmem:s28], [sflag:$0x2] =	stream.linear.gather [hbm4b:s10+s5], $0x800, $0x38;
	[tilespmem:$0x1D380] =	vst v63  }
0x153: {  	_ =	swait.ge [sflag:s25], $0x800  }
0x154: {  	[sflag:s25] =	ssyncset.done $0x0  }
0x155: {  	[sflag:s25] =	ssyncadd.s32 $0xFFFFF800  }
0x156: {  	_ =	swait.ge [sflag:s26], $0x800  }
0x157: {  	[sflag:s26] =	ssyncset.done $0x0  }
0x158: {  	[sflag:s26] =	ssyncadd.s32 $0xFFFFF800  }
0x159: {  	[tilespmem:s23], [sflag:$0x1] =	stream.indirect.gather [hbm4b:s0+s29], $0x80, s5, s29, $0xb8;
	[tilespmem:$0x1D380] =	vst v63  }
0x15a: {  	_ = 	snop  }
0x15b: {  	[tilespmem:s30], [sflag:$0x2] =	stream.indirect.gather [hbm4b:s0+s29], $0x80, s29, s29, $0xb8;
	[tilespmem:$0x1D380] =	vst v63  }
0x15c: {  	_ =	swait.ge [sflag:s25], $0x4000  }
0x15d: {  	[sflag:s25] =	ssyncset.done $0x0  }
0x15e: {  	[sflag:s25] =	ssyncadd.s32 $0xFFFFC000  }
0x15f: {  	[spmem:s3] =	stream.indirect.scatter.add.f32 [tilespmem:s23], [sflag:$0x3], $0x80, s28, s29, $0xb8;
	[tilespmem:$0x1D380] =	vst v63  }
0x160: {  	_ =	swait.ge [sflag:s31], $0x4000  }
0x161: {  	[sflag:s31] =	ssyncset.done $0x0  }
0x162: {  	[sflag:s31] =	ssyncadd.s32 $0xFFFFC000  }
0x163: {  	[spmem:s4] =	stream.indirect.scatter.add.f32 [tilespmem:s2], [sflag:$0x3], $0x1, s28, s29, $0xb8;
	[tilespmem:$0x1D380] =	vst v63  }
0x164: {  	_ =	swait.ge [sflag:s31], $0x80  }
0x165: {  	[sflag:s31] =	ssyncset.done $0x0  }
0x166: {  	s14 =	rddreg [dreg:$0x8];
	[sflag:s31] =	ssyncadd.s32 $0xFFFFFF80  }
0x167: {  	[tilespmem:s23], [sflag:$0x1] =	stream.indirect.gather [hbm4b:s0+s29], $0x80, s14, s29, $0xb8;
	[tilespmem:$0x1D380] =	vst v63  }
0x168: {  	_ =	swait.ge [sflag:s26], $0x4000  }
0x169: {  	[sflag:s26] =	ssyncset.done $0x0  }
0x16a: {  	[sflag:s26] =	ssyncadd.s32 $0xFFFFC000  }
0x16b: {  	[spmem:s3] =	stream.indirect.scatter.add.f32 [tilespmem:s30], [sflag:$0x3], $0x80, s1, s29, $0xb8;
	[tilespmem:$0x1D380] =	vst v63  }
0x16c: {  	_ =	swait.ge [sflag:s31], $0x4000  }
0x16d: {  	[sflag:s31] =	ssyncset.done $0x0  }
0x16e: {  	[sflag:s31] =	ssyncadd.s32 $0xFFFFC000  }
0x16f: {  	[spmem:s4] =	stream.indirect.scatter.add.f32 [tilespmem:s2], [sflag:$0x3], $0x1, s1, s29, $0xb8;
	[tilespmem:$0x1D380] =	vst v63  }
0x170: {  	_ =	swait.ge [sflag:s31], $0x80  }
0x171: {  	[sflag:s31] =	ssyncset.done $0x0  }
0x172: {  	s24 =	rddreg [dreg:$0x9];
	[sflag:s31] =	ssyncadd.s32 $0xFFFFFF80  }
0x173: {  	[tilespmem:s30], [sflag:$0x2] =	stream.indirect.gather [hbm4b:s0+s29], $0x80, s24, s29, $0xb8;
	[tilespmem:$0x1D380] =	vst v63  }
0x174: {  	_ =	swait.ge [sflag:s25], $0x4000  }
0x175: {  	[sflag:s25] =	ssyncset.done $0x0  }
0x176: {  	[sflag:s25] =	ssyncadd.s32 $0xFFFFC000  }
0x177: {  	[spmem:s3] =	stream.indirect.scatter.add.f32 [tilespmem:s23], [sflag:$0x3], $0x80, s9, s29, $0xb8;
	[tilespmem:$0x1D380] =	vst v63  }
0x178: {  	_ =	swait.ge [sflag:s31], $0x4000  }
0x179: {  	[sflag:s31] =	ssyncset.done $0x0  }
0x17a: {  	[sflag:s31] =	ssyncadd.s32 $0xFFFFC000  }
0x17b: {  	[spmem:s4] =	stream.indirect.scatter.add.f32 [tilespmem:s2], [sflag:$0x3], $0x1, s9, s29, $0xb8;
	[tilespmem:$0x1D380] =	vst v63  }
0x17c: {  	_ =	swait.ge [sflag:s31], $0x80  }
0x17d: {  	[sflag:s31] =	ssyncset.done $0x0  }
0x17e: {  	s14 =	rddreg [dreg:$0xa];
	[sflag:s31] =	ssyncadd.s32 $0xFFFFFF80  }
0x17f: {  	[tilespmem:s23], [sflag:$0x1] =	stream.indirect.gather [hbm4b:s0+s29], $0x80, s14, s29, $0xb8;
	[tilespmem:$0x1D380] =	vst v63  }
0x180: {  	_ =	swait.ge [sflag:s26], $0x4000  }
0x181: {  	[sflag:s26] =	ssyncset.done $0x0  }
0x182: {  	[sflag:s26] =	ssyncadd.s32 $0xFFFFC000  }
0x183: {  	[spmem:s3] =	stream.indirect.scatter.add.f32 [tilespmem:s30], [sflag:$0x3], $0x80, s11, s29, $0xb8;
	[tilespmem:$0x1D380] =	vst v63  }
0x184: {  	_ =	swait.ge [sflag:s31], $0x4000  }
0x185: {  	[sflag:s31] =	ssyncset.done $0x0  }
0x186: {  	[sflag:s31] =	ssyncadd.s32 $0xFFFFC000  }
0x187: {  	[spmem:s4] =	stream.indirect.scatter.add.f32 [tilespmem:s2], [sflag:$0x3], $0x1, s11, s29, $0xb8;
	[tilespmem:$0x1D380] =	vst v63  }
0x188: {  	_ =	swait.ge [sflag:s31], $0x80  }
0x189: {  	[sflag:s31] =	ssyncset.done $0x0  }
0x18a: {  	s24 =	rddreg [dreg:$0xb];
	[sflag:s31] =	ssyncadd.s32 $0xFFFFFF80  }
0x18b: {  	[tilespmem:s30], [sflag:$0x2] =	stream.indirect.gather [hbm4b:s0+s29], $0x80, s24, s29, $0xb8;
	[tilespmem:$0x1D380] =	vst v63  }
0x18c: {  	_ =	swait.ge [sflag:s25], $0x4000  }
0x18d: {  	[sflag:s25] =	ssyncset.done $0x0  }
0x18e: {  	[sflag:s25] =	ssyncadd.s32 $0xFFFFC000  }
0x18f: {  	[spmem:s3] =	stream.indirect.scatter.add.f32 [tilespmem:s23], [sflag:$0x3], $0x80, s13, s29, $0xb8;
	[tilespmem:$0x1D380] =	vst v63  }
0x190: {  	_ =	swait.ge [sflag:s31], $0x4000  }
0x191: {  	[sflag:s31] =	ssyncset.done $0x0  }
0x192: {  	[sflag:s31] =	ssyncadd.s32 $0xFFFFC000  }
0x193: {  	[spmem:s4] =	stream.indirect.scatter.add.f32 [tilespmem:s2], [sflag:$0x3], $0x1, s13, s29, $0xb8;
	[tilespmem:$0x1D380] =	vst v63  }
0x194: {  	_ =	swait.ge [sflag:s31], $0x80  }
0x195: {  	[sflag:s31] =	ssyncset.done $0x0  }
0x196: {  	s14 =	rddreg [dreg:$0xc];
	[sflag:s31] =	ssyncadd.s32 $0xFFFFFF80  }
0x197: {  	[tilespmem:s23], [sflag:$0x1] =	stream.indirect.gather [hbm4b:s0+s29], $0x80, s14, s29, $0xb8;
	[tilespmem:$0x1D380] =	vst v63  }
0x198: {  	_ =	swait.ge [sflag:s26], $0x4000  }
0x199: {  	[sflag:s26] =	ssyncset.done $0x0  }
0x19a: {  	[sflag:s26] =	ssyncadd.s32 $0xFFFFC000  }
0x19b: {  	[spmem:s3] =	stream.indirect.scatter.add.f32 [tilespmem:s30], [sflag:$0x3], $0x80, s15, s29, $0xb8;
	[tilespmem:$0x1D380] =	vst v63  }
0x19c: {  	_ =	swait.ge [sflag:s31], $0x4000  }
0x19d: {  	[sflag:s31] =	ssyncset.done $0x0  }
0x19e: {  	[sflag:s31] =	ssyncadd.s32 $0xFFFFC000  }
0x19f: {  	[spmem:s4] =	stream.indirect.scatter.add.f32 [tilespmem:s2], [sflag:$0x3], $0x1, s15, s29, $0xb8;
	[tilespmem:$0x1D380] =	vst v63  }
0x1a0: {  	_ =	swait.ge [sflag:s31], $0x80  }
0x1a1: {  	[sflag:s31] =	ssyncset.done $0x0  }
0x1a2: {  	s24 =	rddreg [dreg:$0xd];
	[sflag:s31] =	ssyncadd.s32 $0xFFFFFF80  }
0x1a3: {  	[tilespmem:s30], [sflag:$0x2] =	stream.indirect.gather [hbm4b:s0+s29], $0x80, s24, s29, $0xb8;
	[tilespmem:$0x1D380] =	vst v63  }
0x1a4: {  	_ =	swait.ge [sflag:s25], $0x4000  }
0x1a5: {  	[sflag:s25] =	ssyncset.done $0x0  }
0x1a6: {  	[sflag:s25] =	ssyncadd.s32 $0xFFFFC000  }
0x1a7: {  	[spmem:s3] =	stream.indirect.scatter.add.f32 [tilespmem:s23], [sflag:$0x3], $0x80, s16, s29, $0xb8;
	[tilespmem:$0x1D380] =	vst v63  }
0x1a8: {  	_ =	swait.ge [sflag:s31], $0x4000  }
0x1a9: {  	[sflag:s31] =	ssyncset.done $0x0  }
0x1aa: {  	[sflag:s31] =	ssyncadd.s32 $0xFFFFC000  }
0x1ab: {  	[spmem:s4] =	stream.indirect.scatter.add.f32 [tilespmem:s2], [sflag:$0x3], $0x1, s16, s29, $0xb8;
	[tilespmem:$0x1D380] =	vst v63  }
0x1ac: {  	_ =	swait.ge [sflag:s31], $0x80  }
0x1ad: {  	[sflag:s31] =	ssyncset.done $0x0  }
0x1ae: {  	s14 =	rddreg [dreg:$0xe];
	[sflag:s31] =	ssyncadd.s32 $0xFFFFFF80  }
0x1af: {  	[tilespmem:s23], [sflag:$0x1] =	stream.indirect.gather [hbm4b:s0+s29], $0x80, s14, s29, $0xb8;
	[tilespmem:$0x1D380] =	vst v63  }
0x1b0: {  	_ =	swait.ge [sflag:s26], $0x4000  }
0x1b1: {  	[sflag:s26] =	ssyncset.done $0x0  }
0x1b2: {  	[sflag:s26] =	ssyncadd.s32 $0xFFFFC000  }
0x1b3: {  	[spmem:s3] =	stream.indirect.scatter.add.f32 [tilespmem:s30], [sflag:$0x3], $0x80, s17, s29, $0xb8;
	[tilespmem:$0x1D380] =	vst v63  }
0x1b4: {  	_ =	swait.ge [sflag:s31], $0x4000  }
0x1b5: {  	[sflag:s31] =	ssyncset.done $0x0  }
0x1b6: {  	[sflag:s31] =	ssyncadd.s32 $0xFFFFC000  }
0x1b7: {  	[spmem:s4] =	stream.indirect.scatter.add.f32 [tilespmem:s2], [sflag:$0x3], $0x1, s17, s29, $0xb8;
	[tilespmem:$0x1D380] =	vst v63  }
0x1b8: {  	_ =	swait.ge [sflag:s31], $0x80  }
0x1b9: {  	[sflag:s31] =	ssyncset.done $0x0  }
0x1ba: {  	s24 =	rddreg [dreg:$0xf];
	[sflag:s31] =	ssyncadd.s32 $0xFFFFFF80  }
0x1bb: {  	[tilespmem:s30], [sflag:$0x2] =	stream.indirect.gather [hbm4b:s0+s29], $0x80, s24, s29, $0xb8;
	[tilespmem:$0x1D380] =	vst v63  }
0x1bc: {  	_ =	swait.ge [sflag:s25], $0x4000  }
0x1bd: {  	[sflag:s25] =	ssyncset.done $0x0  }
0x1be: {  	[sflag:s25] =	ssyncadd.s32 $0xFFFFC000  }
0x1bf: {  	[spmem:s3] =	stream.indirect.scatter.add.f32 [tilespmem:s23], [sflag:$0x3], $0x80, s18, s29, $0xb8;
	[tilespmem:$0x1D380] =	vst v63  }
0x1c0: {  	_ =	swait.ge [sflag:s31], $0x4000  }
0x1c1: {  	[sflag:s31] =	ssyncset.done $0x0  }
0x1c2: {  	[sflag:s31] =	ssyncadd.s32 $0xFFFFC000  }
0x1c3: {  	[spmem:s4] =	stream.indirect.scatter.add.f32 [tilespmem:s2], [sflag:$0x3], $0x1, s18, s29, $0xb8;
	[tilespmem:$0x1D380] =	vst v63  }
0x1c4: {  	_ =	swait.ge [sflag:s31], $0x80  }
0x1c5: {  	[sflag:s31] =	ssyncset.done $0x0  }
0x1c6: {  	s14 =	rddreg [dreg:$0x10];
	[sflag:s31] =	ssyncadd.s32 $0xFFFFFF80  }
0x1c7: {  	[tilespmem:s23], [sflag:$0x1] =	stream.indirect.gather [hbm4b:s0+s29], $0x80, s14, s29, $0xb8;
	[tilespmem:$0x1D380] =	vst v63  }
0x1c8: {  	_ =	swait.ge [sflag:s26], $0x4000  }
0x1c9: {  	[sflag:s26] =	ssyncset.done $0x0  }
0x1ca: {  	[sflag:s26] =	ssyncadd.s32 $0xFFFFC000  }
0x1cb: {  	[spmem:s3] =	stream.indirect.scatter.add.f32 [tilespmem:s30], [sflag:$0x3], $0x80, s19, s29, $0xb8;
	[tilespmem:$0x1D380] =	vst v63  }
0x1cc: {  	_ =	swait.ge [sflag:s31], $0x4000  }
0x1cd: {  	[sflag:s31] =	ssyncset.done $0x0  }
0x1ce: {  	[sflag:s31] =	ssyncadd.s32 $0xFFFFC000  }
0x1cf: {  	[spmem:s4] =	stream.indirect.scatter.add.f32 [tilespmem:s2], [sflag:$0x3], $0x1, s19, s29, $0xb8;
	[tilespmem:$0x1D380] =	vst v63  }
0x1d0: {  	_ =	swait.ge [sflag:s31], $0x80  }
0x1d1: {  	[sflag:s31] =	ssyncset.done $0x0  }
0x1d2: {  	s24 =	rddreg [dreg:$0x11];
	[sflag:s31] =	ssyncadd.s32 $0xFFFFFF80  }
0x1d3: {  	[tilespmem:s30], [sflag:$0x2] =	stream.indirect.gather [hbm4b:s0+s29], $0x80, s24, s29, $0xb8;
	[tilespmem:$0x1D380] =	vst v63  }
0x1d4: {  	_ =	swait.ge [sflag:s25], $0x4000  }
0x1d5: {  	[sflag:s25] =	ssyncset.done $0x0  }
0x1d6: {  	[sflag:s25] =	ssyncadd.s32 $0xFFFFC000  }
0x1d7: {  	[spmem:s3] =	stream.indirect.scatter.add.f32 [tilespmem:s23], [sflag:$0x3], $0x80, s20, s29, $0xb8;
	[tilespmem:$0x1D380] =	vst v63  }
0x1d8: {  	_ =	swait.ge [sflag:s31], $0x4000  }
0x1d9: {  	[sflag:s31] =	ssyncset.done $0x0  }
0x1da: {  	[sflag:s31] =	ssyncadd.s32 $0xFFFFC000  }
0x1db: {  	[spmem:s4] =	stream.indirect.scatter.add.f32 [tilespmem:s2], [sflag:$0x3], $0x1, s20, s29, $0xb8;
	[tilespmem:$0x1D380] =	vst v63  }
0x1dc: {  	_ =	swait.ge [sflag:s31], $0x80  }
0x1dd: {  	[sflag:s31] =	ssyncset.done $0x0  }
0x1de: {  	s14 =	rddreg [dreg:$0x12];
	[sflag:s31] =	ssyncadd.s32 $0xFFFFFF80  }
0x1df: {  	[tilespmem:s23], [sflag:$0x1] =	stream.indirect.gather [hbm4b:s0+s29], $0x80, s14, s29, $0xb8;
	[tilespmem:$0x1D380] =	vst v63  }
0x1e0: {  	_ =	swait.ge [sflag:s26], $0x4000  }
0x1e1: {  	[sflag:s26] =	ssyncset.done $0x0  }
0x1e2: {  	[sflag:s26] =	ssyncadd.s32 $0xFFFFC000  }
0x1e3: {  	[spmem:s3] =	stream.indirect.scatter.add.f32 [tilespmem:s30], [sflag:$0x3], $0x80, s21, s29, $0xb8;
	[tilespmem:$0x1D380] =	vst v63  }
0x1e4: {  	_ =	swait.ge [sflag:s31], $0x4000  }
0x1e5: {  	[sflag:s31] =	ssyncset.done $0x0  }
0x1e6: {  	[sflag:s31] =	ssyncadd.s32 $0xFFFFC000  }
0x1e7: {  	[spmem:s4] =	stream.indirect.scatter.add.f32 [tilespmem:s2], [sflag:$0x3], $0x1, s21, s29, $0xb8;
	[tilespmem:$0x1D380] =	vst v63  }
0x1e8: {  	_ =	swait.ge [sflag:s31], $0x80  }
0x1e9: {  	[sflag:s31] =	ssyncset.done $0x0  }
0x1ea: {  	s24 =	rddreg [dreg:$0x13];
	[sflag:s31] =	ssyncadd.s32 $0xFFFFFF80  }
0x1eb: {  	[tilespmem:s30], [sflag:$0x2] =	stream.indirect.gather [hbm4b:s0+s29], $0x80, s24, s29, $0xb8;
	[tilespmem:$0x1D380] =	vst v63  }
0x1ec: {  	_ =	swait.ge [sflag:s25], $0x4000  }
0x1ed: {  	[sflag:s25] =	ssyncset.done $0x0  }
0x1ee: {  	[sflag:s25] =	ssyncadd.s32 $0xFFFFC000  }
0x1ef: {  	[spmem:s3] =	stream.indirect.scatter.add.f32 [tilespmem:s23], [sflag:$0x3], $0x80, s22, s29, $0xb8;
	[tilespmem:$0x1D380] =	vst v63  }
0x1f0: {  	_ =	swait.ge [sflag:s31], $0x4000  }
0x1f1: {  	[sflag:s31] =	ssyncset.done $0x0  }
0x1f2: {  	[sflag:s31] =	ssyncadd.s32 $0xFFFFC000  }
0x1f3: {  	[spmem:s4] =	stream.indirect.scatter.add.f32 [tilespmem:s2], [sflag:$0x3], $0x1, s22, s29, $0xb8;
	[tilespmem:$0x1D380] =	vst v63  }
0x1f4: {  	_ =	swait.ge [sflag:s31], $0x80  }
0x1f5: {  	[sflag:s31] =	ssyncset.done $0x0  }
0x1f6: {  	s14 =	rddreg [dreg:$0x14];
	[sflag:s31] =	ssyncadd.s32 $0xFFFFFF80  }
0x1f7: {  	[tilespmem:s23], [sflag:$0x1] =	stream.indirect.gather [hbm4b:s0+s29], $0x80, s14, s29, $0xb8;
	[tilespmem:$0x1D380] =	vst v63  }
0x1f8: {  	_ =	swait.ge [sflag:s26], $0x4000  }
0x1f9: {  	[sflag:s26] =	ssyncset.done $0x0  }
0x1fa: {  	[sflag:s26] =	ssyncadd.s32 $0xFFFFC000  }
0x1fb: {  	[spmem:s3] =	stream.indirect.scatter.add.f32 [tilespmem:s30], [sflag:$0x3], $0x80, s6, s29, $0xb8;
	[tilespmem:$0x1D380] =	vst v63  }
0x1fc: {  	_ =	swait.ge [sflag:s31], $0x4000  }
0x1fd: {  	[sflag:s31] =	ssyncset.done $0x0  }
0x1fe: {  	[sflag:s31] =	ssyncadd.s32 $0xFFFFC000  }
0x1ff: {  	[spmem:s4] =	stream.indirect.scatter.add.f32 [tilespmem:s2], [sflag:$0x3], $0x1, s6, s29, $0xb8;
	[tilespmem:$0x1D380] =	vst v63  }
0x200: {  	_ =	swait.ge [sflag:s31], $0x80  }
0x201: {  	[sflag:s31] =	ssyncset.done $0x0  }
0x202: {  	s24 =	rddreg [dreg:$0x15];
	[sflag:s31] =	ssyncadd.s32 $0xFFFFFF80  }
0x203: {  	[tilespmem:s30], [sflag:$0x2] =	stream.indirect.gather [hbm4b:s0+s29], $0x80, s24, s29, $0xb8;
	[tilespmem:$0x1D380] =	vst v63  }
0x204: {  	_ =	swait.ge [sflag:s25], $0x4000  }
0x205: {  	[sflag:s25] =	ssyncset.done $0x0  }
0x206: {  	[sflag:s25] =	ssyncadd.s32 $0xFFFFC000  }
0x207: {  	[spmem:s3] =	stream.indirect.scatter.add.f32 [tilespmem:s23], [sflag:$0x3], $0x80, s7, s29, $0xb8;
	[tilespmem:$0x1D380] =	vst v63  }
0x208: {  	_ =	swait.ge [sflag:s31], $0x4000  }
0x209: {  	[sflag:s31] =	ssyncset.done $0x0  }
0x20a: {  	[sflag:s31] =	ssyncadd.s32 $0xFFFFC000  }
0x20b: {  	[spmem:s4] =	stream.indirect.scatter.add.f32 [tilespmem:s2], [sflag:$0x3], $0x1, s7, s29, $0xb8;
	[tilespmem:$0x1D380] =	vst v63  }
0x20c: {  	_ =	swait.ge [sflag:s31], $0x80  }
0x20d: {  	[sflag:s31] =	ssyncset.done $0x0  }
0x20e: {  	[sflag:s31] =	ssyncadd.s32 $0xFFFFFF80  }
0x20f: {  	_ =	swait.ge [sflag:s26], $0x4000  }
0x210: {  	[sflag:s26] =	ssyncset.done $0x0  }
0x211: {  	p0 =	sne.s32 s12, $0x400;
	[sflag:s26] =	ssyncadd.s32 $0xFFFFC000  }
0x212: {  	[spmem:s3] =	stream.indirect.scatter.add.f32 [tilespmem:s30], [sflag:$0x3], $0x80, s8, s29, $0xb8;
	[tilespmem:$0x1D380] =	vst v63  }
.Ltmp1:
0x213: {  	_ =	swait.ge [sflag:s31], $0x4000;
	(pc) =	sbr.rel @p0 .LBB2_4-.Ltmp1, $4  }
0x214: {  	[sflag:s31] =	ssyncset.done $0x0  }
0x215: {  	[sflag:s31] =	ssyncadd.s32 $0xFFFFC000  }
0x216: {  	[spmem:s4] =	stream.indirect.scatter.add.f32 [tilespmem:s2], [sflag:$0x3], $0x1, s8, s29, $0xb8;
	[tilespmem:$0x1D380] =	vst v63  }
0x217: {  	s12 =	sadd.s32 $0x100, s12;
	_ =	swait.ge [sflag:s31], $0x80  }
0x218: {  	[sflag:s31] =	ssyncset.done $0x0  }
0x219: {  	[sflag:s31] =	ssyncadd.s32 $0xFFFFFF80  }
0x21a: {  	[bflag:$0x0] =	sbarrier.arrive $0xFFFF  }
0x21b: {  	s10 =	stileid.u32;
	s14 =	rddreg [dreg:$0x16]  }
0x21c: {  	s10 =	sshll.u32 s10, $0x6;
	s12 =	sshrl.u32 s14, $0x3;
	s14 =	sld [smem:$0x7F7]  }
0x21d: {  	s24 =	sor.u32 $0x1C03, s10  }
0x21e: {  	[smem:$0x7F5] =	sst s24  }
0x21f: {  	[hbm:s14], [sflag:s24] =	dma.local [spmem:s12], $0x800  }
0x220: {  	_ =	swait.ge [sflag:s31], $0x800  }
0x221: {  	s10 =	sld [smem:$0x7F8]  }
0x222: {  	[sflag:s31] =	ssyncset.done $0x0;
	s1 =	rddreg [dreg:$0x18]  }
0x223: {  	[sflag:s31] =	ssyncadd.s32 $0xFFFFF800;
	s12 =	sshrl.u32 s1, $0x3  }
0x224: {  	[hbm:s10], [sflag:s24] =	dma.local [spmem:s12], $0x800  }
0x225: {  	_ =	swait.ge [sflag:s31], $0x800  }
0x226: {  	s10 =	sld [smem:$0x7F9]  }
0x227: {  	[sflag:s31] =	ssyncset.done $0x0;
	s1 =	rddreg [dreg:$0x1a]  }
0x228: {  	[sflag:s31] =	ssyncadd.s32 $0xFFFFF800;
	s12 =	sshrl.u32 s1, $0x3  }
0x229: {  	[hbm:s10], [sflag:s24] =	dma.local [spmem:s12], $0x800  }
0x22a: {  	_ =	swait.ge [sflag:s31], $0x800  }
0x22b: {  	s10 =	sld [smem:$0x7FA]  }
0x22c: {  	[sflag:s31] =	ssyncset.done $0x0;
	s1 =	rddreg [dreg:$0x1c]  }
0x22d: {  	[sflag:s31] =	ssyncadd.s32 $0xFFFFF800;
	s12 =	sshrl.u32 s1, $0x3  }
0x22e: {  	[hbm:s10], [sflag:s24] =	dma.local [spmem:s12], $0x800  }
0x22f: {  	_ =	swait.ge [sflag:s31], $0x800  }
0x230: {  	s1 =	sld [smem:$0x7FB]  }
0x231: {  	[sflag:s31] =	ssyncset.done $0x0;
	s14 =	rddreg [dreg:$0x1e]  }
0x232: {  	[sflag:s31] =	ssyncadd.s32 $0xFFFFF800;
	s12 =	sshrl.u32 s14, $0x3  }
0x233: {  	[hbm:s1], [sflag:s24] =	dma.local [spmem:s12], $0x800  }
0x234: {  	_ =	swait.ge [sflag:s31], $0x800  }
0x235: {  	s14 =	sld [smem:$0x7FC]  }
0x236: {  	s1 =	sld [smem:$0x7F5]  }
0x237: {  	s24 =	simm.s32 $0x20;
	[sflag:s31] =	ssyncset.done $0x0;
	s10 =	rddreg [dreg:$0x17]  }
0x238: {  	[sflag:s31] =	ssyncadd.s32 $0xFFFFF800;
	s12 =	sshrl.u32 s10, $0x3;
	s10 =	simm.s32 $0x10  }
0x239: {  	[hbm:s14@s24], [sflag:s1] =	dma.strided [spmem:s12@s10], $0x50, s25, $0x10   }
0x23a: {  	_ =	swait.ge [sflag:s31], $0x50  }
0x23b: {  	s14 =	sld [smem:$0x7F6]  }
0x23c: {  	s24 =	sld [smem:$0x7FD];
	_ =	sdelay $0x1  }
0x23d: {  	s12 =	sadd.s32 $0x1, s14  }
0x23e: {  	p0 =	sne.s32 s12, s24  }
.Ltmp2:
0x23f: {  	_ = 	snop;
	(pc) =	sbr.rel @p0 .LBB2_1-.Ltmp2, $3  }
0x240: {  	_ =	sdelay $0x1  }
0x241: {  	[sflag:s31] =	ssyncset.done $0x0  }
0x242: {  	s1 =	simm.s32 $0x880;
	[sflag:s31] =	ssyncadd.s32 $0xFFFFFFB0  }
0x243: {  	_ =	sfence.sel $0x180000  }
0x244: {  	[bflag:$0x0] =	sbarrier.arrive $0xFFFF  }
0x245: {  	_ =	strace $0x90000047  }
0x246: {  	s0 =	stileid.u32;
	[bflag:$0x2] =	sbarrier.arrive $0xFFFF  }
0x247: {  	p0 =	sne.s32 s0, $0x0;
	s0 =	rddreg [dreg:$0x5]  }
0x248: {  	s0 =	sadd.s32 @!p0 $0x100000, s0  }
0x249: {  	[sflag:s0] =	ssyncadd.tile.s32 @!p0 $0x1;
	_ =	shalt  }
.Lfunc_end2:
_tile_overlayer_lowered:
.L_overlay_start_2:
0x24a: {  	(tag) =	ssettag $0x2  }
0x24b: {  	s0 =	rddreg [dreg:$0x0];
	s2 =	stileid.u32  }
0x24c: {  	s1 =	rddreg [dreg:$0x1];
	p0 =	sne.s32 s2, $0x0  }
0x24d: {  	s3 =	rddreg [dreg:$0x2];
	[bflag:$0x3] =	sbarrier.arrive $0xFFFF;
	s2 =	simm.s32 @!p0 $0x1C03  }
0x24e: {  	[timem:s3], [sflag:s2] =	dma.local @!p0 [hbm:s0], s1  }
0x24f: {  	s0 =	simm.s32 @!p0 $0x3  }
0x250: {  	_ =	swait.ge @!p0 [sflag:s0], s1  }
0x251: {  	s1 =	ssub.s32 @!p0 $0x0, s1;
	[sflag:s0] =	ssyncset.done @!p0 $0x0  }
0x252: {  	[sflag:s0] =	ssyncadd.s32 @!p0 s1  }
0x253: {  	[bflag:$0x3] =	sbarrier.arrive $0xFFFF  }
0x254: {  	_ =	shalt  }

// kernel: kernel.9.cloned.1.call-start
scs
__scs_entry_jumppad:
0x0: {  	(pc) =	sbr.rel $0x88, $3  }
0x1: {  	(tag) =	ssettag $0x0;
	lr =	simm.s32 $0x1  }
0x2: {  	[smem:$0x3F99] =	sst lr;
	_ =	strace $0xD0000000  }
0x3: {  	_ = 	snop  }
0x4: {  	_ = 	snop  }
0x5: {  	_ = 	snop  }
0x6: {  	_ = 	snop  }
0x7: {  	_ = 	snop  }
__scs_overlays_trampoline_lowered:
0x8: {  	[smem:$0x3FA8] =	sst s0  }
0x9: {  	[smem:$0x3FA9] =	sst s1  }
0xa: {  	[smem:$0x3FAA] =	sst s2  }
0xb: {  	[smem:$0x3FAB] =	sst s3  }
0xc: {  	[smem:$0x3FAC] =	sst s4  }
0xd: {  	[smem:$0x3FAD] =	sst s5  }
0xe: {  	[smem:$0x3FAE] =	sst s6  }
0xf: {  	[smem:$0x3FAF] =	sst s7  }
0x10: {  	[smem:$0x3FB0] =	sst s8  }
0x11: {  	[smem:$0x3FB1] =	sst s9;
	s0 =	simm.s32 @!p0 $0x0  }
0x12: {  	s1 =	sld [smem:$0x3F97];
	s0 =	simm.s32 @p0 $0x1  }
0x13: {  	[smem:$0x3FB2] =	sst s0;
	s0 =	simm.s32 @!p1 $0x0  }
0x14: {  	s2 =	sld [smem:$0x3F96];
	s0 =	simm.s32 @p1 $0x1  }
0x15: {  	[smem:$0x3FB3] =	sst s0;
	s0 =	simm.s32 @!p2 $0x0  }
0x16: {  	s3 =	sld [smem:$0x3FDB];
	s0 =	simm.s32 @p2 $0x1  }
0x17: {  	s4 =	simm.s32 $0x1BF5;
	[smem:$0x3FB5] =	sst s0  }
0x18: {  	s0 =	sld [smem:$0x3F98];
	_ =	swait.ge [sflag:s4], $0x0  }
0x19: {  	s7 =	sld [smem:$0x3F99]  }
0x1a: {  	s8 =	sadd.s32 $0xFFFFE003, lr  }
0x1b: {  	s9 =	sadd.s32 $0xFFFFFEF7, lr;
	s5 =	simm.s32 $0xFFFFFFFF;
	p2 =	slt.u32 s8, $0xFFFFF086  }
0x1c: {  	p1 =	slt.u32 s9, $0xF7A;
	s5 =	simm.s32 @!p2 $0x0  }
0x1d: {  	s5 =	simm.s32 @p1 $0x1;
	p0 =	seq.s32 s7, s2  }
0x1e: {  	s7 =	smul.u32 @!p0 $0xF7A, s2;
	p2 =	seq.s32 @!p0 s5, $0x0  }
0x1f: {  	s9 =	smul.u32 $0xF7A, s1;
	s8 =	simm.s32 @!p0 $0x1BF5;
	p2 =	por !p2, p0  }
0x20: {  	[sflag:s8] =	ssyncset.s32 @!p0 $0xFFFFF086;
	s6 =	sadd.s32 @!p0 s3, s7;
	s7 =	simm.s32 @!p0 $0x108  }
0x21: {  	s3 =	sadd.s32 s3, s9;
	s6 =	sadd.s32 @!p0 $0x88, s6;
	s7 =	simm.s32 @p2 $0x1082  }
0x22: {  	[simem:s7], [sflag:s8] =	dma.local @!p0 [hbm:s6], $0xF7A  }
0x23: {  	s9 =	sor.u32 $0xD0000000, s2;
	s6 =	simm.s32 $0x108;
	_ =	swait.ge @!p0 [sflag:s8], $0x0  }
0x24: {  	s3 =	sadd.s32 $0x88, s3;
	s6 =	simm.s32 @!p1 $0x1082;
	[sflag:s4] =	ssyncset.s32 $0xFFFFF086  }
0x25: {  	[simem:s6], [sflag:s4] =	dma.local [hbm:s3], $0xF7A  }
0x26: {  	[smem:$0x3F99] =	sst s1;
	(tag) =	ssettag s2;
	_ =	strace s9  }
0x27: {  	s1 =	sld [smem:$0x3FA9]  }
0x28: {  	s2 =	sld [smem:$0x3FAA]  }
0x29: {  	s4 =	sld [smem:$0x3FAC]  }
0x2a: {  	p0 =	seq.s32 s5, $0x0;
	s5 =	sld [smem:$0x3FAD]  }
0x2b: {  	s6 =	sld [smem:$0x3FAE]  }
0x2c: {  	s7 =	sld [smem:$0x3FAF]  }
0x2d: {  	s3 =	simm.s32 $0x108;
	s8 =	sld [smem:$0x3FB0]  }
0x2e: {  	s3 =	simm.s32 @!p0 $0x1082;
	s9 =	sld [smem:$0x3FB1]  }
0x2f: {  	lr =	sadd.s32 s0, s3;
	s0 =	sld [smem:$0x3FA8]  }
0x30: {  	s3 =	sld [smem:$0x3FAB]  }
0x31: {  	[smem:$0x3FB4] =	sst s10  }
0x32: {  	s10 =	sld [smem:$0x3FB2];
	_ =	sdelay $0x3  }
0x33: {  	p0 =	seq.s32 s10, $0x1;
	s10 =	sld [smem:$0x3FB4];
	_ =	sdelay $0x3  }
0x34: {  	[smem:$0x3FB4] =	sst s10  }
0x35: {  	s10 =	sld [smem:$0x3FB3];
	_ =	sdelay $0x3  }
0x36: {  	p1 =	seq.s32 s10, $0x1;
	s10 =	sld [smem:$0x3FB4];
	_ =	sdelay $0x3  }
0x37: {  	[smem:$0x3FB4] =	sst s10  }
0x38: {  	s10 =	sld [smem:$0x3FB5]  }
0x39: {  	_ = 	snop;
	(pc) =	sbr.ind lr, $3  }
0x3a: {  	_ = 	snop  }
0x3b: {  	_ = 	snop  }
0x3c: {  	p2 =	seq.s32 s10, $0x1;
	s10 =	sld [smem:$0x3FB4]  }
0x3d: {  	_ =	shalt  }
0x3e: {  	_ =	shalt  }
0x3f: {  	_ =	shalt  }
0x40: {  	_ =	shalt  }
0x41: {  	_ =	shalt  }
0x42: {  	_ =	shalt  }
0x43: {  	_ =	shalt  }
0x44: {  	_ =	shalt  }
0x45: {  	_ =	shalt  }
0x46: {  	_ =	shalt  }
0x47: {  	_ =	shalt  }
0x48: {  	_ =	shalt  }
0x49: {  	_ =	shalt  }
0x4a: {  	_ =	shalt  }
0x4b: {  	_ =	shalt  }
0x4c: {  	_ =	shalt  }
0x4d: {  	_ =	shalt  }
0x4e: {  	_ =	shalt  }
0x4f: {  	_ =	shalt  }
0x50: {  	_ =	shalt  }
0x51: {  	_ =	shalt  }
0x52: {  	_ =	shalt  }
0x53: {  	_ =	shalt  }
0x54: {  	_ =	shalt  }
0x55: {  	_ =	shalt  }
0x56: {  	_ =	shalt  }
0x57: {  	_ =	shalt  }
0x58: {  	_ =	shalt  }
0x59: {  	_ =	shalt  }
0x5a: {  	_ =	shalt  }
0x5b: {  	_ =	shalt  }
0x5c: {  	_ =	shalt  }
0x5d: {  	_ =	shalt  }
0x5e: {  	_ =	shalt  }
0x5f: {  	_ =	shalt  }
0x60: {  	_ =	shalt  }
0x61: {  	_ =	shalt  }
0x62: {  	_ =	shalt  }
0x63: {  	_ =	shalt  }
0x64: {  	_ =	shalt  }
0x65: {  	_ =	shalt  }
0x66: {  	_ =	shalt  }
0x67: {  	_ =	shalt  }
0x68: {  	_ =	shalt  }
0x69: {  	_ =	shalt  }
0x6a: {  	_ =	shalt  }
0x6b: {  	_ =	shalt  }
0x6c: {  	_ =	shalt  }
0x6d: {  	_ =	shalt  }
0x6e: {  	_ =	shalt  }
0x6f: {  	_ =	shalt  }
0x70: {  	_ =	shalt  }
0x71: {  	_ =	shalt  }
0x72: {  	_ =	shalt  }
0x73: {  	_ =	shalt  }
0x74: {  	_ =	shalt  }
0x75: {  	_ =	shalt  }
0x76: {  	_ =	shalt  }
0x77: {  	_ =	shalt  }
0x78: {  	_ =	shalt  }
0x79: {  	_ =	shalt  }
0x7a: {  	_ =	shalt  }
0x7b: {  	_ =	shalt  }
0x7c: {  	_ =	shalt  }
0x7d: {  	_ =	shalt  }
0x7e: {  	_ =	shalt  }
0x7f: {  	_ =	shalt  }
0x80: {  	_ =	shalt  }
0x81: {  	_ =	shalt  }
0x82: {  	_ =	shalt  }
0x83: {  	_ =	shalt  }
0x84: {  	_ =	shalt  }
0x85: {  	_ =	shalt  }
0x86: {  	_ =	shalt  }
0x87: {  	_ =	shalt  }
.Lfunc_end0:
.L_simem_size_0:
called_computation.1_lowered:
.L_overlay_start_0:
0x88: {  	s2 =	sld [smem:$0x3FD9]  }
0x89: {  	s3 =	sld [smem:$0x3FFE];
	_ =	sdelay $0x1  }
0x8a: {  	s1 =	srdreg.scid  }
0x8b: {  	s0 =	sand.u32 $0x1, s1  }
0x8c: {  	s17 =	sshll.u32 s0, $0xA;
	s2 =	sadd.s32 s3, s2  }
0x8d: {  	s2 =	sadd.s32 s2, s17  }
0x8e: {  	[smem:$0x3FC0] =	sst s2  }
0x8f: {  	_ = 	snop  }
0x90: {  	s2 =	sld [smem:$0x3FD0];
	(tm) =	ssettm $0x1  }
0x91: {  	s18 =	sld [smem:$0x3FFB];
	_ =	sdelay $0x3  }
0x92: {  	_ =	strace s18  }
0x93: {  	s3 =	sld [smem:$0x3FFC];
	_ =	sdelay $0x3  }
0x94: {  	_ =	strace s3  }
0x95: {  	s3 =	sld [smem:$0x3FFD];
	_ =	sdelay $0x3  }
0x96: {  	_ =	strace s3  }
0x97: {  	_ =	strace $0x8FFFFFFF  }
0x98: {  	s19 =	sld [smem:$0x3FDB];
	_ =	sdelay $0x1  }
0x99: {  	s4 =	simm.s32 $_scs_section_size  }
0x9a: {  	s5 =	simm.s32 $_size__tile_overlayer_lowered;
	s6 =	simm.s32 $_tile_overlayer_lowered  }
0x9b: {  	s22 =	simm.s32 $0x1BFF;
	s21 =	sshll.u32 s6, $0x1;
	s3 =	sadd.s32 s4, s19  }
0x9c: {  	s7 =	simm.s32 $0x0;
	s20 =	sshll.u32 s5, $0x1;
	s5 =	sadd.s32 s21, s3  }
0x9d: {  	[timem:s7], [sflag:s22] =	dma.local [hbm:s5], s20  }
0x9e: {  	_ =	swait.ge [sflag:s22], s20  }
0x9f: {  	s4 =	ssub.s32 $0x0, s20;
	[sflag:s22] =	ssyncset.done $0x0  }
0xa0: {  	[sflag:s22] =	ssyncadd.s32 s4;
	_ =	sdelay $0x1  }
0xa1: {  	s23 =	simm.s32 $0x1B8B  }
0xa2: {  	_ =	swait.ge [sflag:s23], $0x1  }
0xa3: {  	[sflag:s23] =	ssyncset.done $0x0  }
0xa4: {  	s25 =	simm.s32 $0x1B8E;
	s24 =	sld [smem:$0x3FFE];
	[sflag:s23] =	ssyncadd.s32 $0xFFFFFFFF  }
0xa5: {  	s26 =	simm.s32 $execute0_lowered;
	[smem:$0x3FD2] =	sst s25  }
0xa6: {  	s5 =	sshll.u32 s26, $0x1;
	_ =	strace $0x80000049;
	[dreg:$0x1] =	wrdreg $0xFFFFFFFF  }
0xa7: {  	s28 =	simm.s32 $_size_execute0_lowered;
	s3 =	sadd.s32 s3, s5;
	[dreg:$0x0] =	wrdreg $0x0  }
0xa8: {  	s5 =	sshll.u32 s28, $0x1;
	[dreg:$0x2] =	wrdreg s3  }
0xa9: {  	[dreg:$0x3] =	wrdreg s5  }
0xaa: {  	[dreg:$0x4] =	wrdreg $0xC0  }
0xab: {  	_ =	task [dreg:s7], $0x5FFFF  }
0xac: {  	[dreg:$0x1] =	wrdreg $0xFFFFFFFF  }
0xad: {  	[dreg:$0x0] =	wrdreg $0x60  }
0xae: {  	[dreg:$0x2] =	wrdreg s2  }
0xaf: {  	[dreg:$0x3] =	wrdreg s24  }
0xb0: {  	[dreg:$0x4] =	wrdreg $0x90000  }
0xb1: {  	[dreg:$0x5] =	wrdreg $0x9  }
0xb2: {  	_ =	task.clear_ibuf [dreg:s7], $0x6FFFF;
	_ =	strace $0x90000049  }
0xb3: {  	s29 =	simm.s32 $0x9;
	_ =	strace $0x8000004B  }
0xb4: {  	_ =	swait.ge [sflag:s29], $0x1  }
0xb5: {  	[sflag:s29] =	ssyncadd.s32 $0xFFFFFFFF  }
0xb6: {  	_ =	strace $0x9000004B  }
0xb7: {  	_ =	sfence  }
0xb8: {  	s30 =	sld [smem:$0x0];
	_ =	sdelay $0x2  }
0xb9: {  	s31 =	sshll.u32 s1, $0xD;
	s1 =	sshrl.u32 s1, $0x2  }
0xba: {  	s3 =	sand.u32 $0x4000, s31;
	s1 =	sadd.s32 s1, s30  }
0xbb: {  	s0 =	sor.u32 s3, s0;
	s1 =	sshll.u32 s1, $0x11  }
0xbc: {  	s0 =	sor.u32 s1, s0  }
0xbd: {  	s0 =	sadd.s32 $0x8F2B, s0  }
0xbe: {  	[sflag:s0] =	ssyncadd.remote.s32 $0x1  }
0xbf: {  	_ =	sfence.sel $0xFFFF  }
0xc0: {  	[dreg:$0x0] =	wrdreg $0xFFFFFFFF;
	(pc) =	sbr.abs _section_cstart, $3  }
0xc1: {  	[dreg:$0x1] =	wrdreg $0xFFFFFFFF  }
0xc2: {  	_ =	task.clear_ibuf [dreg:s7], $0x2FFFF;
	_ =	strace $0x9FFFFFFF  }
0xc3: {  	(tm) =	ssettm $0x7FFFFFFF  }
tec
execute0_lowered:
.L_overlay_start_1:
0x0: {  	(tag) =	ssettag $0x1  }
0x1: {  	s2 =	rddreg [dreg:$0x0]  }
0x2: {  	s0 =	srdreg.scid;
	s5 =	rddreg [dreg:$0x1]  }
0x3: {  	s9 =	stileid.u32;
	s3 =	rddreg [dreg:$0x2];
	s4 =	simm.s32 $0x0  }
0x4: {  	s13 =	simm.s32 $0x100;
	s14 =	simm.s32 $0x880;
	s15 =	simm.s32 $0x180  }
0x5: {  	s16 =	simm.s32 $0x900;
	s17 =	simm.s32 $0x200;
	s18 =	simm.s32 $0x980  }
0x6: {  	s28 =	simm.s32 $0x500;
	s29 =	simm.s32 $0xC80;
	[smem:$0x7FF] =	sst s4  }
0x7: {  	s1 =	smul.u32 $0x5000, s9;
	_ =	strace $0x8000004A;
	[dreg:$0x6] =	wrdreg s13  }
0x8: {  	s30 =	simm.s32 $0x580;
	s20 =	smul.u32 $0x50000, s9;
	[dreg:$0x7] =	wrdreg s14  }
0x9: {  	s0 =	sand.u32 $0x1, s0;
	s9 =	smul.u32 $0x14000, s9;
	[dreg:$0x8] =	wrdreg s15  }
0xa: {  	s31 =	simm.s32 $0xF80;
	s6 =	smul.u32 $0x2800, s0;
	[dreg:$0x9] =	wrdreg s16  }
0xb: {  	s7 =	ssub.s32 $0x2, s0;
	s0 =	smul.u32 $0x140000, s0;
	[dreg:$0xa] =	wrdreg s17  }
0xc: {  	[dreg:$0xb] =	wrdreg s18;
	s16 =	simm.s32 $0x1000;
	s17 =	simm.s32 $0x1  }
0xd: {  	s18 =	simm.s32 $0x800;
	s13 =	simm.s32 $0x700;
	s14 =	simm.s32 $0xE80  }
0xe: {  	s15 =	simm.s32 $0x780;
	s8 =	sshrl.u32 s7, $0x1;
	s21 =	sadd.s32 $0x4000, s9  }
0xf: {  	s22 =	sadd.s32 $0x8000, s9;
	s25 =	sadd.s32 $0xC000, s9;
	s26 =	sadd.s32 $0x10000, s9  }
0x10: {  	s1 =	sadd.s32 s6, s1;
	s6 =	sshrl.u32 s20, $0x2;
	s7 =	ssub.s32 s7, s8  }
0x11: {  	s10 =	sadd.s32 s21, s3;
	s24 =	sadd.s32 s22, s3;
	s11 =	sadd.s32 s25, s3  }
0x12: {  	s9 =	sadd.s32 s9, s0;
	s12 =	sadd.s32 s26, s3;
	[dreg:$0x13] =	wrdreg s10  }
0x13: {  	s8 =	sadd.s32 s0, s22;
	s20 =	simm.s32 $0x280;
	[dreg:$0x14] =	wrdreg s24  }
0x14: {  	s22 =	simm.s32 $0x300;
	s1 =	sshrl.u32 s1, $0x3;
	[dreg:$0x15] =	wrdreg s11  }
0x15: {  	s23 =	sadd.s32 s6, s3;
	[dreg:$0x16] =	wrdreg s12;
	s9 =	sshrl.u32 s9, $0x3  }
0x16: {  	s6 =	sadd.s32 s0, s21;
	s8 =	sshrl.u32 s8, $0x3;
	s12 =	sadd.s32 s0, s25  }
0x17: {  	s0 =	sadd.s32 s0, s26;
	s19 =	smax.u32 s7, $0x1;
	[dreg:$0xc] =	wrdreg s20  }
0x18: {  	s21 =	simm.s32 $0xA00;
	[dreg:$0xe] =	wrdreg s22;
	s24 =	simm.s32 $0xA80  }
0x19: {  	s25 =	simm.s32 $0x380;
	s20 =	simm.s32 $0x80;
	[dreg:$0x1c] =	wrdreg s19  }
0x1a: {  	s26 =	simm.s32 $0xB00;
	s22 =	simm.s32 $0x3;
	[dreg:$0xd] =	wrdreg s21  }
0x1b: {  	s10 =	simm.s32 $0xD80;
	s11 =	simm.s32 $0x680;
	[dreg:$0xf] =	wrdreg s24  }
0x1c: {  	s7 =	simm.s32 $0x0;
	s1 =	sadd.s32 s1, s5;
	[dreg:$0x10] =	wrdreg s25  }
0x1d: {  	s5 =	sadd.s32 $0x16000, s5;
	s6 =	sshrl.u32 s6, $0x3;
	[dreg:$0x11] =	wrdreg s26  }
0x1e: {  	s0 =	sshrl.u32 s0, $0x3;
	[dreg:$0x12] =	wrdreg s23;
	s9 =	sadd.s32 s5, s9  }
0x1f: {  	s19 =	simm.s32 $0x2;
	s6 =	sadd.s32 s5, s6;
	[dreg:$0x17] =	wrdreg s9  }
0x20: {  	s21 =	simm.s32 $0x5000;
	s0 =	sadd.s32 s5, s0;
	[dreg:$0x18] =	wrdreg s6  }
0x21: {  	s24 =	simm.s32 $0xB80;
	s6 =	sadd.s32 s5, s8;
	[dreg:$0x1b] =	wrdreg s0  }
0x22: {  	s25 =	simm.s32 $0x480;
	s9 =	sadd.s32 $0xC000, s1;
	[dreg:$0x19] =	wrdreg s6  }
0x23: {  	s26 =	simm.s32 $0xC00;
	s1 =	sadd.s32 $0x2000, s1;
	[dreg:$0x4] =	wrdreg s9  }
0x24: {  	s0 =	simm.s32 $0x600;
	[dreg:$0x5] =	wrdreg s1;
	s6 =	sshrl.u32 s12, $0x3  }
0x25: {  	s9 =	simm.s32 $0x400;
	s1 =	simm.s32 $0xD00;
	s6 =	sadd.s32 s5, s6  }
0x26: {  	v0 =	vimm.f32 $0.0e+00;
	s12 =	simm.s32 $0xE00;
	s5 =	simm.s32 $0xF00;
	[dreg:$0x1a] =	wrdreg s6  }
.LBB2_1:
0x27: {  	[dreg:$0x1d] =	wrdreg s7;
	s7 =	simm.s32 $0x0;
	s8 =	simm.s32 $0x200  }
.LBB2_2:
0x28: {  	p0 =	sne.s32 s8, $0xFE00;
	[tilespmem:s7+$0x1070] =	vst v0  }
0x29: {  	[tilespmem:s7+$0x1000] =	vst v0  }
0x2a: {  	[tilespmem:s7+$0x1010] =	vst v0  }
.Ltmp0:
0x2b: {  	[tilespmem:s7+$0x1020] =	vst v0;
	(pc) =	sbr.rel @p0 .LBB2_2-.Ltmp0, $4  }
0x2c: {  	[tilespmem:s7+$0x1030] =	vst v0  }
0x2d: {  	[tilespmem:s7+$0x1040] =	vst v0  }
0x2e: {  	[tilespmem:s7+$0x1050] =	vst v0  }
0x2f: {  	[tilespmem:s7+$0x1060] =	vst v0;
	s7 =	sshra.s32 s8, $0x2;
	s8 =	sadd.s32 $0x200, s8  }
0x30: {  	[tilespmem:s7+$0x1070] =	vst v0  }
0x31: {  	[tilespmem:s7+$0x1000] =	vst v0  }
0x32: {  	[tilespmem:s7+$0x1010] =	vst v0  }
0x33: {  	[tilespmem:s7+$0x1020] =	vst v0  }
0x34: {  	[tilespmem:s7+$0x1030] =	vst v0  }
0x35: {  	[tilespmem:s7+$0x1040] =	vst v0  }
0x36: {  	[tilespmem:s7+$0x1050] =	vst v0  }
0x37: {  	[tilespmem:s7+$0x1060] =	vst v0  }
0x38: {  	[spmem:s23] =	stream.linear.scatter [tilespmem:s16], [sflag:$0x1], $0x4000, $0x38;
	[tilespmem:$0x1D000] =	vst v63  }
0x39: {  	s6 =	rddreg [dreg:$0x13]  }
0x3a: {  	[spmem:s6] =	stream.linear.scatter [tilespmem:s16], [sflag:$0x1], $0x4000, $0x38;
	[tilespmem:$0x1D000] =	vst v63  }
0x3b: {  	s7 =	rddreg [dreg:$0x14]  }
0x3c: {  	[spmem:s7] =	stream.linear.scatter [tilespmem:s16], [sflag:$0x1], $0x4000, $0x38;
	[tilespmem:$0x1D000] =	vst v63  }
0x3d: {  	s8 =	rddreg [dreg:$0x15]  }
0x3e: {  	[spmem:s8] =	stream.linear.scatter [tilespmem:s16], [sflag:$0x1], $0x4000, $0x38;
	[tilespmem:$0x1D000] =	vst v63  }
0x3f: {  	s23 =	rddreg [dreg:$0x16]  }
0x40: {  	[spmem:s23] =	stream.linear.scatter [tilespmem:s16], [sflag:$0x1], $0x4000, $0x38;
	[tilespmem:$0x1D000] =	vst v63  }
0x41: {  	_ =	swait.ge [sflag:s17], $0x4000  }
0x42: {  	[sflag:s17] =	ssyncset.done $0x0  }
0x43: {  	[sflag:s17] =	ssyncadd.s32 $0xFFFFC000  }
0x44: {  	_ =	swait.ge [sflag:s17], $0x4000  }
0x45: {  	[sflag:s17] =	ssyncset.done $0x0  }
0x46: {  	[sflag:s17] =	ssyncadd.s32 $0xFFFFC000  }
0x47: {  	_ =	swait.ge [sflag:s17], $0x4000  }
0x48: {  	[sflag:s17] =	ssyncset.done $0x0  }
0x49: {  	[sflag:s17] =	ssyncadd.s32 $0xFFFFC000  }
0x4a: {  	_ =	swait.ge [sflag:s17], $0x4000  }
0x4b: {  	[sflag:s17] =	ssyncset.done $0x0  }
0x4c: {  	[sflag:s17] =	ssyncadd.s32 $0xFFFFC000  }
0x4d: {  	_ =	swait.ge [sflag:s17], $0x4000  }
0x4e: {  	[sflag:s17] =	ssyncset.done $0x0  }
0x4f: {  	[sflag:s17] =	ssyncadd.s32 $0xFFFFC000  }
0x50: {  	[bflag:$0x0] =	sbarrier.arrive $0xFFFF  }
0x51: {  	s6 =	rddreg [dreg:$0x5]  }
0x52: {  	s8 =	rddreg [dreg:$0x4];
	s7 =	sadd.s32 $0x0, s6  }
0x53: {  	[tilespmem:s4], [sflag:$0x1] =	stream.linear.gather [hbm4b:s7+s4], $0x800, $0x38;
	[tilespmem:$0x1D000] =	vst v63  }
0x54: {  	s23 =	sadd.s32 $0x0, s8  }
0x55: {  	[tilespmem:s18], [sflag:$0x2] =	stream.linear.gather [hbm4b:s23+s4], $0x800, $0x38;
	[tilespmem:$0x1D000] =	vst v63  }
0x56: {  	_ =	swait.ge [sflag:s17], $0x800  }
0x57: {  	[sflag:s17] =	ssyncset.done $0x0  }
0x58: {  	[sflag:s17] =	ssyncadd.s32 $0xFFFFF800  }
0x59: {  	_ =	swait.ge [sflag:s19], $0x800  }
0x5a: {  	[sflag:s19] =	ssyncset.done $0x0  }
0x5b: {  	[sflag:s19] =	ssyncadd.s32 $0xFFFFF800  }
0x5c: {  	[tilespmem:s16], [sflag:$0x1] =	stream.indirect.gather [hbm4b:s2+s20], $0x80, s4, s20, $0xb8;
	[tilespmem:$0x1D000] =	vst v63  }
0x5d: {  	_ = 	snop  }
0x5e: {  	[tilespmem:s21], [sflag:$0x2] =	stream.indirect.gather [hbm4b:s2+s20], $0x80, s20, s20, $0xb8;
	[tilespmem:$0x1D000] =	vst v63  }
0x5f: {  	_ =	swait.ge [sflag:s17], $0x4000  }
0x60: {  	[sflag:s17] =	ssyncset.done $0x0  }
0x61: {  	[sflag:s17] =	ssyncadd.s32 $0xFFFFC000  }
0x62: {  	[spmem:s3] =	stream.indirect.scatter.add.f32 [tilespmem:s16], [sflag:$0x3], $0x80, s18, s20, $0xb8;
	[tilespmem:$0x1D000] =	vst v63  }
0x63: {  	_ =	swait.ge [sflag:s22], $0x4000  }
0x64: {  	[sflag:s22] =	ssyncset.done $0x0  }
0x65: {  	s6 =	rddreg [dreg:$0x6];
	[sflag:s22] =	ssyncadd.s32 $0xFFFFC000  }
0x66: {  	[tilespmem:s16], [sflag:$0x1] =	stream.indirect.gather [hbm4b:s2+s20], $0x80, s6, s20, $0xb8;
	[tilespmem:$0x1D000] =	vst v63  }
0x67: {  	_ =	swait.ge [sflag:s19], $0x4000  }
0x68: {  	[sflag:s19] =	ssyncset.done $0x0  }
0x69: {  	s8 =	rddreg [dreg:$0x7];
	[sflag:s19] =	ssyncadd.s32 $0xFFFFC000  }
0x6a: {  	[spmem:s3] =	stream.indirect.scatter.add.f32 [tilespmem:s21], [sflag:$0x3], $0x80, s8, s20, $0xb8;
	[tilespmem:$0x1D000] =	vst v63  }
0x6b: {  	_ =	swait.ge [sflag:s22], $0x4000  }
0x6c: {  	[sflag:s22] =	ssyncset.done $0x0  }
0x6d: {  	s23 =	rddreg [dreg:$0x8];
	[sflag:s22] =	ssyncadd.s32 $0xFFFFC000  }
0x6e: {  	[tilespmem:s21], [sflag:$0x2] =	stream.indirect.gather [hbm4b:s2+s20], $0x80, s23, s20, $0xb8;
	[tilespmem:$0x1D000] =	vst v63  }
0x6f: {  	_ =	swait.ge [sflag:s17], $0x4000  }
0x70: {  	[sflag:s17] =	ssyncset.done $0x0  }
0x71: {  	s6 =	rddreg [dreg:$0x9];
	[sflag:s17] =	ssyncadd.s32 $0xFFFFC000  }
0x72: {  	[spmem:s3] =	stream.indirect.scatter.add.f32 [tilespmem:s16], [sflag:$0x3], $0x80, s6, s20, $0xb8;
	[tilespmem:$0x1D000] =	vst v63  }
0x73: {  	_ =	swait.ge [sflag:s22], $0x4000  }
0x74: {  	[sflag:s22] =	ssyncset.done $0x0  }
0x75: {  	s8 =	rddreg [dreg:$0xa];
	[sflag:s22] =	ssyncadd.s32 $0xFFFFC000  }
0x76: {  	[tilespmem:s16], [sflag:$0x1] =	stream.indirect.gather [hbm4b:s2+s20], $0x80, s8, s20, $0xb8;
	[tilespmem:$0x1D000] =	vst v63  }
0x77: {  	_ =	swait.ge [sflag:s19], $0x4000  }
0x78: {  	[sflag:s19] =	ssyncset.done $0x0  }
0x79: {  	s23 =	rddreg [dreg:$0xb];
	[sflag:s19] =	ssyncadd.s32 $0xFFFFC000  }
0x7a: {  	[spmem:s3] =	stream.indirect.scatter.add.f32 [tilespmem:s21], [sflag:$0x3], $0x80, s23, s20, $0xb8;
	[tilespmem:$0x1D000] =	vst v63  }
0x7b: {  	_ =	swait.ge [sflag:s22], $0x4000  }
0x7c: {  	[sflag:s22] =	ssyncset.done $0x0  }
0x7d: {  	s6 =	rddreg [dreg:$0xc];
	[sflag:s22] =	ssyncadd.s32 $0xFFFFC000  }
0x7e: {  	[tilespmem:s21], [sflag:$0x2] =	stream.indirect.gather [hbm4b:s2+s20], $0x80, s6, s20, $0xb8;
	[tilespmem:$0x1D000] =	vst v63  }
0x7f: {  	_ =	swait.ge [sflag:s17], $0x4000  }
0x80: {  	[sflag:s17] =	ssyncset.done $0x0  }
0x81: {  	s8 =	rddreg [dreg:$0xd];
	[sflag:s17] =	ssyncadd.s32 $0xFFFFC000  }
0x82: {  	[spmem:s3] =	stream.indirect.scatter.add.f32 [tilespmem:s16], [sflag:$0x3], $0x80, s8, s20, $0xb8;
	[tilespmem:$0x1D000] =	vst v63  }
0x83: {  	_ =	swait.ge [sflag:s22], $0x4000  }
0x84: {  	[sflag:s22] =	ssyncset.done $0x0  }
0x85: {  	s23 =	rddreg [dreg:$0xe];
	[sflag:s22] =	ssyncadd.s32 $0xFFFFC000  }
0x86: {  	[tilespmem:s16], [sflag:$0x1] =	stream.indirect.gather [hbm4b:s2+s20], $0x80, s23, s20, $0xb8;
	[tilespmem:$0x1D000] =	vst v63  }
0x87: {  	_ =	swait.ge [sflag:s19], $0x4000  }
0x88: {  	[sflag:s19] =	ssyncset.done $0x0  }
0x89: {  	s6 =	rddreg [dreg:$0xf];
	[sflag:s19] =	ssyncadd.s32 $0xFFFFC000  }
0x8a: {  	[spmem:s3] =	stream.indirect.scatter.add.f32 [tilespmem:s21], [sflag:$0x3], $0x80, s6, s20, $0xb8;
	[tilespmem:$0x1D000] =	vst v63  }
0x8b: {  	_ =	swait.ge [sflag:s22], $0x4000  }
0x8c: {  	[sflag:s22] =	ssyncset.done $0x0  }
0x8d: {  	s8 =	rddreg [dreg:$0x10];
	[sflag:s22] =	ssyncadd.s32 $0xFFFFC000  }
0x8e: {  	[tilespmem:s21], [sflag:$0x2] =	stream.indirect.gather [hbm4b:s2+s20], $0x80, s8, s20, $0xb8;
	[tilespmem:$0x1D000] =	vst v63  }
0x8f: {  	_ =	swait.ge [sflag:s17], $0x4000  }
0x90: {  	[sflag:s17] =	ssyncset.done $0x0  }
0x91: {  	s23 =	rddreg [dreg:$0x11];
	[sflag:s17] =	ssyncadd.s32 $0xFFFFC000  }
0x92: {  	[spmem:s3] =	stream.indirect.scatter.add.f32 [tilespmem:s16], [sflag:$0x3], $0x80, s23, s20, $0xb8;
	[tilespmem:$0x1D000] =	vst v63  }
0x93: {  	_ =	swait.ge [sflag:s22], $0x4000  }
0x94: {  	[sflag:s22] =	ssyncset.done $0x0  }
0x95: {  	[sflag:s22] =	ssyncadd.s32 $0xFFFFC000  }
0x96: {  	[tilespmem:s16], [sflag:$0x1] =	stream.indirect.gather [hbm4b:s2+s20], $0x80, s9, s20, $0xb8;
	[tilespmem:$0x1D000] =	vst v63  }
0x97: {  	_ =	swait.ge [sflag:s19], $0x4000  }
0x98: {  	[sflag:s19] =	ssyncset.done $0x0  }
0x99: {  	[sflag:s19] =	ssyncadd.s32 $0xFFFFC000  }
0x9a: {  	[spmem:s3] =	stream.indirect.scatter.add.f32 [tilespmem:s21], [sflag:$0x3], $0x80, s24, s20, $0xb8;
	[tilespmem:$0x1D000] =	vst v63  }
0x9b: {  	_ =	swait.ge [sflag:s22], $0x4000  }
0x9c: {  	[sflag:s22] =	ssyncset.done $0x0  }
0x9d: {  	[sflag:s22] =	ssyncadd.s32 $0xFFFFC000  }
0x9e: {  	[tilespmem:s21], [sflag:$0x2] =	stream.indirect.gather [hbm4b:s2+s20], $0x80, s25, s20, $0xb8;
	[tilespmem:$0x1D000] =	vst v63  }
0x9f: {  	_ =	swait.ge [sflag:s17], $0x4000  }
0xa0: {  	[sflag:s17] =	ssyncset.done $0x0  }
0xa1: {  	[sflag:s17] =	ssyncadd.s32 $0xFFFFC000  }
0xa2: {  	[spmem:s3] =	stream.indirect.scatter.add.f32 [tilespmem:s16], [sflag:$0x3], $0x80, s26, s20, $0xb8;
	[tilespmem:$0x1D000] =	vst v63  }
0xa3: {  	_ =	swait.ge [sflag:s22], $0x4000  }
0xa4: {  	[sflag:s22] =	ssyncset.done $0x0  }
0xa5: {  	[sflag:s22] =	ssyncadd.s32 $0xFFFFC000  }
0xa6: {  	[tilespmem:s16], [sflag:$0x1] =	stream.indirect.gather [hbm4b:s2+s20], $0x80, s28, s20, $0xb8;
	[tilespmem:$0x1D000] =	vst v63  }
0xa7: {  	_ =	swait.ge [sflag:s19], $0x4000  }
0xa8: {  	[sflag:s19] =	ssyncset.done $0x0  }
0xa9: {  	[sflag:s19] =	ssyncadd.s32 $0xFFFFC000  }
0xaa: {  	[spmem:s3] =	stream.indirect.scatter.add.f32 [tilespmem:s21], [sflag:$0x3], $0x80, s29, s20, $0xb8;
	[tilespmem:$0x1D000] =	vst v63  }
0xab: {  	_ =	swait.ge [sflag:s22], $0x4000  }
0xac: {  	[sflag:s22] =	ssyncset.done $0x0  }
0xad: {  	[sflag:s22] =	ssyncadd.s32 $0xFFFFC000  }
0xae: {  	[tilespmem:s21], [sflag:$0x2] =	stream.indirect.gather [hbm4b:s2+s20], $0x80, s30, s20, $0xb8;
	[tilespmem:$0x1D000] =	vst v63  }
0xaf: {  	_ =	swait.ge [sflag:s17], $0x4000  }
0xb0: {  	[sflag:s17] =	ssyncset.done $0x0  }
0xb1: {  	[sflag:s17] =	ssyncadd.s32 $0xFFFFC000  }
0xb2: {  	[spmem:s3] =	stream.indirect.scatter.add.f32 [tilespmem:s16], [sflag:$0x3], $0x80, s1, s20, $0xb8;
	[tilespmem:$0x1D000] =	vst v63  }
0xb3: {  	_ =	swait.ge [sflag:s22], $0x4000  }
0xb4: {  	[sflag:s22] =	ssyncset.done $0x0  }
0xb5: {  	[sflag:s22] =	ssyncadd.s32 $0xFFFFC000  }
0xb6: {  	[tilespmem:s16], [sflag:$0x1] =	stream.indirect.gather [hbm4b:s2+s20], $0x80, s0, s20, $0xb8;
	[tilespmem:$0x1D000] =	vst v63  }
0xb7: {  	_ =	swait.ge [sflag:s19], $0x4000  }
0xb8: {  	[sflag:s19] =	ssyncset.done $0x0  }
0xb9: {  	[sflag:s19] =	ssyncadd.s32 $0xFFFFC000  }
0xba: {  	[spmem:s3] =	stream.indirect.scatter.add.f32 [tilespmem:s21], [sflag:$0x3], $0x80, s10, s20, $0xb8;
	[tilespmem:$0x1D000] =	vst v63  }
0xbb: {  	_ =	swait.ge [sflag:s22], $0x4000  }
0xbc: {  	[sflag:s22] =	ssyncset.done $0x0  }
0xbd: {  	[sflag:s22] =	ssyncadd.s32 $0xFFFFC000  }
0xbe: {  	[tilespmem:s21], [sflag:$0x2] =	stream.indirect.gather [hbm4b:s2+s20], $0x80, s11, s20, $0xb8;
	[tilespmem:$0x1D000] =	vst v63  }
0xbf: {  	_ =	swait.ge [sflag:s17], $0x4000  }
0xc0: {  	[sflag:s17] =	ssyncset.done $0x0  }
0xc1: {  	[sflag:s17] =	ssyncadd.s32 $0xFFFFC000  }
0xc2: {  	[spmem:s3] =	stream.indirect.scatter.add.f32 [tilespmem:s16], [sflag:$0x3], $0x80, s12, s20, $0xb8;
	[tilespmem:$0x1D000] =	vst v63  }
0xc3: {  	_ =	swait.ge [sflag:s22], $0x4000  }
0xc4: {  	[sflag:s22] =	ssyncset.done $0x0  }
0xc5: {  	[sflag:s22] =	ssyncadd.s32 $0xFFFFC000  }
0xc6: {  	[tilespmem:s16], [sflag:$0x1] =	stream.indirect.gather [hbm4b:s2+s20], $0x80, s13, s20, $0xb8;
	[tilespmem:$0x1D000] =	vst v63  }
0xc7: {  	_ =	swait.ge [sflag:s19], $0x4000  }
0xc8: {  	[sflag:s19] =	ssyncset.done $0x0  }
0xc9: {  	[sflag:s19] =	ssyncadd.s32 $0xFFFFC000  }
0xca: {  	[spmem:s3] =	stream.indirect.scatter.add.f32 [tilespmem:s21], [sflag:$0x3], $0x80, s14, s20, $0xb8;
	[tilespmem:$0x1D000] =	vst v63  }
0xcb: {  	_ =	swait.ge [sflag:s22], $0x4000  }
0xcc: {  	[sflag:s22] =	ssyncset.done $0x0  }
0xcd: {  	[sflag:s22] =	ssyncadd.s32 $0xFFFFC000  }
0xce: {  	[tilespmem:s21], [sflag:$0x2] =	stream.indirect.gather [hbm4b:s2+s20], $0x80, s15, s20, $0xb8;
	[tilespmem:$0x1D000] =	vst v63  }
0xcf: {  	_ =	swait.ge [sflag:s17], $0x4000  }
0xd0: {  	s7 =	simm.s32 $0x100;
	[sflag:s17] =	ssyncset.done $0x0  }
0xd1: {  	s8 =	simm.s32 $0x200;
	s24 =	simm.s32 $0x400;
	[sflag:s17] =	ssyncadd.s32 $0xFFFFC000  }
0xd2: {  	[spmem:s3] =	stream.indirect.scatter.add.f32 [tilespmem:s16], [sflag:$0x3], $0x80, s5, s20, $0xb8;
	[tilespmem:$0x1D000] =	vst v63  }
0xd3: {  	s25 =	simm.s32 $0xB80;
	s26 =	simm.s32 $0x480;
	_ =	swait.ge [sflag:s22], $0x4000  }
0xd4: {  	s28 =	simm.s32 $0xC00;
	s29 =	simm.s32 $0x500;
	[sflag:s22] =	ssyncset.done $0x0  }
0xd5: {  	s30 =	simm.s32 $0xC80;
	s1 =	simm.s32 $0xD00;
	[sflag:s22] =	ssyncadd.s32 $0xFFFFC000  }
0xd6: {  	s0 =	simm.s32 $0x600;
	s10 =	simm.s32 $0xD80;
	_ =	swait.ge [sflag:s19], $0x4000  }
0xd7: {  	s11 =	simm.s32 $0x680;
	s12 =	simm.s32 $0xE00;
	[sflag:s19] =	ssyncset.done $0x0  }
0xd8: {  	s13 =	simm.s32 $0x700;
	s14 =	simm.s32 $0xE80;
	[sflag:s19] =	ssyncadd.s32 $0xFFFFC000  }
0xd9: {  	[spmem:s3] =	stream.indirect.scatter.add.f32 [tilespmem:s21], [sflag:$0x3], $0x80, s31, s20, $0xb8;
	[tilespmem:$0x1D000] =	vst v63  }
0xda: {  	s15 =	simm.s32 $0x780;
	s5 =	simm.s32 $0xF00;
	_ =	swait.ge [sflag:s22], $0x4000  }
0xdb: {  	s31 =	simm.s32 $0x580;
	s9 =	rddreg [dreg:$0x5];
	[sflag:s22] =	ssyncset.done $0x0  }
.LBB2_4:
0xdc: {  	[sflag:s22] =	ssyncadd.s32 $0xFFFFC000;
	s23 =	rddreg [dreg:$0x4];
	s9 =	sadd.s32 s7, s9  }
0xdd: {  	[tilespmem:s4], [sflag:$0x1] =	stream.linear.gather [hbm4b:s9+s4], $0x800, $0x38;
	[tilespmem:$0x1D000] =	vst v63  }
0xde: {  	s23 =	sadd.s32 s7, s23  }
0xdf: {  	[tilespmem:s18], [sflag:$0x2] =	stream.linear.gather [hbm4b:s23+s4], $0x800, $0x38;
	[tilespmem:$0x1D000] =	vst v63  }
0xe0: {  	_ =	swait.ge [sflag:s17], $0x800  }
0xe1: {  	[sflag:s17] =	ssyncset.done $0x0  }
0xe2: {  	[sflag:s17] =	ssyncadd.s32 $0xFFFFF800  }
0xe3: {  	_ =	swait.ge [sflag:s19], $0x800  }
0xe4: {  	[sflag:s19] =	ssyncset.done $0x0  }
0xe5: {  	[sflag:s19] =	ssyncadd.s32 $0xFFFFF800  }
0xe6: {  	[tilespmem:s16], [sflag:$0x1] =	stream.indirect.gather [hbm4b:s2+s20], $0x80, s4, s20, $0xb8;
	[tilespmem:$0x1D000] =	vst v63  }
0xe7: {  	_ = 	snop  }
0xe8: {  	[tilespmem:s21], [sflag:$0x2] =	stream.indirect.gather [hbm4b:s2+s20], $0x80, s20, s20, $0xb8;
	[tilespmem:$0x1D000] =	vst v63  }
0xe9: {  	_ =	swait.ge [sflag:s17], $0x4000  }
0xea: {  	[sflag:s17] =	ssyncset.done $0x0  }
0xeb: {  	[sflag:s17] =	ssyncadd.s32 $0xFFFFC000  }
0xec: {  	[spmem:s3] =	stream.indirect.scatter.add.f32 [tilespmem:s16], [sflag:$0x3], $0x80, s18, s20, $0xb8;
	[tilespmem:$0x1D000] =	vst v63  }
0xed: {  	_ =	swait.ge [sflag:s22], $0x4000  }
0xee: {  	[sflag:s22] =	ssyncset.done $0x0  }
0xef: {  	s23 =	rddreg [dreg:$0x6];
	[sflag:s22] =	ssyncadd.s32 $0xFFFFC000  }
0xf0: {  	[tilespmem:s16], [sflag:$0x1] =	stream.indirect.gather [hbm4b:s2+s20], $0x80, s23, s20, $0xb8;
	[tilespmem:$0x1D000] =	vst v63  }
0xf1: {  	_ =	swait.ge [sflag:s19], $0x4000  }
0xf2: {  	[sflag:s19] =	ssyncset.done $0x0  }
0xf3: {  	s9 =	rddreg [dreg:$0x7];
	[sflag:s19] =	ssyncadd.s32 $0xFFFFC000  }
0xf4: {  	[spmem:s3] =	stream.indirect.scatter.add.f32 [tilespmem:s21], [sflag:$0x3], $0x80, s9, s20, $0xb8;
	[tilespmem:$0x1D000] =	vst v63  }
0xf5: {  	_ =	swait.ge [sflag:s22], $0x4000  }
0xf6: {  	[sflag:s22] =	ssyncset.done $0x0  }
0xf7: {  	s23 =	rddreg [dreg:$0x8];
	[sflag:s22] =	ssyncadd.s32 $0xFFFFC000  }
0xf8: {  	[tilespmem:s21], [sflag:$0x2] =	stream.indirect.gather [hbm4b:s2+s20], $0x80, s23, s20, $0xb8;
	[tilespmem:$0x1D000] =	vst v63  }
0xf9: {  	_ =	swait.ge [sflag:s17], $0x4000  }
0xfa: {  	[sflag:s17] =	ssyncset.done $0x0  }
0xfb: {  	s9 =	rddreg [dreg:$0x9];
	[sflag:s17] =	ssyncadd.s32 $0xFFFFC000  }
0xfc: {  	[spmem:s3] =	stream.indirect.scatter.add.f32 [tilespmem:s16], [sflag:$0x3], $0x80, s9, s20, $0xb8;
	[tilespmem:$0x1D000] =	vst v63  }
0xfd: {  	_ =	swait.ge [sflag:s22], $0x4000  }
0xfe: {  	[sflag:s22] =	ssyncset.done $0x0  }
0xff: {  	s23 =	rddreg [dreg:$0xa];
	[sflag:s22] =	ssyncadd.s32 $0xFFFFC000  }
0x100: {  	[tilespmem:s16], [sflag:$0x1] =	stream.indirect.gather [hbm4b:s2+s20], $0x80, s23, s20, $0xb8;
	[tilespmem:$0x1D000] =	vst v63  }
0x101: {  	_ =	swait.ge [sflag:s19], $0x4000  }
0x102: {  	[sflag:s19] =	ssyncset.done $0x0  }
0x103: {  	s9 =	rddreg [dreg:$0xb];
	[sflag:s19] =	ssyncadd.s32 $0xFFFFC000  }
0x104: {  	[spmem:s3] =	stream.indirect.scatter.add.f32 [tilespmem:s21], [sflag:$0x3], $0x80, s9, s20, $0xb8;
	[tilespmem:$0x1D000] =	vst v63  }
0x105: {  	_ =	swait.ge [sflag:s22], $0x4000  }
0x106: {  	[sflag:s22] =	ssyncset.done $0x0  }
0x107: {  	s23 =	rddreg [dreg:$0xc];
	[sflag:s22] =	ssyncadd.s32 $0xFFFFC000  }
0x108: {  	[tilespmem:s21], [sflag:$0x2] =	stream.indirect.gather [hbm4b:s2+s20], $0x80, s23, s20, $0xb8;
	[tilespmem:$0x1D000] =	vst v63  }
0x109: {  	_ =	swait.ge [sflag:s17], $0x4000  }
0x10a: {  	[sflag:s17] =	ssyncset.done $0x0  }
0x10b: {  	s9 =	rddreg [dreg:$0xd];
	[sflag:s17] =	ssyncadd.s32 $0xFFFFC000  }
0x10c: {  	[spmem:s3] =	stream.indirect.scatter.add.f32 [tilespmem:s16], [sflag:$0x3], $0x80, s9, s20, $0xb8;
	[tilespmem:$0x1D000] =	vst v63  }
0x10d: {  	_ =	swait.ge [sflag:s22], $0x4000  }
0x10e: {  	[sflag:s22] =	ssyncset.done $0x0  }
0x10f: {  	s23 =	rddreg [dreg:$0xe];
	[sflag:s22] =	ssyncadd.s32 $0xFFFFC000  }
0x110: {  	[tilespmem:s16], [sflag:$0x1] =	stream.indirect.gather [hbm4b:s2+s20], $0x80, s23, s20, $0xb8;
	[tilespmem:$0x1D000] =	vst v63  }
0x111: {  	_ =	swait.ge [sflag:s19], $0x4000  }
0x112: {  	[sflag:s19] =	ssyncset.done $0x0  }
0x113: {  	s9 =	rddreg [dreg:$0xf];
	[sflag:s19] =	ssyncadd.s32 $0xFFFFC000  }
0x114: {  	[spmem:s3] =	stream.indirect.scatter.add.f32 [tilespmem:s21], [sflag:$0x3], $0x80, s9, s20, $0xb8;
	[tilespmem:$0x1D000] =	vst v63  }
0x115: {  	_ =	swait.ge [sflag:s22], $0x4000  }
0x116: {  	[sflag:s22] =	ssyncset.done $0x0  }
0x117: {  	s23 =	rddreg [dreg:$0x10];
	[sflag:s22] =	ssyncadd.s32 $0xFFFFC000  }
0x118: {  	[tilespmem:s21], [sflag:$0x2] =	stream.indirect.gather [hbm4b:s2+s20], $0x80, s23, s20, $0xb8;
	[tilespmem:$0x1D000] =	vst v63  }
0x119: {  	_ =	swait.ge [sflag:s17], $0x4000  }
0x11a: {  	[sflag:s17] =	ssyncset.done $0x0  }
0x11b: {  	s9 =	rddreg [dreg:$0x11];
	[sflag:s17] =	ssyncadd.s32 $0xFFFFC000  }
0x11c: {  	[spmem:s3] =	stream.indirect.scatter.add.f32 [tilespmem:s16], [sflag:$0x3], $0x80, s9, s20, $0xb8;
	[tilespmem:$0x1D000] =	vst v63  }
0x11d: {  	_ =	swait.ge [sflag:s22], $0x4000  }
0x11e: {  	[sflag:s22] =	ssyncset.done $0x0  }
0x11f: {  	[sflag:s22] =	ssyncadd.s32 $0xFFFFC000  }
0x120: {  	[tilespmem:s16], [sflag:$0x1] =	stream.indirect.gather [hbm4b:s2+s20], $0x80, s24, s20, $0xb8;
	[tilespmem:$0x1D000] =	vst v63  }
0x121: {  	_ =	swait.ge [sflag:s19], $0x4000  }
0x122: {  	[sflag:s19] =	ssyncset.done $0x0  }
0x123: {  	[sflag:s19] =	ssyncadd.s32 $0xFFFFC000  }
0x124: {  	[spmem:s3] =	stream.indirect.scatter.add.f32 [tilespmem:s21], [sflag:$0x3], $0x80, s25, s20, $0xb8;
	[tilespmem:$0x1D000] =	vst v63  }
0x125: {  	_ =	swait.ge [sflag:s22], $0x4000  }
0x126: {  	[sflag:s22] =	ssyncset.done $0x0  }
0x127: {  	[sflag:s22] =	ssyncadd.s32 $0xFFFFC000  }
0x128: {  	[tilespmem:s21], [sflag:$0x2] =	stream.indirect.gather [hbm4b:s2+s20], $0x80, s26, s20, $0xb8;
	[tilespmem:$0x1D000] =	vst v63  }
0x129: {  	_ =	swait.ge [sflag:s17], $0x4000  }
0x12a: {  	[sflag:s17] =	ssyncset.done $0x0  }
0x12b: {  	[sflag:s17] =	ssyncadd.s32 $0xFFFFC000  }
0x12c: {  	[spmem:s3] =	stream.indirect.scatter.add.f32 [tilespmem:s16], [sflag:$0x3], $0x80, s28, s20, $0xb8;
	[tilespmem:$0x1D000] =	vst v63  }
0x12d: {  	_ =	swait.ge [sflag:s22], $0x4000  }
0x12e: {  	[sflag:s22] =	ssyncset.done $0x0  }
0x12f: {  	[sflag:s22] =	ssyncadd.s32 $0xFFFFC000  }
0x130: {  	[tilespmem:s16], [sflag:$0x1] =	stream.indirect.gather [hbm4b:s2+s20], $0x80, s29, s20, $0xb8;
	[tilespmem:$0x1D000] =	vst v63  }
0x131: {  	_ =	swait.ge [sflag:s19], $0x4000  }
0x132: {  	[sflag:s19] =	ssyncset.done $0x0  }
0x133: {  	[sflag:s19] =	ssyncadd.s32 $0xFFFFC000  }
0x134: {  	[spmem:s3] =	stream.indirect.scatter.add.f32 [tilespmem:s21], [sflag:$0x3], $0x80, s30, s20, $0xb8;
	[tilespmem:$0x1D000] =	vst v63  }
0x135: {  	_ =	swait.ge [sflag:s22], $0x4000  }
0x136: {  	[sflag:s22] =	ssyncset.done $0x0  }
0x137: {  	[sflag:s22] =	ssyncadd.s32 $0xFFFFC000  }
0x138: {  	[tilespmem:s21], [sflag:$0x2] =	stream.indirect.gather [hbm4b:s2+s20], $0x80, s31, s20, $0xb8;
	[tilespmem:$0x1D000] =	vst v63  }
0x139: {  	_ =	swait.ge [sflag:s17], $0x4000  }
0x13a: {  	[sflag:s17] =	ssyncset.done $0x0  }
0x13b: {  	[sflag:s17] =	ssyncadd.s32 $0xFFFFC000  }
0x13c: {  	[spmem:s3] =	stream.indirect.scatter.add.f32 [tilespmem:s16], [sflag:$0x3], $0x80, s1, s20, $0xb8;
	[tilespmem:$0x1D000] =	vst v63  }
0x13d: {  	_ =	swait.ge [sflag:s22], $0x4000  }
0x13e: {  	[sflag:s22] =	ssyncset.done $0x0  }
0x13f: {  	[sflag:s22] =	ssyncadd.s32 $0xFFFFC000  }
0x140: {  	[tilespmem:s16], [sflag:$0x1] =	stream.indirect.gather [hbm4b:s2+s20], $0x80, s0, s20, $0xb8;
	[tilespmem:$0x1D000] =	vst v63  }
0x141: {  	_ =	swait.ge [sflag:s19], $0x4000  }
0x142: {  	[sflag:s19] =	ssyncset.done $0x0  }
0x143: {  	[sflag:s19] =	ssyncadd.s32 $0xFFFFC000  }
0x144: {  	[spmem:s3] =	stream.indirect.scatter.add.f32 [tilespmem:s21], [sflag:$0x3], $0x80, s10, s20, $0xb8;
	[tilespmem:$0x1D000] =	vst v63  }
0x145: {  	_ =	swait.ge [sflag:s22], $0x4000  }
0x146: {  	[sflag:s22] =	ssyncset.done $0x0  }
0x147: {  	[sflag:s22] =	ssyncadd.s32 $0xFFFFC000  }
0x148: {  	[tilespmem:s21], [sflag:$0x2] =	stream.indirect.gather [hbm4b:s2+s20], $0x80, s11, s20, $0xb8;
	[tilespmem:$0x1D000] =	vst v63  }
0x149: {  	_ =	swait.ge [sflag:s17], $0x4000  }
0x14a: {  	[sflag:s17] =	ssyncset.done $0x0  }
0x14b: {  	[sflag:s17] =	ssyncadd.s32 $0xFFFFC000  }
0x14c: {  	[spmem:s3] =	stream.indirect.scatter.add.f32 [tilespmem:s16], [sflag:$0x3], $0x80, s12, s20, $0xb8;
	[tilespmem:$0x1D000] =	vst v63  }
0x14d: {  	_ =	swait.ge [sflag:s22], $0x4000  }
0x14e: {  	[sflag:s22] =	ssyncset.done $0x0  }
0x14f: {  	[sflag:s22] =	ssyncadd.s32 $0xFFFFC000  }
0x150: {  	[tilespmem:s16], [sflag:$0x1] =	stream.indirect.gather [hbm4b:s2+s20], $0x80, s13, s20, $0xb8;
	[tilespmem:$0x1D000] =	vst v63  }
0x151: {  	_ =	swait.ge [sflag:s19], $0x4000  }
0x152: {  	[sflag:s19] =	ssyncset.done $0x0  }
0x153: {  	[sflag:s19] =	ssyncadd.s32 $0xFFFFC000  }
0x154: {  	[spmem:s3] =	stream.indirect.scatter.add.f32 [tilespmem:s21], [sflag:$0x3], $0x80, s14, s20, $0xb8;
	[tilespmem:$0x1D000] =	vst v63  }
0x155: {  	_ =	swait.ge [sflag:s22], $0x4000  }
0x156: {  	[sflag:s22] =	ssyncset.done $0x0  }
0x157: {  	[sflag:s22] =	ssyncadd.s32 $0xFFFFC000  }
0x158: {  	[tilespmem:s21], [sflag:$0x2] =	stream.indirect.gather [hbm4b:s2+s20], $0x80, s15, s20, $0xb8;
	[tilespmem:$0x1D000] =	vst v63  }
0x159: {  	_ =	swait.ge [sflag:s17], $0x4000  }
0x15a: {  	[sflag:s17] =	ssyncset.done $0x0  }
0x15b: {  	[sflag:s17] =	ssyncadd.s32 $0xFFFFC000  }
0x15c: {  	[spmem:s3] =	stream.indirect.scatter.add.f32 [tilespmem:s16], [sflag:$0x3], $0x80, s5, s20, $0xb8;
	[tilespmem:$0x1D000] =	vst v63  }
0x15d: {  	_ =	swait.ge [sflag:s22], $0x4000  }
0x15e: {  	[sflag:s22] =	ssyncset.done $0x0  }
0x15f: {  	[sflag:s22] =	ssyncadd.s32 $0xFFFFC000  }
0x160: {  	p0 =	sne.s32 s8, $0x400;
	_ =	swait.ge [sflag:s19], $0x4000  }
.Ltmp1:
0x161: {  	[sflag:s19] =	ssyncset.done $0x0;
	(pc) =	sbr.rel @p0 .LBB2_4-.Ltmp1, $4  }
0x162: {  	s23 =	simm.s32 $0xF80;
	[sflag:s19] =	ssyncadd.s32 $0xFFFFC000  }
0x163: {  	[spmem:s3] =	stream.indirect.scatter.add.f32 [tilespmem:s21], [sflag:$0x3], $0x80, s23, s20, $0xb8;
	[tilespmem:$0x1D000] =	vst v63  }
0x164: {  	s6 =	smov.u32 s8;
	s8 =	sadd.s32 $0x100, s8;
	_ =	swait.ge [sflag:s22], $0x4000  }
0x165: {  	s7 =	smov.u32 s6;
	s9 =	rddreg [dreg:$0x5];
	[sflag:s22] =	ssyncset.done $0x0  }
0x166: {  	s6 =	rddreg [dreg:$0x4];
	[sflag:s22] =	ssyncadd.s32 $0xFFFFC000;
	s8 =	sadd.s32 s7, s9  }
0x167: {  	[tilespmem:s4], [sflag:$0x1] =	stream.linear.gather [hbm4b:s8+s4], $0x800, $0x38;
	[tilespmem:$0x1D000] =	vst v63  }
0x168: {  	s6 =	sadd.s32 s7, s6  }
0x169: {  	[tilespmem:s18], [sflag:$0x2] =	stream.linear.gather [hbm4b:s6+s4], $0x800, $0x38;
	[tilespmem:$0x1D000] =	vst v63  }
0x16a: {  	_ =	swait.ge [sflag:s17], $0x800  }
0x16b: {  	[sflag:s17] =	ssyncset.done $0x0  }
0x16c: {  	[sflag:s17] =	ssyncadd.s32 $0xFFFFF800  }
0x16d: {  	_ =	swait.ge [sflag:s19], $0x800  }
0x16e: {  	[sflag:s19] =	ssyncset.done $0x0  }
0x16f: {  	[sflag:s19] =	ssyncadd.s32 $0xFFFFF800  }
0x170: {  	[tilespmem:s16], [sflag:$0x1] =	stream.indirect.gather [hbm4b:s2+s20], $0x80, s4, s20, $0xb8;
	[tilespmem:$0x1D000] =	vst v63  }
0x171: {  	_ = 	snop  }
0x172: {  	[tilespmem:s21], [sflag:$0x2] =	stream.indirect.gather [hbm4b:s2+s20], $0x80, s20, s20, $0xb8;
	[tilespmem:$0x1D000] =	vst v63  }
0x173: {  	_ =	swait.ge [sflag:s17], $0x4000  }
0x174: {  	[sflag:s17] =	ssyncset.done $0x0  }
0x175: {  	[sflag:s17] =	ssyncadd.s32 $0xFFFFC000  }
0x176: {  	[spmem:s3] =	stream.indirect.scatter.add.f32 [tilespmem:s16], [sflag:$0x3], $0x80, s18, s20, $0xb8;
	[tilespmem:$0x1D000] =	vst v63  }
0x177: {  	_ =	swait.ge [sflag:s22], $0x4000  }
0x178: {  	[sflag:s22] =	ssyncset.done $0x0  }
0x179: {  	s7 =	rddreg [dreg:$0x6];
	[sflag:s22] =	ssyncadd.s32 $0xFFFFC000  }
0x17a: {  	[tilespmem:s16], [sflag:$0x1] =	stream.indirect.gather [hbm4b:s2+s20], $0x80, s7, s20, $0xb8;
	[tilespmem:$0x1D000] =	vst v63  }
0x17b: {  	_ =	swait.ge [sflag:s19], $0x4000  }
0x17c: {  	[sflag:s19] =	ssyncset.done $0x0  }
0x17d: {  	s8 =	rddreg [dreg:$0x7];
	[sflag:s19] =	ssyncadd.s32 $0xFFFFC000  }
0x17e: {  	[spmem:s3] =	stream.indirect.scatter.add.f32 [tilespmem:s21], [sflag:$0x3], $0x80, s8, s20, $0xb8;
	[tilespmem:$0x1D000] =	vst v63  }
0x17f: {  	_ =	swait.ge [sflag:s22], $0x4000  }
0x180: {  	[sflag:s22] =	ssyncset.done $0x0  }
0x181: {  	s9 =	rddreg [dreg:$0x8];
	[sflag:s22] =	ssyncadd.s32 $0xFFFFC000  }
0x182: {  	[tilespmem:s21], [sflag:$0x2] =	stream.indirect.gather [hbm4b:s2+s20], $0x80, s9, s20, $0xb8;
	[tilespmem:$0x1D000] =	vst v63  }
0x183: {  	_ =	swait.ge [sflag:s17], $0x4000  }
0x184: {  	[sflag:s17] =	ssyncset.done $0x0  }
0x185: {  	s23 =	rddreg [dreg:$0x9];
	[sflag:s17] =	ssyncadd.s32 $0xFFFFC000  }
0x186: {  	[spmem:s3] =	stream.indirect.scatter.add.f32 [tilespmem:s16], [sflag:$0x3], $0x80, s23, s20, $0xb8;
	[tilespmem:$0x1D000] =	vst v63  }
0x187: {  	_ =	swait.ge [sflag:s22], $0x4000  }
0x188: {  	[sflag:s22] =	ssyncset.done $0x0  }
0x189: {  	s7 =	rddreg [dreg:$0xa];
	[sflag:s22] =	ssyncadd.s32 $0xFFFFC000  }
0x18a: {  	[tilespmem:s16], [sflag:$0x1] =	stream.indirect.gather [hbm4b:s2+s20], $0x80, s7, s20, $0xb8;
	[tilespmem:$0x1D000] =	vst v63  }
0x18b: {  	_ =	swait.ge [sflag:s19], $0x4000  }
0x18c: {  	[sflag:s19] =	ssyncset.done $0x0  }
0x18d: {  	s8 =	rddreg [dreg:$0xb];
	[sflag:s19] =	ssyncadd.s32 $0xFFFFC000  }
0x18e: {  	[spmem:s3] =	stream.indirect.scatter.add.f32 [tilespmem:s21], [sflag:$0x3], $0x80, s8, s20, $0xb8;
	[tilespmem:$0x1D000] =	vst v63  }
0x18f: {  	_ =	swait.ge [sflag:s22], $0x4000  }
0x190: {  	[sflag:s22] =	ssyncset.done $0x0  }
0x191: {  	s9 =	rddreg [dreg:$0xc];
	[sflag:s22] =	ssyncadd.s32 $0xFFFFC000  }
0x192: {  	[tilespmem:s21], [sflag:$0x2] =	stream.indirect.gather [hbm4b:s2+s20], $0x80, s9, s20, $0xb8;
	[tilespmem:$0x1D000] =	vst v63  }
0x193: {  	_ =	swait.ge [sflag:s17], $0x4000  }
0x194: {  	[sflag:s17] =	ssyncset.done $0x0  }
0x195: {  	s23 =	rddreg [dreg:$0xd];
	[sflag:s17] =	ssyncadd.s32 $0xFFFFC000  }
0x196: {  	[spmem:s3] =	stream.indirect.scatter.add.f32 [tilespmem:s16], [sflag:$0x3], $0x80, s23, s20, $0xb8;
	[tilespmem:$0x1D000] =	vst v63  }
0x197: {  	_ =	swait.ge [sflag:s22], $0x4000  }
0x198: {  	[sflag:s22] =	ssyncset.done $0x0  }
0x199: {  	s7 =	rddreg [dreg:$0xe];
	[sflag:s22] =	ssyncadd.s32 $0xFFFFC000  }
0x19a: {  	[tilespmem:s16], [sflag:$0x1] =	stream.indirect.gather [hbm4b:s2+s20], $0x80, s7, s20, $0xb8;
	[tilespmem:$0x1D000] =	vst v63  }
0x19b: {  	_ =	swait.ge [sflag:s19], $0x4000  }
0x19c: {  	[sflag:s19] =	ssyncset.done $0x0  }
0x19d: {  	s8 =	rddreg [dreg:$0xf];
	[sflag:s19] =	ssyncadd.s32 $0xFFFFC000  }
0x19e: {  	[spmem:s3] =	stream.indirect.scatter.add.f32 [tilespmem:s21], [sflag:$0x3], $0x80, s8, s20, $0xb8;
	[tilespmem:$0x1D000] =	vst v63  }
0x19f: {  	_ =	swait.ge [sflag:s22], $0x4000  }
0x1a0: {  	[sflag:s22] =	ssyncset.done $0x0  }
0x1a1: {  	s9 =	rddreg [dreg:$0x10];
	[sflag:s22] =	ssyncadd.s32 $0xFFFFC000  }
0x1a2: {  	[tilespmem:s21], [sflag:$0x2] =	stream.indirect.gather [hbm4b:s2+s20], $0x80, s9, s20, $0xb8;
	[tilespmem:$0x1D000] =	vst v63  }
0x1a3: {  	_ =	swait.ge [sflag:s17], $0x4000  }
0x1a4: {  	[sflag:s17] =	ssyncset.done $0x0  }
0x1a5: {  	s23 =	rddreg [dreg:$0x11];
	[sflag:s17] =	ssyncadd.s32 $0xFFFFC000  }
0x1a6: {  	[spmem:s3] =	stream.indirect.scatter.add.f32 [tilespmem:s16], [sflag:$0x3], $0x80, s23, s20, $0xb8;
	[tilespmem:$0x1D000] =	vst v63  }
0x1a7: {  	_ =	swait.ge [sflag:s22], $0x4000  }
0x1a8: {  	[sflag:s22] =	ssyncset.done $0x0  }
0x1a9: {  	[sflag:s22] =	ssyncadd.s32 $0xFFFFC000  }
0x1aa: {  	[tilespmem:s16], [sflag:$0x1] =	stream.indirect.gather [hbm4b:s2+s20], $0x80, s24, s20, $0xb8;
	[tilespmem:$0x1D000] =	vst v63  }
0x1ab: {  	_ =	swait.ge [sflag:s19], $0x4000  }
0x1ac: {  	[sflag:s19] =	ssyncset.done $0x0  }
0x1ad: {  	[sflag:s19] =	ssyncadd.s32 $0xFFFFC000  }
0x1ae: {  	[spmem:s3] =	stream.indirect.scatter.add.f32 [tilespmem:s21], [sflag:$0x3], $0x80, s25, s20, $0xb8;
	[tilespmem:$0x1D000] =	vst v63  }
0x1af: {  	_ =	swait.ge [sflag:s22], $0x4000  }
0x1b0: {  	[sflag:s22] =	ssyncset.done $0x0  }
0x1b1: {  	[sflag:s22] =	ssyncadd.s32 $0xFFFFC000  }
0x1b2: {  	[tilespmem:s21], [sflag:$0x2] =	stream.indirect.gather [hbm4b:s2+s20], $0x80, s26, s20, $0xb8;
	[tilespmem:$0x1D000] =	vst v63  }
0x1b3: {  	_ =	swait.ge [sflag:s17], $0x4000  }
0x1b4: {  	[sflag:s17] =	ssyncset.done $0x0  }
0x1b5: {  	[sflag:s17] =	ssyncadd.s32 $0xFFFFC000  }
0x1b6: {  	[spmem:s3] =	stream.indirect.scatter.add.f32 [tilespmem:s16], [sflag:$0x3], $0x80, s28, s20, $0xb8;
	[tilespmem:$0x1D000] =	vst v63  }
0x1b7: {  	_ =	swait.ge [sflag:s22], $0x4000  }
0x1b8: {  	[sflag:s22] =	ssyncset.done $0x0  }
0x1b9: {  	[sflag:s22] =	ssyncadd.s32 $0xFFFFC000  }
0x1ba: {  	[tilespmem:s16], [sflag:$0x1] =	stream.indirect.gather [hbm4b:s2+s20], $0x80, s29, s20, $0xb8;
	[tilespmem:$0x1D000] =	vst v63  }
0x1bb: {  	_ =	swait.ge [sflag:s19], $0x4000  }
0x1bc: {  	[sflag:s19] =	ssyncset.done $0x0  }
0x1bd: {  	[sflag:s19] =	ssyncadd.s32 $0xFFFFC000  }
0x1be: {  	[spmem:s3] =	stream.indirect.scatter.add.f32 [tilespmem:s21], [sflag:$0x3], $0x80, s30, s20, $0xb8;
	[tilespmem:$0x1D000] =	vst v63  }
0x1bf: {  	_ =	swait.ge [sflag:s22], $0x4000  }
0x1c0: {  	[sflag:s22] =	ssyncset.done $0x0  }
0x1c1: {  	[sflag:s22] =	ssyncadd.s32 $0xFFFFC000  }
0x1c2: {  	[tilespmem:s21], [sflag:$0x2] =	stream.indirect.gather [hbm4b:s2+s20], $0x80, s31, s20, $0xb8;
	[tilespmem:$0x1D000] =	vst v63  }
0x1c3: {  	_ =	swait.ge [sflag:s17], $0x4000  }
0x1c4: {  	[sflag:s17] =	ssyncset.done $0x0  }
0x1c5: {  	[sflag:s17] =	ssyncadd.s32 $0xFFFFC000  }
0x1c6: {  	[spmem:s3] =	stream.indirect.scatter.add.f32 [tilespmem:s16], [sflag:$0x3], $0x80, s1, s20, $0xb8;
	[tilespmem:$0x1D000] =	vst v63  }
0x1c7: {  	_ =	swait.ge [sflag:s22], $0x4000  }
0x1c8: {  	[sflag:s22] =	ssyncset.done $0x0  }
0x1c9: {  	[sflag:s22] =	ssyncadd.s32 $0xFFFFC000  }
0x1ca: {  	[tilespmem:s16], [sflag:$0x1] =	stream.indirect.gather [hbm4b:s2+s20], $0x80, s0, s20, $0xb8;
	[tilespmem:$0x1D000] =	vst v63  }
0x1cb: {  	_ =	swait.ge [sflag:s19], $0x4000  }
0x1cc: {  	[sflag:s19] =	ssyncset.done $0x0  }
0x1cd: {  	[sflag:s19] =	ssyncadd.s32 $0xFFFFC000  }
0x1ce: {  	[spmem:s3] =	stream.indirect.scatter.add.f32 [tilespmem:s21], [sflag:$0x3], $0x80, s10, s20, $0xb8;
	[tilespmem:$0x1D000] =	vst v63  }
0x1cf: {  	_ =	swait.ge [sflag:s22], $0x4000  }
0x1d0: {  	[sflag:s22] =	ssyncset.done $0x0  }
0x1d1: {  	[sflag:s22] =	ssyncadd.s32 $0xFFFFC000  }
0x1d2: {  	[tilespmem:s21], [sflag:$0x2] =	stream.indirect.gather [hbm4b:s2+s20], $0x80, s11, s20, $0xb8;
	[tilespmem:$0x1D000] =	vst v63  }
0x1d3: {  	_ =	swait.ge [sflag:s17], $0x4000  }
0x1d4: {  	[sflag:s17] =	ssyncset.done $0x0  }
0x1d5: {  	[sflag:s17] =	ssyncadd.s32 $0xFFFFC000  }
0x1d6: {  	[spmem:s3] =	stream.indirect.scatter.add.f32 [tilespmem:s16], [sflag:$0x3], $0x80, s12, s20, $0xb8;
	[tilespmem:$0x1D000] =	vst v63  }
0x1d7: {  	_ =	swait.ge [sflag:s22], $0x4000  }
0x1d8: {  	[sflag:s22] =	ssyncset.done $0x0  }
0x1d9: {  	[sflag:s22] =	ssyncadd.s32 $0xFFFFC000  }
0x1da: {  	[tilespmem:s16], [sflag:$0x1] =	stream.indirect.gather [hbm4b:s2+s20], $0x80, s13, s20, $0xb8;
	[tilespmem:$0x1D000] =	vst v63  }
0x1db: {  	_ =	swait.ge [sflag:s19], $0x4000  }
0x1dc: {  	[sflag:s19] =	ssyncset.done $0x0  }
0x1dd: {  	[sflag:s19] =	ssyncadd.s32 $0xFFFFC000  }
0x1de: {  	[spmem:s3] =	stream.indirect.scatter.add.f32 [tilespmem:s21], [sflag:$0x3], $0x80, s14, s20, $0xb8;
	[tilespmem:$0x1D000] =	vst v63  }
0x1df: {  	_ =	swait.ge [sflag:s22], $0x4000  }
0x1e0: {  	[sflag:s22] =	ssyncset.done $0x0  }
0x1e1: {  	[sflag:s22] =	ssyncadd.s32 $0xFFFFC000  }
0x1e2: {  	[tilespmem:s21], [sflag:$0x2] =	stream.indirect.gather [hbm4b:s2+s20], $0x80, s15, s20, $0xb8;
	[tilespmem:$0x1D000] =	vst v63  }
0x1e3: {  	_ =	swait.ge [sflag:s17], $0x4000  }
0x1e4: {  	[sflag:s17] =	ssyncset.done $0x0  }
0x1e5: {  	[sflag:s17] =	ssyncadd.s32 $0xFFFFC000  }
0x1e6: {  	[spmem:s3] =	stream.indirect.scatter.add.f32 [tilespmem:s16], [sflag:$0x3], $0x80, s5, s20, $0xb8;
	[tilespmem:$0x1D000] =	vst v63  }
0x1e7: {  	_ =	swait.ge [sflag:s22], $0x4000  }
0x1e8: {  	[sflag:s22] =	ssyncset.done $0x0  }
0x1e9: {  	[sflag:s22] =	ssyncadd.s32 $0xFFFFC000  }
0x1ea: {  	_ =	swait.ge [sflag:s19], $0x4000  }
0x1eb: {  	[sflag:s19] =	ssyncset.done $0x0  }
0x1ec: {  	s26 =	simm.s32 $0xF80;
	[sflag:s19] =	ssyncadd.s32 $0xFFFFC000  }
0x1ed: {  	[spmem:s3] =	stream.indirect.scatter.add.f32 [tilespmem:s21], [sflag:$0x3], $0x80, s26, s20, $0xb8;
	[tilespmem:$0x1D000] =	vst v63  }
0x1ee: {  	_ =	swait.ge [sflag:s22], $0x4000  }
0x1ef: {  	[sflag:s22] =	ssyncset.done $0x0  }
0x1f0: {  	[sflag:s22] =	ssyncadd.s32 $0xFFFFC000  }
0x1f1: {  	s0 =	stileid.u32;
	[bflag:$0x0] =	sbarrier.arrive $0xFFFF  }
0x1f2: {  	s6 =	sshll.u32 s0, $0x6;
	s23 =	rddreg [dreg:$0x12]  }
0x1f3: {  	s6 =	sor.u32 $0x1C03, s6;
	s5 =	rddreg [dreg:$0x17];
	s1 =	sshrl.u32 s23, $0x3  }
0x1f4: {  	[hbm:s5], [sflag:s6] =	dma.local [spmem:s1], $0x800  }
0x1f5: {  	_ =	swait.ge [sflag:s22], $0x800  }
0x1f6: {  	[sflag:s22] =	ssyncset.done $0x0;
	s9 =	rddreg [dreg:$0x13]  }
0x1f7: {  	s10 =	rddreg [dreg:$0x18];
	[sflag:s22] =	ssyncadd.s32 $0xFFFFF800;
	s7 =	sshrl.u32 s9, $0x3  }
0x1f8: {  	[hbm:s10], [sflag:s6] =	dma.local [spmem:s7], $0x800  }
0x1f9: {  	_ =	swait.ge [sflag:s22], $0x800  }
0x1fa: {  	[sflag:s22] =	ssyncset.done $0x0;
	s11 =	rddreg [dreg:$0x14]  }
0x1fb: {  	s12 =	rddreg [dreg:$0x19];
	[sflag:s22] =	ssyncadd.s32 $0xFFFFF800;
	s7 =	sshrl.u32 s11, $0x3  }
0x1fc: {  	[hbm:s12], [sflag:s6] =	dma.local [spmem:s7], $0x800  }
0x1fd: {  	_ =	swait.ge [sflag:s22], $0x800  }
0x1fe: {  	[sflag:s22] =	ssyncset.done $0x0;
	s13 =	rddreg [dreg:$0x15]  }
0x1ff: {  	s14 =	rddreg [dreg:$0x1a];
	[sflag:s22] =	ssyncadd.s32 $0xFFFFF800;
	s7 =	sshrl.u32 s13, $0x3  }
0x200: {  	[hbm:s14], [sflag:s6] =	dma.local [spmem:s7], $0x800  }
0x201: {  	_ =	swait.ge [sflag:s22], $0x800  }
0x202: {  	[sflag:s22] =	ssyncset.done $0x0;
	s15 =	rddreg [dreg:$0x16]  }
0x203: {  	s24 =	rddreg [dreg:$0x1b];
	[sflag:s22] =	ssyncadd.s32 $0xFFFFF800;
	s7 =	sshrl.u32 s15, $0x3  }
0x204: {  	[hbm:s24], [sflag:s6] =	dma.local [spmem:s7], $0x800  }
0x205: {  	_ =	swait.ge [sflag:s22], $0x800  }
0x206: {  	s28 =	simm.s32 $0x500;
	s29 =	simm.s32 $0xC80;
	s25 =	rddreg [dreg:$0x1d]  }
0x207: {  	s30 =	simm.s32 $0x580;
	s26 =	rddreg [dreg:$0x1c];
	s7 =	sadd.s32 $0x1, s25  }
0x208: {  	s31 =	simm.s32 $0xF80;
	s0 =	simm.s32 $0x600;
	p0 =	sne.s32 s7, s26  }
.Ltmp2:
0x209: {  	s1 =	simm.s32 $0xD00;
	s5 =	simm.s32 $0xF00;
	(pc) =	sbr.rel @p0 .LBB2_1-.Ltmp2, $4  }
0x20a: {  	s9 =	simm.s32 $0x400;
	s10 =	simm.s32 $0xD80;
	s11 =	simm.s32 $0x680  }
0x20b: {  	s12 =	simm.s32 $0xE00;
	s13 =	simm.s32 $0x700;
	s14 =	simm.s32 $0xE80  }
0x20c: {  	s15 =	simm.s32 $0x780;
	s24 =	simm.s32 $0xB80;
	[sflag:s22] =	ssyncset.done $0x0  }
0x20d: {  	[sflag:s22] =	ssyncadd.s32 $0xFFFFF800;
	s25 =	simm.s32 $0x480;
	s26 =	simm.s32 $0xC00  }
0x20e: {  	_ =	sfence.sel $0x180000  }
0x20f: {  	[bflag:$0x0] =	sbarrier.arrive $0xFFFF  }
0x210: {  	_ =	strace $0x9000004A  }
0x211: {  	s0 =	stileid.u32;
	[bflag:$0x2] =	sbarrier.arrive $0xFFFF  }
0x212: {  	p0 =	sne.s32 s0, $0x0;
	s0 =	rddreg [dreg:$0x3]  }
0x213: {  	s0 =	sadd.s32 @!p0 $0x100000, s0  }
0x214: {  	[sflag:s0] =	ssyncadd.tile.s32 @!p0 $0x1;
	_ =	shalt  }
.Lfunc_end2:
_tile_overlayer_lowered:
.L_overlay_start_2:
0x215: {  	(tag) =	ssettag $0x2  }
0x216: {  	s0 =	rddreg [dreg:$0x0];
	s2 =	stileid.u32  }
0x217: {  	s1 =	rddreg [dreg:$0x1];
	p0 =	sne.s32 s2, $0x0  }
0x218: {  	s3 =	rddreg [dreg:$0x2];
	[bflag:$0x3] =	sbarrier.arrive $0xFFFF;
	s2 =	simm.s32 @!p0 $0x1C03  }
0x219: {  	[timem:s3], [sflag:s2] =	dma.local @!p0 [hbm:s0], s1  }
0x21a: {  	s0 =	simm.s32 @!p0 $0x3  }
0x21b: {  	_ =	swait.ge @!p0 [sflag:s0], s1  }
0x21c: {  	s1 =	ssub.s32 @!p0 $0x0, s1;
	[sflag:s0] =	ssyncset.done @!p0 $0x0  }
0x21d: {  	[sflag:s0] =	ssyncadd.s32 @!p0 s1  }
0x21e: {  	[bflag:$0x3] =	sbarrier.arrive $0xFFFF  }
0x21f: {  	_ =	shalt  }

</sc_bundles>
